<compile_context>
chip_gen: v7x
topology: tpu7x:2x2x1
jax: 0.10.2.dev20260603
libtpu: 0.0.44.dev20260713+nightly
codegen_flags: <defaults>
</compile_context>

<pallas_src>
import functools

import jax
import jax.numpy as jnp
from jax import lax
from jax.experimental import pallas as pl
from jax.experimental.pallas import tpu as pltpu
from jax.experimental.pallas import tpu_sc as plsc

N = 10000
E = 320000
D = 128
H = 128
OUT = 128

NC = 2
NS = 16
NW = NC * NS

CH = 125
ROWS = E // CH
RPT = ROWS // NW
BLK = 16
NBLK = RPT // BLK
OWN = 632
LAST = N - (NS - 1) * OWN

_mesh = plsc.VectorSubcoreMesh(core_axis_name="c", subcore_axis_name="s")


@functools.partial(
    pl.kernel,
    mesh=_mesh,
    out_type=jax.ShapeDtypeStruct((NC, N, H), jnp.float32),
    scratch_types=[
        pltpu.VMEM((RPT, CH), jnp.int32),
        pltpu.VMEM((BLK, CH), jnp.int32),
        pltpu.VMEM((CH, H), jnp.float32),
        pltpu.VMEM((CH, H), jnp.float32),
        pltpu.SemaphoreType.DMA,
        pltpu.SemaphoreType.DMA,
        pltpu.SemaphoreType.DMA,
        pltpu.SemaphoreType.DMA,
        pltpu.SemaphoreType.DMA,
        pltpu.VMEM_SHARED((N, H), jnp.float32),
    ],
)
def _scatter_kernel(g_hbm, src_hbm, dst_hbm, zeros_hbm, out_hbm,
                    src_v, dst_v, buf0, buf1,
                    sg0, sg1, ss0, ss1, si, acc_sh):
    c = lax.axis_index("c")
    s = lax.axis_index("s")
    t = c * NS + s
    bufs = (buf0, buf1)
    sgs = (sg0, sg1)
    sss = (ss0, ss1)

    @pl.when(s < NS - 1)
    def _():
        pltpu.sync_copy(zeros_hbm, acc_sh.at[pl.ds(s * OWN, OWN)])

    @pl.when(s == NS - 1)
    def _():
        pltpu.sync_copy(zeros_hbm.at[pl.ds(0, LAST)],
                        acc_sh.at[pl.ds((NS - 1) * OWN, LAST)])

    plsc.subcore_barrier()

    def _wait_gather(p):
        pltpu.make_async_copy(g_hbm.at[src_v.at[0]], bufs[p], sgs[p]).wait()

    def _wait_scatter(p):
        pltpu.make_async_copy(bufs[p], acc_sh.at[dst_v.at[0]],
                              sss[p]).wait()

    pltpu.sync_copy(src_hbm.at[pl.ds(t * RPT, RPT)], src_v)
    pltpu.async_copy(g_hbm.at[src_v.at[0]], bufs[0], sgs[0])

    def blk_body(b, _):
        pltpu.sync_copy(dst_hbm.at[pl.ds(t * RPT + b * BLK, BLK)], dst_v)

        for j in range(BLK):
            p = j % 2
            k = b * BLK + j
            _wait_gather(p)
            pltpu.sync_copy(bufs[p], acc_sh.at[dst_v.at[j]], add=True)
            if j < BLK - 1:
                pltpu.async_copy(g_hbm.at[src_v.at[k + 1]],
                                 bufs[1 - p], sgs[1 - p])
            else:
                @pl.when(b < NBLK - 1)
                def _():
                    pltpu.async_copy(g_hbm.at[src_v.at[k + 1]],
                                     bufs[1 - p], sgs[1 - p])

        return 0

    lax.fori_loop(0, NBLK, blk_body, 0)

    plsc.subcore_barrier()

    @pl.when(s < NS - 1)
    def _():
        pltpu.sync_copy(acc_sh.at[pl.ds(s * OWN, OWN)],
                        out_hbm.at[c, pl.ds(s * OWN, OWN)])

    @pl.when(s == NS - 1)
    def _():
        pltpu.sync_copy(acc_sh.at[pl.ds((NS - 1) * OWN, LAST)],
                        out_hbm.at[c, pl.ds((NS - 1) * OWN, LAST)])


BN = 2000
GRID = N // BN


def _tc1_body(dega_ref, degb_ref, x_ref, w1_ref, wl0_ref,
              dinv_ref, g1_ref, jk_ref):
    deg = dega_ref[:, 0:1] + degb_ref[:, 0:1] + 1.0
    dinv = lax.rsqrt(deg)
    dinv_ref[...] = dinv
    xb = x_ref[...]
    g1_ref[...] = jnp.dot(xb, w1_ref[...], preferred_element_type=jnp.float32) * dinv
    jk_ref[...] = jnp.dot(xb, wl0_ref[...], preferred_element_type=jnp.float32)


def _tc_mid_body(acca_ref, accb_ref, g_ref, dinv_ref, b_ref, w_ref, wl_ref,
                 jkin_ref, gn_ref, jk_ref):
    dinv = dinv_ref[...]
    h = jnp.maximum(
        dinv * (acca_ref[...] + accb_ref[...] + g_ref[...]) + b_ref[...], 0.0)
    gn_ref[...] = jnp.dot(h, w_ref[...], preferred_element_type=jnp.float32) * dinv
    jk_ref[...] = jkin_ref[...] + jnp.dot(h, wl_ref[...],
                                          preferred_element_type=jnp.float32)


def _tc_fin_body(acca_ref, accb_ref, g_ref, dinv_ref, b_ref, wl_ref, bl_ref,
                 jkin_ref, out_ref):
    h = jnp.maximum(
        dinv_ref[...] * (acca_ref[...] + accb_ref[...] + g_ref[...]) + b_ref[...],
        0.0)
    out_ref[...] = (jkin_ref[...]
                    + jnp.dot(h, wl_ref[...], preferred_element_type=jnp.float32)
                    + bl_ref[...])


def _row_spec(w):
    return pl.BlockSpec((BN, w), lambda i: (i, 0))


def _full_spec(r, c):
    return pl.BlockSpec((r, c), lambda i: (0, 0))


_tc1 = pl.pallas_call(
    _tc1_body,
    grid=(GRID,),
    in_specs=[_row_spec(H), _row_spec(H), _row_spec(D),
              _full_spec(D, H), _full_spec(D, OUT)],
    out_specs=[_row_spec(1), _row_spec(H), _row_spec(OUT)],
    out_shape=[jax.ShapeDtypeStruct((N, 1), jnp.float32),
               jax.ShapeDtypeStruct((N, H), jnp.float32),
               jax.ShapeDtypeStruct((N, OUT), jnp.float32)],
)

_tc_mid = pl.pallas_call(
    _tc_mid_body,
    grid=(GRID,),
    in_specs=[_row_spec(H), _row_spec(H), _row_spec(H), _row_spec(1),
              _full_spec(1, H), _full_spec(H, H), _full_spec(H, OUT),
              _row_spec(OUT)],
    out_specs=[_row_spec(H), _row_spec(OUT)],
    out_shape=[jax.ShapeDtypeStruct((N, H), jnp.float32),
               jax.ShapeDtypeStruct((N, OUT), jnp.float32)],
)

_tc_fin = pl.pallas_call(
    _tc_fin_body,
    grid=(GRID,),
    in_specs=[_row_spec(H), _row_spec(H), _row_spec(H), _row_spec(1),
              _full_spec(1, H), _full_spec(H, OUT), _full_spec(1, OUT),
              _row_spec(OUT)],
    out_specs=_row_spec(OUT),
    out_shape=jax.ShapeDtypeStruct((N, OUT), jnp.float32),
)


def kernel(x, edge_index, W1, b1, W2, b2, W3, b3, Wl, bl):
    src2d = edge_index[0].reshape(ROWS, CH)
    dst2d = edge_index[1].reshape(ROWS, CH)
    zerosH = jnp.zeros((OWN, H), jnp.float32)
    onesNH = jnp.ones((N, H), jnp.float32)

    degp = _scatter_kernel(onesNH, src2d, dst2d, zerosH)

    dinv, g1, jk = _tc1(degp[0], degp[1], x, W1, Wl[0:D])

    acc = _scatter_kernel(g1, src2d, dst2d, zerosH)
    g2, jk = _tc_mid(acc[0], acc[1], g1, dinv, b1.reshape(1, H), W2,
                     Wl[D:D + H], jk)

    acc = _scatter_kernel(g2, src2d, dst2d, zerosH)
    g3, jk = _tc_mid(acc[0], acc[1], g2, dinv, b2.reshape(1, H), W3,
                     Wl[D + H:D + 2 * H], jk)

    acc = _scatter_kernel(g3, src2d, dst2d, zerosH)
    out = _tc_fin(acc[0], acc[1], g3, dinv, b3.reshape(1, H),
                  Wl[D + 2 * H:], bl.reshape(1, OUT), jk)
    return out

# --- scband reference (transcript-rebuilt; emitter-appended) ---
"""Pipeline reference for scband-gcn-jk-concat-43731357008167 (READ-ONLY COPY).

The authoritative reference and input builder live on the scoring server;
editing this copy changes nothing except your own understanding.
"""

import jax, jax.numpy as jnp
import numpy as np

N = 10000
E = 320000
D = 128
H = 128
OUT = 128


def setup_inputs(seed: int = 0) -> dict:
    key = jax.random.key(seed)
    ks = jax.random.split(key, 12)
    x = jax.random.normal(ks[0], (N, D), dtype=jnp.float32)
    edge_index = jax.random.randint(ks[1], (2, E), 0, N, dtype=jnp.int32)
    W1 = jax.random.normal(ks[2], (D, H), dtype=jnp.float32) * 0.05
    b1 = jnp.zeros((H,), dtype=jnp.float32)
    W2 = jax.random.normal(ks[3], (H, H), dtype=jnp.float32) * 0.05
    b2 = jnp.zeros((H,), dtype=jnp.float32)
    W3 = jax.random.normal(ks[4], (H, H), dtype=jnp.float32) * 0.05
    b3 = jnp.zeros((H,), dtype=jnp.float32)
    Wl = jax.random.normal(ks[5], (D + 3 * H, OUT), dtype=jnp.float32) * 0.05
    bl = jnp.zeros((OUT,), dtype=jnp.float32)
    return {"x": x, "edge_index": edge_index, "W1": W1, "b1": b1, "W2": W2, "b2": b2, "W3": W3, "b3": b3, "Wl": Wl, "bl": bl}


def _gcn_conv(h, W, b, src, dst):
    # PyG GCNConv: linear transform, add self-loops, symmetric normalization, scatter-add to dst
    h = h @ W
    loop = jnp.arange(N, dtype=src.dtype)
    s = jnp.concatenate([src, loop])
    d = jnp.concatenate([dst, loop])
    deg = jnp.zeros((N,), dtype=h.dtype).at[d].add(1.0)
    dinv = jnp.where(deg > 0, jax.lax.rsqrt(jnp.maximum(deg, 1e-12)), 0.0)
    norm = dinv[s] * dinv[d]
    msg = h[s] * norm[:, None]
    out = jnp.zeros((N, h.shape[1]), dtype=h.dtype).at[d].add(msg)
    return out + b


def reference(x, edge_index, W1, b1, W2, b2, W3, b3, Wl, bl):
    src = edge_index[0]
    dst = edge_index[1]
    layer_outputs = [x]
    h = x
    for (W, b) in ((W1, b1), (W2, b2), (W3, b3)):
        h = _gcn_conv(h, W, b, src, dst)
        # dropout p=0.5 is identity in eval mode
        h = jax.nn.relu(h)
        layer_outputs.append(h)
    agg = jnp.concatenate(layer_outputs, axis=1)
    return agg @ Wl + bl

if __name__ == "__main__":
    import jax
    _d = setup_inputs()
    print(jax.jit(kernel)(*tuple(_d.values())))

</pallas_src>

<mosaic_0001>
#map = affine_map<(d0, d1) -> (0, 0)>
#map1 = affine_map<(d0, d1) -> (0, 0, 0)>
module attributes {stable_mosaic.version = 14 : i64} {
  func.func @_scatter_kernel(%arg0: i32, %arg1: i32, %arg2: memref<10000x128xf32, #tpu.memory_space<hbm>>, %arg3: memref<2560x125xi32, #tpu.memory_space<hbm>>, %arg4: memref<2560x125xi32, #tpu.memory_space<hbm>>, %arg5: memref<632x128xf32, #tpu.memory_space<hbm>>, %arg6: memref<2x10000x128xf32, #tpu.memory_space<hbm>>, %arg7: memref<80x125xi32, #tpu.memory_space<vmem>>, %arg8: memref<16x125xi32, #tpu.memory_space<vmem>>, %arg9: memref<125x128xf32, #tpu.memory_space<vmem>>, %arg10: memref<125x128xf32, #tpu.memory_space<vmem>>, %arg11: memref<!tpu.dma_semaphore, #tpu.memory_space<semaphore_mem>>, %arg12: memref<!tpu.dma_semaphore, #tpu.memory_space<semaphore_mem>>, %arg13: memref<!tpu.dma_semaphore, #tpu.memory_space<semaphore_mem>>, %arg14: memref<!tpu.dma_semaphore, #tpu.memory_space<semaphore_mem>>, %arg15: memref<!tpu.dma_semaphore, #tpu.memory_space<semaphore_mem>>, %arg16: memref<10000x128xf32, #tpu.memory_space<vmem_shared>>) attributes {dimension_semantics = [#tpu.dimension_semantics<core_parallel>, #tpu.dimension_semantics<subcore_parallel>], iteration_bounds = array<i64: 2, 16>, scalar_prefetch = 0 : i64, scratch_operands = 10 : i64, tpu.core_type = #tpu.core_type<sc_vector_subcore>, window_params = [{transform_indices = #map}, {transform_indices = #map}, {transform_indices = #map}, {transform_indices = #map}, {transform_indices = #map1}]} {
    %mul3A = arith.constant 16 : i32
    %mul3A_0 = arith.muli %arg0, %mul3A : i32
    %add3A = arith.addi %mul3A_0, %arg1 : i32
    %lt3A = arith.constant 15 : i32
    %lt3A_1 = arith.cmpi slt, %arg1, %lt3A : i32
    %convert_element_type3A = arith.extui %lt3A_1 : i1 to i32
    %cond3A = arith.constant 0 : i32
    %cond3A_2 = arith.cmpi ne, %convert_element_type3A, %cond3A : i32
    scf.if %cond3A_2 {
      %mul3A_32 = arith.constant 632 : i32
      %mul3A_33 = arith.muli %arg1, %mul3A_32 : i32
      "tpu.region"() ({
        %run_scoped3A = tpu.sem_alloc : memref<!tpu.dma_semaphore, #tpu.memory_space<semaphore_mem>>
        %dma_start3A_34 = arith.constant 0 : i32
        %dma_start3A_35 = tpu.memref_slice %arg16[%mul3A_33, %dma_start3A_34] : memref<10000x128xf32, #tpu.memory_space<vmem_shared>> -> memref<632x128xf32, #tpu.memory_space<vmem_shared>>
        tpu.enqueue_dma source(%arg5 : memref<632x128xf32, #tpu.memory_space<hbm>>) target(%dma_start3A_35 : memref<632x128xf32, #tpu.memory_space<vmem_shared>>) target_semaphore(%run_scoped3A : memref<!tpu.dma_semaphore, #tpu.memory_space<semaphore_mem>>)
        %dma_wait3A = arith.constant 0 : i32
        %dma_wait3A_36 = tpu.memref_slice %arg16[%mul3A_33, %dma_wait3A] : memref<10000x128xf32, #tpu.memory_space<vmem_shared>> -> memref<632x128xf32, #tpu.memory_space<vmem_shared>>
        tpu.wait_dma2 semaphore(%run_scoped3A : memref<!tpu.dma_semaphore, #tpu.memory_space<semaphore_mem>>) src(%arg5 : memref<632x128xf32, #tpu.memory_space<hbm>>) dst(%dma_wait3A_36 : memref<632x128xf32, #tpu.memory_space<vmem_shared>>)
        tpu.yield
      }) : () -> ()
    } else {
    }
    %eq3A = arith.constant 15 : i32
    %eq3A_3 = arith.cmpi eq, %arg1, %eq3A : i32
    %convert_element_type3A_4 = arith.extui %eq3A_3 : i1 to i32
    %cond3A_5 = arith.constant 0 : i32
    %cond3A_6 = arith.cmpi ne, %convert_element_type3A_4, %cond3A_5 : i32
    scf.if %cond3A_6 {
      "tpu.region"() ({
        %run_scoped3A = tpu.sem_alloc : memref<!tpu.dma_semaphore, #tpu.memory_space<semaphore_mem>>
        %dma_start3A_32 = arith.constant 9480 : i32
        %dma_start3A_33 = arith.constant 0 : i32
        %dma_start3A_34 = tpu.memref_slice %arg16[%dma_start3A_32, %dma_start3A_33] : memref<10000x128xf32, #tpu.memory_space<vmem_shared>> -> memref<520x128xf32, #tpu.memory_space<vmem_shared>>
        %dma_start3A_35 = arith.constant 0 : i32
        %dma_start3A_36 = arith.constant 0 : i32
        %dma_start3A_37 = tpu.memref_slice %arg5[%dma_start3A_35, %dma_start3A_36] : memref<632x128xf32, #tpu.memory_space<hbm>> -> memref<520x128xf32, #tpu.memory_space<hbm>>
        tpu.enqueue_dma source(%dma_start3A_37 : memref<520x128xf32, #tpu.memory_space<hbm>>) target(%dma_start3A_34 : memref<520x128xf32, #tpu.memory_space<vmem_shared>>) target_semaphore(%run_scoped3A : memref<!tpu.dma_semaphore, #tpu.memory_space<semaphore_mem>>)
        %dma_wait3A = arith.constant 9480 : i32
        %dma_wait3A_38 = arith.constant 0 : i32
        %dma_wait3A_39 = tpu.memref_slice %arg16[%dma_wait3A, %dma_wait3A_38] : memref<10000x128xf32, #tpu.memory_space<vmem_shared>> -> memref<520x128xf32, #tpu.memory_space<vmem_shared>>
        %dma_wait3A_40 = arith.constant 0 : i32
        %dma_wait3A_41 = arith.constant 0 : i32
        %dma_wait3A_42 = tpu.memref_slice %arg5[%dma_wait3A_40, %dma_wait3A_41] : memref<632x128xf32, #tpu.memory_space<hbm>> -> memref<520x128xf32, #tpu.memory_space<hbm>>
        tpu.wait_dma2 semaphore(%run_scoped3A : memref<!tpu.dma_semaphore, #tpu.memory_space<semaphore_mem>>) src(%dma_wait3A_42 : memref<520x128xf32, #tpu.memory_space<hbm>>) dst(%dma_wait3A_39 : memref<520x128xf32, #tpu.memory_space<vmem_shared>>)
        tpu.yield
      }) : () -> ()
    } else {
    }
    %barrier3A = arith.constant 0 : index
    tpu.barrier barrier_id(%barrier3A)
    %mul3A_7 = arith.constant 80 : i32
    %mul3A_8 = arith.muli %add3A, %mul3A_7 : i32
    "tpu.region"() ({
      %run_scoped3A = tpu.sem_alloc : memref<!tpu.dma_semaphore, #tpu.memory_space<semaphore_mem>>
      %dma_start3A_32 = arith.constant 0 : i32
      %dma_start3A_33 = tpu.memref_slice %arg3[%mul3A_8, %dma_start3A_32] : memref<2560x125xi32, #tpu.memory_space<hbm>> -> memref<80x125xi32, #tpu.memory_space<hbm>>
      %dma_start3A_34 = arith.constant 0 : i32
      %dma_start3A_35 = tpu.memref_slice %arg3[%mul3A_8, %dma_start3A_34] : memref<2560x125xi32, #tpu.memory_space<hbm>> -> memref<80x125xi32, #tpu.memory_space<hbm>>
      tpu.enqueue_dma source(%dma_start3A_35 : memref<80x125xi32, #tpu.memory_space<hbm>>) target(%arg7 : memref<80x125xi32, #tpu.memory_space<vmem>>) target_semaphore(%run_scoped3A : memref<!tpu.dma_semaphore, #tpu.memory_space<semaphore_mem>>)
      %dma_wait3A = arith.constant 0 : i32
      %dma_wait3A_36 = tpu.memref_slice %arg3[%mul3A_8, %dma_wait3A] : memref<2560x125xi32, #tpu.memory_space<hbm>> -> memref<80x125xi32, #tpu.memory_space<hbm>>
      %dma_wait3A_37 = arith.constant 0 : i32
      %dma_wait3A_38 = tpu.memref_slice %arg3[%mul3A_8, %dma_wait3A_37] : memref<2560x125xi32, #tpu.memory_space<hbm>> -> memref<80x125xi32, #tpu.memory_space<hbm>>
      tpu.wait_dma2 semaphore(%run_scoped3A : memref<!tpu.dma_semaphore, #tpu.memory_space<semaphore_mem>>) src(%dma_wait3A_38 : memref<80x125xi32, #tpu.memory_space<hbm>>) dst(%arg7 : memref<80x125xi32, #tpu.memory_space<vmem>>)
      tpu.yield
    }) : () -> ()
    %dma_start3A = arith.constant 0 : i32
    %dma_start3A_9 = arith.constant 0 : i32
    %dma_start3A_10 = tpu.memref_slice %arg7[%dma_start3A, %dma_start3A_9] : memref<80x125xi32, #tpu.memory_space<vmem>> -> memref<1x125xi32, #tpu.memory_space<vmem>>
    %dma_start3A_11 = tpu.memref_squeeze %dma_start3A_10 : memref<1x125xi32, #tpu.memory_space<vmem>> -> memref<125xi32, #tpu.memory_space<vmem>>
    %dma_start3A_12 = arith.constant 0 : i32
    %dma_start3A_13 = arith.constant 0 : i32
    %dma_start3A_14 = tpu.memref_slice %arg2[%dma_start3A_12, %dma_start3A_13] : memref<10000x128xf32, #tpu.memory_space<hbm>> -> memref<10000x128xf32, #tpu.memory_space<hbm>>
    tpu.enqueue_indirect_dma source(%dma_start3A_14 : memref<10000x128xf32, #tpu.memory_space<hbm>>) target(%arg9 : memref<125x128xf32, #tpu.memory_space<vmem>>) offsets(%dma_start3A_11 : memref<125xi32, #tpu.memory_space<vmem>>) semaphore(%arg11 : memref<!tpu.dma_semaphore, #tpu.memory_space<semaphore_mem>>)
    %scan3A = arith.constant 0 : i32
    %scan3A_15 = arith.constant 0 : i32
    %scan3A_16 = arith.constant 5 : i32
    %scan3A_17 = arith.addi %scan3A_15, %scan3A_16 : i32
    %scan3A_18 = arith.constant 1 : i32
    %scan3A_19 = scf.for %scan3A_32 = %scan3A_15 to %scan3A_17 step %scan3A_18 iter_args(%scan3A_33 = %scan3A) -> (i32)  : i32 {
      %mul3A_34 = arith.constant 80 : i32
      %mul3A_35 = arith.muli %add3A, %mul3A_34 : i32
      %mul3A_36 = arith.constant 16 : i32
      %mul3A_37 = arith.muli %scan3A_32, %mul3A_36 : i32
      %add3A_38 = arith.addi %mul3A_35, %mul3A_37 : i32
      "tpu.region"() ({
        %run_scoped3A_355 = tpu.sem_alloc : memref<!tpu.dma_semaphore, #tpu.memory_space<semaphore_mem>>
        %dma_start3A_356 = arith.constant 0 : i32
        %dma_start3A_357 = tpu.memref_slice %arg4[%add3A_38, %dma_start3A_356] : memref<2560x125xi32, #tpu.memory_space<hbm>> -> memref<16x125xi32, #tpu.memory_space<hbm>>
        %dma_start3A_358 = arith.constant 0 : i32
        %dma_start3A_359 = tpu.memref_slice %arg4[%add3A_38, %dma_start3A_358] : memref<2560x125xi32, #tpu.memory_space<hbm>> -> memref<16x125xi32, #tpu.memory_space<hbm>>
        tpu.enqueue_dma source(%dma_start3A_359 : memref<16x125xi32, #tpu.memory_space<hbm>>) target(%arg8 : memref<16x125xi32, #tpu.memory_space<vmem>>) target_semaphore(%run_scoped3A_355 : memref<!tpu.dma_semaphore, #tpu.memory_space<semaphore_mem>>)
        %dma_wait3A_360 = arith.constant 0 : i32
        %dma_wait3A_361 = tpu.memref_slice %arg4[%add3A_38, %dma_wait3A_360] : memref<2560x125xi32, #tpu.memory_space<hbm>> -> memref<16x125xi32, #tpu.memory_space<hbm>>
        %dma_wait3A_362 = arith.constant 0 : i32
        %dma_wait3A_363 = tpu.memref_slice %arg4[%add3A_38, %dma_wait3A_362] : memref<2560x125xi32, #tpu.memory_space<hbm>> -> memref<16x125xi32, #tpu.memory_space<hbm>>
        tpu.wait_dma2 semaphore(%run_scoped3A_355 : memref<!tpu.dma_semaphore, #tpu.memory_space<semaphore_mem>>) src(%dma_wait3A_363 : memref<16x125xi32, #tpu.memory_space<hbm>>) dst(%arg8 : memref<16x125xi32, #tpu.memory_space<vmem>>)
        tpu.yield
      }) : () -> ()
      %mul3A_39 = arith.constant 16 : i32
      %mul3A_40 = arith.muli %scan3A_32, %mul3A_39 : i32
      %add3A_41 = arith.constant 0 : i32
      %add3A_42 = arith.addi %mul3A_40, %add3A_41 : i32
      %dma_wait3A = arith.constant 0 : i32
      %dma_wait3A_43 = arith.constant 0 : i32
      %dma_wait3A_44 = tpu.memref_slice %arg7[%dma_wait3A, %dma_wait3A_43] : memref<80x125xi32, #tpu.memory_space<vmem>> -> memref<1x125xi32, #tpu.memory_space<vmem>>
      %dma_wait3A_45 = tpu.memref_squeeze %dma_wait3A_44 : memref<1x125xi32, #tpu.memory_space<vmem>> -> memref<125xi32, #tpu.memory_space<vmem>>
      %dma_wait3A_46 = arith.constant 0 : i32
      %dma_wait3A_47 = arith.constant 0 : i32
      %dma_wait3A_48 = tpu.memref_slice %arg2[%dma_wait3A_46, %dma_wait3A_47] : memref<10000x128xf32, #tpu.memory_space<hbm>> -> memref<10000x128xf32, #tpu.memory_space<hbm>>
      tpu.wait_indirect_dma semaphore(%arg11 : memref<!tpu.dma_semaphore, #tpu.memory_space<semaphore_mem>>) src(%dma_wait3A_48 : memref<10000x128xf32, #tpu.memory_space<hbm>>) dst(%arg9 : memref<125x128xf32, #tpu.memory_space<vmem>>)
      %run_scoped3A = arith.constant 0 : i32
      "tpu.region"() ({
        %run_scoped3A_355 = tpu.sem_alloc : memref<!tpu.dma_semaphore, #tpu.memory_space<semaphore_mem>>
        %dma_start3A_356 = arith.constant 0 : i32
        %dma_start3A_357 = tpu.memref_slice %arg8[%run_scoped3A, %dma_start3A_356] : memref<16x125xi32, #tpu.memory_space<vmem>> -> memref<1x125xi32, #tpu.memory_space<vmem>>
        %dma_start3A_358 = tpu.memref_squeeze %dma_start3A_357 : memref<1x125xi32, #tpu.memory_space<vmem>> -> memref<125xi32, #tpu.memory_space<vmem>>
        %dma_start3A_359 = arith.constant 0 : i32
        %dma_start3A_360 = arith.constant 0 : i32
        %dma_start3A_361 = tpu.memref_slice %arg16[%dma_start3A_359, %dma_start3A_360] : memref<10000x128xf32, #tpu.memory_space<vmem_shared>> -> memref<10000x128xf32, #tpu.memory_space<vmem_shared>>
        tpu.enqueue_indirect_dma source(%arg9 : memref<125x128xf32, #tpu.memory_space<vmem>>) target(%dma_start3A_361 : memref<10000x128xf32, #tpu.memory_space<vmem_shared>>) offsets(%dma_start3A_358 : memref<125xi32, #tpu.memory_space<vmem>>) semaphore(%run_scoped3A_355 : memref<!tpu.dma_semaphore, #tpu.memory_space<semaphore_mem>>) {add = true}
        %dma_wait3A_362 = arith.constant 0 : i32
        %dma_wait3A_363 = tpu.memref_slice %arg8[%run_scoped3A, %dma_wait3A_362] : memref<16x125xi32, #tpu.memory_space<vmem>> -> memref<1x125xi32, #tpu.memory_space<vmem>>
        %dma_wait3A_364 = tpu.memref_squeeze %dma_wait3A_363 : memref<1x125xi32, #tpu.memory_space<vmem>> -> memref<125xi32, #tpu.memory_space<vmem>>
        %dma_wait3A_365 = arith.constant 0 : i32
        %dma_wait3A_366 = arith.constant 0 : i32
        %dma_wait3A_367 = tpu.memref_slice %arg16[%dma_wait3A_365, %dma_wait3A_366] : memref<10000x128xf32, #tpu.memory_space<vmem_shared>> -> memref<10000x128xf32, #tpu.memory_space<vmem_shared>>
        tpu.wait_indirect_dma semaphore(%run_scoped3A_355 : memref<!tpu.dma_semaphore, #tpu.memory_space<semaphore_mem>>) src(%arg9 : memref<125x128xf32, #tpu.memory_space<vmem>>) dst(%dma_wait3A_367 : memref<10000x128xf32, #tpu.memory_space<vmem_shared>>)
        tpu.yield
      }) : () -> ()
      %add3A_49 = arith.constant 1 : i32
      %add3A_50 = arith.addi %add3A_42, %add3A_49 : i32
      %dma_start3A_51 = arith.constant 0 : i32
      %dma_start3A_52 = tpu.memref_slice %arg7[%add3A_50, %dma_start3A_51] : memref<80x125xi32, #tpu.memory_space<vmem>> -> memref<1x125xi32, #tpu.memory_space<vmem>>
      %dma_start3A_53 = tpu.memref_squeeze %dma_start3A_52 : memref<1x125xi32, #tpu.memory_space<vmem>> -> memref<125xi32, #tpu.memory_space<vmem>>
      %dma_start3A_54 = arith.constant 0 : i32
      %dma_start3A_55 = arith.constant 0 : i32
      %dma_start3A_56 = tpu.memref_slice %arg2[%dma_start3A_54, %dma_start3A_55] : memref<10000x128xf32, #tpu.memory_space<hbm>> -> memref<10000x128xf32, #tpu.memory_space<hbm>>
      tpu.enqueue_indirect_dma source(%dma_start3A_56 : memref<10000x128xf32, #tpu.memory_space<hbm>>) target(%arg10 : memref<125x128xf32, #tpu.memory_space<vmem>>) offsets(%dma_start3A_53 : memref<125xi32, #tpu.memory_space<vmem>>) semaphore(%arg12 : memref<!tpu.dma_semaphore, #tpu.memory_space<semaphore_mem>>)
      %mul3A_57 = arith.constant 16 : i32
      %mul3A_58 = arith.muli %scan3A_32, %mul3A_57 : i32
      %add3A_59 = arith.constant 1 : i32
      %add3A_60 = arith.addi %mul3A_58, %add3A_59 : i32
      %dma_wait3A_61 = arith.constant 0 : i32
      %dma_wait3A_62 = arith.constant 0 : i32
      %dma_wait3A_63 = tpu.memref_slice %arg7[%dma_wait3A_61, %dma_wait3A_62] : memref<80x125xi32, #tpu.memory_space<vmem>> -> memref<1x125xi32, #tpu.memory_space<vmem>>
      %dma_wait3A_64 = tpu.memref_squeeze %dma_wait3A_63 : memref<1x125xi32, #tpu.memory_space<vmem>> -> memref<125xi32, #tpu.memory_space<vmem>>
      %dma_wait3A_65 = arith.constant 0 : i32
      %dma_wait3A_66 = arith.constant 0 : i32
      %dma_wait3A_67 = tpu.memref_slice %arg2[%dma_wait3A_65, %dma_wait3A_66] : memref<10000x128xf32, #tpu.memory_space<hbm>> -> memref<10000x128xf32, #tpu.memory_space<hbm>>
      tpu.wait_indirect_dma semaphore(%arg12 : memref<!tpu.dma_semaphore, #tpu.memory_space<semaphore_mem>>) src(%dma_wait3A_67 : memref<10000x128xf32, #tpu.memory_space<hbm>>) dst(%arg10 : memref<125x128xf32, #tpu.memory_space<vmem>>)
      %run_scoped3A_68 = arith.constant 1 : i32
      "tpu.region"() ({
        %run_scoped3A_355 = tpu.sem_alloc : memref<!tpu.dma_semaphore, #tpu.memory_space<semaphore_mem>>
        %dma_start3A_356 = arith.constant 0 : i32
        %dma_start3A_357 = tpu.memref_slice %arg8[%run_scoped3A_68, %dma_start3A_356] : memref<16x125xi32, #tpu.memory_space<vmem>> -> memref<1x125xi32, #tpu.memory_space<vmem>>
        %dma_start3A_358 = tpu.memref_squeeze %dma_start3A_357 : memref<1x125xi32, #tpu.memory_space<vmem>> -> memref<125xi32, #tpu.memory_space<vmem>>
        %dma_start3A_359 = arith.constant 0 : i32
        %dma_start3A_360 = arith.constant 0 : i32
        %dma_start3A_361 = tpu.memref_slice %arg16[%dma_start3A_359, %dma_start3A_360] : memref<10000x128xf32, #tpu.memory_space<vmem_shared>> -> memref<10000x128xf32, #tpu.memory_space<vmem_shared>>
        tpu.enqueue_indirect_dma source(%arg10 : memref<125x128xf32, #tpu.memory_space<vmem>>) target(%dma_start3A_361 : memref<10000x128xf32, #tpu.memory_space<vmem_shared>>) offsets(%dma_start3A_358 : memref<125xi32, #tpu.memory_space<vmem>>) semaphore(%run_scoped3A_355 : memref<!tpu.dma_semaphore, #tpu.memory_space<semaphore_mem>>) {add = true}
        %dma_wait3A_362 = arith.constant 0 : i32
        %dma_wait3A_363 = tpu.memref_slice %arg8[%run_scoped3A_68, %dma_wait3A_362] : memref<16x125xi32, #tpu.memory_space<vmem>> -> memref<1x125xi32, #tpu.memory_space<vmem>>
        %dma_wait3A_364 = tpu.memref_squeeze %dma_wait3A_363 : memref<1x125xi32, #tpu.memory_space<vmem>> -> memref<125xi32, #tpu.memory_space<vmem>>
        %dma_wait3A_365 = arith.constant 0 : i32
        %dma_wait3A_366 = arith.constant 0 : i32
        %dma_wait3A_367 = tpu.memref_slice %arg16[%dma_wait3A_365, %dma_wait3A_366] : memref<10000x128xf32, #tpu.memory_space<vmem_shared>> -> memref<10000x128xf32, #tpu.memory_space<vmem_shared>>
        tpu.wait_indirect_dma semaphore(%run_scoped3A_355 : memref<!tpu.dma_semaphore, #tpu.memory_space<semaphore_mem>>) src(%arg10 : memref<125x128xf32, #tpu.memory_space<vmem>>) dst(%dma_wait3A_367 : memref<10000x128xf32, #tpu.memory_space<vmem_shared>>)
        tpu.yield
      }) : () -> ()
      %add3A_69 = arith.constant 1 : i32
      %add3A_70 = arith.addi %add3A_60, %add3A_69 : i32
      %dma_start3A_71 = arith.constant 0 : i32
      %dma_start3A_72 = tpu.memref_slice %arg7[%add3A_70, %dma_start3A_71] : memref<80x125xi32, #tpu.memory_space<vmem>> -> memref<1x125xi32, #tpu.memory_space<vmem>>
      %dma_start3A_73 = tpu.memref_squeeze %dma_start3A_72 : memref<1x125xi32, #tpu.memory_space<vmem>> -> memref<125xi32, #tpu.memory_space<vmem>>
      %dma_start3A_74 = arith.constant 0 : i32
      %dma_start3A_75 = arith.constant 0 : i32
      %dma_start3A_76 = tpu.memref_slice %arg2[%dma_start3A_74, %dma_start3A_75] : memref<10000x128xf32, #tpu.memory_space<hbm>> -> memref<10000x128xf32, #tpu.memory_space<hbm>>
      tpu.enqueue_indirect_dma source(%dma_start3A_76 : memref<10000x128xf32, #tpu.memory_space<hbm>>) target(%arg9 : memref<125x128xf32, #tpu.memory_space<vmem>>) offsets(%dma_start3A_73 : memref<125xi32, #tpu.memory_space<vmem>>) semaphore(%arg11 : memref<!tpu.dma_semaphore, #tpu.memory_space<semaphore_mem>>)
      %mul3A_77 = arith.constant 16 : i32
      %mul3A_78 = arith.muli %scan3A_32, %mul3A_77 : i32
      %add3A_79 = arith.constant 2 : i32
      %add3A_80 = arith.addi %mul3A_78, %add3A_79 : i32
      %dma_wait3A_81 = arith.constant 0 : i32
      %dma_wait3A_82 = arith.constant 0 : i32
      %dma_wait3A_83 = tpu.memref_slice %arg7[%dma_wait3A_81, %dma_wait3A_82] : memref<80x125xi32, #tpu.memory_space<vmem>> -> memref<1x125xi32, #tpu.memory_space<vmem>>
      %dma_wait3A_84 = tpu.memref_squeeze %dma_wait3A_83 : memref<1x125xi32, #tpu.memory_space<vmem>> -> memref<125xi32, #tpu.memory_space<vmem>>
      %dma_wait3A_85 = arith.constant 0 : i32
      %dma_wait3A_86 = arith.constant 0 : i32
      %dma_wait3A_87 = tpu.memref_slice %arg2[%dma_wait3A_85, %dma_wait3A_86] : memref<10000x128xf32, #tpu.memory_space<hbm>> -> memref<10000x128xf32, #tpu.memory_space<hbm>>
      tpu.wait_indirect_dma semaphore(%arg11 : memref<!tpu.dma_semaphore, #tpu.memory_space<semaphore_mem>>) src(%dma_wait3A_87 : memref<10000x128xf32, #tpu.memory_space<hbm>>) dst(%arg9 : memref<125x128xf32, #tpu.memory_space<vmem>>)
      %run_scoped3A_88 = arith.constant 2 : i32
      "tpu.region"() ({
        %run_scoped3A_355 = tpu.sem_alloc : memref<!tpu.dma_semaphore, #tpu.memory_space<semaphore_mem>>
        %dma_start3A_356 = arith.constant 0 : i32
        %dma_start3A_357 = tpu.memref_slice %arg8[%run_scoped3A_88, %dma_start3A_356] : memref<16x125xi32, #tpu.memory_space<vmem>> -> memref<1x125xi32, #tpu.memory_space<vmem>>
        %dma_start3A_358 = tpu.memref_squeeze %dma_start3A_357 : memref<1x125xi32, #tpu.memory_space<vmem>> -> memref<125xi32, #tpu.memory_space<vmem>>
        %dma_start3A_359 = arith.constant 0 : i32
        %dma_start3A_360 = arith.constant 0 : i32
        %dma_start3A_361 = tpu.memref_slice %arg16[%dma_start3A_359, %dma_start3A_360] : memref<10000x128xf32, #tpu.memory_space<vmem_shared>> -> memref<10000x128xf32, #tpu.memory_space<vmem_shared>>
        tpu.enqueue_indirect_dma source(%arg9 : memref<125x128xf32, #tpu.memory_space<vmem>>) target(%dma_start3A_361 : memref<10000x128xf32, #tpu.memory_space<vmem_shared>>) offsets(%dma_start3A_358 : memref<125xi32, #tpu.memory_space<vmem>>) semaphore(%run_scoped3A_355 : memref<!tpu.dma_semaphore, #tpu.memory_space<semaphore_mem>>) {add = true}
        %dma_wait3A_362 = arith.constant 0 : i32
        %dma_wait3A_363 = tpu.memref_slice %arg8[%run_scoped3A_88, %dma_wait3A_362] : memref<16x125xi32, #tpu.memory_space<vmem>> -> memref<1x125xi32, #tpu.memory_space<vmem>>
        %dma_wait3A_364 = tpu.memref_squeeze %dma_wait3A_363 : memref<1x125xi32, #tpu.memory_space<vmem>> -> memref<125xi32, #tpu.memory_space<vmem>>
        %dma_wait3A_365 = arith.constant 0 : i32
        %dma_wait3A_366 = arith.constant 0 : i32
        %dma_wait3A_367 = tpu.memref_slice %arg16[%dma_wait3A_365, %dma_wait3A_366] : memref<10000x128xf32, #tpu.memory_space<vmem_shared>> -> memref<10000x128xf32, #tpu.memory_space<vmem_shared>>
        tpu.wait_indirect_dma semaphore(%run_scoped3A_355 : memref<!tpu.dma_semaphore, #tpu.memory_space<semaphore_mem>>) src(%arg9 : memref<125x128xf32, #tpu.memory_space<vmem>>) dst(%dma_wait3A_367 : memref<10000x128xf32, #tpu.memory_space<vmem_shared>>)
        tpu.yield
      }) : () -> ()
      %add3A_89 = arith.constant 1 : i32
      %add3A_90 = arith.addi %add3A_80, %add3A_89 : i32
      %dma_start3A_91 = arith.constant 0 : i32
      %dma_start3A_92 = tpu.memref_slice %arg7[%add3A_90, %dma_start3A_91] : memref<80x125xi32, #tpu.memory_space<vmem>> -> memref<1x125xi32, #tpu.memory_space<vmem>>
      %dma_start3A_93 = tpu.memref_squeeze %dma_start3A_92 : memref<1x125xi32, #tpu.memory_space<vmem>> -> memref<125xi32, #tpu.memory_space<vmem>>
      %dma_start3A_94 = arith.constant 0 : i32
      %dma_start3A_95 = arith.constant 0 : i32
      %dma_start3A_96 = tpu.memref_slice %arg2[%dma_start3A_94, %dma_start3A_95] : memref<10000x128xf32, #tpu.memory_space<hbm>> -> memref<10000x128xf32, #tpu.memory_space<hbm>>
      tpu.enqueue_indirect_dma source(%dma_start3A_96 : memref<10000x128xf32, #tpu.memory_space<hbm>>) target(%arg10 : memref<125x128xf32, #tpu.memory_space<vmem>>) offsets(%dma_start3A_93 : memref<125xi32, #tpu.memory_space<vmem>>) semaphore(%arg12 : memref<!tpu.dma_semaphore, #tpu.memory_space<semaphore_mem>>)
      %mul3A_97 = arith.constant 16 : i32
      %mul3A_98 = arith.muli %scan3A_32, %mul3A_97 : i32
      %add3A_99 = arith.constant 3 : i32
      %add3A_100 = arith.addi %mul3A_98, %add3A_99 : i32
      %dma_wait3A_101 = arith.constant 0 : i32
      %dma_wait3A_102 = arith.constant 0 : i32
      %dma_wait3A_103 = tpu.memref_slice %arg7[%dma_wait3A_101, %dma_wait3A_102] : memref<80x125xi32, #tpu.memory_space<vmem>> -> memref<1x125xi32, #tpu.memory_space<vmem>>
      %dma_wait3A_104 = tpu.memref_squeeze %dma_wait3A_103 : memref<1x125xi32, #tpu.memory_space<vmem>> -> memref<125xi32, #tpu.memory_space<vmem>>
      %dma_wait3A_105 = arith.constant 0 : i32
      %dma_wait3A_106 = arith.constant 0 : i32
      %dma_wait3A_107 = tpu.memref_slice %arg2[%dma_wait3A_105, %dma_wait3A_106] : memref<10000x128xf32, #tpu.memory_space<hbm>> -> memref<10000x128xf32, #tpu.memory_space<hbm>>
      tpu.wait_indirect_dma semaphore(%arg12 : memref<!tpu.dma_semaphore, #tpu.memory_space<semaphore_mem>>) src(%dma_wait3A_107 : memref<10000x128xf32, #tpu.memory_space<hbm>>) dst(%arg10 : memref<125x128xf32, #tpu.memory_space<vmem>>)
      %run_scoped3A_108 = arith.constant 3 : i32
      "tpu.region"() ({
        %run_scoped3A_355 = tpu.sem_alloc : memref<!tpu.dma_semaphore, #tpu.memory_space<semaphore_mem>>
        %dma_start3A_356 = arith.constant 0 : i32
        %dma_start3A_357 = tpu.memref_slice %arg8[%run_scoped3A_108, %dma_start3A_356] : memref<16x125xi32, #tpu.memory_space<vmem>> -> memref<1x125xi32, #tpu.memory_space<vmem>>
        %dma_start3A_358 = tpu.memref_squeeze %dma_start3A_357 : memref<1x125xi32, #tpu.memory_space<vmem>> -> memref<125xi32, #tpu.memory_space<vmem>>
        %dma_start3A_359 = arith.constant 0 : i32
        %dma_start3A_360 = arith.constant 0 : i32
        %dma_start3A_361 = tpu.memref_slice %arg16[%dma_start3A_359, %dma_start3A_360] : memref<10000x128xf32, #tpu.memory_space<vmem_shared>> -> memref<10000x128xf32, #tpu.memory_space<vmem_shared>>
        tpu.enqueue_indirect_dma source(%arg10 : memref<125x128xf32, #tpu.memory_space<vmem>>) target(%dma_start3A_361 : memref<10000x128xf32, #tpu.memory_space<vmem_shared>>) offsets(%dma_start3A_358 : memref<125xi32, #tpu.memory_space<vmem>>) semaphore(%run_scoped3A_355 : memref<!tpu.dma_semaphore, #tpu.memory_space<semaphore_mem>>) {add = true}
        %dma_wait3A_362 = arith.constant 0 : i32
        %dma_wait3A_363 = tpu.memref_slice %arg8[%run_scoped3A_108, %dma_wait3A_362] : memref<16x125xi32, #tpu.memory_space<vmem>> -> memref<1x125xi32, #tpu.memory_space<vmem>>
        %dma_wait3A_364 = tpu.memref_squeeze %dma_wait3A_363 : memref<1x125xi32, #tpu.memory_space<vmem>> -> memref<125xi32, #tpu.memory_space<vmem>>
        %dma_wait3A_365 = arith.constant 0 : i32
        %dma_wait3A_366 = arith.constant 0 : i32
        %dma_wait3A_367 = tpu.memref_slice %arg16[%dma_wait3A_365, %dma_wait3A_366] : memref<10000x128xf32, #tpu.memory_space<vmem_shared>> -> memref<10000x128xf32, #tpu.memory_space<vmem_shared>>
        tpu.wait_indirect_dma semaphore(%run_scoped3A_355 : memref<!tpu.dma_semaphore, #tpu.memory_space<semaphore_mem>>) src(%arg10 : memref<125x128xf32, #tpu.memory_space<vmem>>) dst(%dma_wait3A_367 : memref<10000x128xf32, #tpu.memory_space<vmem_shared>>)
        tpu.yield
      }) : () -> ()
      %add3A_109 = arith.constant 1 : i32
      %add3A_110 = arith.addi %add3A_100, %add3A_109 : i32
      %dma_start3A_111 = arith.constant 0 : i32
      %dma_start3A_112 = tpu.memref_slice %arg7[%add3A_110, %dma_start3A_111] : memref<80x125xi32, #tpu.memory_space<vmem>> -> memref<1x125xi32, #tpu.memory_space<vmem>>
      %dma_start3A_113 = tpu.memref_squeeze %dma_start3A_112 : memref<1x125xi32, #tpu.memory_space<vmem>> -> memref<125xi32, #tpu.memory_space<vmem>>
      %dma_start3A_114 = arith.constant 0 : i32
      %dma_start3A_115 = arith.constant 0 : i32
      %dma_start3A_116 = tpu.memref_slice %arg2[%dma_start3A_114, %dma_start3A_115] : memref<10000x128xf32, #tpu.memory_space<hbm>> -> memref<10000x128xf32, #tpu.memory_space<hbm>>
      tpu.enqueue_indirect_dma source(%dma_start3A_116 : memref<10000x128xf32, #tpu.memory_space<hbm>>) target(%arg9 : memref<125x128xf32, #tpu.memory_space<vmem>>) offsets(%dma_start3A_113 : memref<125xi32, #tpu.memory_space<vmem>>) semaphore(%arg11 : memref<!tpu.dma_semaphore, #tpu.memory_space<semaphore_mem>>)
      %mul3A_117 = arith.constant 16 : i32
      %mul3A_118 = arith.muli %scan3A_32, %mul3A_117 : i32
      %add3A_119 = arith.constant 4 : i32
      %add3A_120 = arith.addi %mul3A_118, %add3A_119 : i32
      %dma_wait3A_121 = arith.constant 0 : i32
      %dma_wait3A_122 = arith.constant 0 : i32
      %dma_wait3A_123 = tpu.memref_slice %arg7[%dma_wait3A_121, %dma_wait3A_122] : memref<80x125xi32, #tpu.memory_space<vmem>> -> memref<1x125xi32, #tpu.memory_space<vmem>>
      %dma_wait3A_124 = tpu.memref_squeeze %dma_wait3A_123 : memref<1x125xi32, #tpu.memory_space<vmem>> -> memref<125xi32, #tpu.memory_space<vmem>>
      %dma_wait3A_125 = arith.constant 0 : i32
      %dma_wait3A_126 = arith.constant 0 : i32
      %dma_wait3A_127 = tpu.memref_slice %arg2[%dma_wait3A_125, %dma_wait3A_126] : memref<10000x128xf32, #tpu.memory_space<hbm>> -> memref<10000x128xf32, #tpu.memory_space<hbm>>
      tpu.wait_indirect_dma semaphore(%arg11 : memref<!tpu.dma_semaphore, #tpu.memory_space<semaphore_mem>>) src(%dma_wait3A_127 : memref<10000x128xf32, #tpu.memory_space<hbm>>) dst(%arg9 : memref<125x128xf32, #tpu.memory_space<vmem>>)
      %run_scoped3A_128 = arith.constant 4 : i32
      "tpu.region"() ({
        %run_scoped3A_355 = tpu.sem_alloc : memref<!tpu.dma_semaphore, #tpu.memory_space<semaphore_mem>>
        %dma_start3A_356 = arith.constant 0 : i32
        %dma_start3A_357 = tpu.memref_slice %arg8[%run_scoped3A_128, %dma_start3A_356] : memref<16x125xi32, #tpu.memory_space<vmem>> -> memref<1x125xi32, #tpu.memory_space<vmem>>
        %dma_start3A_358 = tpu.memref_squeeze %dma_start3A_357 : memref<1x125xi32, #tpu.memory_space<vmem>> -> memref<125xi32, #tpu.memory_space<vmem>>
        %dma_start3A_359 = arith.constant 0 : i32
        %dma_start3A_360 = arith.constant 0 : i32
        %dma_start3A_361 = tpu.memref_slice %arg16[%dma_start3A_359, %dma_start3A_360] : memref<10000x128xf32, #tpu.memory_space<vmem_shared>> -> memref<10000x128xf32, #tpu.memory_space<vmem_shared>>
        tpu.enqueue_indirect_dma source(%arg9 : memref<125x128xf32, #tpu.memory_space<vmem>>) target(%dma_start3A_361 : memref<10000x128xf32, #tpu.memory_space<vmem_shared>>) offsets(%dma_start3A_358 : memref<125xi32, #tpu.memory_space<vmem>>) semaphore(%run_scoped3A_355 : memref<!tpu.dma_semaphore, #tpu.memory_space<semaphore_mem>>) {add = true}
        %dma_wait3A_362 = arith.constant 0 : i32
        %dma_wait3A_363 = tpu.memref_slice %arg8[%run_scoped3A_128, %dma_wait3A_362] : memref<16x125xi32, #tpu.memory_space<vmem>> -> memref<1x125xi32, #tpu.memory_space<vmem>>
        %dma_wait3A_364 = tpu.memref_squeeze %dma_wait3A_363 : memref<1x125xi32, #tpu.memory_space<vmem>> -> memref<125xi32, #tpu.memory_space<vmem>>
        %dma_wait3A_365 = arith.constant 0 : i32
        %dma_wait3A_366 = arith.constant 0 : i32
        %dma_wait3A_367 = tpu.memref_slice %arg16[%dma_wait3A_365, %dma_wait3A_366] : memref<10000x128xf32, #tpu.memory_space<vmem_shared>> -> memref<10000x128xf32, #tpu.memory_space<vmem_shared>>
        tpu.wait_indirect_dma semaphore(%run_scoped3A_355 : memref<!tpu.dma_semaphore, #tpu.memory_space<semaphore_mem>>) src(%arg9 : memref<125x128xf32, #tpu.memory_space<vmem>>) dst(%dma_wait3A_367 : memref<10000x128xf32, #tpu.memory_space<vmem_shared>>)
        tpu.yield
      }) : () -> ()
      %add3A_129 = arith.constant 1 : i32
      %add3A_130 = arith.addi %add3A_120, %add3A_129 : i32
      %dma_start3A_131 = arith.constant 0 : i32
      %dma_start3A_132 = tpu.memref_slice %arg7[%add3A_130, %dma_start3A_131] : memref<80x125xi32, #tpu.memory_space<vmem>> -> memref<1x125xi32, #tpu.memory_space<vmem>>
      %dma_start3A_133 = tpu.memref_squeeze %dma_start3A_132 : memref<1x125xi32, #tpu.memory_space<vmem>> -> memref<125xi32, #tpu.memory_space<vmem>>
      %dma_start3A_134 = arith.constant 0 : i32
      %dma_start3A_135 = arith.constant 0 : i32
      %dma_start3A_136 = tpu.memref_slice %arg2[%dma_start3A_134, %dma_start3A_135] : memref<10000x128xf32, #tpu.memory_space<hbm>> -> memref<10000x128xf32, #tpu.memory_space<hbm>>
      tpu.enqueue_indirect_dma source(%dma_start3A_136 : memref<10000x128xf32, #tpu.memory_space<hbm>>) target(%arg10 : memref<125x128xf32, #tpu.memory_space<vmem>>) offsets(%dma_start3A_133 : memref<125xi32, #tpu.memory_space<vmem>>) semaphore(%arg12 : memref<!tpu.dma_semaphore, #tpu.memory_space<semaphore_mem>>)
      %mul3A_137 = arith.constant 16 : i32
      %mul3A_138 = arith.muli %scan3A_32, %mul3A_137 : i32
      %add3A_139 = arith.constant 5 : i32
      %add3A_140 = arith.addi %mul3A_138, %add3A_139 : i32
      %dma_wait3A_141 = arith.constant 0 : i32
      %dma_wait3A_142 = arith.constant 0 : i32
      %dma_wait3A_143 = tpu.memref_slice %arg7[%dma_wait3A_141, %dma_wait3A_142] : memref<80x125xi32, #tpu.memory_space<vmem>> -> memref<1x125xi32, #tpu.memory_space<vmem>>
      %dma_wait3A_144 = tpu.memref_squeeze %dma_wait3A_143 : memref<1x125xi32, #tpu.memory_space<vmem>> -> memref<125xi32, #tpu.memory_space<vmem>>
      %dma_wait3A_145 = arith.constant 0 : i32
      %dma_wait3A_146 = arith.constant 0 : i32
      %dma_wait3A_147 = tpu.memref_slice %arg2[%dma_wait3A_145, %dma_wait3A_146] : memref<10000x128xf32, #tpu.memory_space<hbm>> -> memref<10000x128xf32, #tpu.memory_space<hbm>>
      tpu.wait_indirect_dma semaphore(%arg12 : memref<!tpu.dma_semaphore, #tpu.memory_space<semaphore_mem>>) src(%dma_wait3A_147 : memref<10000x128xf32, #tpu.memory_space<hbm>>) dst(%arg10 : memref<125x128xf32, #tpu.memory_space<vmem>>)
      %run_scoped3A_148 = arith.constant 5 : i32
      "tpu.region"() ({
        %run_scoped3A_355 = tpu.sem_alloc : memref<!tpu.dma_semaphore, #tpu.memory_space<semaphore_mem>>
        %dma_start3A_356 = arith.constant 0 : i32
        %dma_start3A_357 = tpu.memref_slice %arg8[%run_scoped3A_148, %dma_start3A_356] : memref<16x125xi32, #tpu.memory_space<vmem>> -> memref<1x125xi32, #tpu.memory_space<vmem>>
        %dma_start3A_358 = tpu.memref_squeeze %dma_start3A_357 : memref<1x125xi32, #tpu.memory_space<vmem>> -> memref<125xi32, #tpu.memory_space<vmem>>
        %dma_start3A_359 = arith.constant 0 : i32
        %dma_start3A_360 = arith.constant 0 : i32
        %dma_start3A_361 = tpu.memref_slice %arg16[%dma_start3A_359, %dma_start3A_360] : memref<10000x128xf32, #tpu.memory_space<vmem_shared>> -> memref<10000x128xf32, #tpu.memory_space<vmem_shared>>
        tpu.enqueue_indirect_dma source(%arg10 : memref<125x128xf32, #tpu.memory_space<vmem>>) target(%dma_start3A_361 : memref<10000x128xf32, #tpu.memory_space<vmem_shared>>) offsets(%dma_start3A_358 : memref<125xi32, #tpu.memory_space<vmem>>) semaphore(%run_scoped3A_355 : memref<!tpu.dma_semaphore, #tpu.memory_space<semaphore_mem>>) {add = true}
        %dma_wait3A_362 = arith.constant 0 : i32
        %dma_wait3A_363 = tpu.memref_slice %arg8[%run_scoped3A_148, %dma_wait3A_362] : memref<16x125xi32, #tpu.memory_space<vmem>> -> memref<1x125xi32, #tpu.memory_space<vmem>>
        %dma_wait3A_364 = tpu.memref_squeeze %dma_wait3A_363 : memref<1x125xi32, #tpu.memory_space<vmem>> -> memref<125xi32, #tpu.memory_space<vmem>>
        %dma_wait3A_365 = arith.constant 0 : i32
        %dma_wait3A_366 = arith.constant 0 : i32
        %dma_wait3A_367 = tpu.memref_slice %arg16[%dma_wait3A_365, %dma_wait3A_366] : memref<10000x128xf32, #tpu.memory_space<vmem_shared>> -> memref<10000x128xf32, #tpu.memory_space<vmem_shared>>
        tpu.wait_indirect_dma semaphore(%run_scoped3A_355 : memref<!tpu.dma_semaphore, #tpu.memory_space<semaphore_mem>>) src(%arg10 : memref<125x128xf32, #tpu.memory_space<vmem>>) dst(%dma_wait3A_367 : memref<10000x128xf32, #tpu.memory_space<vmem_shared>>)
        tpu.yield
      }) : () -> ()
      %add3A_149 = arith.constant 1 : i32
      %add3A_150 = arith.addi %add3A_140, %add3A_149 : i32
      %dma_start3A_151 = arith.constant 0 : i32
      %dma_start3A_152 = tpu.memref_slice %arg7[%add3A_150, %dma_start3A_151] : memref<80x125xi32, #tpu.memory_space<vmem>> -> memref<1x125xi32, #tpu.memory_space<vmem>>
      %dma_start3A_153 = tpu.memref_squeeze %dma_start3A_152 : memref<1x125xi32, #tpu.memory_space<vmem>> -> memref<125xi32, #tpu.memory_space<vmem>>
      %dma_start3A_154 = arith.constant 0 : i32
      %dma_start3A_155 = arith.constant 0 : i32
      %dma_start3A_156 = tpu.memref_slice %arg2[%dma_start3A_154, %dma_start3A_155] : memref<10000x128xf32, #tpu.memory_space<hbm>> -> memref<10000x128xf32, #tpu.memory_space<hbm>>
      tpu.enqueue_indirect_dma source(%dma_start3A_156 : memref<10000x128xf32, #tpu.memory_space<hbm>>) target(%arg9 : memref<125x128xf32, #tpu.memory_space<vmem>>) offsets(%dma_start3A_153 : memref<125xi32, #tpu.memory_space<vmem>>) semaphore(%arg11 : memref<!tpu.dma_semaphore, #tpu.memory_space<semaphore_mem>>)
      %mul3A_157 = arith.constant 16 : i32
      %mul3A_158 = arith.muli %scan3A_32, %mul3A_157 : i32
      %add3A_159 = arith.constant 6 : i32
      %add3A_160 = arith.addi %mul3A_158, %add3A_159 : i32
      %dma_wait3A_161 = arith.constant 0 : i32
      %dma_wait3A_162 = arith.constant 0 : i32
      %dma_wait3A_163 = tpu.memref_slice %arg7[%dma_wait3A_161, %dma_wait3A_162] : memref<80x125xi32, #tpu.memory_space<vmem>> -> memref<1x125xi32, #tpu.memory_space<vmem>>
      %dma_wait3A_164 = tpu.memref_squeeze %dma_wait3A_163 : memref<1x125xi32, #tpu.memory_space<vmem>> -> memref<125xi32, #tpu.memory_space<vmem>>
      %dma_wait3A_165 = arith.constant 0 : i32
      %dma_wait3A_166 = arith.constant 0 : i32
      %dma_wait3A_167 = tpu.memref_slice %arg2[%dma_wait3A_165, %dma_wait3A_166] : memref<10000x128xf32, #tpu.memory_space<hbm>> -> memref<10000x128xf32, #tpu.memory_space<hbm>>
      tpu.wait_indirect_dma semaphore(%arg11 : memref<!tpu.dma_semaphore, #tpu.memory_space<semaphore_mem>>) src(%dma_wait3A_167 : memref<10000x128xf32, #tpu.memory_space<hbm>>) dst(%arg9 : memref<125x128xf32, #tpu.memory_space<vmem>>)
      %run_scoped3A_168 = arith.constant 6 : i32
      "tpu.region"() ({
        %run_scoped3A_355 = tpu.sem_alloc : memref<!tpu.dma_semaphore, #tpu.memory_space<semaphore_mem>>
        %dma_start3A_356 = arith.constant 0 : i32
        %dma_start3A_357 = tpu.memref_slice %arg8[%run_scoped3A_168, %dma_start3A_356] : memref<16x125xi32, #tpu.memory_space<vmem>> -> memref<1x125xi32, #tpu.memory_space<vmem>>
        %dma_start3A_358 = tpu.memref_squeeze %dma_start3A_357 : memref<1x125xi32, #tpu.memory_space<vmem>> -> memref<125xi32, #tpu.memory_space<vmem>>
        %dma_start3A_359 = arith.constant 0 : i32
        %dma_start3A_360 = arith.constant 0 : i32
        %dma_start3A_361 = tpu.memref_slice %arg16[%dma_start3A_359, %dma_start3A_360] : memref<10000x128xf32, #tpu.memory_space<vmem_shared>> -> memref<10000x128xf32, #tpu.memory_space<vmem_shared>>
        tpu.enqueue_indirect_dma source(%arg9 : memref<125x128xf32, #tpu.memory_space<vmem>>) target(%dma_start3A_361 : memref<10000x128xf32, #tpu.memory_space<vmem_shared>>) offsets(%dma_start3A_358 : memref<125xi32, #tpu.memory_space<vmem>>) semaphore(%run_scoped3A_355 : memref<!tpu.dma_semaphore, #tpu.memory_space<semaphore_mem>>) {add = true}
        %dma_wait3A_362 = arith.constant 0 : i32
        %dma_wait3A_363 = tpu.memref_slice %arg8[%run_scoped3A_168, %dma_wait3A_362] : memref<16x125xi32, #tpu.memory_space<vmem>> -> memref<1x125xi32, #tpu.memory_space<vmem>>
        %dma_wait3A_364 = tpu.memref_squeeze %dma_wait3A_363 : memref<1x125xi32, #tpu.memory_space<vmem>> -> memref<125xi32, #tpu.memory_space<vmem>>
        %dma_wait3A_365 = arith.constant 0 : i32
        %dma_wait3A_366 = arith.constant 0 : i32
        %dma_wait3A_367 = tpu.memref_slice %arg16[%dma_wait3A_365, %dma_wait3A_366] : memref<10000x128xf32, #tpu.memory_space<vmem_shared>> -> memref<10000x128xf32, #tpu.memory_space<vmem_shared>>
        tpu.wait_indirect_dma semaphore(%run_scoped3A_355 : memref<!tpu.dma_semaphore, #tpu.memory_space<semaphore_mem>>) src(%arg9 : memref<125x128xf32, #tpu.memory_space<vmem>>) dst(%dma_wait3A_367 : memref<10000x128xf32, #tpu.memory_space<vmem_shared>>)
        tpu.yield
      }) : () -> ()
      %add3A_169 = arith.constant 1 : i32
      %add3A_170 = arith.addi %add3A_160, %add3A_169 : i32
      %dma_start3A_171 = arith.constant 0 : i32
      %dma_start3A_172 = tpu.memref_slice %arg7[%add3A_170, %dma_start3A_171] : memref<80x125xi32, #tpu.memory_space<vmem>> -> memref<1x125xi32, #tpu.memory_space<vmem>>
      %dma_start3A_173 = tpu.memref_squeeze %dma_start3A_172 : memref<1x125xi32, #tpu.memory_space<vmem>> -> memref<125xi32, #tpu.memory_space<vmem>>
      %dma_start3A_174 = arith.constant 0 : i32
      %dma_start3A_175 = arith.constant 0 : i32
      %dma_start3A_176 = tpu.memref_slice %arg2[%dma_start3A_174, %dma_start3A_175] : memref<10000x128xf32, #tpu.memory_space<hbm>> -> memref<10000x128xf32, #tpu.memory_space<hbm>>
      tpu.enqueue_indirect_dma source(%dma_start3A_176 : memref<10000x128xf32, #tpu.memory_space<hbm>>) target(%arg10 : memref<125x128xf32, #tpu.memory_space<vmem>>) offsets(%dma_start3A_173 : memref<125xi32, #tpu.memory_space<vmem>>) semaphore(%arg12 : memref<!tpu.dma_semaphore, #tpu.memory_space<semaphore_mem>>)
      %mul3A_177 = arith.constant 16 : i32
      %mul3A_178 = arith.muli %scan3A_32, %mul3A_177 : i32
      %add3A_179 = arith.constant 7 : i32
      %add3A_180 = arith.addi %mul3A_178, %add3A_179 : i32
      %dma_wait3A_181 = arith.constant 0 : i32
      %dma_wait3A_182 = arith.constant 0 : i32
      %dma_wait3A_183 = tpu.memref_slice %arg7[%dma_wait3A_181, %dma_wait3A_182] : memref<80x125xi32, #tpu.memory_space<vmem>> -> memref<1x125xi32, #tpu.memory_space<vmem>>
      %dma_wait3A_184 = tpu.memref_squeeze %dma_wait3A_183 : memref<1x125xi32, #tpu.memory_space<vmem>> -> memref<125xi32, #tpu.memory_space<vmem>>
      %dma_wait3A_185 = arith.constant 0 : i32
      %dma_wait3A_186 = arith.constant 0 : i32
      %dma_wait3A_187 = tpu.memref_slice %arg2[%dma_wait3A_185, %dma_wait3A_186] : memref<10000x128xf32, #tpu.memory_space<hbm>> -> memref<10000x128xf32, #tpu.memory_space<hbm>>
      tpu.wait_indirect_dma semaphore(%arg12 : memref<!tpu.dma_semaphore, #tpu.memory_space<semaphore_mem>>) src(%dma_wait3A_187 : memref<10000x128xf32, #tpu.memory_space<hbm>>) dst(%arg10 : memref<125x128xf32, #tpu.memory_space<vmem>>)
      %run_scoped3A_188 = arith.constant 7 : i32
      "tpu.region"() ({
        %run_scoped3A_355 = tpu.sem_alloc : memref<!tpu.dma_semaphore, #tpu.memory_space<semaphore_mem>>
        %dma_start3A_356 = arith.constant 0 : i32
        %dma_start3A_357 = tpu.memref_slice %arg8[%run_scoped3A_188, %dma_start3A_356] : memref<16x125xi32, #tpu.memory_space<vmem>> -> memref<1x125xi32, #tpu.memory_space<vmem>>
        %dma_start3A_358 = tpu.memref_squeeze %dma_start3A_357 : memref<1x125xi32, #tpu.memory_space<vmem>> -> memref<125xi32, #tpu.memory_space<vmem>>
        %dma_start3A_359 = arith.constant 0 : i32
        %dma_start3A_360 = arith.constant 0 : i32
        %dma_start3A_361 = tpu.memref_slice %arg16[%dma_start3A_359, %dma_start3A_360] : memref<10000x128xf32, #tpu.memory_space<vmem_shared>> -> memref<10000x128xf32, #tpu.memory_space<vmem_shared>>
        tpu.enqueue_indirect_dma source(%arg10 : memref<125x128xf32, #tpu.memory_space<vmem>>) target(%dma_start3A_361 : memref<10000x128xf32, #tpu.memory_space<vmem_shared>>) offsets(%dma_start3A_358 : memref<125xi32, #tpu.memory_space<vmem>>) semaphore(%run_scoped3A_355 : memref<!tpu.dma_semaphore, #tpu.memory_space<semaphore_mem>>) {add = true}
        %dma_wait3A_362 = arith.constant 0 : i32
        %dma_wait3A_363 = tpu.memref_slice %arg8[%run_scoped3A_188, %dma_wait3A_362] : memref<16x125xi32, #tpu.memory_space<vmem>> -> memref<1x125xi32, #tpu.memory_space<vmem>>
        %dma_wait3A_364 = tpu.memref_squeeze %dma_wait3A_363 : memref<1x125xi32, #tpu.memory_space<vmem>> -> memref<125xi32, #tpu.memory_space<vmem>>
        %dma_wait3A_365 = arith.constant 0 : i32
        %dma_wait3A_366 = arith.constant 0 : i32
        %dma_wait3A_367 = tpu.memref_slice %arg16[%dma_wait3A_365, %dma_wait3A_366] : memref<10000x128xf32, #tpu.memory_space<vmem_shared>> -> memref<10000x128xf32, #tpu.memory_space<vmem_shared>>
        tpu.wait_indirect_dma semaphore(%run_scoped3A_355 : memref<!tpu.dma_semaphore, #tpu.memory_space<semaphore_mem>>) src(%arg10 : memref<125x128xf32, #tpu.memory_space<vmem>>) dst(%dma_wait3A_367 : memref<10000x128xf32, #tpu.memory_space<vmem_shared>>)
        tpu.yield
      }) : () -> ()
      %add3A_189 = arith.constant 1 : i32
      %add3A_190 = arith.addi %add3A_180, %add3A_189 : i32
      %dma_start3A_191 = arith.constant 0 : i32
      %dma_start3A_192 = tpu.memref_slice %arg7[%add3A_190, %dma_start3A_191] : memref<80x125xi32, #tpu.memory_space<vmem>> -> memref<1x125xi32, #tpu.memory_space<vmem>>
      %dma_start3A_193 = tpu.memref_squeeze %dma_start3A_192 : memref<1x125xi32, #tpu.memory_space<vmem>> -> memref<125xi32, #tpu.memory_space<vmem>>
      %dma_start3A_194 = arith.constant 0 : i32
      %dma_start3A_195 = arith.constant 0 : i32
      %dma_start3A_196 = tpu.memref_slice %arg2[%dma_start3A_194, %dma_start3A_195] : memref<10000x128xf32, #tpu.memory_space<hbm>> -> memref<10000x128xf32, #tpu.memory_space<hbm>>
      tpu.enqueue_indirect_dma source(%dma_start3A_196 : memref<10000x128xf32, #tpu.memory_space<hbm>>) target(%arg9 : memref<125x128xf32, #tpu.memory_space<vmem>>) offsets(%dma_start3A_193 : memref<125xi32, #tpu.memory_space<vmem>>) semaphore(%arg11 : memref<!tpu.dma_semaphore, #tpu.memory_space<semaphore_mem>>)
      %mul3A_197 = arith.constant 16 : i32
      %mul3A_198 = arith.muli %scan3A_32, %mul3A_197 : i32
      %add3A_199 = arith.constant 8 : i32
      %add3A_200 = arith.addi %mul3A_198, %add3A_199 : i32
      %dma_wait3A_201 = arith.constant 0 : i32
      %dma_wait3A_202 = arith.constant 0 : i32
      %dma_wait3A_203 = tpu.memref_slice %arg7[%dma_wait3A_201, %dma_wait3A_202] : memref<80x125xi32, #tpu.memory_space<vmem>> -> memref<1x125xi32, #tpu.memory_space<vmem>>
      %dma_wait3A_204 = tpu.memref_squeeze %dma_wait3A_203 : memref<1x125xi32, #tpu.memory_space<vmem>> -> memref<125xi32, #tpu.memory_space<vmem>>
      %dma_wait3A_205 = arith.constant 0 : i32
      %dma_wait3A_206 = arith.constant 0 : i32
      %dma_wait3A_207 = tpu.memref_slice %arg2[%dma_wait3A_205, %dma_wait3A_206] : memref<10000x128xf32, #tpu.memory_space<hbm>> -> memref<10000x128xf32, #tpu.memory_space<hbm>>
      tpu.wait_indirect_dma semaphore(%arg11 : memref<!tpu.dma_semaphore, #tpu.memory_space<semaphore_mem>>) src(%dma_wait3A_207 : memref<10000x128xf32, #tpu.memory_space<hbm>>) dst(%arg9 : memref<125x128xf32, #tpu.memory_space<vmem>>)
      %run_scoped3A_208 = arith.constant 8 : i32
      "tpu.region"() ({
        %run_scoped3A_355 = tpu.sem_alloc : memref<!tpu.dma_semaphore, #tpu.memory_space<semaphore_mem>>
        %dma_start3A_356 = arith.constant 0 : i32
        %dma_start3A_357 = tpu.memref_slice %arg8[%run_scoped3A_208, %dma_start3A_356] : memref<16x125xi32, #tpu.memory_space<vmem>> -> memref<1x125xi32, #tpu.memory_space<vmem>>
        %dma_start3A_358 = tpu.memref_squeeze %dma_start3A_357 : memref<1x125xi32, #tpu.memory_space<vmem>> -> memref<125xi32, #tpu.memory_space<vmem>>
        %dma_start3A_359 = arith.constant 0 : i32
        %dma_start3A_360 = arith.constant 0 : i32
        %dma_start3A_361 = tpu.memref_slice %arg16[%dma_start3A_359, %dma_start3A_360] : memref<10000x128xf32, #tpu.memory_space<vmem_shared>> -> memref<10000x128xf32, #tpu.memory_space<vmem_shared>>
        tpu.enqueue_indirect_dma source(%arg9 : memref<125x128xf32, #tpu.memory_space<vmem>>) target(%dma_start3A_361 : memref<10000x128xf32, #tpu.memory_space<vmem_shared>>) offsets(%dma_start3A_358 : memref<125xi32, #tpu.memory_space<vmem>>) semaphore(%run_scoped3A_355 : memref<!tpu.dma_semaphore, #tpu.memory_space<semaphore_mem>>) {add = true}
        %dma_wait3A_362 = arith.constant 0 : i32
        %dma_wait3A_363 = tpu.memref_slice %arg8[%run_scoped3A_208, %dma_wait3A_362] : memref<16x125xi32, #tpu.memory_space<vmem>> -> memref<1x125xi32, #tpu.memory_space<vmem>>
        %dma_wait3A_364 = tpu.memref_squeeze %dma_wait3A_363 : memref<1x125xi32, #tpu.memory_space<vmem>> -> memref<125xi32, #tpu.memory_space<vmem>>
        %dma_wait3A_365 = arith.constant 0 : i32
        %dma_wait3A_366 = arith.constant 0 : i32
        %dma_wait3A_367 = tpu.memref_slice %arg16[%dma_wait3A_365, %dma_wait3A_366] : memref<10000x128xf32, #tpu.memory_space<vmem_shared>> -> memref<10000x128xf32, #tpu.memory_space<vmem_shared>>
        tpu.wait_indirect_dma semaphore(%run_scoped3A_355 : memref<!tpu.dma_semaphore, #tpu.memory_space<semaphore_mem>>) src(%arg9 : memref<125x128xf32, #tpu.memory_space<vmem>>) dst(%dma_wait3A_367 : memref<10000x128xf32, #tpu.memory_space<vmem_shared>>)
        tpu.yield
      }) : () -> ()
      %add3A_209 = arith.constant 1 : i32
      %add3A_210 = arith.addi %add3A_200, %add3A_209 : i32
      %dma_start3A_211 = arith.constant 0 : i32
      %dma_start3A_212 = tpu.memref_slice %arg7[%add3A_210, %dma_start3A_211] : memref<80x125xi32, #tpu.memory_space<vmem>> -> memref<1x125xi32, #tpu.memory_space<vmem>>
      %dma_start3A_213 = tpu.memref_squeeze %dma_start3A_212 : memref<1x125xi32, #tpu.memory_space<vmem>> -> memref<125xi32, #tpu.memory_space<vmem>>
      %dma_start3A_214 = arith.constant 0 : i32
      %dma_start3A_215 = arith.constant 0 : i32
      %dma_start3A_216 = tpu.memref_slice %arg2[%dma_start3A_214, %dma_start3A_215] : memref<10000x128xf32, #tpu.memory_space<hbm>> -> memref<10000x128xf32, #tpu.memory_space<hbm>>
      tpu.enqueue_indirect_dma source(%dma_start3A_216 : memref<10000x128xf32, #tpu.memory_space<hbm>>) target(%arg10 : memref<125x128xf32, #tpu.memory_space<vmem>>) offsets(%dma_start3A_213 : memref<125xi32, #tpu.memory_space<vmem>>) semaphore(%arg12 : memref<!tpu.dma_semaphore, #tpu.memory_space<semaphore_mem>>)
      %mul3A_217 = arith.constant 16 : i32
      %mul3A_218 = arith.muli %scan3A_32, %mul3A_217 : i32
      %add3A_219 = arith.constant 9 : i32
      %add3A_220 = arith.addi %mul3A_218, %add3A_219 : i32
      %dma_wait3A_221 = arith.constant 0 : i32
      %dma_wait3A_222 = arith.constant 0 : i32
      %dma_wait3A_223 = tpu.memref_slice %arg7[%dma_wait3A_221, %dma_wait3A_222] : memref<80x125xi32, #tpu.memory_space<vmem>> -> memref<1x125xi32, #tpu.memory_space<vmem>>
      %dma_wait3A_224 = tpu.memref_squeeze %dma_wait3A_223 : memref<1x125xi32, #tpu.memory_space<vmem>> -> memref<125xi32, #tpu.memory_space<vmem>>
      %dma_wait3A_225 = arith.constant 0 : i32
      %dma_wait3A_226 = arith.constant 0 : i32
      %dma_wait3A_227 = tpu.memref_slice %arg2[%dma_wait3A_225, %dma_wait3A_226] : memref<10000x128xf32, #tpu.memory_space<hbm>> -> memref<10000x128xf32, #tpu.memory_space<hbm>>
      tpu.wait_indirect_dma semaphore(%arg12 : memref<!tpu.dma_semaphore, #tpu.memory_space<semaphore_mem>>) src(%dma_wait3A_227 : memref<10000x128xf32, #tpu.memory_space<hbm>>) dst(%arg10 : memref<125x128xf32, #tpu.memory_space<vmem>>)
      %run_scoped3A_228 = arith.constant 9 : i32
      "tpu.region"() ({
        %run_scoped3A_355 = tpu.sem_alloc : memref<!tpu.dma_semaphore, #tpu.memory_space<semaphore_mem>>
        %dma_start3A_356 = arith.constant 0 : i32
        %dma_start3A_357 = tpu.memref_slice %arg8[%run_scoped3A_228, %dma_start3A_356] : memref<16x125xi32, #tpu.memory_space<vmem>> -> memref<1x125xi32, #tpu.memory_space<vmem>>
        %dma_start3A_358 = tpu.memref_squeeze %dma_start3A_357 : memref<1x125xi32, #tpu.memory_space<vmem>> -> memref<125xi32, #tpu.memory_space<vmem>>
        %dma_start3A_359 = arith.constant 0 : i32
        %dma_start3A_360 = arith.constant 0 : i32
        %dma_start3A_361 = tpu.memref_slice %arg16[%dma_start3A_359, %dma_start3A_360] : memref<10000x128xf32, #tpu.memory_space<vmem_shared>> -> memref<10000x128xf32, #tpu.memory_space<vmem_shared>>
        tpu.enqueue_indirect_dma source(%arg10 : memref<125x128xf32, #tpu.memory_space<vmem>>) target(%dma_start3A_361 : memref<10000x128xf32, #tpu.memory_space<vmem_shared>>) offsets(%dma_start3A_358 : memref<125xi32, #tpu.memory_space<vmem>>) semaphore(%run_scoped3A_355 : memref<!tpu.dma_semaphore, #tpu.memory_space<semaphore_mem>>) {add = true}
        %dma_wait3A_362 = arith.constant 0 : i32
        %dma_wait3A_363 = tpu.memref_slice %arg8[%run_scoped3A_228, %dma_wait3A_362] : memref<16x125xi32, #tpu.memory_space<vmem>> -> memref<1x125xi32, #tpu.memory_space<vmem>>
        %dma_wait3A_364 = tpu.memref_squeeze %dma_wait3A_363 : memref<1x125xi32, #tpu.memory_space<vmem>> -> memref<125xi32, #tpu.memory_space<vmem>>
        %dma_wait3A_365 = arith.constant 0 : i32
        %dma_wait3A_366 = arith.constant 0 : i32
        %dma_wait3A_367 = tpu.memref_slice %arg16[%dma_wait3A_365, %dma_wait3A_366] : memref<10000x128xf32, #tpu.memory_space<vmem_shared>> -> memref<10000x128xf32, #tpu.memory_space<vmem_shared>>
        tpu.wait_indirect_dma semaphore(%run_scoped3A_355 : memref<!tpu.dma_semaphore, #tpu.memory_space<semaphore_mem>>) src(%arg10 : memref<125x128xf32, #tpu.memory_space<vmem>>) dst(%dma_wait3A_367 : memref<10000x128xf32, #tpu.memory_space<vmem_shared>>)
        tpu.yield
      }) : () -> ()
      %add3A_229 = arith.constant 1 : i32
      %add3A_230 = arith.addi %add3A_220, %add3A_229 : i32
      %dma_start3A_231 = arith.constant 0 : i32
      %dma_start3A_232 = tpu.memref_slice %arg7[%add3A_230, %dma_start3A_231] : memref<80x125xi32, #tpu.memory_space<vmem>> -> memref<1x125xi32, #tpu.memory_space<vmem>>
      %dma_start3A_233 = tpu.memref_squeeze %dma_start3A_232 : memref<1x125xi32, #tpu.memory_space<vmem>> -> memref<125xi32, #tpu.memory_space<vmem>>
      %dma_start3A_234 = arith.constant 0 : i32
      %dma_start3A_235 = arith.constant 0 : i32
      %dma_start3A_236 = tpu.memref_slice %arg2[%dma_start3A_234, %dma_start3A_235] : memref<10000x128xf32, #tpu.memory_space<hbm>> -> memref<10000x128xf32, #tpu.memory_space<hbm>>
      tpu.enqueue_indirect_dma source(%dma_start3A_236 : memref<10000x128xf32, #tpu.memory_space<hbm>>) target(%arg9 : memref<125x128xf32, #tpu.memory_space<vmem>>) offsets(%dma_start3A_233 : memref<125xi32, #tpu.memory_space<vmem>>) semaphore(%arg11 : memref<!tpu.dma_semaphore, #tpu.memory_space<semaphore_mem>>)
      %mul3A_237 = arith.constant 16 : i32
      %mul3A_238 = arith.muli %scan3A_32, %mul3A_237 : i32
      %add3A_239 = arith.constant 10 : i32
      %add3A_240 = arith.addi %mul3A_238, %add3A_239 : i32
      %dma_wait3A_241 = arith.constant 0 : i32
      %dma_wait3A_242 = arith.constant 0 : i32
      %dma_wait3A_243 = tpu.memref_slice %arg7[%dma_wait3A_241, %dma_wait3A_242] : memref<80x125xi32, #tpu.memory_space<vmem>> -> memref<1x125xi32, #tpu.memory_space<vmem>>
      %dma_wait3A_244 = tpu.memref_squeeze %dma_wait3A_243 : memref<1x125xi32, #tpu.memory_space<vmem>> -> memref<125xi32, #tpu.memory_space<vmem>>
      %dma_wait3A_245 = arith.constant 0 : i32
      %dma_wait3A_246 = arith.constant 0 : i32
      %dma_wait3A_247 = tpu.memref_slice %arg2[%dma_wait3A_245, %dma_wait3A_246] : memref<10000x128xf32, #tpu.memory_space<hbm>> -> memref<10000x128xf32, #tpu.memory_space<hbm>>
      tpu.wait_indirect_dma semaphore(%arg11 : memref<!tpu.dma_semaphore, #tpu.memory_space<semaphore_mem>>) src(%dma_wait3A_247 : memref<10000x128xf32, #tpu.memory_space<hbm>>) dst(%arg9 : memref<125x128xf32, #tpu.memory_space<vmem>>)
      %run_scoped3A_248 = arith.constant 10 : i32
      "tpu.region"() ({
        %run_scoped3A_355 = tpu.sem_alloc : memref<!tpu.dma_semaphore, #tpu.memory_space<semaphore_mem>>
        %dma_start3A_356 = arith.constant 0 : i32
        %dma_start3A_357 = tpu.memref_slice %arg8[%run_scoped3A_248, %dma_start3A_356] : memref<16x125xi32, #tpu.memory_space<vmem>> -> memref<1x125xi32, #tpu.memory_space<vmem>>
        %dma_start3A_358 = tpu.memref_squeeze %dma_start3A_357 : memref<1x125xi32, #tpu.memory_space<vmem>> -> memref<125xi32, #tpu.memory_space<vmem>>
        %dma_start3A_359 = arith.constant 0 : i32
        %dma_start3A_360 = arith.constant 0 : i32
        %dma_start3A_361 = tpu.memref_slice %arg16[%dma_start3A_359, %dma_start3A_360] : memref<10000x128xf32, #tpu.memory_space<vmem_shared>> -> memref<10000x128xf32, #tpu.memory_space<vmem_shared>>
        tpu.enqueue_indirect_dma source(%arg9 : memref<125x128xf32, #tpu.memory_space<vmem>>) target(%dma_start3A_361 : memref<10000x128xf32, #tpu.memory_space<vmem_shared>>) offsets(%dma_start3A_358 : memref<125xi32, #tpu.memory_space<vmem>>) semaphore(%run_scoped3A_355 : memref<!tpu.dma_semaphore, #tpu.memory_space<semaphore_mem>>) {add = true}
        %dma_wait3A_362 = arith.constant 0 : i32
        %dma_wait3A_363 = tpu.memref_slice %arg8[%run_scoped3A_248, %dma_wait3A_362] : memref<16x125xi32, #tpu.memory_space<vmem>> -> memref<1x125xi32, #tpu.memory_space<vmem>>
        %dma_wait3A_364 = tpu.memref_squeeze %dma_wait3A_363 : memref<1x125xi32, #tpu.memory_space<vmem>> -> memref<125xi32, #tpu.memory_space<vmem>>
        %dma_wait3A_365 = arith.constant 0 : i32
        %dma_wait3A_366 = arith.constant 0 : i32
        %dma_wait3A_367 = tpu.memref_slice %arg16[%dma_wait3A_365, %dma_wait3A_366] : memref<10000x128xf32, #tpu.memory_space<vmem_shared>> -> memref<10000x128xf32, #tpu.memory_space<vmem_shared>>
        tpu.wait_indirect_dma semaphore(%run_scoped3A_355 : memref<!tpu.dma_semaphore, #tpu.memory_space<semaphore_mem>>) src(%arg9 : memref<125x128xf32, #tpu.memory_space<vmem>>) dst(%dma_wait3A_367 : memref<10000x128xf32, #tpu.memory_space<vmem_shared>>)
        tpu.yield
      }) : () -> ()
      %add3A_249 = arith.constant 1 : i32
      %add3A_250 = arith.addi %add3A_240, %add3A_249 : i32
      %dma_start3A_251 = arith.constant 0 : i32
      %dma_start3A_252 = tpu.memref_slice %arg7[%add3A_250, %dma_start3A_251] : memref<80x125xi32, #tpu.memory_space<vmem>> -> memref<1x125xi32, #tpu.memory_space<vmem>>
      %dma_start3A_253 = tpu.memref_squeeze %dma_start3A_252 : memref<1x125xi32, #tpu.memory_space<vmem>> -> memref<125xi32, #tpu.memory_space<vmem>>
      %dma_start3A_254 = arith.constant 0 : i32
      %dma_start3A_255 = arith.constant 0 : i32
      %dma_start3A_256 = tpu.memref_slice %arg2[%dma_start3A_254, %dma_start3A_255] : memref<10000x128xf32, #tpu.memory_space<hbm>> -> memref<10000x128xf32, #tpu.memory_space<hbm>>
      tpu.enqueue_indirect_dma source(%dma_start3A_256 : memref<10000x128xf32, #tpu.memory_space<hbm>>) target(%arg10 : memref<125x128xf32, #tpu.memory_space<vmem>>) offsets(%dma_start3A_253 : memref<125xi32, #tpu.memory_space<vmem>>) semaphore(%arg12 : memref<!tpu.dma_semaphore, #tpu.memory_space<semaphore_mem>>)
      %mul3A_257 = arith.constant 16 : i32
      %mul3A_258 = arith.muli %scan3A_32, %mul3A_257 : i32
      %add3A_259 = arith.constant 11 : i32
      %add3A_260 = arith.addi %mul3A_258, %add3A_259 : i32
      %dma_wait3A_261 = arith.constant 0 : i32
      %dma_wait3A_262 = arith.constant 0 : i32
      %dma_wait3A_263 = tpu.memref_slice %arg7[%dma_wait3A_261, %dma_wait3A_262] : memref<80x125xi32, #tpu.memory_space<vmem>> -> memref<1x125xi32, #tpu.memory_space<vmem>>
      %dma_wait3A_264 = tpu.memref_squeeze %dma_wait3A_263 : memref<1x125xi32, #tpu.memory_space<vmem>> -> memref<125xi32, #tpu.memory_space<vmem>>
      %dma_wait3A_265 = arith.constant 0 : i32
      %dma_wait3A_266 = arith.constant 0 : i32
      %dma_wait3A_267 = tpu.memref_slice %arg2[%dma_wait3A_265, %dma_wait3A_266] : memref<10000x128xf32, #tpu.memory_space<hbm>> -> memref<10000x128xf32, #tpu.memory_space<hbm>>
      tpu.wait_indirect_dma semaphore(%arg12 : memref<!tpu.dma_semaphore, #tpu.memory_space<semaphore_mem>>) src(%dma_wait3A_267 : memref<10000x128xf32, #tpu.memory_space<hbm>>) dst(%arg10 : memref<125x128xf32, #tpu.memory_space<vmem>>)
      %run_scoped3A_268 = arith.constant 11 : i32
      "tpu.region"() ({
        %run_scoped3A_355 = tpu.sem_alloc : memref<!tpu.dma_semaphore, #tpu.memory_space<semaphore_mem>>
        %dma_start3A_356 = arith.constant 0 : i32
        %dma_start3A_357 = tpu.memref_slice %arg8[%run_scoped3A_268, %dma_start3A_356] : memref<16x125xi32, #tpu.memory_space<vmem>> -> memref<1x125xi32, #tpu.memory_space<vmem>>
        %dma_start3A_358 = tpu.memref_squeeze %dma_start3A_357 : memref<1x125xi32, #tpu.memory_space<vmem>> -> memref<125xi32, #tpu.memory_space<vmem>>
        %dma_start3A_359 = arith.constant 0 : i32
        %dma_start3A_360 = arith.constant 0 : i32
        %dma_start3A_361 = tpu.memref_slice %arg16[%dma_start3A_359, %dma_start3A_360] : memref<10000x128xf32, #tpu.memory_space<vmem_shared>> -> memref<10000x128xf32, #tpu.memory_space<vmem_shared>>
        tpu.enqueue_indirect_dma source(%arg10 : memref<125x128xf32, #tpu.memory_space<vmem>>) target(%dma_start3A_361 : memref<10000x128xf32, #tpu.memory_space<vmem_shared>>) offsets(%dma_start3A_358 : memref<125xi32, #tpu.memory_space<vmem>>) semaphore(%run_scoped3A_355 : memref<!tpu.dma_semaphore, #tpu.memory_space<semaphore_mem>>) {add = true}
        %dma_wait3A_362 = arith.constant 0 : i32
        %dma_wait3A_363 = tpu.memref_slice %arg8[%run_scoped3A_268, %dma_wait3A_362] : memref<16x125xi32, #tpu.memory_space<vmem>> -> memref<1x125xi32, #tpu.memory_space<vmem>>
        %dma_wait3A_364 = tpu.memref_squeeze %dma_wait3A_363 : memref<1x125xi32, #tpu.memory_space<vmem>> -> memref<125xi32, #tpu.memory_space<vmem>>
        %dma_wait3A_365 = arith.constant 0 : i32
        %dma_wait3A_366 = arith.constant 0 : i32
        %dma_wait3A_367 = tpu.memref_slice %arg16[%dma_wait3A_365, %dma_wait3A_366] : memref<10000x128xf32, #tpu.memory_space<vmem_shared>> -> memref<10000x128xf32, #tpu.memory_space<vmem_shared>>
        tpu.wait_indirect_dma semaphore(%run_scoped3A_355 : memref<!tpu.dma_semaphore, #tpu.memory_space<semaphore_mem>>) src(%arg10 : memref<125x128xf32, #tpu.memory_space<vmem>>) dst(%dma_wait3A_367 : memref<10000x128xf32, #tpu.memory_space<vmem_shared>>)
        tpu.yield
      }) : () -> ()
      %add3A_269 = arith.constant 1 : i32
      %add3A_270 = arith.addi %add3A_260, %add3A_269 : i32
      %dma_start3A_271 = arith.constant 0 : i32
      %dma_start3A_272 = tpu.memref_slice %arg7[%add3A_270, %dma_start3A_271] : memref<80x125xi32, #tpu.memory_space<vmem>> -> memref<1x125xi32, #tpu.memory_space<vmem>>
      %dma_start3A_273 = tpu.memref_squeeze %dma_start3A_272 : memref<1x125xi32, #tpu.memory_space<vmem>> -> memref<125xi32, #tpu.memory_space<vmem>>
      %dma_start3A_274 = arith.constant 0 : i32
      %dma_start3A_275 = arith.constant 0 : i32
      %dma_start3A_276 = tpu.memref_slice %arg2[%dma_start3A_274, %dma_start3A_275] : memref<10000x128xf32, #tpu.memory_space<hbm>> -> memref<10000x128xf32, #tpu.memory_space<hbm>>
      tpu.enqueue_indirect_dma source(%dma_start3A_276 : memref<10000x128xf32, #tpu.memory_space<hbm>>) target(%arg9 : memref<125x128xf32, #tpu.memory_space<vmem>>) offsets(%dma_start3A_273 : memref<125xi32, #tpu.memory_space<vmem>>) semaphore(%arg11 : memref<!tpu.dma_semaphore, #tpu.memory_space<semaphore_mem>>)
      %mul3A_277 = arith.constant 16 : i32
      %mul3A_278 = arith.muli %scan3A_32, %mul3A_277 : i32
      %add3A_279 = arith.constant 12 : i32
      %add3A_280 = arith.addi %mul3A_278, %add3A_279 : i32
      %dma_wait3A_281 = arith.constant 0 : i32
      %dma_wait3A_282 = arith.constant 0 : i32
      %dma_wait3A_283 = tpu.memref_slice %arg7[%dma_wait3A_281, %dma_wait3A_282] : memref<80x125xi32, #tpu.memory_space<vmem>> -> memref<1x125xi32, #tpu.memory_space<vmem>>
      %dma_wait3A_284 = tpu.memref_squeeze %dma_wait3A_283 : memref<1x125xi32, #tpu.memory_space<vmem>> -> memref<125xi32, #tpu.memory_space<vmem>>
      %dma_wait3A_285 = arith.constant 0 : i32
      %dma_wait3A_286 = arith.constant 0 : i32
      %dma_wait3A_287 = tpu.memref_slice %arg2[%dma_wait3A_285, %dma_wait3A_286] : memref<10000x128xf32, #tpu.memory_space<hbm>> -> memref<10000x128xf32, #tpu.memory_space<hbm>>
      tpu.wait_indirect_dma semaphore(%arg11 : memref<!tpu.dma_semaphore, #tpu.memory_space<semaphore_mem>>) src(%dma_wait3A_287 : memref<10000x128xf32, #tpu.memory_space<hbm>>) dst(%arg9 : memref<125x128xf32, #tpu.memory_space<vmem>>)
      %run_scoped3A_288 = arith.constant 12 : i32
      "tpu.region"() ({
        %run_scoped3A_355 = tpu.sem_alloc : memref<!tpu.dma_semaphore, #tpu.memory_space<semaphore_mem>>
        %dma_start3A_356 = arith.constant 0 : i32
        %dma_start3A_357 = tpu.memref_slice %arg8[%run_scoped3A_288, %dma_start3A_356] : memref<16x125xi32, #tpu.memory_space<vmem>> -> memref<1x125xi32, #tpu.memory_space<vmem>>
        %dma_start3A_358 = tpu.memref_squeeze %dma_start3A_357 : memref<1x125xi32, #tpu.memory_space<vmem>> -> memref<125xi32, #tpu.memory_space<vmem>>
        %dma_start3A_359 = arith.constant 0 : i32
        %dma_start3A_360 = arith.constant 0 : i32
        %dma_start3A_361 = tpu.memref_slice %arg16[%dma_start3A_359, %dma_start3A_360] : memref<10000x128xf32, #tpu.memory_space<vmem_shared>> -> memref<10000x128xf32, #tpu.memory_space<vmem_shared>>
        tpu.enqueue_indirect_dma source(%arg9 : memref<125x128xf32, #tpu.memory_space<vmem>>) target(%dma_start3A_361 : memref<10000x128xf32, #tpu.memory_space<vmem_shared>>) offsets(%dma_start3A_358 : memref<125xi32, #tpu.memory_space<vmem>>) semaphore(%run_scoped3A_355 : memref<!tpu.dma_semaphore, #tpu.memory_space<semaphore_mem>>) {add = true}
        %dma_wait3A_362 = arith.constant 0 : i32
        %dma_wait3A_363 = tpu.memref_slice %arg8[%run_scoped3A_288, %dma_wait3A_362] : memref<16x125xi32, #tpu.memory_space<vmem>> -> memref<1x125xi32, #tpu.memory_space<vmem>>
        %dma_wait3A_364 = tpu.memref_squeeze %dma_wait3A_363 : memref<1x125xi32, #tpu.memory_space<vmem>> -> memref<125xi32, #tpu.memory_space<vmem>>
        %dma_wait3A_365 = arith.constant 0 : i32
        %dma_wait3A_366 = arith.constant 0 : i32
        %dma_wait3A_367 = tpu.memref_slice %arg16[%dma_wait3A_365, %dma_wait3A_366] : memref<10000x128xf32, #tpu.memory_space<vmem_shared>> -> memref<10000x128xf32, #tpu.memory_space<vmem_shared>>
        tpu.wait_indirect_dma semaphore(%run_scoped3A_355 : memref<!tpu.dma_semaphore, #tpu.memory_space<semaphore_mem>>) src(%arg9 : memref<125x128xf32, #tpu.memory_space<vmem>>) dst(%dma_wait3A_367 : memref<10000x128xf32, #tpu.memory_space<vmem_shared>>)
        tpu.yield
      }) : () -> ()
      %add3A_289 = arith.constant 1 : i32
      %add3A_290 = arith.addi %add3A_280, %add3A_289 : i32
      %dma_start3A_291 = arith.constant 0 : i32
      %dma_start3A_292 = tpu.memref_slice %arg7[%add3A_290, %dma_start3A_291] : memref<80x125xi32, #tpu.memory_space<vmem>> -> memref<1x125xi32, #tpu.memory_space<vmem>>
      %dma_start3A_293 = tpu.memref_squeeze %dma_start3A_292 : memref<1x125xi32, #tpu.memory_space<vmem>> -> memref<125xi32, #tpu.memory_space<vmem>>
      %dma_start3A_294 = arith.constant 0 : i32
      %dma_start3A_295 = arith.constant 0 : i32
      %dma_start3A_296 = tpu.memref_slice %arg2[%dma_start3A_294, %dma_start3A_295] : memref<10000x128xf32, #tpu.memory_space<hbm>> -> memref<10000x128xf32, #tpu.memory_space<hbm>>
      tpu.enqueue_indirect_dma source(%dma_start3A_296 : memref<10000x128xf32, #tpu.memory_space<hbm>>) target(%arg10 : memref<125x128xf32, #tpu.memory_space<vmem>>) offsets(%dma_start3A_293 : memref<125xi32, #tpu.memory_space<vmem>>) semaphore(%arg12 : memref<!tpu.dma_semaphore, #tpu.memory_space<semaphore_mem>>)
      %mul3A_297 = arith.constant 16 : i32
      %mul3A_298 = arith.muli %scan3A_32, %mul3A_297 : i32
      %add3A_299 = arith.constant 13 : i32
      %add3A_300 = arith.addi %mul3A_298, %add3A_299 : i32
      %dma_wait3A_301 = arith.constant 0 : i32
      %dma_wait3A_302 = arith.constant 0 : i32
      %dma_wait3A_303 = tpu.memref_slice %arg7[%dma_wait3A_301, %dma_wait3A_302] : memref<80x125xi32, #tpu.memory_space<vmem>> -> memref<1x125xi32, #tpu.memory_space<vmem>>
      %dma_wait3A_304 = tpu.memref_squeeze %dma_wait3A_303 : memref<1x125xi32, #tpu.memory_space<vmem>> -> memref<125xi32, #tpu.memory_space<vmem>>
      %dma_wait3A_305 = arith.constant 0 : i32
      %dma_wait3A_306 = arith.constant 0 : i32
      %dma_wait3A_307 = tpu.memref_slice %arg2[%dma_wait3A_305, %dma_wait3A_306] : memref<10000x128xf32, #tpu.memory_space<hbm>> -> memref<10000x128xf32, #tpu.memory_space<hbm>>
      tpu.wait_indirect_dma semaphore(%arg12 : memref<!tpu.dma_semaphore, #tpu.memory_space<semaphore_mem>>) src(%dma_wait3A_307 : memref<10000x128xf32, #tpu.memory_space<hbm>>) dst(%arg10 : memref<125x128xf32, #tpu.memory_space<vmem>>)
      %run_scoped3A_308 = arith.constant 13 : i32
      "tpu.region"() ({
        %run_scoped3A_355 = tpu.sem_alloc : memref<!tpu.dma_semaphore, #tpu.memory_space<semaphore_mem>>
        %dma_start3A_356 = arith.constant 0 : i32
        %dma_start3A_357 = tpu.memref_slice %arg8[%run_scoped3A_308, %dma_start3A_356] : memref<16x125xi32, #tpu.memory_space<vmem>> -> memref<1x125xi32, #tpu.memory_space<vmem>>
        %dma_start3A_358 = tpu.memref_squeeze %dma_start3A_357 : memref<1x125xi32, #tpu.memory_space<vmem>> -> memref<125xi32, #tpu.memory_space<vmem>>
        %dma_start3A_359 = arith.constant 0 : i32
        %dma_start3A_360 = arith.constant 0 : i32
        %dma_start3A_361 = tpu.memref_slice %arg16[%dma_start3A_359, %dma_start3A_360] : memref<10000x128xf32, #tpu.memory_space<vmem_shared>> -> memref<10000x128xf32, #tpu.memory_space<vmem_shared>>
        tpu.enqueue_indirect_dma source(%arg10 : memref<125x128xf32, #tpu.memory_space<vmem>>) target(%dma_start3A_361 : memref<10000x128xf32, #tpu.memory_space<vmem_shared>>) offsets(%dma_start3A_358 : memref<125xi32, #tpu.memory_space<vmem>>) semaphore(%run_scoped3A_355 : memref<!tpu.dma_semaphore, #tpu.memory_space<semaphore_mem>>) {add = true}
        %dma_wait3A_362 = arith.constant 0 : i32
        %dma_wait3A_363 = tpu.memref_slice %arg8[%run_scoped3A_308, %dma_wait3A_362] : memref<16x125xi32, #tpu.memory_space<vmem>> -> memref<1x125xi32, #tpu.memory_space<vmem>>
        %dma_wait3A_364 = tpu.memref_squeeze %dma_wait3A_363 : memref<1x125xi32, #tpu.memory_space<vmem>> -> memref<125xi32, #tpu.memory_space<vmem>>
        %dma_wait3A_365 = arith.constant 0 : i32
        %dma_wait3A_366 = arith.constant 0 : i32
        %dma_wait3A_367 = tpu.memref_slice %arg16[%dma_wait3A_365, %dma_wait3A_366] : memref<10000x128xf32, #tpu.memory_space<vmem_shared>> -> memref<10000x128xf32, #tpu.memory_space<vmem_shared>>
        tpu.wait_indirect_dma semaphore(%run_scoped3A_355 : memref<!tpu.dma_semaphore, #tpu.memory_space<semaphore_mem>>) src(%arg10 : memref<125x128xf32, #tpu.memory_space<vmem>>) dst(%dma_wait3A_367 : memref<10000x128xf32, #tpu.memory_space<vmem_shared>>)
        tpu.yield
      }) : () -> ()
      %add3A_309 = arith.constant 1 : i32
      %add3A_310 = arith.addi %add3A_300, %add3A_309 : i32
      %dma_start3A_311 = arith.constant 0 : i32
      %dma_start3A_312 = tpu.memref_slice %arg7[%add3A_310, %dma_start3A_311] : memref<80x125xi32, #tpu.memory_space<vmem>> -> memref<1x125xi32, #tpu.memory_space<vmem>>
      %dma_start3A_313 = tpu.memref_squeeze %dma_start3A_312 : memref<1x125xi32, #tpu.memory_space<vmem>> -> memref<125xi32, #tpu.memory_space<vmem>>
      %dma_start3A_314 = arith.constant 0 : i32
      %dma_start3A_315 = arith.constant 0 : i32
      %dma_start3A_316 = tpu.memref_slice %arg2[%dma_start3A_314, %dma_start3A_315] : memref<10000x128xf32, #tpu.memory_space<hbm>> -> memref<10000x128xf32, #tpu.memory_space<hbm>>
      tpu.enqueue_indirect_dma source(%dma_start3A_316 : memref<10000x128xf32, #tpu.memory_space<hbm>>) target(%arg9 : memref<125x128xf32, #tpu.memory_space<vmem>>) offsets(%dma_start3A_313 : memref<125xi32, #tpu.memory_space<vmem>>) semaphore(%arg11 : memref<!tpu.dma_semaphore, #tpu.memory_space<semaphore_mem>>)
      %mul3A_317 = arith.constant 16 : i32
      %mul3A_318 = arith.muli %scan3A_32, %mul3A_317 : i32
      %add3A_319 = arith.constant 14 : i32
      %add3A_320 = arith.addi %mul3A_318, %add3A_319 : i32
      %dma_wait3A_321 = arith.constant 0 : i32
      %dma_wait3A_322 = arith.constant 0 : i32
      %dma_wait3A_323 = tpu.memref_slice %arg7[%dma_wait3A_321, %dma_wait3A_322] : memref<80x125xi32, #tpu.memory_space<vmem>> -> memref<1x125xi32, #tpu.memory_space<vmem>>
      %dma_wait3A_324 = tpu.memref_squeeze %dma_wait3A_323 : memref<1x125xi32, #tpu.memory_space<vmem>> -> memref<125xi32, #tpu.memory_space<vmem>>
      %dma_wait3A_325 = arith.constant 0 : i32
      %dma_wait3A_326 = arith.constant 0 : i32
      %dma_wait3A_327 = tpu.memref_slice %arg2[%dma_wait3A_325, %dma_wait3A_326] : memref<10000x128xf32, #tpu.memory_space<hbm>> -> memref<10000x128xf32, #tpu.memory_space<hbm>>
      tpu.wait_indirect_dma semaphore(%arg11 : memref<!tpu.dma_semaphore, #tpu.memory_space<semaphore_mem>>) src(%dma_wait3A_327 : memref<10000x128xf32, #tpu.memory_space<hbm>>) dst(%arg9 : memref<125x128xf32, #tpu.memory_space<vmem>>)
      %run_scoped3A_328 = arith.constant 14 : i32
      "tpu.region"() ({
        %run_scoped3A_355 = tpu.sem_alloc : memref<!tpu.dma_semaphore, #tpu.memory_space<semaphore_mem>>
        %dma_start3A_356 = arith.constant 0 : i32
        %dma_start3A_357 = tpu.memref_slice %arg8[%run_scoped3A_328, %dma_start3A_356] : memref<16x125xi32, #tpu.memory_space<vmem>> -> memref<1x125xi32, #tpu.memory_space<vmem>>
        %dma_start3A_358 = tpu.memref_squeeze %dma_start3A_357 : memref<1x125xi32, #tpu.memory_space<vmem>> -> memref<125xi32, #tpu.memory_space<vmem>>
        %dma_start3A_359 = arith.constant 0 : i32
        %dma_start3A_360 = arith.constant 0 : i32
        %dma_start3A_361 = tpu.memref_slice %arg16[%dma_start3A_359, %dma_start3A_360] : memref<10000x128xf32, #tpu.memory_space<vmem_shared>> -> memref<10000x128xf32, #tpu.memory_space<vmem_shared>>
        tpu.enqueue_indirect_dma source(%arg9 : memref<125x128xf32, #tpu.memory_space<vmem>>) target(%dma_start3A_361 : memref<10000x128xf32, #tpu.memory_space<vmem_shared>>) offsets(%dma_start3A_358 : memref<125xi32, #tpu.memory_space<vmem>>) semaphore(%run_scoped3A_355 : memref<!tpu.dma_semaphore, #tpu.memory_space<semaphore_mem>>) {add = true}
        %dma_wait3A_362 = arith.constant 0 : i32
        %dma_wait3A_363 = tpu.memref_slice %arg8[%run_scoped3A_328, %dma_wait3A_362] : memref<16x125xi32, #tpu.memory_space<vmem>> -> memref<1x125xi32, #tpu.memory_space<vmem>>
        %dma_wait3A_364 = tpu.memref_squeeze %dma_wait3A_363 : memref<1x125xi32, #tpu.memory_space<vmem>> -> memref<125xi32, #tpu.memory_space<vmem>>
        %dma_wait3A_365 = arith.constant 0 : i32
        %dma_wait3A_366 = arith.constant 0 : i32
        %dma_wait3A_367 = tpu.memref_slice %arg16[%dma_wait3A_365, %dma_wait3A_366] : memref<10000x128xf32, #tpu.memory_space<vmem_shared>> -> memref<10000x128xf32, #tpu.memory_space<vmem_shared>>
        tpu.wait_indirect_dma semaphore(%run_scoped3A_355 : memref<!tpu.dma_semaphore, #tpu.memory_space<semaphore_mem>>) src(%arg9 : memref<125x128xf32, #tpu.memory_space<vmem>>) dst(%dma_wait3A_367 : memref<10000x128xf32, #tpu.memory_space<vmem_shared>>)
        tpu.yield
      }) : () -> ()
      %add3A_329 = arith.constant 1 : i32
      %add3A_330 = arith.addi %add3A_320, %add3A_329 : i32
      %dma_start3A_331 = arith.constant 0 : i32
      %dma_start3A_332 = tpu.memref_slice %arg7[%add3A_330, %dma_start3A_331] : memref<80x125xi32, #tpu.memory_space<vmem>> -> memref<1x125xi32, #tpu.memory_space<vmem>>
      %dma_start3A_333 = tpu.memref_squeeze %dma_start3A_332 : memref<1x125xi32, #tpu.memory_space<vmem>> -> memref<125xi32, #tpu.memory_space<vmem>>
      %dma_start3A_334 = arith.constant 0 : i32
      %dma_start3A_335 = arith.constant 0 : i32
      %dma_start3A_336 = tpu.memref_slice %arg2[%dma_start3A_334, %dma_start3A_335] : memref<10000x128xf32, #tpu.memory_space<hbm>> -> memref<10000x128xf32, #tpu.memory_space<hbm>>
      tpu.enqueue_indirect_dma source(%dma_start3A_336 : memref<10000x128xf32, #tpu.memory_space<hbm>>) target(%arg10 : memref<125x128xf32, #tpu.memory_space<vmem>>) offsets(%dma_start3A_333 : memref<125xi32, #tpu.memory_space<vmem>>) semaphore(%arg12 : memref<!tpu.dma_semaphore, #tpu.memory_space<semaphore_mem>>)
      %mul3A_337 = arith.constant 16 : i32
      %mul3A_338 = arith.muli %scan3A_32, %mul3A_337 : i32
      %add3A_339 = arith.constant 15 : i32
      %add3A_340 = arith.addi %mul3A_338, %add3A_339 : i32
      %dma_wait3A_341 = arith.constant 0 : i32
      %dma_wait3A_342 = arith.constant 0 : i32
      %dma_wait3A_343 = tpu.memref_slice %arg7[%dma_wait3A_341, %dma_wait3A_342] : memref<80x125xi32, #tpu.memory_space<vmem>> -> memref<1x125xi32, #tpu.memory_space<vmem>>
      %dma_wait3A_344 = tpu.memref_squeeze %dma_wait3A_343 : memref<1x125xi32, #tpu.memory_space<vmem>> -> memref<125xi32, #tpu.memory_space<vmem>>
      %dma_wait3A_345 = arith.constant 0 : i32
      %dma_wait3A_346 = arith.constant 0 : i32
      %dma_wait3A_347 = tpu.memref_slice %arg2[%dma_wait3A_345, %dma_wait3A_346] : memref<10000x128xf32, #tpu.memory_space<hbm>> -> memref<10000x128xf32, #tpu.memory_space<hbm>>
      tpu.wait_indirect_dma semaphore(%arg12 : memref<!tpu.dma_semaphore, #tpu.memory_space<semaphore_mem>>) src(%dma_wait3A_347 : memref<10000x128xf32, #tpu.memory_space<hbm>>) dst(%arg10 : memref<125x128xf32, #tpu.memory_space<vmem>>)
      %run_scoped3A_348 = arith.constant 15 : i32
      "tpu.region"() ({
        %run_scoped3A_355 = tpu.sem_alloc : memref<!tpu.dma_semaphore, #tpu.memory_space<semaphore_mem>>
        %dma_start3A_356 = arith.constant 0 : i32
        %dma_start3A_357 = tpu.memref_slice %arg8[%run_scoped3A_348, %dma_start3A_356] : memref<16x125xi32, #tpu.memory_space<vmem>> -> memref<1x125xi32, #tpu.memory_space<vmem>>
        %dma_start3A_358 = tpu.memref_squeeze %dma_start3A_357 : memref<1x125xi32, #tpu.memory_space<vmem>> -> memref<125xi32, #tpu.memory_space<vmem>>
        %dma_start3A_359 = arith.constant 0 : i32
        %dma_start3A_360 = arith.constant 0 : i32
        %dma_start3A_361 = tpu.memref_slice %arg16[%dma_start3A_359, %dma_start3A_360] : memref<10000x128xf32, #tpu.memory_space<vmem_shared>> -> memref<10000x128xf32, #tpu.memory_space<vmem_shared>>
        tpu.enqueue_indirect_dma source(%arg10 : memref<125x128xf32, #tpu.memory_space<vmem>>) target(%dma_start3A_361 : memref<10000x128xf32, #tpu.memory_space<vmem_shared>>) offsets(%dma_start3A_358 : memref<125xi32, #tpu.memory_space<vmem>>) semaphore(%run_scoped3A_355 : memref<!tpu.dma_semaphore, #tpu.memory_space<semaphore_mem>>) {add = true}
        %dma_wait3A_362 = arith.constant 0 : i32
        %dma_wait3A_363 = tpu.memref_slice %arg8[%run_scoped3A_348, %dma_wait3A_362] : memref<16x125xi32, #tpu.memory_space<vmem>> -> memref<1x125xi32, #tpu.memory_space<vmem>>
        %dma_wait3A_364 = tpu.memref_squeeze %dma_wait3A_363 : memref<1x125xi32, #tpu.memory_space<vmem>> -> memref<125xi32, #tpu.memory_space<vmem>>
        %dma_wait3A_365 = arith.constant 0 : i32
        %dma_wait3A_366 = arith.constant 0 : i32
        %dma_wait3A_367 = tpu.memref_slice %arg16[%dma_wait3A_365, %dma_wait3A_366] : memref<10000x128xf32, #tpu.memory_space<vmem_shared>> -> memref<10000x128xf32, #tpu.memory_space<vmem_shared>>
        tpu.wait_indirect_dma semaphore(%run_scoped3A_355 : memref<!tpu.dma_semaphore, #tpu.memory_space<semaphore_mem>>) src(%arg10 : memref<125x128xf32, #tpu.memory_space<vmem>>) dst(%dma_wait3A_367 : memref<10000x128xf32, #tpu.memory_space<vmem_shared>>)
        tpu.yield
      }) : () -> ()
      %lt3A_349 = arith.constant 4 : i32
      %lt3A_350 = arith.cmpi slt, %scan3A_32, %lt3A_349 : i32
      %convert_element_type3A_351 = arith.extui %lt3A_350 : i1 to i32
      %cond3A_352 = arith.constant 0 : i32
      %cond3A_353 = arith.cmpi ne, %convert_element_type3A_351, %cond3A_352 : i32
      scf.if %cond3A_353 {
        %add3A_355 = arith.constant 1 : i32
        %add3A_356 = arith.addi %add3A_340, %add3A_355 : i32
        %dma_start3A_357 = arith.constant 0 : i32
        %dma_start3A_358 = tpu.memref_slice %arg7[%add3A_356, %dma_start3A_357] : memref<80x125xi32, #tpu.memory_space<vmem>> -> memref<1x125xi32, #tpu.memory_space<vmem>>
        %dma_start3A_359 = tpu.memref_squeeze %dma_start3A_358 : memref<1x125xi32, #tpu.memory_space<vmem>> -> memref<125xi32, #tpu.memory_space<vmem>>
        %dma_start3A_360 = arith.constant 0 : i32
        %dma_start3A_361 = arith.constant 0 : i32
        %dma_start3A_362 = tpu.memref_slice %arg2[%dma_start3A_360, %dma_start3A_361] : memref<10000x128xf32, #tpu.memory_space<hbm>> -> memref<10000x128xf32, #tpu.memory_space<hbm>>
        tpu.enqueue_indirect_dma source(%dma_start3A_362 : memref<10000x128xf32, #tpu.memory_space<hbm>>) target(%arg9 : memref<125x128xf32, #tpu.memory_space<vmem>>) offsets(%dma_start3A_359 : memref<125xi32, #tpu.memory_space<vmem>>) semaphore(%arg11 : memref<!tpu.dma_semaphore, #tpu.memory_space<semaphore_mem>>)
      } else {
      }
      %scan3A_354 = arith.constant 0 : i32
      scf.yield %scan3A_354 : i32
    }
    %scan3A_20 = arith.constant 5 : i32
    %barrier3A_21 = arith.constant 0 : index
    tpu.barrier barrier_id(%barrier3A_21)
    %lt3A_22 = arith.constant 15 : i32
    %lt3A_23 = arith.cmpi slt, %arg1, %lt3A_22 : i32
    %convert_element_type3A_24 = arith.extui %lt3A_23 : i1 to i32
    %cond3A_25 = arith.constant 0 : i32
    %cond3A_26 = arith.cmpi ne, %convert_element_type3A_24, %cond3A_25 : i32
    scf.if %cond3A_26 {
      %mul3A_32 = arith.constant 632 : i32
      %mul3A_33 = arith.muli %arg1, %mul3A_32 : i32
      %mul3A_34 = arith.constant 632 : i32
      %mul3A_35 = arith.muli %arg1, %mul3A_34 : i32
      "tpu.region"() ({
        %run_scoped3A = tpu.sem_alloc : memref<!tpu.dma_semaphore, #tpu.memory_space<semaphore_mem>>
        %dma_start3A_36 = arith.constant 0 : i32
        %dma_start3A_37 = tpu.memref_slice %arg6[%arg0, %mul3A_35, %dma_start3A_36] : memref<2x10000x128xf32, #tpu.memory_space<hbm>> -> memref<1x632x128xf32, #tpu.memory_space<hbm>>
        %dma_start3A_38 = tpu.memref_squeeze %dma_start3A_37 : memref<1x632x128xf32, #tpu.memory_space<hbm>> -> memref<632x128xf32, #tpu.memory_space<hbm>>
        %dma_start3A_39 = arith.constant 0 : i32
        %dma_start3A_40 = tpu.memref_slice %arg16[%mul3A_33, %dma_start3A_39] : memref<10000x128xf32, #tpu.memory_space<vmem_shared>> -> memref<632x128xf32, #tpu.memory_space<vmem_shared>>
        tpu.enqueue_dma source(%dma_start3A_40 : memref<632x128xf32, #tpu.memory_space<vmem_shared>>) target(%dma_start3A_38 : memref<632x128xf32, #tpu.memory_space<hbm>>) target_semaphore(%run_scoped3A : memref<!tpu.dma_semaphore, #tpu.memory_space<semaphore_mem>>)
        %dma_wait3A = arith.constant 0 : i32
        %dma_wait3A_41 = tpu.memref_slice %arg6[%arg0, %mul3A_35, %dma_wait3A] : memref<2x10000x128xf32, #tpu.memory_space<hbm>> -> memref<1x632x128xf32, #tpu.memory_space<hbm>>
        %dma_wait3A_42 = tpu.memref_squeeze %dma_wait3A_41 : memref<1x632x128xf32, #tpu.memory_space<hbm>> -> memref<632x128xf32, #tpu.memory_space<hbm>>
        %dma_wait3A_43 = arith.constant 0 : i32
        %dma_wait3A_44 = tpu.memref_slice %arg16[%mul3A_33, %dma_wait3A_43] : memref<10000x128xf32, #tpu.memory_space<vmem_shared>> -> memref<632x128xf32, #tpu.memory_space<vmem_shared>>
        tpu.wait_dma2 semaphore(%run_scoped3A : memref<!tpu.dma_semaphore, #tpu.memory_space<semaphore_mem>>) src(%dma_wait3A_44 : memref<632x128xf32, #tpu.memory_space<vmem_shared>>) dst(%dma_wait3A_42 : memref<632x128xf32, #tpu.memory_space<hbm>>)
        tpu.yield
      }) : () -> ()
    } else {
    }
    %eq3A_27 = arith.constant 15 : i32
    %eq3A_28 = arith.cmpi eq, %arg1, %eq3A_27 : i32
    %convert_element_type3A_29 = arith.extui %eq3A_28 : i1 to i32
    %cond3A_30 = arith.constant 0 : i32
    %cond3A_31 = arith.cmpi ne, %convert_element_type3A_29, %cond3A_30 : i32
    scf.if %cond3A_31 {
      "tpu.region"() ({
        %run_scoped3A = tpu.sem_alloc : memref<!tpu.dma_semaphore, #tpu.memory_space<semaphore_mem>>
        %dma_start3A_32 = arith.constant 9480 : i32
        %dma_start3A_33 = arith.constant 0 : i32
        %dma_start3A_34 = tpu.memref_slice %arg6[%arg0, %dma_start3A_32, %dma_start3A_33] : memref<2x10000x128xf32, #tpu.memory_space<hbm>> -> memref<1x520x128xf32, #tpu.memory_space<hbm>>
        %dma_start3A_35 = tpu.memref_squeeze %dma_start3A_34 : memref<1x520x128xf32, #tpu.memory_space<hbm>> -> memref<520x128xf32, #tpu.memory_space<hbm>>
        %dma_start3A_36 = arith.constant 9480 : i32
        %dma_start3A_37 = arith.constant 0 : i32
        %dma_start3A_38 = tpu.memref_slice %arg16[%dma_start3A_36, %dma_start3A_37] : memref<10000x128xf32, #tpu.memory_space<vmem_shared>> -> memref<520x128xf32, #tpu.memory_space<vmem_shared>>
        tpu.enqueue_dma source(%dma_start3A_38 : memref<520x128xf32, #tpu.memory_space<vmem_shared>>) target(%dma_start3A_35 : memref<520x128xf32, #tpu.memory_space<hbm>>) target_semaphore(%run_scoped3A : memref<!tpu.dma_semaphore, #tpu.memory_space<semaphore_mem>>)
        %dma_wait3A = arith.constant 9480 : i32
        %dma_wait3A_39 = arith.constant 0 : i32
        %dma_wait3A_40 = tpu.memref_slice %arg6[%arg0, %dma_wait3A, %dma_wait3A_39] : memref<2x10000x128xf32, #tpu.memory_space<hbm>> -> memref<1x520x128xf32, #tpu.memory_space<hbm>>
        %dma_wait3A_41 = tpu.memref_squeeze %dma_wait3A_40 : memref<1x520x128xf32, #tpu.memory_space<hbm>> -> memref<520x128xf32, #tpu.memory_space<hbm>>
        %dma_wait3A_42 = arith.constant 9480 : i32
        %dma_wait3A_43 = arith.constant 0 : i32
        %dma_wait3A_44 = tpu.memref_slice %arg16[%dma_wait3A_42, %dma_wait3A_43] : memref<10000x128xf32, #tpu.memory_space<vmem_shared>> -> memref<520x128xf32, #tpu.memory_space<vmem_shared>>
        tpu.wait_dma2 semaphore(%run_scoped3A : memref<!tpu.dma_semaphore, #tpu.memory_space<semaphore_mem>>) src(%dma_wait3A_44 : memref<520x128xf32, #tpu.memory_space<vmem_shared>>) dst(%dma_wait3A_41 : memref<520x128xf32, #tpu.memory_space<hbm>>)
        tpu.yield
      }) : () -> ()
    } else {
    }
    return
  }
}

#map = affine_map<(d0, d1) -> (0, 0)>
#map1 = affine_map<(d0, d1) -> (0, 0, 0)>
module attributes {stable_mosaic.version = 14 : i64} {
  func.func @_scatter_kernel(%arg0: i32, %arg1: i32, %arg2: memref<10000x128xf32, #tpu.memory_space<hbm>>, %arg3: memref<2560x125xi32, #tpu.memory_space<hbm>>, %arg4: memref<2560x125xi32, #tpu.memory_space<hbm>>, %arg5: memref<632x128xf32, #tpu.memory_space<hbm>>, %arg6: memref<2x10000x128xf32, #tpu.memory_space<hbm>>, %arg7: memref<80x125xi32, #tpu.memory_space<vmem>>, %arg8: memref<16x125xi32, #tpu.memory_space<vmem>>, %arg9: memref<125x128xf32, #tpu.memory_space<vmem>>, %arg10: memref<125x128xf32, #tpu.memory_space<vmem>>, %arg11: memref<!tpu.dma_semaphore, #tpu.memory_space<semaphore_mem>>, %arg12: memref<!tpu.dma_semaphore, #tpu.memory_space<semaphore_mem>>, %arg13: memref<!tpu.dma_semaphore, #tpu.memory_space<semaphore_mem>>, %arg14: memref<!tpu.dma_semaphore, #tpu.memory_space<semaphore_mem>>, %arg15: memref<!tpu.dma_semaphore, #tpu.memory_space<semaphore_mem>>, %arg16: memref<10000x128xf32, #tpu.memory_space<vmem_shared>>) attributes {dimension_semantics = [#tpu.dimension_semantics<core_parallel>, #tpu.dimension_semantics<subcore_parallel>], iteration_bounds = array<i64: 2, 16>, scalar_prefetch = 0 : i64, scratch_operands = 10 : i64, tpu.core_type = #tpu.core_type<sc_vector_subcore>, window_params = [{transform_indices = #map}, {transform_indices = #map}, {transform_indices = #map}, {transform_indices = #map}, {transform_indices = #map1}]} {
    %mul3A = arith.constant 16 : i32
    %mul3A_0 = arith.muli %arg0, %mul3A : i32
    %add3A = arith.addi %mul3A_0, %arg1 : i32
    %lt3A = arith.constant 15 : i32
    %lt3A_1 = arith.cmpi slt, %arg1, %lt3A : i32
    %convert_element_type3A = arith.extui %lt3A_1 : i1 to i32
    %cond3A = arith.constant 0 : i32
    %cond3A_2 = arith.cmpi ne, %convert_element_type3A, %cond3A : i32
    scf.if %cond3A_2 {
      %mul3A_32 = arith.constant 632 : i32
      %mul3A_33 = arith.muli %arg1, %mul3A_32 : i32
      "tpu.region"() ({
        %run_scoped3A = tpu.sem_alloc : memref<!tpu.dma_semaphore, #tpu.memory_space<semaphore_mem>>
        %dma_start3A_34 = arith.constant 0 : i32
        %dma_start3A_35 = tpu.memref_slice %arg16[%mul3A_33, %dma_start3A_34] : memref<10000x128xf32, #tpu.memory_space<vmem_shared>> -> memref<632x128xf32, #tpu.memory_space<vmem_shared>>
        tpu.enqueue_dma source(%arg5 : memref<632x128xf32, #tpu.memory_space<hbm>>) target(%dma_start3A_35 : memref<632x128xf32, #tpu.memory_space<vmem_shared>>) target_semaphore(%run_scoped3A : memref<!tpu.dma_semaphore, #tpu.memory_space<semaphore_mem>>)
        %dma_wait3A = arith.constant 0 : i32
        %dma_wait3A_36 = tpu.memref_slice %arg16[%mul3A_33, %dma_wait3A] : memref<10000x128xf32, #tpu.memory_space<vmem_shared>> -> memref<632x128xf32, #tpu.memory_space<vmem_shared>>
        tpu.wait_dma2 semaphore(%run_scoped3A : memref<!tpu.dma_semaphore, #tpu.memory_space<semaphore_mem>>) src(%arg5 : memref<632x128xf32, #tpu.memory_space<hbm>>) dst(%dma_wait3A_36 : memref<632x128xf32, #tpu.memory_space<vmem_shared>>)
        tpu.yield
      }) : () -> ()
    } else {
    }
    %eq3A = arith.constant 15 : i32
    %eq3A_3 = arith.cmpi eq, %arg1, %eq3A : i32
    %convert_element_type3A_4 = arith.extui %eq3A_3 : i1 to i32
    %cond3A_5 = arith.constant 0 : i32
    %cond3A_6 = arith.cmpi ne, %convert_element_type3A_4, %cond3A_5 : i32
    scf.if %cond3A_6 {
      "tpu.region"() ({
        %run_scoped3A = tpu.sem_alloc : memref<!tpu.dma_semaphore, #tpu.memory_space<semaphore_mem>>
        %dma_start3A_32 = arith.constant 9480 : i32
        %dma_start3A_33 = arith.constant 0 : i32
        %dma_start3A_34 = tpu.memref_slice %arg16[%dma_start3A_32, %dma_start3A_33] : memref<10000x128xf32, #tpu.memory_space<vmem_shared>> -> memref<520x128xf32, #tpu.memory_space<vmem_shared>>
        %dma_start3A_35 = arith.constant 0 : i32
        %dma_start3A_36 = arith.constant 0 : i32
        %dma_start3A_37 = tpu.memref_slice %arg5[%dma_start3A_35, %dma_start3A_36] : memref<632x128xf32, #tpu.memory_space<hbm>> -> memref<520x128xf32, #tpu.memory_space<hbm>>
        tpu.enqueue_dma source(%dma_start3A_37 : memref<520x128xf32, #tpu.memory_space<hbm>>) target(%dma_start3A_34 : memref<520x128xf32, #tpu.memory_space<vmem_shared>>) target_semaphore(%run_scoped3A : memref<!tpu.dma_semaphore, #tpu.memory_space<semaphore_mem>>)
        %dma_wait3A = arith.constant 9480 : i32
        %dma_wait3A_38 = arith.constant 0 : i32
        %dma_wait3A_39 = tpu.memref_slice %arg16[%dma_wait3A, %dma_wait3A_38] : memref<10000x128xf32, #tpu.memory_space<vmem_shared>> -> memref<520x128xf32, #tpu.memory_space<vmem_shared>>
        %dma_wait3A_40 = arith.constant 0 : i32
        %dma_wait3A_41 = arith.constant 0 : i32
        %dma_wait3A_42 = tpu.memref_slice %arg5[%dma_wait3A_40, %dma_wait3A_41] : memref<632x128xf32, #tpu.memory_space<hbm>> -> memref<520x128xf32, #tpu.memory_space<hbm>>
        tpu.wait_dma2 semaphore(%run_scoped3A : memref<!tpu.dma_semaphore, #tpu.memory_space<semaphore_mem>>) src(%dma_wait3A_42 : memref<520x128xf32, #tpu.memory_space<hbm>>) dst(%dma_wait3A_39 : memref<520x128xf32, #tpu.memory_space<vmem_shared>>)
        tpu.yield
      }) : () -> ()
    } else {
    }
    %barrier3A = arith.constant 0 : index
    tpu.barrier barrier_id(%barrier3A)
    %mul3A_7 = arith.constant 80 : i32
    %mul3A_8 = arith.muli %add3A, %mul3A_7 : i32
    "tpu.region"() ({
      %run_scoped3A = tpu.sem_alloc : memref<!tpu.dma_semaphore, #tpu.memory_space<semaphore_mem>>
      %dma_start3A_32 = arith.constant 0 : i32
      %dma_start3A_33 = tpu.memref_slice %arg3[%mul3A_8, %dma_start3A_32] : memref<2560x125xi32, #tpu.memory_space<hbm>> -> memref<80x125xi32, #tpu.memory_space<hbm>>
      %dma_start3A_34 = arith.constant 0 : i32
      %dma_start3A_35 = tpu.memref_slice %arg3[%mul3A_8, %dma_start3A_34] : memref<2560x125xi32, #tpu.memory_space<hbm>> -> memref<80x125xi32, #tpu.memory_space<hbm>>
      tpu.enqueue_dma source(%dma_start3A_35 : memref<80x125xi32, #tpu.memory_space<hbm>>) target(%arg7 : memref<80x125xi32, #tpu.memory_space<vmem>>) target_semaphore(%run_scoped3A : memref<!tpu.dma_semaphore, #tpu.memory_space<semaphore_mem>>)
      %dma_wait3A = arith.constant 0 : i32
      %dma_wait3A_36 = tpu.memref_slice %arg3[%mul3A_8, %dma_wait3A] : memref<2560x125xi32, #tpu.memory_space<hbm>> -> memref<80x125xi32, #tpu.memory_space<hbm>>
      %dma_wait3A_37 = arith.constant 0 : i32
      %dma_wait3A_38 = tpu.memref_slice %arg3[%mul3A_8, %dma_wait3A_37] : memref<2560x125xi32, #tpu.memory_space<hbm>> -> memref<80x125xi32, #tpu.memory_space<hbm>>
      tpu.wait_dma2 semaphore(%run_scoped3A : memref<!tpu.dma_semaphore, #tpu.memory_space<semaphore_mem>>) src(%dma_wait3A_38 : memref<80x125xi32, #tpu.memory_space<hbm>>) dst(%arg7 : memref<80x125xi32, #tpu.memory_space<vmem>>)
      tpu.yield
    }) : () -> ()
    %dma_start3A = arith.constant 0 : i32
    %dma_start3A_9 = arith.constant 0 : i32
    %dma_start3A_10 = tpu.memref_slice %arg7[%dma_start3A, %dma_start3A_9] : memref<80x125xi32, #tpu.memory_space<vmem>> -> memref<1x125xi32, #tpu.memory_space<vmem>>
    %dma_start3A_11 = tpu.memref_squeeze %dma_start3A_10 : memref<1x125xi32, #tpu.memory_space<vmem>> -> memref<125xi32, #tpu.memory_space<vmem>>
    %dma_start3A_12 = arith.constant 0 : i32
    %dma_start3A_13 = arith.constant 0 : i32
    %dma_start3A_14 = tpu.memref_slice %arg2[%dma_start3A_12, %dma_start3A_13] : memref<10000x128xf32, #tpu.memory_space<hbm>> -> memref<10000x128xf32, #tpu.memory_space<hbm>>
    tpu.enqueue_indirect_dma source(%dma_start3A_14 : memref<10000x128xf32, #tpu.memory_space<hbm>>) target(%arg9 : memref<125x128xf32, #tpu.memory_space<vmem>>) offsets(%dma_start3A_11 : memref<125xi32, #tpu.memory_space<vmem>>) semaphore(%arg11 : memref<!tpu.dma_semaphore, #tpu.memory_space<semaphore_mem>>)
    %scan3A = arith.constant 0 : i32
    %scan3A_15 = arith.constant 0 : i32
    %scan3A_16 = arith.constant 5 : i32
    %scan3A_17 = arith.addi %scan3A_15, %scan3A_16 : i32
    %scan3A_18 = arith.constant 1 : i32
    %scan3A_19 = scf.for %scan3A_32 = %scan3A_15 to %scan3A_17 step %scan3A_18 iter_args(%scan3A_33 = %scan3A) -> (i32)  : i32 {
      %mul3A_34 = arith.constant 80 : i32
      %mul3A_35 = arith.muli %add3A, %mul3A_34 : i32
      %mul3A_36 = arith.constant 16 : i32
      %mul3A_37 = arith.muli %scan3A_32, %mul3A_36 : i32
      %add3A_38 = arith.addi %mul3A_35, %mul3A_37 : i32
      "tpu.region"() ({
        %run_scoped3A_355 = tpu.sem_alloc : memref<!tpu.dma_semaphore, #tpu.memory_space<semaphore_mem>>
        %dma_start3A_356 = arith.constant 0 : i32
        %dma_start3A_357 = tpu.memref_slice %arg4[%add3A_38, %dma_start3A_356] : memref<2560x125xi32, #tpu.memory_space<hbm>> -> memref<16x125xi32, #tpu.memory_space<hbm>>
        %dma_start3A_358 = arith.constant 0 : i32
        %dma_start3A_359 = tpu.memref_slice %arg4[%add3A_38, %dma_start3A_358] : memref<2560x125xi32, #tpu.memory_space<hbm>> -> memref<16x125xi32, #tpu.memory_space<hbm>>
        tpu.enqueue_dma source(%dma_start3A_359 : memref<16x125xi32, #tpu.memory_space<hbm>>) target(%arg8 : memref<16x125xi32, #tpu.memory_space<vmem>>) target_semaphore(%run_scoped3A_355 : memref<!tpu.dma_semaphore, #tpu.memory_space<semaphore_mem>>)
        %dma_wait3A_360 = arith.constant 0 : i32
        %dma_wait3A_361 = tpu.memref_slice %arg4[%add3A_38, %dma_wait3A_360] : memref<2560x125xi32, #tpu.memory_space<hbm>> -> memref<16x125xi32, #tpu.memory_space<hbm>>
        %dma_wait3A_362 = arith.constant 0 : i32
        %dma_wait3A_363 = tpu.memref_slice %arg4[%add3A_38, %dma_wait3A_362] : memref<2560x125xi32, #tpu.memory_space<hbm>> -> memref<16x125xi32, #tpu.memory_space<hbm>>
        tpu.wait_dma2 semaphore(%run_scoped3A_355 : memref<!tpu.dma_semaphore, #tpu.memory_space<semaphore_mem>>) src(%dma_wait3A_363 : memref<16x125xi32, #tpu.memory_space<hbm>>) dst(%arg8 : memref<16x125xi32, #tpu.memory_space<vmem>>)
        tpu.yield
      }) : () -> ()
      %mul3A_39 = arith.constant 16 : i32
      %mul3A_40 = arith.muli %scan3A_32, %mul3A_39 : i32
      %add3A_41 = arith.constant 0 : i32
      %add3A_42 = arith.addi %mul3A_40, %add3A_41 : i32
      %dma_wait3A = arith.constant 0 : i32
      %dma_wait3A_43 = arith.constant 0 : i32
      %dma_wait3A_44 = tpu.memref_slice %arg7[%dma_wait3A, %dma_wait3A_43] : memref<80x125xi32, #tpu.memory_space<vmem>> -> memref<1x125xi32, #tpu.memory_space<vmem>>
      %dma_wait3A_45 = tpu.memref_squeeze %dma_wait3A_44 : memref<1x125xi32, #tpu.memory_space<vmem>> -> memref<125xi32, #tpu.memory_space<vmem>>
      %dma_wait3A_46 = arith.constant 0 : i32
      %dma_wait3A_47 = arith.constant 0 : i32
      %dma_wait3A_48 = tpu.memref_slice %arg2[%dma_wait3A_46, %dma_wait3A_47] : memref<10000x128xf32, #tpu.memory_space<hbm>> -> memref<10000x128xf32, #tpu.memory_space<hbm>>
      tpu.wait_indirect_dma semaphore(%arg11 : memref<!tpu.dma_semaphore, #tpu.memory_space<semaphore_mem>>) src(%dma_wait3A_48 : memref<10000x128xf32, #tpu.memory_space<hbm>>) dst(%arg9 : memref<125x128xf32, #tpu.memory_space<vmem>>)
      %run_scoped3A = arith.constant 0 : i32
      "tpu.region"() ({
        %run_scoped3A_355 = tpu.sem_alloc : memref<!tpu.dma_semaphore, #tpu.memory_space<semaphore_mem>>
        %dma_start3A_356 = arith.constant 0 : i32
        %dma_start3A_357 = tpu.memref_slice %arg8[%run_scoped3A, %dma_start3A_356] : memref<16x125xi32, #tpu.memory_space<vmem>> -> memref<1x125xi32, #tpu.memory_space<vmem>>
        %dma_start3A_358 = tpu.memref_squeeze %dma_start3A_357 : memref<1x125xi32, #tpu.memory_space<vmem>> -> memref<125xi32, #tpu.memory_space<vmem>>
        %dma_start3A_359 = arith.constant 0 : i32
        %dma_start3A_360 = arith.constant 0 : i32
        %dma_start3A_361 = tpu.memref_slice %arg16[%dma_start3A_359, %dma_start3A_360] : memref<10000x128xf32, #tpu.memory_space<vmem_shared>> -> memref<10000x128xf32, #tpu.memory_space<vmem_shared>>
        tpu.enqueue_indirect_dma source(%arg9 : memref<125x128xf32, #tpu.memory_space<vmem>>) target(%dma_start3A_361 : memref<10000x128xf32, #tpu.memory_space<vmem_shared>>) offsets(%dma_start3A_358 : memref<125xi32, #tpu.memory_space<vmem>>) semaphore(%run_scoped3A_355 : memref<!tpu.dma_semaphore, #tpu.memory_space<semaphore_mem>>) {add = true}
        %dma_wait3A_362 = arith.constant 0 : i32
        %dma_wait3A_363 = tpu.memref_slice %arg8[%run_scoped3A, %dma_wait3A_362] : memref<16x125xi32, #tpu.memory_space<vmem>> -> memref<1x125xi32, #tpu.memory_space<vmem>>
        %dma_wait3A_364 = tpu.memref_squeeze %dma_wait3A_363 : memref<1x125xi32, #tpu.memory_space<vmem>> -> memref<125xi32, #tpu.memory_space<vmem>>
        %dma_wait3A_365 = arith.constant 0 : i32
        %dma_wait3A_366 = arith.constant 0 : i32
        %dma_wait3A_367 = tpu.memref_slice %arg16[%dma_wait3A_365, %dma_wait3A_366] : memref<10000x128xf32, #tpu.memory_space<vmem_shared>> -> memref<10000x128xf32, #tpu.memory_space<vmem_shared>>
        tpu.wait_indirect_dma semaphore(%run_scoped3A_355 : memref<!tpu.dma_semaphore, #tpu.memory_space<semaphore_mem>>) src(%arg9 : memref<125x128xf32, #tpu.memory_space<vmem>>) dst(%dma_wait3A_367 : memref<10000x128xf32, #tpu.memory_space<vmem_shared>>)
        tpu.yield
      }) : () -> ()
      %add3A_49 = arith.constant 1 : i32
      %add3A_50 = arith.addi %add3A_42, %add3A_49 : i32
      %dma_start3A_51 = arith.constant 0 : i32
      %dma_start3A_52 = tpu.memref_slice %arg7[%add3A_50, %dma_start3A_51] : memref<80x125xi32, #tpu.memory_space<vmem>> -> memref<1x125xi32, #tpu.memory_space<vmem>>
      %dma_start3A_53 = tpu.memref_squeeze %dma_start3A_52 : memref<1x125xi32, #tpu.memory_space<vmem>> -> memref<125xi32, #tpu.memory_space<vmem>>
      %dma_start3A_54 = arith.constant 0 : i32
      %dma_start3A_55 = arith.constant 0 : i32
      %dma_start3A_56 = tpu.memref_slice %arg2[%dma_start3A_54, %dma_start3A_55] : memref<10000x128xf32, #tpu.memory_space<hbm>> -> memref<10000x128xf32, #tpu.memory_space<hbm>>
      tpu.enqueue_indirect_dma source(%dma_start3A_56 : memref<10000x128xf32, #tpu.memory_space<hbm>>) target(%arg10 : memref<125x128xf32, #tpu.memory_space<vmem>>) offsets(%dma_start3A_53 : memref<125xi32, #tpu.memory_space<vmem>>) semaphore(%arg12 : memref<!tpu.dma_semaphore, #tpu.memory_space<semaphore_mem>>)
      %mul3A_57 = arith.constant 16 : i32
      %mul3A_58 = arith.muli %scan3A_32, %mul3A_57 : i32
      %add3A_59 = arith.constant 1 : i32
      %add3A_60 = arith.addi %mul3A_58, %add3A_59 : i32
      %dma_wait3A_61 = arith.constant 0 : i32
      %dma_wait3A_62 = arith.constant 0 : i32
      %dma_wait3A_63 = tpu.memref_slice %arg7[%dma_wait3A_61, %dma_wait3A_62] : memref<80x125xi32, #tpu.memory_space<vmem>> -> memref<1x125xi32, #tpu.memory_space<vmem>>
      %dma_wait3A_64 = tpu.memref_squeeze %dma_wait3A_63 : memref<1x125xi32, #tpu.memory_space<vmem>> -> memref<125xi32, #tpu.memory_space<vmem>>
      %dma_wait3A_65 = arith.constant 0 : i32
      %dma_wait3A_66 = arith.constant 0 : i32
      %dma_wait3A_67 = tpu.memref_slice %arg2[%dma_wait3A_65, %dma_wait3A_66] : memref<10000x128xf32, #tpu.memory_space<hbm>> -> memref<10000x128xf32, #tpu.memory_space<hbm>>
      tpu.wait_indirect_dma semaphore(%arg12 : memref<!tpu.dma_semaphore, #tpu.memory_space<semaphore_mem>>) src(%dma_wait3A_67 : memref<10000x128xf32, #tpu.memory_space<hbm>>) dst(%arg10 : memref<125x128xf32, #tpu.memory_space<vmem>>)
      %run_scoped3A_68 = arith.constant 1 : i32
      "tpu.region"() ({
        %run_scoped3A_355 = tpu.sem_alloc : memref<!tpu.dma_semaphore, #tpu.memory_space<semaphore_mem>>
        %dma_start3A_356 = arith.constant 0 : i32
        %dma_start3A_357 = tpu.memref_slice %arg8[%run_scoped3A_68, %dma_start3A_356] : memref<16x125xi32, #tpu.memory_space<vmem>> -> memref<1x125xi32, #tpu.memory_space<vmem>>
        %dma_start3A_358 = tpu.memref_squeeze %dma_start3A_357 : memref<1x125xi32, #tpu.memory_space<vmem>> -> memref<125xi32, #tpu.memory_space<vmem>>
        %dma_start3A_359 = arith.constant 0 : i32
        %dma_start3A_360 = arith.constant 0 : i32
        %dma_start3A_361 = tpu.memref_slice %arg16[%dma_start3A_359, %dma_start3A_360] : memref<10000x128xf32, #tpu.memory_space<vmem_shared>> -> memref<10000x128xf32, #tpu.memory_space<vmem_shared>>
        tpu.enqueue_indirect_dma source(%arg10 : memref<125x128xf32, #tpu.memory_space<vmem>>) target(%dma_start3A_361 : memref<10000x128xf32, #tpu.memory_space<vmem_shared>>) offsets(%dma_start3A_358 : memref<125xi32, #tpu.memory_space<vmem>>) semaphore(%run_scoped3A_355 : memref<!tpu.dma_semaphore, #tpu.memory_space<semaphore_mem>>) {add = true}
        %dma_wait3A_362 = arith.constant 0 : i32
        %dma_wait3A_363 = tpu.memref_slice %arg8[%run_scoped3A_68, %dma_wait3A_362] : memref<16x125xi32, #tpu.memory_space<vmem>> -> memref<1x125xi32, #tpu.memory_space<vmem>>
        %dma_wait3A_364 = tpu.memref_squeeze %dma_wait3A_363 : memref<1x125xi32, #tpu.memory_space<vmem>> -> memref<125xi32, #tpu.memory_space<vmem>>
        %dma_wait3A_365 = arith.constant 0 : i32
        %dma_wait3A_366 = arith.constant 0 : i32
        %dma_wait3A_367 = tpu.memref_slice %arg16[%dma_wait3A_365, %dma_wait3A_366] : memref<10000x128xf32, #tpu.memory_space<vmem_shared>> -> memref<10000x128xf32, #tpu.memory_space<vmem_shared>>
        tpu.wait_indirect_dma semaphore(%run_scoped3A_355 : memref<!tpu.dma_semaphore, #tpu.memory_space<semaphore_mem>>) src(%arg10 : memref<125x128xf32, #tpu.memory_space<vmem>>) dst(%dma_wait3A_367 : memref<10000x128xf32, #tpu.memory_space<vmem_shared>>)
        tpu.yield
      }) : () -> ()
      %add3A_69 = arith.constant 1 : i32
      %add3A_70 = arith.addi %add3A_60, %add3A_69 : i32
      %dma_start3A_71 = arith.constant 0 : i32
      %dma_start3A_72 = tpu.memref_slice %arg7[%add3A_70, %dma_start3A_71] : memref<80x125xi32, #tpu.memory_space<vmem>> -> memref<1x125xi32, #tpu.memory_space<vmem>>
      %dma_start3A_73 = tpu.memref_squeeze %dma_start3A_72 : memref<1x125xi32, #tpu.memory_space<vmem>> -> memref<125xi32, #tpu.memory_space<vmem>>
      %dma_start3A_74 = arith.constant 0 : i32
      %dma_start3A_75 = arith.constant 0 : i32
      %dma_start3A_76 = tpu.memref_slice %arg2[%dma_start3A_74, %dma_start3A_75] : memref<10000x128xf32, #tpu.memory_space<hbm>> -> memref<10000x128xf32, #tpu.memory_space<hbm>>
      tpu.enqueue_indirect_dma source(%dma_start3A_76 : memref<10000x128xf32, #tpu.memory_space<hbm>>) target(%arg9 : memref<125x128xf32, #tpu.memory_space<vmem>>) offsets(%dma_start3A_73 : memref<125xi32, #tpu.memory_space<vmem>>) semaphore(%arg11 : memref<!tpu.dma_semaphore, #tpu.memory_space<semaphore_mem>>)
      %mul3A_77 = arith.constant 16 : i32
      %mul3A_78 = arith.muli %scan3A_32, %mul3A_77 : i32
      %add3A_79 = arith.constant 2 : i32
      %add3A_80 = arith.addi %mul3A_78, %add3A_79 : i32
      %dma_wait3A_81 = arith.constant 0 : i32
      %dma_wait3A_82 = arith.constant 0 : i32
      %dma_wait3A_83 = tpu.memref_slice %arg7[%dma_wait3A_81, %dma_wait3A_82] : memref<80x125xi32, #tpu.memory_space<vmem>> -> memref<1x125xi32, #tpu.memory_space<vmem>>
      %dma_wait3A_84 = tpu.memref_squeeze %dma_wait3A_83 : memref<1x125xi32, #tpu.memory_space<vmem>> -> memref<125xi32, #tpu.memory_space<vmem>>
      %dma_wait3A_85 = arith.constant 0 : i32
      %dma_wait3A_86 = arith.constant 0 : i32
      %dma_wait3A_87 = tpu.memref_slice %arg2[%dma_wait3A_85, %dma_wait3A_86] : memref<10000x128xf32, #tpu.memory_space<hbm>> -> memref<10000x128xf32, #tpu.memory_space<hbm>>
      tpu.wait_indirect_dma semaphore(%arg11 : memref<!tpu.dma_semaphore, #tpu.memory_space<semaphore_mem>>) src(%dma_wait3A_87 : memref<10000x128xf32, #tpu.memory_space<hbm>>) dst(%arg9 : memref<125x128xf32, #tpu.memory_space<vmem>>)
      %run_scoped3A_88 = arith.constant 2 : i32
      "tpu.region"() ({
        %run_scoped3A_355 = tpu.sem_alloc : memref<!tpu.dma_semaphore, #tpu.memory_space<semaphore_mem>>
        %dma_start3A_356 = arith.constant 0 : i32
        %dma_start3A_357 = tpu.memref_slice %arg8[%run_scoped3A_88, %dma_start3A_356] : memref<16x125xi32, #tpu.memory_space<vmem>> -> memref<1x125xi32, #tpu.memory_space<vmem>>
        %dma_start3A_358 = tpu.memref_squeeze %dma_start3A_357 : memref<1x125xi32, #tpu.memory_space<vmem>> -> memref<125xi32, #tpu.memory_space<vmem>>
        %dma_start3A_359 = arith.constant 0 : i32
        %dma_start3A_360 = arith.constant 0 : i32
        %dma_start3A_361 = tpu.memref_slice %arg16[%dma_start3A_359, %dma_start3A_360] : memref<10000x128xf32, #tpu.memory_space<vmem_shared>> -> memref<10000x128xf32, #tpu.memory_space<vmem_shared>>
        tpu.enqueue_indirect_dma source(%arg9 : memref<125x128xf32, #tpu.memory_space<vmem>>) target(%dma_start3A_361 : memref<10000x128xf32, #tpu.memory_space<vmem_shared>>) offsets(%dma_start3A_358 : memref<125xi32, #tpu.memory_space<vmem>>) semaphore(%run_scoped3A_355 : memref<!tpu.dma_semaphore, #tpu.memory_space<semaphore_mem>>) {add = true}
        %dma_wait3A_362 = arith.constant 0 : i32
        %dma_wait3A_363 = tpu.memref_slice %arg8[%run_scoped3A_88, %dma_wait3A_362] : memref<16x125xi32, #tpu.memory_space<vmem>> -> memref<1x125xi32, #tpu.memory_space<vmem>>
        %dma_wait3A_364 = tpu.memref_squeeze %dma_wait3A_363 : memref<1x125xi32, #tpu.memory_space<vmem>> -> memref<125xi32, #tpu.memory_space<vmem>>
        %dma_wait3A_365 = arith.constant 0 : i32
        %dma_wait3A_366 = arith.constant 0 : i32
        %dma_wait3A_367 = tpu.memref_slice %arg16[%dma_wait3A_365, %dma_wait3A_366] : memref<10000x128xf32, #tpu.memory_space<vmem_shared>> -> memref<10000x128xf32, #tpu.memory_space<vmem_shared>>
        tpu.wait_indirect_dma semaphore(%run_scoped3A_355 : memref<!tpu.dma_semaphore, #tpu.memory_space<semaphore_mem>>) src(%arg9 : memref<125x128xf32, #tpu.memory_space<vmem>>) dst(%dma_wait3A_367 : memref<10000x128xf32, #tpu.memory_space<vmem_shared>>)
        tpu.yield
      }) : () -> ()
      %add3A_89 = arith.constant 1 : i32
      %add3A_90 = arith.addi %add3A_80, %add3A_89 : i32
      %dma_start3A_91 = arith.constant 0 : i32
      %dma_start3A_92 = tpu.memref_slice %arg7[%add3A_90, %dma_start3A_91] : memref<80x125xi32, #tpu.memory_space<vmem>> -> memref<1x125xi32, #tpu.memory_space<vmem>>
      %dma_start3A_93 = tpu.memref_squeeze %dma_start3A_92 : memref<1x125xi32, #tpu.memory_space<vmem>> -> memref<125xi32, #tpu.memory_space<vmem>>
      %dma_start3A_94 = arith.constant 0 : i32
      %dma_start3A_95 = arith.constant 0 : i32
      %dma_start3A_96 = tpu.memref_slice %arg2[%dma_start3A_94, %dma_start3A_95] : memref<10000x128xf32, #tpu.memory_space<hbm>> -> memref<10000x128xf32, #tpu.memory_space<hbm>>
      tpu.enqueue_indirect_dma source(%dma_start3A_96 : memref<10000x128xf32, #tpu.memory_space<hbm>>) target(%arg10 : memref<125x128xf32, #tpu.memory_space<vmem>>) offsets(%dma_start3A_93 : memref<125xi32, #tpu.memory_space<vmem>>) semaphore(%arg12 : memref<!tpu.dma_semaphore, #tpu.memory_space<semaphore_mem>>)
      %mul3A_97 = arith.constant 16 : i32
      %mul3A_98 = arith.muli %scan3A_32, %mul3A_97 : i32
      %add3A_99 = arith.constant 3 : i32
      %add3A_100 = arith.addi %mul3A_98, %add3A_99 : i32
      %dma_wait3A_101 = arith.constant 0 : i32
      %dma_wait3A_102 = arith.constant 0 : i32
      %dma_wait3A_103 = tpu.memref_slice %arg7[%dma_wait3A_101, %dma_wait3A_102] : memref<80x125xi32, #tpu.memory_space<vmem>> -> memref<1x125xi32, #tpu.memory_space<vmem>>
      %dma_wait3A_104 = tpu.memref_squeeze %dma_wait3A_103 : memref<1x125xi32, #tpu.memory_space<vmem>> -> memref<125xi32, #tpu.memory_space<vmem>>
      %dma_wait3A_105 = arith.constant 0 : i32
      %dma_wait3A_106 = arith.constant 0 : i32
      %dma_wait3A_107 = tpu.memref_slice %arg2[%dma_wait3A_105, %dma_wait3A_106] : memref<10000x128xf32, #tpu.memory_space<hbm>> -> memref<10000x128xf32, #tpu.memory_space<hbm>>
      tpu.wait_indirect_dma semaphore(%arg12 : memref<!tpu.dma_semaphore, #tpu.memory_space<semaphore_mem>>) src(%dma_wait3A_107 : memref<10000x128xf32, #tpu.memory_space<hbm>>) dst(%arg10 : memref<125x128xf32, #tpu.memory_space<vmem>>)
      %run_scoped3A_108 = arith.constant 3 : i32
      "tpu.region"() ({
        %run_scoped3A_355 = tpu.sem_alloc : memref<!tpu.dma_semaphore, #tpu.memory_space<semaphore_mem>>
        %dma_start3A_356 = arith.constant 0 : i32
        %dma_start3A_357 = tpu.memref_slice %arg8[%run_scoped3A_108, %dma_start3A_356] : memref<16x125xi32, #tpu.memory_space<vmem>> -> memref<1x125xi32, #tpu.memory_space<vmem>>
        %dma_start3A_358 = tpu.memref_squeeze %dma_start3A_357 : memref<1x125xi32, #tpu.memory_space<vmem>> -> memref<125xi32, #tpu.memory_space<vmem>>
        %dma_start3A_359 = arith.constant 0 : i32
        %dma_start3A_360 = arith.constant 0 : i32
        %dma_start3A_361 = tpu.memref_slice %arg16[%dma_start3A_359, %dma_start3A_360] : memref<10000x128xf32, #tpu.memory_space<vmem_shared>> -> memref<10000x128xf32, #tpu.memory_space<vmem_shared>>
        tpu.enqueue_indirect_dma source(%arg10 : memref<125x128xf32, #tpu.memory_space<vmem>>) target(%dma_start3A_361 : memref<10000x128xf32, #tpu.memory_space<vmem_shared>>) offsets(%dma_start3A_358 : memref<125xi32, #tpu.memory_space<vmem>>) semaphore(%run_scoped3A_355 : memref<!tpu.dma_semaphore, #tpu.memory_space<semaphore_mem>>) {add = true}
        %dma_wait3A_362 = arith.constant 0 : i32
        %dma_wait3A_363 = tpu.memref_slice %arg8[%run_scoped3A_108, %dma_wait3A_362] : memref<16x125xi32, #tpu.memory_space<vmem>> -> memref<1x125xi32, #tpu.memory_space<vmem>>
        %dma_wait3A_364 = tpu.memref_squeeze %dma_wait3A_363 : memref<1x125xi32, #tpu.memory_space<vmem>> -> memref<125xi32, #tpu.memory_space<vmem>>
        %dma_wait3A_365 = arith.constant 0 : i32
        %dma_wait3A_366 = arith.constant 0 : i32
        %dma_wait3A_367 = tpu.memref_slice %arg16[%dma_wait3A_365, %dma_wait3A_366] : memref<10000x128xf32, #tpu.memory_space<vmem_shared>> -> memref<10000x128xf32, #tpu.memory_space<vmem_shared>>
        tpu.wait_indirect_dma semaphore(%run_scoped3A_355 : memref<!tpu.dma_semaphore, #tpu.memory_space<semaphore_mem>>) src(%arg10 : memref<125x128xf32, #tpu.memory_space<vmem>>) dst(%dma_wait3A_367 : memref<10000x128xf32, #tpu.memory_space<vmem_shared>>)
        tpu.yield
      }) : () -> ()
      %add3A_109 = arith.constant 1 : i32
      %add3A_110 = arith.addi %add3A_100, %add3A_109 : i32
      %dma_start3A_111 = arith.constant 0 : i32
      %dma_start3A_112 = tpu.memref_slice %arg7[%add3A_110, %dma_start3A_111] : memref<80x125xi32, #tpu.memory_space<vmem>> -> memref<1x125xi32, #tpu.memory_space<vmem>>
      %dma_start3A_113 = tpu.memref_squeeze %dma_start3A_112 : memref<1x125xi32, #tpu.memory_space<vmem>> -> memref<125xi32, #tpu.memory_space<vmem>>
      %dma_start3A_114 = arith.constant 0 : i32
      %dma_start3A_115 = arith.constant 0 : i32
      %dma_start3A_116 = tpu.memref_slice %arg2[%dma_start3A_114, %dma_start3A_115] : memref<10000x128xf32, #tpu.memory_space<hbm>> -> memref<10000x128xf32, #tpu.memory_space<hbm>>
      tpu.enqueue_indirect_dma source(%dma_start3A_116 : memref<10000x128xf32, #tpu.memory_space<hbm>>) target(%arg9 : memref<125x128xf32, #tpu.memory_space<vmem>>) offsets(%dma_start3A_113 : memref<125xi32, #tpu.memory_space<vmem>>) semaphore(%arg11 : memref<!tpu.dma_semaphore, #tpu.memory_space<semaphore_mem>>)
      %mul3A_117 = arith.constant 16 : i32
      %mul3A_118 = arith.muli %scan3A_32, %mul3A_117 : i32
      %add3A_119 = arith.constant 4 : i32
      %add3A_120 = arith.addi %mul3A_118, %add3A_119 : i32
      %dma_wait3A_121 = arith.constant 0 : i32
      %dma_wait3A_122 = arith.constant 0 : i32
      %dma_wait3A_123 = tpu.memref_slice %arg7[%dma_wait3A_121, %dma_wait3A_122] : memref<80x125xi32, #tpu.memory_space<vmem>> -> memref<1x125xi32, #tpu.memory_space<vmem>>
      %dma_wait3A_124 = tpu.memref_squeeze %dma_wait3A_123 : memref<1x125xi32, #tpu.memory_space<vmem>> -> memref<125xi32, #tpu.memory_space<vmem>>
      %dma_wait3A_125 = arith.constant 0 : i32
      %dma_wait3A_126 = arith.constant 0 : i32
      %dma_wait3A_127 = tpu.memref_slice %arg2[%dma_wait3A_125, %dma_wait3A_126] : memref<10000x128xf32, #tpu.memory_space<hbm>> -> memref<10000x128xf32, #tpu.memory_space<hbm>>
      tpu.wait_indirect_dma semaphore(%arg11 : memref<!tpu.dma_semaphore, #tpu.memory_space<semaphore_mem>>) src(%dma_wait3A_127 : memref<10000x128xf32, #tpu.memory_space<hbm>>) dst(%arg9 : memref<125x128xf32, #tpu.memory_space<vmem>>)
      %run_scoped3A_128 = arith.constant 4 : i32
      "tpu.region"() ({
        %run_scoped3A_355 = tpu.sem_alloc : memref<!tpu.dma_semaphore, #tpu.memory_space<semaphore_mem>>
        %dma_start3A_356 = arith.constant 0 : i32
        %dma_start3A_357 = tpu.memref_slice %arg8[%run_scoped3A_128, %dma_start3A_356] : memref<16x125xi32, #tpu.memory_space<vmem>> -> memref<1x125xi32, #tpu.memory_space<vmem>>
        %dma_start3A_358 = tpu.memref_squeeze %dma_start3A_357 : memref<1x125xi32, #tpu.memory_space<vmem>> -> memref<125xi32, #tpu.memory_space<vmem>>
        %dma_start3A_359 = arith.constant 0 : i32
        %dma_start3A_360 = arith.constant 0 : i32
        %dma_start3A_361 = tpu.memref_slice %arg16[%dma_start3A_359, %dma_start3A_360] : memref<10000x128xf32, #tpu.memory_space<vmem_shared>> -> memref<10000x128xf32, #tpu.memory_space<vmem_shared>>
        tpu.enqueue_indirect_dma source(%arg9 : memref<125x128xf32, #tpu.memory_space<vmem>>) target(%dma_start3A_361 : memref<10000x128xf32, #tpu.memory_space<vmem_shared>>) offsets(%dma_start3A_358 : memref<125xi32, #tpu.memory_space<vmem>>) semaphore(%run_scoped3A_355 : memref<!tpu.dma_semaphore, #tpu.memory_space<semaphore_mem>>) {add = true}
        %dma_wait3A_362 = arith.constant 0 : i32
        %dma_wait3A_363 = tpu.memref_slice %arg8[%run_scoped3A_128, %dma_wait3A_362] : memref<16x125xi32, #tpu.memory_space<vmem>> -> memref<1x125xi32, #tpu.memory_space<vmem>>
        %dma_wait3A_364 = tpu.memref_squeeze %dma_wait3A_363 : memref<1x125xi32, #tpu.memory_space<vmem>> -> memref<125xi32, #tpu.memory_space<vmem>>
        %dma_wait3A_365 = arith.constant 0 : i32
        %dma_wait3A_366 = arith.constant 0 : i32
        %dma_wait3A_367 = tpu.memref_slice %arg16[%dma_wait3A_365, %dma_wait3A_366] : memref<10000x128xf32, #tpu.memory_space<vmem_shared>> -> memref<10000x128xf32, #tpu.memory_space<vmem_shared>>
        tpu.wait_indirect_dma semaphore(%run_scoped3A_355 : memref<!tpu.dma_semaphore, #tpu.memory_space<semaphore_mem>>) src(%arg9 : memref<125x128xf32, #tpu.memory_space<vmem>>) dst(%dma_wait3A_367 : memref<10000x128xf32, #tpu.memory_space<vmem_shared>>)
        tpu.yield
      }) : () -> ()
      %add3A_129 = arith.constant 1 : i32
      %add3A_130 = arith.addi %add3A_120, %add3A_129 : i32
      %dma_start3A_131 = arith.constant 0 : i32
      %dma_start3A_132 = tpu.memref_slice %arg7[%add3A_130, %dma_start3A_131] : memref<80x125xi32, #tpu.memory_space<vmem>> -> memref<1x125xi32, #tpu.memory_space<vmem>>
      %dma_start3A_133 = tpu.memref_squeeze %dma_start3A_132 : memref<1x125xi32, #tpu.memory_space<vmem>> -> memref<125xi32, #tpu.memory_space<vmem>>
      %dma_start3A_134 = arith.constant 0 : i32
      %dma_start3A_135 = arith.constant 0 : i32
      %dma_start3A_136 = tpu.memref_slice %arg2[%dma_start3A_134, %dma_start3A_135] : memref<10000x128xf32, #tpu.memory_space<hbm>> -> memref<10000x128xf32, #tpu.memory_space<hbm>>
      tpu.enqueue_indirect_dma source(%dma_start3A_136 : memref<10000x128xf32, #tpu.memory_space<hbm>>) target(%arg10 : memref<125x128xf32, #tpu.memory_space<vmem>>) offsets(%dma_start3A_133 : memref<125xi32, #tpu.memory_space<vmem>>) semaphore(%arg12 : memref<!tpu.dma_semaphore, #tpu.memory_space<semaphore_mem>>)
      %mul3A_137 = arith.constant 16 : i32
      %mul3A_138 = arith.muli %scan3A_32, %mul3A_137 : i32
      %add3A_139 = arith.constant 5 : i32
      %add3A_140 = arith.addi %mul3A_138, %add3A_139 : i32
      %dma_wait3A_141 = arith.constant 0 : i32
      %dma_wait3A_142 = arith.constant 0 : i32
      %dma_wait3A_143 = tpu.memref_slice %arg7[%dma_wait3A_141, %dma_wait3A_142] : memref<80x125xi32, #tpu.memory_space<vmem>> -> memref<1x125xi32, #tpu.memory_space<vmem>>
      %dma_wait3A_144 = tpu.memref_squeeze %dma_wait3A_143 : memref<1x125xi32, #tpu.memory_space<vmem>> -> memref<125xi32, #tpu.memory_space<vmem>>
      %dma_wait3A_145 = arith.constant 0 : i32
      %dma_wait3A_146 = arith.constant 0 : i32
      %dma_wait3A_147 = tpu.memref_slice %arg2[%dma_wait3A_145, %dma_wait3A_146] : memref<10000x128xf32, #tpu.memory_space<hbm>> -> memref<10000x128xf32, #tpu.memory_space<hbm>>
      tpu.wait_indirect_dma semaphore(%arg12 : memref<!tpu.dma_semaphore, #tpu.memory_space<semaphore_mem>>) src(%dma_wait3A_147 : memref<10000x128xf32, #tpu.memory_space<hbm>>) dst(%arg10 : memref<125x128xf32, #tpu.memory_space<vmem>>)
      %run_scoped3A_148 = arith.constant 5 : i32
      "tpu.region"() ({
        %run_scoped3A_355 = tpu.sem_alloc : memref<!tpu.dma_semaphore, #tpu.memory_space<semaphore_mem>>
        %dma_start3A_356 = arith.constant 0 : i32
        %dma_start3A_357 = tpu.memref_slice %arg8[%run_scoped3A_148, %dma_start3A_356] : memref<16x125xi32, #tpu.memory_space<vmem>> -> memref<1x125xi32, #tpu.memory_space<vmem>>
        %dma_start3A_358 = tpu.memref_squeeze %dma_start3A_357 : memref<1x125xi32, #tpu.memory_space<vmem>> -> memref<125xi32, #tpu.memory_space<vmem>>
        %dma_start3A_359 = arith.constant 0 : i32
        %dma_start3A_360 = arith.constant 0 : i32
        %dma_start3A_361 = tpu.memref_slice %arg16[%dma_start3A_359, %dma_start3A_360] : memref<10000x128xf32, #tpu.memory_space<vmem_shared>> -> memref<10000x128xf32, #tpu.memory_space<vmem_shared>>
        tpu.enqueue_indirect_dma source(%arg10 : memref<125x128xf32, #tpu.memory_space<vmem>>) target(%dma_start3A_361 : memref<10000x128xf32, #tpu.memory_space<vmem_shared>>) offsets(%dma_start3A_358 : memref<125xi32, #tpu.memory_space<vmem>>) semaphore(%run_scoped3A_355 : memref<!tpu.dma_semaphore, #tpu.memory_space<semaphore_mem>>) {add = true}
        %dma_wait3A_362 = arith.constant 0 : i32
        %dma_wait3A_363 = tpu.memref_slice %arg8[%run_scoped3A_148, %dma_wait3A_362] : memref<16x125xi32, #tpu.memory_space<vmem>> -> memref<1x125xi32, #tpu.memory_space<vmem>>
        %dma_wait3A_364 = tpu.memref_squeeze %dma_wait3A_363 : memref<1x125xi32, #tpu.memory_space<vmem>> -> memref<125xi32, #tpu.memory_space<vmem>>
        %dma_wait3A_365 = arith.constant 0 : i32
        %dma_wait3A_366 = arith.constant 0 : i32
        %dma_wait3A_367 = tpu.memref_slice %arg16[%dma_wait3A_365, %dma_wait3A_366] : memref<10000x128xf32, #tpu.memory_space<vmem_shared>> -> memref<10000x128xf32, #tpu.memory_space<vmem_shared>>
        tpu.wait_indirect_dma semaphore(%run_scoped3A_355 : memref<!tpu.dma_semaphore, #tpu.memory_space<semaphore_mem>>) src(%arg10 : memref<125x128xf32, #tpu.memory_space<vmem>>) dst(%dma_wait3A_367 : memref<10000x128xf32, #tpu.memory_space<vmem_shared>>)
        tpu.yield
      }) : () -> ()
      %add3A_149 = arith.constant 1 : i32
      %add3A_150 = arith.addi %add3A_140, %add3A_149 : i32
      %dma_start3A_151 = arith.constant 0 : i32
      %dma_start3A_152 = tpu.memref_slice %arg7[%add3A_150, %dma_start3A_151] : memref<80x125xi32, #tpu.memory_space<vmem>> -> memref<1x125xi32, #tpu.memory_space<vmem>>
      %dma_start3A_153 = tpu.memref_squeeze %dma_start3A_152 : memref<1x125xi32, #tpu.memory_space<vmem>> -> memref<125xi32, #tpu.memory_space<vmem>>
      %dma_start3A_154 = arith.constant 0 : i32
      %dma_start3A_155 = arith.constant 0 : i32
      %dma_start3A_156 = tpu.memref_slice %arg2[%dma_start3A_154, %dma_start3A_155] : memref<10000x128xf32, #tpu.memory_space<hbm>> -> memref<10000x128xf32, #tpu.memory_space<hbm>>
      tpu.enqueue_indirect_dma source(%dma_start3A_156 : memref<10000x128xf32, #tpu.memory_space<hbm>>) target(%arg9 : memref<125x128xf32, #tpu.memory_space<vmem>>) offsets(%dma_start3A_153 : memref<125xi32, #tpu.memory_space<vmem>>) semaphore(%arg11 : memref<!tpu.dma_semaphore, #tpu.memory_space<semaphore_mem>>)
      %mul3A_157 = arith.constant 16 : i32
      %mul3A_158 = arith.muli %scan3A_32, %mul3A_157 : i32
      %add3A_159 = arith.constant 6 : i32
      %add3A_160 = arith.addi %mul3A_158, %add3A_159 : i32
      %dma_wait3A_161 = arith.constant 0 : i32
      %dma_wait3A_162 = arith.constant 0 : i32
      %dma_wait3A_163 = tpu.memref_slice %arg7[%dma_wait3A_161, %dma_wait3A_162] : memref<80x125xi32, #tpu.memory_space<vmem>> -> memref<1x125xi32, #tpu.memory_space<vmem>>
      %dma_wait3A_164 = tpu.memref_squeeze %dma_wait3A_163 : memref<1x125xi32, #tpu.memory_space<vmem>> -> memref<125xi32, #tpu.memory_space<vmem>>
      %dma_wait3A_165 = arith.constant 0 : i32
      %dma_wait3A_166 = arith.constant 0 : i32
      %dma_wait3A_167 = tpu.memref_slice %arg2[%dma_wait3A_165, %dma_wait3A_166] : memref<10000x128xf32, #tpu.memory_space<hbm>> -> memref<10000x128xf32, #tpu.memory_space<hbm>>
      tpu.wait_indirect_dma semaphore(%arg11 : memref<!tpu.dma_semaphore, #tpu.memory_space<semaphore_mem>>) src(%dma_wait3A_167 : memref<10000x128xf32, #tpu.memory_space<hbm>>) dst(%arg9 : memref<125x128xf32, #tpu.memory_space<vmem>>)
      %run_scoped3A_168 = arith.constant 6 : i32
      "tpu.region"() ({
        %run_scoped3A_355 = tpu.sem_alloc : memref<!tpu.dma_semaphore, #tpu.memory_space<semaphore_mem>>
        %dma_start3A_356 = arith.constant 0 : i32
        %dma_start3A_357 = tpu.memref_slice %arg8[%run_scoped3A_168, %dma_start3A_356] : memref<16x125xi32, #tpu.memory_space<vmem>> -> memref<1x125xi32, #tpu.memory_space<vmem>>
        %dma_start3A_358 = tpu.memref_squeeze %dma_start3A_357 : memref<1x125xi32, #tpu.memory_space<vmem>> -> memref<125xi32, #tpu.memory_space<vmem>>
        %dma_start3A_359 = arith.constant 0 : i32
        %dma_start3A_360 = arith.constant 0 : i32
        %dma_start3A_361 = tpu.memref_slice %arg16[%dma_start3A_359, %dma_start3A_360] : memref<10000x128xf32, #tpu.memory_space<vmem_shared>> -> memref<10000x128xf32, #tpu.memory_space<vmem_shared>>
        tpu.enqueue_indirect_dma source(%arg9 : memref<125x128xf32, #tpu.memory_space<vmem>>) target(%dma_start3A_361 : memref<10000x128xf32, #tpu.memory_space<vmem_shared>>) offsets(%dma_start3A_358 : memref<125xi32, #tpu.memory_space<vmem>>) semaphore(%run_scoped3A_355 : memref<!tpu.dma_semaphore, #tpu.memory_space<semaphore_mem>>) {add = true}
        %dma_wait3A_362 = arith.constant 0 : i32
        %dma_wait3A_363 = tpu.memref_slice %arg8[%run_scoped3A_168, %dma_wait3A_362] : memref<16x125xi32, #tpu.memory_space<vmem>> -> memref<1x125xi32, #tpu.memory_space<vmem>>
        %dma_wait3A_364 = tpu.memref_squeeze %dma_wait3A_363 : memref<1x125xi32, #tpu.memory_space<vmem>> -> memref<125xi32, #tpu.memory_space<vmem>>
        %dma_wait3A_365 = arith.constant 0 : i32
        %dma_wait3A_366 = arith.constant 0 : i32
        %dma_wait3A_367 = tpu.memref_slice %arg16[%dma_wait3A_365, %dma_wait3A_366] : memref<10000x128xf32, #tpu.memory_space<vmem_shared>> -> memref<10000x128xf32, #tpu.memory_space<vmem_shared>>
        tpu.wait_indirect_dma semaphore(%run_scoped3A_355 : memref<!tpu.dma_semaphore, #tpu.memory_space<semaphore_mem>>) src(%arg9 : memref<125x128xf32, #tpu.memory_space<vmem>>) dst(%dma_wait3A_367 : memref<10000x128xf32, #tpu.memory_space<vmem_shared>>)
        tpu.yield
      }) : () -> ()
      %add3A_169 = arith.constant 1 : i32
      %add3A_170 = arith.addi %add3A_160, %add3A_169 : i32
      %dma_start3A_171 = arith.constant 0 : i32
      %dma_start3A_172 = tpu.memref_slice %arg7[%add3A_170, %dma_start3A_171] : memref<80x125xi32, #tpu.memory_space<vmem>> -> memref<1x125xi32, #tpu.memory_space<vmem>>
      %dma_start3A_173 = tpu.memref_squeeze %dma_start3A_172 : memref<1x125xi32, #tpu.memory_space<vmem>> -> memref<125xi32, #tpu.memory_space<vmem>>
      %dma_start3A_174 = arith.constant 0 : i32
      %dma_start3A_175 = arith.constant 0 : i32
      %dma_start3A_176 = tpu.memref_slice %arg2[%dma_start3A_174, %dma_start3A_175] : memref<10000x128xf32, #tpu.memory_space<hbm>> -> memref<10000x128xf32, #tpu.memory_space<hbm>>
      tpu.enqueue_indirect_dma source(%dma_start3A_176 : memref<10000x128xf32, #tpu.memory_space<hbm>>) target(%arg10 : memref<125x128xf32, #tpu.memory_space<vmem>>) offsets(%dma_start3A_173 : memref<125xi32, #tpu.memory_space<vmem>>) semaphore(%arg12 : memref<!tpu.dma_semaphore, #tpu.memory_space<semaphore_mem>>)
      %mul3A_177 = arith.constant 16 : i32
      %mul3A_178 = arith.muli %scan3A_32, %mul3A_177 : i32
      %add3A_179 = arith.constant 7 : i32
      %add3A_180 = arith.addi %mul3A_178, %add3A_179 : i32
      %dma_wait3A_181 = arith.constant 0 : i32
      %dma_wait3A_182 = arith.constant 0 : i32
      %dma_wait3A_183 = tpu.memref_slice %arg7[%dma_wait3A_181, %dma_wait3A_182] : memref<80x125xi32, #tpu.memory_space<vmem>> -> memref<1x125xi32, #tpu.memory_space<vmem>>
      %dma_wait3A_184 = tpu.memref_squeeze %dma_wait3A_183 : memref<1x125xi32, #tpu.memory_space<vmem>> -> memref<125xi32, #tpu.memory_space<vmem>>
      %dma_wait3A_185 = arith.constant 0 : i32
      %dma_wait3A_186 = arith.constant 0 : i32
      %dma_wait3A_187 = tpu.memref_slice %arg2[%dma_wait3A_185, %dma_wait3A_186] : memref<10000x128xf32, #tpu.memory_space<hbm>> -> memref<10000x128xf32, #tpu.memory_space<hbm>>
      tpu.wait_indirect_dma semaphore(%arg12 : memref<!tpu.dma_semaphore, #tpu.memory_space<semaphore_mem>>) src(%dma_wait3A_187 : memref<10000x128xf32, #tpu.memory_space<hbm>>) dst(%arg10 : memref<125x128xf32, #tpu.memory_space<vmem>>)
      %run_scoped3A_188 = arith.constant 7 : i32
      "tpu.region"() ({
        %run_scoped3A_355 = tpu.sem_alloc : memref<!tpu.dma_semaphore, #tpu.memory_space<semaphore_mem>>
        %dma_start3A_356 = arith.constant 0 : i32
        %dma_start3A_357 = tpu.memref_slice %arg8[%run_scoped3A_188, %dma_start3A_356] : memref<16x125xi32, #tpu.memory_space<vmem>> -> memref<1x125xi32, #tpu.memory_space<vmem>>
        %dma_start3A_358 = tpu.memref_squeeze %dma_start3A_357 : memref<1x125xi32, #tpu.memory_space<vmem>> -> memref<125xi32, #tpu.memory_space<vmem>>
        %dma_start3A_359 = arith.constant 0 : i32
        %dma_start3A_360 = arith.constant 0 : i32
        %dma_start3A_361 = tpu.memref_slice %arg16[%dma_start3A_359, %dma_start3A_360] : memref<10000x128xf32, #tpu.memory_space<vmem_shared>> -> memref<10000x128xf32, #tpu.memory_space<vmem_shared>>
        tpu.enqueue_indirect_dma source(%arg10 : memref<125x128xf32, #tpu.memory_space<vmem>>) target(%dma_start3A_361 : memref<10000x128xf32, #tpu.memory_space<vmem_shared>>) offsets(%dma_start3A_358 : memref<125xi32, #tpu.memory_space<vmem>>) semaphore(%run_scoped3A_355 : memref<!tpu.dma_semaphore, #tpu.memory_space<semaphore_mem>>) {add = true}
        %dma_wait3A_362 = arith.constant 0 : i32
        %dma_wait3A_363 = tpu.memref_slice %arg8[%run_scoped3A_188, %dma_wait3A_362] : memref<16x125xi32, #tpu.memory_space<vmem>> -> memref<1x125xi32, #tpu.memory_space<vmem>>
        %dma_wait3A_364 = tpu.memref_squeeze %dma_wait3A_363 : memref<1x125xi32, #tpu.memory_space<vmem>> -> memref<125xi32, #tpu.memory_space<vmem>>
        %dma_wait3A_365 = arith.constant 0 : i32
        %dma_wait3A_366 = arith.constant 0 : i32
        %dma_wait3A_367 = tpu.memref_slice %arg16[%dma_wait3A_365, %dma_wait3A_366] : memref<10000x128xf32, #tpu.memory_space<vmem_shared>> -> memref<10000x128xf32, #tpu.memory_space<vmem_shared>>
        tpu.wait_indirect_dma semaphore(%run_scoped3A_355 : memref<!tpu.dma_semaphore, #tpu.memory_space<semaphore_mem>>) src(%arg10 : memref<125x128xf32, #tpu.memory_space<vmem>>) dst(%dma_wait3A_367 : memref<10000x128xf32, #tpu.memory_space<vmem_shared>>)
        tpu.yield
      }) : () -> ()
      %add3A_189 = arith.constant 1 : i32
      %add3A_190 = arith.addi %add3A_180, %add3A_189 : i32
      %dma_start3A_191 = arith.constant 0 : i32
      %dma_start3A_192 = tpu.memref_slice %arg7[%add3A_190, %dma_start3A_191] : memref<80x125xi32, #tpu.memory_space<vmem>> -> memref<1x125xi32, #tpu.memory_space<vmem>>
      %dma_start3A_193 = tpu.memref_squeeze %dma_start3A_192 : memref<1x125xi32, #tpu.memory_space<vmem>> -> memref<125xi32, #tpu.memory_space<vmem>>
      %dma_start3A_194 = arith.constant 0 : i32
      %dma_start3A_195 = arith.constant 0 : i32
      %dma_start3A_196 = tpu.memref_slice %arg2[%dma_start3A_194, %dma_start3A_195] : memref<10000x128xf32, #tpu.memory_space<hbm>> -> memref<10000x128xf32, #tpu.memory_space<hbm>>
      tpu.enqueue_indirect_dma source(%dma_start3A_196 : memref<10000x128xf32, #tpu.memory_space<hbm>>) target(%arg9 : memref<125x128xf32, #tpu.memory_space<vmem>>) offsets(%dma_start3A_193 : memref<125xi32, #tpu.memory_space<vmem>>) semaphore(%arg11 : memref<!tpu.dma_semaphore, #tpu.memory_space<semaphore_mem>>)
      %mul3A_197 = arith.constant 16 : i32
      %mul3A_198 = arith.muli %scan3A_32, %mul3A_197 : i32
      %add3A_199 = arith.constant 8 : i32
      %add3A_200 = arith.addi %mul3A_198, %add3A_199 : i32
      %dma_wait3A_201 = arith.constant 0 : i32
      %dma_wait3A_202 = arith.constant 0 : i32
      %dma_wait3A_203 = tpu.memref_slice %arg7[%dma_wait3A_201, %dma_wait3A_202] : memref<80x125xi32, #tpu.memory_space<vmem>> -> memref<1x125xi32, #tpu.memory_space<vmem>>
      %dma_wait3A_204 = tpu.memref_squeeze %dma_wait3A_203 : memref<1x125xi32, #tpu.memory_space<vmem>> -> memref<125xi32, #tpu.memory_space<vmem>>
      %dma_wait3A_205 = arith.constant 0 : i32
      %dma_wait3A_206 = arith.constant 0 : i32
      %dma_wait3A_207 = tpu.memref_slice %arg2[%dma_wait3A_205, %dma_wait3A_206] : memref<10000x128xf32, #tpu.memory_space<hbm>> -> memref<10000x128xf32, #tpu.memory_space<hbm>>
      tpu.wait_indirect_dma semaphore(%arg11 : memref<!tpu.dma_semaphore, #tpu.memory_space<semaphore_mem>>) src(%dma_wait3A_207 : memref<10000x128xf32, #tpu.memory_space<hbm>>) dst(%arg9 : memref<125x128xf32, #tpu.memory_space<vmem>>)
      %run_scoped3A_208 = arith.constant 8 : i32
      "tpu.region"() ({
        %run_scoped3A_355 = tpu.sem_alloc : memref<!tpu.dma_semaphore, #tpu.memory_space<semaphore_mem>>
        %dma_start3A_356 = arith.constant 0 : i32
        %dma_start3A_357 = tpu.memref_slice %arg8[%run_scoped3A_208, %dma_start3A_356] : memref<16x125xi32, #tpu.memory_space<vmem>> -> memref<1x125xi32, #tpu.memory_space<vmem>>
        %dma_start3A_358 = tpu.memref_squeeze %dma_start3A_357 : memref<1x125xi32, #tpu.memory_space<vmem>> -> memref<125xi32, #tpu.memory_space<vmem>>
        %dma_start3A_359 = arith.constant 0 : i32
        %dma_start3A_360 = arith.constant 0 : i32
        %dma_start3A_361 = tpu.memref_slice %arg16[%dma_start3A_359, %dma_start3A_360] : memref<10000x128xf32, #tpu.memory_space<vmem_shared>> -> memref<10000x128xf32, #tpu.memory_space<vmem_shared>>
        tpu.enqueue_indirect_dma source(%arg9 : memref<125x128xf32, #tpu.memory_space<vmem>>) target(%dma_start3A_361 : memref<10000x128xf32, #tpu.memory_space<vmem_shared>>) offsets(%dma_start3A_358 : memref<125xi32, #tpu.memory_space<vmem>>) semaphore(%run_scoped3A_355 : memref<!tpu.dma_semaphore, #tpu.memory_space<semaphore_mem>>) {add = true}
        %dma_wait3A_362 = arith.constant 0 : i32
        %dma_wait3A_363 = tpu.memref_slice %arg8[%run_scoped3A_208, %dma_wait3A_362] : memref<16x125xi32, #tpu.memory_space<vmem>> -> memref<1x125xi32, #tpu.memory_space<vmem>>
        %dma_wait3A_364 = tpu.memref_squeeze %dma_wait3A_363 : memref<1x125xi32, #tpu.memory_space<vmem>> -> memref<125xi32, #tpu.memory_space<vmem>>
        %dma_wait3A_365 = arith.constant 0 : i32
        %dma_wait3A_366 = arith.constant 0 : i32
        %dma_wait3A_367 = tpu.memref_slice %arg16[%dma_wait3A_365, %dma_wait3A_366] : memref<10000x128xf32, #tpu.memory_space<vmem_shared>> -> memref<10000x128xf32, #tpu.memory_space<vmem_shared>>
        tpu.wait_indirect_dma semaphore(%run_scoped3A_355 : memref<!tpu.dma_semaphore, #tpu.memory_space<semaphore_mem>>) src(%arg9 : memref<125x128xf32, #tpu.memory_space<vmem>>) dst(%dma_wait3A_367 : memref<10000x128xf32, #tpu.memory_space<vmem_shared>>)
        tpu.yield
      }) : () -> ()
      %add3A_209 = arith.constant 1 : i32
      %add3A_210 = arith.addi %add3A_200, %add3A_209 : i32
      %dma_start3A_211 = arith.constant 0 : i32
      %dma_start3A_212 = tpu.memref_slice %arg7[%add3A_210, %dma_start3A_211] : memref<80x125xi32, #tpu.memory_space<vmem>> -> memref<1x125xi32, #tpu.memory_space<vmem>>
      %dma_start3A_213 = tpu.memref_squeeze %dma_start3A_212 : memref<1x125xi32, #tpu.memory_space<vmem>> -> memref<125xi32, #tpu.memory_space<vmem>>
      %dma_start3A_214 = arith.constant 0 : i32
      %dma_start3A_215 = arith.constant 0 : i32
      %dma_start3A_216 = tpu.memref_slice %arg2[%dma_start3A_214, %dma_start3A_215] : memref<10000x128xf32, #tpu.memory_space<hbm>> -> memref<10000x128xf32, #tpu.memory_space<hbm>>
      tpu.enqueue_indirect_dma source(%dma_start3A_216 : memref<10000x128xf32, #tpu.memory_space<hbm>>) target(%arg10 : memref<125x128xf32, #tpu.memory_space<vmem>>) offsets(%dma_start3A_213 : memref<125xi32, #tpu.memory_space<vmem>>) semaphore(%arg12 : memref<!tpu.dma_semaphore, #tpu.memory_space<semaphore_mem>>)
      %mul3A_217 = arith.constant 16 : i32
      %mul3A_218 = arith.muli %scan3A_32, %mul3A_217 : i32
      %add3A_219 = arith.constant 9 : i32
      %add3A_220 = arith.addi %mul3A_218, %add3A_219 : i32
      %dma_wait3A_221 = arith.constant 0 : i32
      %dma_wait3A_222 = arith.constant 0 : i32
      %dma_wait3A_223 = tpu.memref_slice %arg7[%dma_wait3A_221, %dma_wait3A_222] : memref<80x125xi32, #tpu.memory_space<vmem>> -> memref<1x125xi32, #tpu.memory_space<vmem>>
      %dma_wait3A_224 = tpu.memref_squeeze %dma_wait3A_223 : memref<1x125xi32, #tpu.memory_space<vmem>> -> memref<125xi32, #tpu.memory_space<vmem>>
      %dma_wait3A_225 = arith.constant 0 : i32
      %dma_wait3A_226 = arith.constant 0 : i32
      %dma_wait3A_227 = tpu.memref_slice %arg2[%dma_wait3A_225, %dma_wait3A_226] : memref<10000x128xf32, #tpu.memory_space<hbm>> -> memref<10000x128xf32, #tpu.memory_space<hbm>>
      tpu.wait_indirect_dma semaphore(%arg12 : memref<!tpu.dma_semaphore, #tpu.memory_space<semaphore_mem>>) src(%dma_wait3A_227 : memref<10000x128xf32, #tpu.memory_space<hbm>>) dst(%arg10 : memref<125x128xf32, #tpu.memory_space<vmem>>)
      %run_scoped3A_228 = arith.constant 9 : i32
      "tpu.region"() ({
        %run_scoped3A_355 = tpu.sem_alloc : memref<!tpu.dma_semaphore, #tpu.memory_space<semaphore_mem>>
        %dma_start3A_356 = arith.constant 0 : i32
        %dma_start3A_357 = tpu.memref_slice %arg8[%run_scoped3A_228, %dma_start3A_356] : memref<16x125xi32, #tpu.memory_space<vmem>> -> memref<1x125xi32, #tpu.memory_space<vmem>>
        %dma_start3A_358 = tpu.memref_squeeze %dma_start3A_357 : memref<1x125xi32, #tpu.memory_space<vmem>> -> memref<125xi32, #tpu.memory_space<vmem>>
        %dma_start3A_359 = arith.constant 0 : i32
        %dma_start3A_360 = arith.constant 0 : i32
        %dma_start3A_361 = tpu.memref_slice %arg16[%dma_start3A_359, %dma_start3A_360] : memref<10000x128xf32, #tpu.memory_space<vmem_shared>> -> memref<10000x128xf32, #tpu.memory_space<vmem_shared>>
        tpu.enqueue_indirect_dma source(%arg10 : memref<125x128xf32, #tpu.memory_space<vmem>>) target(%dma_start3A_361 : memref<10000x128xf32, #tpu.memory_space<vmem_shared>>) offsets(%dma_start3A_358 : memref<125xi32, #tpu.memory_space<vmem>>) semaphore(%run_scoped3A_355 : memref<!tpu.dma_semaphore, #tpu.memory_space<semaphore_mem>>) {add = true}
        %dma_wait3A_362 = arith.constant 0 : i32
        %dma_wait3A_363 = tpu.memref_slice %arg8[%run_scoped3A_228, %dma_wait3A_362] : memref<16x125xi32, #tpu.memory_space<vmem>> -> memref<1x125xi32, #tpu.memory_space<vmem>>
        %dma_wait3A_364 = tpu.memref_squeeze %dma_wait3A_363 : memref<1x125xi32, #tpu.memory_space<vmem>> -> memref<125xi32, #tpu.memory_space<vmem>>
        %dma_wait3A_365 = arith.constant 0 : i32
        %dma_wait3A_366 = arith.constant 0 : i32
        %dma_wait3A_367 = tpu.memref_slice %arg16[%dma_wait3A_365, %dma_wait3A_366] : memref<10000x128xf32, #tpu.memory_space<vmem_shared>> -> memref<10000x128xf32, #tpu.memory_space<vmem_shared>>
        tpu.wait_indirect_dma semaphore(%run_scoped3A_355 : memref<!tpu.dma_semaphore, #tpu.memory_space<semaphore_mem>>) src(%arg10 : memref<125x128xf32, #tpu.memory_space<vmem>>) dst(%dma_wait3A_367 : memref<10000x128xf32, #tpu.memory_space<vmem_shared>>)
        tpu.yield
      }) : () -> ()
      %add3A_229 = arith.constant 1 : i32
      %add3A_230 = arith.addi %add3A_220, %add3A_229 : i32
      %dma_start3A_231 = arith.constant 0 : i32
      %dma_start3A_232 = tpu.memref_slice %arg7[%add3A_230, %dma_start3A_231] : memref<80x125xi32, #tpu.memory_space<vmem>> -> memref<1x125xi32, #tpu.memory_space<vmem>>
      %dma_start3A_233 = tpu.memref_squeeze %dma_start3A_232 : memref<1x125xi32, #tpu.memory_space<vmem>> -> memref<125xi32, #tpu.memory_space<vmem>>
      %dma_start3A_234 = arith.constant 0 : i32
      %dma_start3A_235 = arith.constant 0 : i32
      %dma_start3A_236 = tpu.memref_slice %arg2[%dma_start3A_234, %dma_start3A_235] : memref<10000x128xf32, #tpu.memory_space<hbm>> -> memref<10000x128xf32, #tpu.memory_space<hbm>>
      tpu.enqueue_indirect_dma source(%dma_start3A_236 : memref<10000x128xf32, #tpu.memory_space<hbm>>) target(%arg9 : memref<125x128xf32, #tpu.memory_space<vmem>>) offsets(%dma_start3A_233 : memref<125xi32, #tpu.memory_space<vmem>>) semaphore(%arg11 : memref<!tpu.dma_semaphore, #tpu.memory_space<semaphore_mem>>)
      %mul3A_237 = arith.constant 16 : i32
      %mul3A_238 = arith.muli %scan3A_32, %mul3A_237 : i32
      %add3A_239 = arith.constant 10 : i32
      %add3A_240 = arith.addi %mul3A_238, %add3A_239 : i32
      %dma_wait3A_241 = arith.constant 0 : i32
      %dma_wait3A_242 = arith.constant 0 : i32
      %dma_wait3A_243 = tpu.memref_slice %arg7[%dma_wait3A_241, %dma_wait3A_242] : memref<80x125xi32, #tpu.memory_space<vmem>> -> memref<1x125xi32, #tpu.memory_space<vmem>>
      %dma_wait3A_244 = tpu.memref_squeeze %dma_wait3A_243 : memref<1x125xi32, #tpu.memory_space<vmem>> -> memref<125xi32, #tpu.memory_space<vmem>>
      %dma_wait3A_245 = arith.constant 0 : i32
      %dma_wait3A_246 = arith.constant 0 : i32
      %dma_wait3A_247 = tpu.memref_slice %arg2[%dma_wait3A_245, %dma_wait3A_246] : memref<10000x128xf32, #tpu.memory_space<hbm>> -> memref<10000x128xf32, #tpu.memory_space<hbm>>
      tpu.wait_indirect_dma semaphore(%arg11 : memref<!tpu.dma_semaphore, #tpu.memory_space<semaphore_mem>>) src(%dma_wait3A_247 : memref<10000x128xf32, #tpu.memory_space<hbm>>) dst(%arg9 : memref<125x128xf32, #tpu.memory_space<vmem>>)
      %run_scoped3A_248 = arith.constant 10 : i32
      "tpu.region"() ({
        %run_scoped3A_355 = tpu.sem_alloc : memref<!tpu.dma_semaphore, #tpu.memory_space<semaphore_mem>>
        %dma_start3A_356 = arith.constant 0 : i32
        %dma_start3A_357 = tpu.memref_slice %arg8[%run_scoped3A_248, %dma_start3A_356] : memref<16x125xi32, #tpu.memory_space<vmem>> -> memref<1x125xi32, #tpu.memory_space<vmem>>
        %dma_start3A_358 = tpu.memref_squeeze %dma_start3A_357 : memref<1x125xi32, #tpu.memory_space<vmem>> -> memref<125xi32, #tpu.memory_space<vmem>>
        %dma_start3A_359 = arith.constant 0 : i32
        %dma_start3A_360 = arith.constant 0 : i32
        %dma_start3A_361 = tpu.memref_slice %arg16[%dma_start3A_359, %dma_start3A_360] : memref<10000x128xf32, #tpu.memory_space<vmem_shared>> -> memref<10000x128xf32, #tpu.memory_space<vmem_shared>>
        tpu.enqueue_indirect_dma source(%arg9 : memref<125x128xf32, #tpu.memory_space<vmem>>) target(%dma_start3A_361 : memref<10000x128xf32, #tpu.memory_space<vmem_shared>>) offsets(%dma_start3A_358 : memref<125xi32, #tpu.memory_space<vmem>>) semaphore(%run_scoped3A_355 : memref<!tpu.dma_semaphore, #tpu.memory_space<semaphore_mem>>) {add = true}
        %dma_wait3A_362 = arith.constant 0 : i32
        %dma_wait3A_363 = tpu.memref_slice %arg8[%run_scoped3A_248, %dma_wait3A_362] : memref<16x125xi32, #tpu.memory_space<vmem>> -> memref<1x125xi32, #tpu.memory_space<vmem>>
        %dma_wait3A_364 = tpu.memref_squeeze %dma_wait3A_363 : memref<1x125xi32, #tpu.memory_space<vmem>> -> memref<125xi32, #tpu.memory_space<vmem>>
        %dma_wait3A_365 = arith.constant 0 : i32
        %dma_wait3A_366 = arith.constant 0 : i32
        %dma_wait3A_367 = tpu.memref_slice %arg16[%dma_wait3A_365, %dma_wait3A_366] : memref<10000x128xf32, #tpu.memory_space<vmem_shared>> -> memref<10000x128xf32, #tpu.memory_space<vmem_shared>>
        tpu.wait_indirect_dma semaphore(%run_scoped3A_355 : memref<!tpu.dma_semaphore, #tpu.memory_space<semaphore_mem>>) src(%arg9 : memref<125x128xf32, #tpu.memory_space<vmem>>) dst(%dma_wait3A_367 : memref<10000x128xf32, #tpu.memory_space<vmem_shared>>)
        tpu.yield
      }) : () -> ()
      %add3A_249 = arith.constant 1 : i32
      %add3A_250 = arith.addi %add3A_240, %add3A_249 : i32
      %dma_start3A_251 = arith.constant 0 : i32
      %dma_start3A_252 = tpu.memref_slice %arg7[%add3A_250, %dma_start3A_251] : memref<80x125xi32, #tpu.memory_space<vmem>> -> memref<1x125xi32, #tpu.memory_space<vmem>>
      %dma_start3A_253 = tpu.memref_squeeze %dma_start3A_252 : memref<1x125xi32, #tpu.memory_space<vmem>> -> memref<125xi32, #tpu.memory_space<vmem>>
      %dma_start3A_254 = arith.constant 0 : i32
      %dma_start3A_255 = arith.constant 0 : i32
      %dma_start3A_256 = tpu.memref_slice %arg2[%dma_start3A_254, %dma_start3A_255] : memref<10000x128xf32, #tpu.memory_space<hbm>> -> memref<10000x128xf32, #tpu.memory_space<hbm>>
      tpu.enqueue_indirect_dma source(%dma_start3A_256 : memref<10000x128xf32, #tpu.memory_space<hbm>>) target(%arg10 : memref<125x128xf32, #tpu.memory_space<vmem>>) offsets(%dma_start3A_253 : memref<125xi32, #tpu.memory_space<vmem>>) semaphore(%arg12 : memref<!tpu.dma_semaphore, #tpu.memory_space<semaphore_mem>>)
      %mul3A_257 = arith.constant 16 : i32
      %mul3A_258 = arith.muli %scan3A_32, %mul3A_257 : i32
      %add3A_259 = arith.constant 11 : i32
      %add3A_260 = arith.addi %mul3A_258, %add3A_259 : i32
      %dma_wait3A_261 = arith.constant 0 : i32
      %dma_wait3A_262 = arith.constant 0 : i32
      %dma_wait3A_263 = tpu.memref_slice %arg7[%dma_wait3A_261, %dma_wait3A_262] : memref<80x125xi32, #tpu.memory_space<vmem>> -> memref<1x125xi32, #tpu.memory_space<vmem>>
      %dma_wait3A_264 = tpu.memref_squeeze %dma_wait3A_263 : memref<1x125xi32, #tpu.memory_space<vmem>> -> memref<125xi32, #tpu.memory_space<vmem>>
      %dma_wait3A_265 = arith.constant 0 : i32
      %dma_wait3A_266 = arith.constant 0 : i32
      %dma_wait3A_267 = tpu.memref_slice %arg2[%dma_wait3A_265, %dma_wait3A_266] : memref<10000x128xf32, #tpu.memory_space<hbm>> -> memref<10000x128xf32, #tpu.memory_space<hbm>>
      tpu.wait_indirect_dma semaphore(%arg12 : memref<!tpu.dma_semaphore, #tpu.memory_space<semaphore_mem>>) src(%dma_wait3A_267 : memref<10000x128xf32, #tpu.memory_space<hbm>>) dst(%arg10 : memref<125x128xf32, #tpu.memory_space<vmem>>)
      %run_scoped3A_268 = arith.constant 11 : i32
      "tpu.region"() ({
        %run_scoped3A_355 = tpu.sem_alloc : memref<!tpu.dma_semaphore, #tpu.memory_space<semaphore_mem>>
        %dma_start3A_356 = arith.constant 0 : i32
        %dma_start3A_357 = tpu.memref_slice %arg8[%run_scoped3A_268, %dma_start3A_356] : memref<16x125xi32, #tpu.memory_space<vmem>> -> memref<1x125xi32, #tpu.memory_space<vmem>>
        %dma_start3A_358 = tpu.memref_squeeze %dma_start3A_357 : memref<1x125xi32, #tpu.memory_space<vmem>> -> memref<125xi32, #tpu.memory_space<vmem>>
        %dma_start3A_359 = arith.constant 0 : i32
        %dma_start3A_360 = arith.constant 0 : i32
        %dma_start3A_361 = tpu.memref_slice %arg16[%dma_start3A_359, %dma_start3A_360] : memref<10000x128xf32, #tpu.memory_space<vmem_shared>> -> memref<10000x128xf32, #tpu.memory_space<vmem_shared>>
        tpu.enqueue_indirect_dma source(%arg10 : memref<125x128xf32, #tpu.memory_space<vmem>>) target(%dma_start3A_361 : memref<10000x128xf32, #tpu.memory_space<vmem_shared>>) offsets(%dma_start3A_358 : memref<125xi32, #tpu.memory_space<vmem>>) semaphore(%run_scoped3A_355 : memref<!tpu.dma_semaphore, #tpu.memory_space<semaphore_mem>>) {add = true}
        %dma_wait3A_362 = arith.constant 0 : i32
        %dma_wait3A_363 = tpu.memref_slice %arg8[%run_scoped3A_268, %dma_wait3A_362] : memref<16x125xi32, #tpu.memory_space<vmem>> -> memref<1x125xi32, #tpu.memory_space<vmem>>
        %dma_wait3A_364 = tpu.memref_squeeze %dma_wait3A_363 : memref<1x125xi32, #tpu.memory_space<vmem>> -> memref<125xi32, #tpu.memory_space<vmem>>
        %dma_wait3A_365 = arith.constant 0 : i32
        %dma_wait3A_366 = arith.constant 0 : i32
        %dma_wait3A_367 = tpu.memref_slice %arg16[%dma_wait3A_365, %dma_wait3A_366] : memref<10000x128xf32, #tpu.memory_space<vmem_shared>> -> memref<10000x128xf32, #tpu.memory_space<vmem_shared>>
        tpu.wait_indirect_dma semaphore(%run_scoped3A_355 : memref<!tpu.dma_semaphore, #tpu.memory_space<semaphore_mem>>) src(%arg10 : memref<125x128xf32, #tpu.memory_space<vmem>>) dst(%dma_wait3A_367 : memref<10000x128xf32, #tpu.memory_space<vmem_shared>>)
        tpu.yield
      }) : () -> ()
      %add3A_269 = arith.constant 1 : i32
      %add3A_270 = arith.addi %add3A_260, %add3A_269 : i32
      %dma_start3A_271 = arith.constant 0 : i32
      %dma_start3A_272 = tpu.memref_slice %arg7[%add3A_270, %dma_start3A_271] : memref<80x125xi32, #tpu.memory_space<vmem>> -> memref<1x125xi32, #tpu.memory_space<vmem>>
      %dma_start3A_273 = tpu.memref_squeeze %dma_start3A_272 : memref<1x125xi32, #tpu.memory_space<vmem>> -> memref<125xi32, #tpu.memory_space<vmem>>
      %dma_start3A_274 = arith.constant 0 : i32
      %dma_start3A_275 = arith.constant 0 : i32
      %dma_start3A_276 = tpu.memref_slice %arg2[%dma_start3A_274, %dma_start3A_275] : memref<10000x128xf32, #tpu.memory_space<hbm>> -> memref<10000x128xf32, #tpu.memory_space<hbm>>
      tpu.enqueue_indirect_dma source(%dma_start3A_276 : memref<10000x128xf32, #tpu.memory_space<hbm>>) target(%arg9 : memref<125x128xf32, #tpu.memory_space<vmem>>) offsets(%dma_start3A_273 : memref<125xi32, #tpu.memory_space<vmem>>) semaphore(%arg11 : memref<!tpu.dma_semaphore, #tpu.memory_space<semaphore_mem>>)
      %mul3A_277 = arith.constant 16 : i32
      %mul3A_278 = arith.muli %scan3A_32, %mul3A_277 : i32
      %add3A_279 = arith.constant 12 : i32
      %add3A_280 = arith.addi %mul3A_278, %add3A_279 : i32
      %dma_wait3A_281 = arith.constant 0 : i32
      %dma_wait3A_282 = arith.constant 0 : i32
      %dma_wait3A_283 = tpu.memref_slice %arg7[%dma_wait3A_281, %dma_wait3A_282] : memref<80x125xi32, #tpu.memory_space<vmem>> -> memref<1x125xi32, #tpu.memory_space<vmem>>
      %dma_wait3A_284 = tpu.memref_squeeze %dma_wait3A_283 : memref<1x125xi32, #tpu.memory_space<vmem>> -> memref<125xi32, #tpu.memory_space<vmem>>
      %dma_wait3A_285 = arith.constant 0 : i32
      %dma_wait3A_286 = arith.constant 0 : i32
      %dma_wait3A_287 = tpu.memref_slice %arg2[%dma_wait3A_285, %dma_wait3A_286] : memref<10000x128xf32, #tpu.memory_space<hbm>> -> memref<10000x128xf32, #tpu.memory_space<hbm>>
      tpu.wait_indirect_dma semaphore(%arg11 : memref<!tpu.dma_semaphore, #tpu.memory_space<semaphore_mem>>) src(%dma_wait3A_287 : memref<10000x128xf32, #tpu.memory_space<hbm>>) dst(%arg9 : memref<125x128xf32, #tpu.memory_space<vmem>>)
      %run_scoped3A_288 = arith.constant 12 : i32
      "tpu.region"() ({
        %run_scoped3A_355 = tpu.sem_alloc : memref<!tpu.dma_semaphore, #tpu.memory_space<semaphore_mem>>
        %dma_start3A_356 = arith.constant 0 : i32
        %dma_start3A_357 = tpu.memref_slice %arg8[%run_scoped3A_288, %dma_start3A_356] : memref<16x125xi32, #tpu.memory_space<vmem>> -> memref<1x125xi32, #tpu.memory_space<vmem>>
        %dma_start3A_358 = tpu.memref_squeeze %dma_start3A_357 : memref<1x125xi32, #tpu.memory_space<vmem>> -> memref<125xi32, #tpu.memory_space<vmem>>
        %dma_start3A_359 = arith.constant 0 : i32
        %dma_start3A_360 = arith.constant 0 : i32
        %dma_start3A_361 = tpu.memref_slice %arg16[%dma_start3A_359, %dma_start3A_360] : memref<10000x128xf32, #tpu.memory_space<vmem_shared>> -> memref<10000x128xf32, #tpu.memory_space<vmem_shared>>
        tpu.enqueue_indirect_dma source(%arg9 : memref<125x128xf32, #tpu.memory_space<vmem>>) target(%dma_start3A_361 : memref<10000x128xf32, #tpu.memory_space<vmem_shared>>) offsets(%dma_start3A_358 : memref<125xi32, #tpu.memory_space<vmem>>) semaphore(%run_scoped3A_355 : memref<!tpu.dma_semaphore, #tpu.memory_space<semaphore_mem>>) {add = true}
        %dma_wait3A_362 = arith.constant 0 : i32
        %dma_wait3A_363 = tpu.memref_slice %arg8[%run_scoped3A_288, %dma_wait3A_362] : memref<16x125xi32, #tpu.memory_space<vmem>> -> memref<1x125xi32, #tpu.memory_space<vmem>>
        %dma_wait3A_364 = tpu.memref_squeeze %dma_wait3A_363 : memref<1x125xi32, #tpu.memory_space<vmem>> -> memref<125xi32, #tpu.memory_space<vmem>>
        %dma_wait3A_365 = arith.constant 0 : i32
        %dma_wait3A_366 = arith.constant 0 : i32
        %dma_wait3A_367 = tpu.memref_slice %arg16[%dma_wait3A_365, %dma_wait3A_366] : memref<10000x128xf32, #tpu.memory_space<vmem_shared>> -> memref<10000x128xf32, #tpu.memory_space<vmem_shared>>
        tpu.wait_indirect_dma semaphore(%run_scoped3A_355 : memref<!tpu.dma_semaphore, #tpu.memory_space<semaphore_mem>>) src(%arg9 : memref<125x128xf32, #tpu.memory_space<vmem>>) dst(%dma_wait3A_367 : memref<10000x128xf32, #tpu.memory_space<vmem_shared>>)
        tpu.yield
      }) : () -> ()
      %add3A_289 = arith.constant 1 : i32
      %add3A_290 = arith.addi %add3A_280, %add3A_289 : i32
      %dma_start3A_291 = arith.constant 0 : i32
      %dma_start3A_292 = tpu.memref_slice %arg7[%add3A_290, %dma_start3A_291] : memref<80x125xi32, #tpu.memory_space<vmem>> -> memref<1x125xi32, #tpu.memory_space<vmem>>
      %dma_start3A_293 = tpu.memref_squeeze %dma_start3A_292 : memref<1x125xi32, #tpu.memory_space<vmem>> -> memref<125xi32, #tpu.memory_space<vmem>>
      %dma_start3A_294 = arith.constant 0 : i32
      %dma_start3A_295 = arith.constant 0 : i32
      %dma_start3A_296 = tpu.memref_slice %arg2[%dma_start3A_294, %dma_start3A_295] : memref<10000x128xf32, #tpu.memory_space<hbm>> -> memref<10000x128xf32, #tpu.memory_space<hbm>>
      tpu.enqueue_indirect_dma source(%dma_start3A_296 : memref<10000x128xf32, #tpu.memory_space<hbm>>) target(%arg10 : memref<125x128xf32, #tpu.memory_space<vmem>>) offsets(%dma_start3A_293 : memref<125xi32, #tpu.memory_space<vmem>>) semaphore(%arg12 : memref<!tpu.dma_semaphore, #tpu.memory_space<semaphore_mem>>)
      %mul3A_297 = arith.constant 16 : i32
      %mul3A_298 = arith.muli %scan3A_32, %mul3A_297 : i32
      %add3A_299 = arith.constant 13 : i32
      %add3A_300 = arith.addi %mul3A_298, %add3A_299 : i32
      %dma_wait3A_301 = arith.constant 0 : i32
      %dma_wait3A_302 = arith.constant 0 : i32
      %dma_wait3A_303 = tpu.memref_slice %arg7[%dma_wait3A_301, %dma_wait3A_302] : memref<80x125xi32, #tpu.memory_space<vmem>> -> memref<1x125xi32, #tpu.memory_space<vmem>>
      %dma_wait3A_304 = tpu.memref_squeeze %dma_wait3A_303 : memref<1x125xi32, #tpu.memory_space<vmem>> -> memref<125xi32, #tpu.memory_space<vmem>>
      %dma_wait3A_305 = arith.constant 0 : i32
      %dma_wait3A_306 = arith.constant 0 : i32
      %dma_wait3A_307 = tpu.memref_slice %arg2[%dma_wait3A_305, %dma_wait3A_306] : memref<10000x128xf32, #tpu.memory_space<hbm>> -> memref<10000x128xf32, #tpu.memory_space<hbm>>
      tpu.wait_indirect_dma semaphore(%arg12 : memref<!tpu.dma_semaphore, #tpu.memory_space<semaphore_mem>>) src(%dma_wait3A_307 : memref<10000x128xf32, #tpu.memory_space<hbm>>) dst(%arg10 : memref<125x128xf32, #tpu.memory_space<vmem>>)
      %run_scoped3A_308 = arith.constant 13 : i32
      "tpu.region"() ({
        %run_scoped3A_355 = tpu.sem_alloc : memref<!tpu.dma_semaphore, #tpu.memory_space<semaphore_mem>>
        %dma_start3A_356 = arith.constant 0 : i32
        %dma_start3A_357 = tpu.memref_slice %arg8[%run_scoped3A_308, %dma_start3A_356] : memref<16x125xi32, #tpu.memory_space<vmem>> -> memref<1x125xi32, #tpu.memory_space<vmem>>
        %dma_start3A_358 = tpu.memref_squeeze %dma_start3A_357 : memref<1x125xi32, #tpu.memory_space<vmem>> -> memref<125xi32, #tpu.memory_space<vmem>>
        %dma_start3A_359 = arith.constant 0 : i32
        %dma_start3A_360 = arith.constant 0 : i32
        %dma_start3A_361 = tpu.memref_slice %arg16[%dma_start3A_359, %dma_start3A_360] : memref<10000x128xf32, #tpu.memory_space<vmem_shared>> -> memref<10000x128xf32, #tpu.memory_space<vmem_shared>>
        tpu.enqueue_indirect_dma source(%arg10 : memref<125x128xf32, #tpu.memory_space<vmem>>) target(%dma_start3A_361 : memref<10000x128xf32, #tpu.memory_space<vmem_shared>>) offsets(%dma_start3A_358 : memref<125xi32, #tpu.memory_space<vmem>>) semaphore(%run_scoped3A_355 : memref<!tpu.dma_semaphore, #tpu.memory_space<semaphore_mem>>) {add = true}
        %dma_wait3A_362 = arith.constant 0 : i32
        %dma_wait3A_363 = tpu.memref_slice %arg8[%run_scoped3A_308, %dma_wait3A_362] : memref<16x125xi32, #tpu.memory_space<vmem>> -> memref<1x125xi32, #tpu.memory_space<vmem>>
        %dma_wait3A_364 = tpu.memref_squeeze %dma_wait3A_363 : memref<1x125xi32, #tpu.memory_space<vmem>> -> memref<125xi32, #tpu.memory_space<vmem>>
        %dma_wait3A_365 = arith.constant 0 : i32
        %dma_wait3A_366 = arith.constant 0 : i32
        %dma_wait3A_367 = tpu.memref_slice %arg16[%dma_wait3A_365, %dma_wait3A_366] : memref<10000x128xf32, #tpu.memory_space<vmem_shared>> -> memref<10000x128xf32, #tpu.memory_space<vmem_shared>>
        tpu.wait_indirect_dma semaphore(%run_scoped3A_355 : memref<!tpu.dma_semaphore, #tpu.memory_space<semaphore_mem>>) src(%arg10 : memref<125x128xf32, #tpu.memory_space<vmem>>) dst(%dma_wait3A_367 : memref<10000x128xf32, #tpu.memory_space<vmem_shared>>)
        tpu.yield
      }) : () -> ()
      %add3A_309 = arith.constant 1 : i32
      %add3A_310 = arith.addi %add3A_300, %add3A_309 : i32
      %dma_start3A_311 = arith.constant 0 : i32
      %dma_start3A_312 = tpu.memref_slice %arg7[%add3A_310, %dma_start3A_311] : memref<80x125xi32, #tpu.memory_space<vmem>> -> memref<1x125xi32, #tpu.memory_space<vmem>>
      %dma_start3A_313 = tpu.memref_squeeze %dma_start3A_312 : memref<1x125xi32, #tpu.memory_space<vmem>> -> memref<125xi32, #tpu.memory_space<vmem>>
      %dma_start3A_314 = arith.constant 0 : i32
      %dma_start3A_315 = arith.constant 0 : i32
      %dma_start3A_316 = tpu.memref_slice %arg2[%dma_start3A_314, %dma_start3A_315] : memref<10000x128xf32, #tpu.memory_space<hbm>> -> memref<10000x128xf32, #tpu.memory_space<hbm>>
      tpu.enqueue_indirect_dma source(%dma_start3A_316 : memref<10000x128xf32, #tpu.memory_space<hbm>>) target(%arg9 : memref<125x128xf32, #tpu.memory_space<vmem>>) offsets(%dma_start3A_313 : memref<125xi32, #tpu.memory_space<vmem>>) semaphore(%arg11 : memref<!tpu.dma_semaphore, #tpu.memory_space<semaphore_mem>>)
      %mul3A_317 = arith.constant 16 : i32
      %mul3A_318 = arith.muli %scan3A_32, %mul3A_317 : i32
      %add3A_319 = arith.constant 14 : i32
      %add3A_320 = arith.addi %mul3A_318, %add3A_319 : i32
      %dma_wait3A_321 = arith.constant 0 : i32
      %dma_wait3A_322 = arith.constant 0 : i32
      %dma_wait3A_323 = tpu.memref_slice %arg7[%dma_wait3A_321, %dma_wait3A_322] : memref<80x125xi32, #tpu.memory_space<vmem>> -> memref<1x125xi32, #tpu.memory_space<vmem>>
      %dma_wait3A_324 = tpu.memref_squeeze %dma_wait3A_323 : memref<1x125xi32, #tpu.memory_space<vmem>> -> memref<125xi32, #tpu.memory_space<vmem>>
      %dma_wait3A_325 = arith.constant 0 : i32
      %dma_wait3A_326 = arith.constant 0 : i32
      %dma_wait3A_327 = tpu.memref_slice %arg2[%dma_wait3A_325, %dma_wait3A_326] : memref<10000x128xf32, #tpu.memory_space<hbm>> -> memref<10000x128xf32, #tpu.memory_space<hbm>>
      tpu.wait_indirect_dma semaphore(%arg11 : memref<!tpu.dma_semaphore, #tpu.memory_space<semaphore_mem>>) src(%dma_wait3A_327 : memref<10000x128xf32, #tpu.memory_space<hbm>>) dst(%arg9 : memref<125x128xf32, #tpu.memory_space<vmem>>)
      %run_scoped3A_328 = arith.constant 14 : i32
      "tpu.region"() ({
        %run_scoped3A_355 = tpu.sem_alloc : memref<!tpu.dma_semaphore, #tpu.memory_space<semaphore_mem>>
        %dma_start3A_356 = arith.constant 0 : i32
        %dma_start3A_357 = tpu.memref_slice %arg8[%run_scoped3A_328, %dma_start3A_356] : memref<16x125xi32, #tpu.memory_space<vmem>> -> memref<1x125xi32, #tpu.memory_space<vmem>>
        %dma_start3A_358 = tpu.memref_squeeze %dma_start3A_357 : memref<1x125xi32, #tpu.memory_space<vmem>> -> memref<125xi32, #tpu.memory_space<vmem>>
        %dma_start3A_359 = arith.constant 0 : i32
        %dma_start3A_360 = arith.constant 0 : i32
        %dma_start3A_361 = tpu.memref_slice %arg16[%dma_start3A_359, %dma_start3A_360] : memref<10000x128xf32, #tpu.memory_space<vmem_shared>> -> memref<10000x128xf32, #tpu.memory_space<vmem_shared>>
        tpu.enqueue_indirect_dma source(%arg9 : memref<125x128xf32, #tpu.memory_space<vmem>>) target(%dma_start3A_361 : memref<10000x128xf32, #tpu.memory_space<vmem_shared>>) offsets(%dma_start3A_358 : memref<125xi32, #tpu.memory_space<vmem>>) semaphore(%run_scoped3A_355 : memref<!tpu.dma_semaphore, #tpu.memory_space<semaphore_mem>>) {add = true}
        %dma_wait3A_362 = arith.constant 0 : i32
        %dma_wait3A_363 = tpu.memref_slice %arg8[%run_scoped3A_328, %dma_wait3A_362] : memref<16x125xi32, #tpu.memory_space<vmem>> -> memref<1x125xi32, #tpu.memory_space<vmem>>
        %dma_wait3A_364 = tpu.memref_squeeze %dma_wait3A_363 : memref<1x125xi32, #tpu.memory_space<vmem>> -> memref<125xi32, #tpu.memory_space<vmem>>
        %dma_wait3A_365 = arith.constant 0 : i32
        %dma_wait3A_366 = arith.constant 0 : i32
        %dma_wait3A_367 = tpu.memref_slice %arg16[%dma_wait3A_365, %dma_wait3A_366] : memref<10000x128xf32, #tpu.memory_space<vmem_shared>> -> memref<10000x128xf32, #tpu.memory_space<vmem_shared>>
        tpu.wait_indirect_dma semaphore(%run_scoped3A_355 : memref<!tpu.dma_semaphore, #tpu.memory_space<semaphore_mem>>) src(%arg9 : memref<125x128xf32, #tpu.memory_space<vmem>>) dst(%dma_wait3A_367 : memref<10000x128xf32, #tpu.memory_space<vmem_shared>>)
        tpu.yield
      }) : () -> ()
      %add3A_329 = arith.constant 1 : i32
      %add3A_330 = arith.addi %add3A_320, %add3A_329 : i32
      %dma_start3A_331 = arith.constant 0 : i32
      %dma_start3A_332 = tpu.memref_slice %arg7[%add3A_330, %dma_start3A_331] : memref<80x125xi32, #tpu.memory_space<vmem>> -> memref<1x125xi32, #tpu.memory_space<vmem>>
      %dma_start3A_333 = tpu.memref_squeeze %dma_start3A_332 : memref<1x125xi32, #tpu.memory_space<vmem>> -> memref<125xi32, #tpu.memory_space<vmem>>
      %dma_start3A_334 = arith.constant 0 : i32
      %dma_start3A_335 = arith.constant 0 : i32
      %dma_start3A_336 = tpu.memref_slice %arg2[%dma_start3A_334, %dma_start3A_335] : memref<10000x128xf32, #tpu.memory_space<hbm>> -> memref<10000x128xf32, #tpu.memory_space<hbm>>
      tpu.enqueue_indirect_dma source(%dma_start3A_336 : memref<10000x128xf32, #tpu.memory_space<hbm>>) target(%arg10 : memref<125x128xf32, #tpu.memory_space<vmem>>) offsets(%dma_start3A_333 : memref<125xi32, #tpu.memory_space<vmem>>) semaphore(%arg12 : memref<!tpu.dma_semaphore, #tpu.memory_space<semaphore_mem>>)
      %mul3A_337 = arith.constant 16 : i32
      %mul3A_338 = arith.muli %scan3A_32, %mul3A_337 : i32
      %add3A_339 = arith.constant 15 : i32
      %add3A_340 = arith.addi %mul3A_338, %add3A_339 : i32
      %dma_wait3A_341 = arith.constant 0 : i32
      %dma_wait3A_342 = arith.constant 0 : i32
      %dma_wait3A_343 = tpu.memref_slice %arg7[%dma_wait3A_341, %dma_wait3A_342] : memref<80x125xi32, #tpu.memory_space<vmem>> -> memref<1x125xi32, #tpu.memory_space<vmem>>
      %dma_wait3A_344 = tpu.memref_squeeze %dma_wait3A_343 : memref<1x125xi32, #tpu.memory_space<vmem>> -> memref<125xi32, #tpu.memory_space<vmem>>
      %dma_wait3A_345 = arith.constant 0 : i32
      %dma_wait3A_346 = arith.constant 0 : i32
      %dma_wait3A_347 = tpu.memref_slice %arg2[%dma_wait3A_345, %dma_wait3A_346] : memref<10000x128xf32, #tpu.memory_space<hbm>> -> memref<10000x128xf32, #tpu.memory_space<hbm>>
      tpu.wait_indirect_dma semaphore(%arg12 : memref<!tpu.dma_semaphore, #tpu.memory_space<semaphore_mem>>) src(%dma_wait3A_347 : memref<10000x128xf32, #tpu.memory_space<hbm>>) dst(%arg10 : memref<125x128xf32, #tpu.memory_space<vmem>>)
      %run_scoped3A_348 = arith.constant 15 : i32
      "tpu.region"() ({
        %run_scoped3A_355 = tpu.sem_alloc : memref<!tpu.dma_semaphore, #tpu.memory_space<semaphore_mem>>
        %dma_start3A_356 = arith.constant 0 : i32
        %dma_start3A_357 = tpu.memref_slice %arg8[%run_scoped3A_348, %dma_start3A_356] : memref<16x125xi32, #tpu.memory_space<vmem>> -> memref<1x125xi32, #tpu.memory_space<vmem>>
        %dma_start3A_358 = tpu.memref_squeeze %dma_start3A_357 : memref<1x125xi32, #tpu.memory_space<vmem>> -> memref<125xi32, #tpu.memory_space<vmem>>
        %dma_start3A_359 = arith.constant 0 : i32
        %dma_start3A_360 = arith.constant 0 : i32
        %dma_start3A_361 = tpu.memref_slice %arg16[%dma_start3A_359, %dma_start3A_360] : memref<10000x128xf32, #tpu.memory_space<vmem_shared>> -> memref<10000x128xf32, #tpu.memory_space<vmem_shared>>
        tpu.enqueue_indirect_dma source(%arg10 : memref<125x128xf32, #tpu.memory_space<vmem>>) target(%dma_start3A_361 : memref<10000x128xf32, #tpu.memory_space<vmem_shared>>) offsets(%dma_start3A_358 : memref<125xi32, #tpu.memory_space<vmem>>) semaphore(%run_scoped3A_355 : memref<!tpu.dma_semaphore, #tpu.memory_space<semaphore_mem>>) {add = true}
        %dma_wait3A_362 = arith.constant 0 : i32
        %dma_wait3A_363 = tpu.memref_slice %arg8[%run_scoped3A_348, %dma_wait3A_362] : memref<16x125xi32, #tpu.memory_space<vmem>> -> memref<1x125xi32, #tpu.memory_space<vmem>>
        %dma_wait3A_364 = tpu.memref_squeeze %dma_wait3A_363 : memref<1x125xi32, #tpu.memory_space<vmem>> -> memref<125xi32, #tpu.memory_space<vmem>>
        %dma_wait3A_365 = arith.constant 0 : i32
        %dma_wait3A_366 = arith.constant 0 : i32
        %dma_wait3A_367 = tpu.memref_slice %arg16[%dma_wait3A_365, %dma_wait3A_366] : memref<10000x128xf32, #tpu.memory_space<vmem_shared>> -> memref<10000x128xf32, #tpu.memory_space<vmem_shared>>
        tpu.wait_indirect_dma semaphore(%run_scoped3A_355 : memref<!tpu.dma_semaphore, #tpu.memory_space<semaphore_mem>>) src(%arg10 : memref<125x128xf32, #tpu.memory_space<vmem>>) dst(%dma_wait3A_367 : memref<10000x128xf32, #tpu.memory_space<vmem_shared>>)
        tpu.yield
      }) : () -> ()
      %lt3A_349 = arith.constant 4 : i32
      %lt3A_350 = arith.cmpi slt, %scan3A_32, %lt3A_349 : i32
      %convert_element_type3A_351 = arith.extui %lt3A_350 : i1 to i32
      %cond3A_352 = arith.constant 0 : i32
      %cond3A_353 = arith.cmpi ne, %convert_element_type3A_351, %cond3A_352 : i32
      scf.if %cond3A_353 {
        %add3A_355 = arith.constant 1 : i32
        %add3A_356 = arith.addi %add3A_340, %add3A_355 : i32
        %dma_start3A_357 = arith.constant 0 : i32
        %dma_start3A_358 = tpu.memref_slice %arg7[%add3A_356, %dma_start3A_357] : memref<80x125xi32, #tpu.memory_space<vmem>> -> memref<1x125xi32, #tpu.memory_space<vmem>>
        %dma_start3A_359 = tpu.memref_squeeze %dma_start3A_358 : memref<1x125xi32, #tpu.memory_space<vmem>> -> memref<125xi32, #tpu.memory_space<vmem>>
        %dma_start3A_360 = arith.constant 0 : i32
        %dma_start3A_361 = arith.constant 0 : i32
        %dma_start3A_362 = tpu.memref_slice %arg2[%dma_start3A_360, %dma_start3A_361] : memref<10000x128xf32, #tpu.memory_space<hbm>> -> memref<10000x128xf32, #tpu.memory_space<hbm>>
        tpu.enqueue_indirect_dma source(%dma_start3A_362 : memref<10000x128xf32, #tpu.memory_space<hbm>>) target(%arg9 : memref<125x128xf32, #tpu.memory_space<vmem>>) offsets(%dma_start3A_359 : memref<125xi32, #tpu.memory_space<vmem>>) semaphore(%arg11 : memref<!tpu.dma_semaphore, #tpu.memory_space<semaphore_mem>>)
      } else {
      }
      %scan3A_354 = arith.constant 0 : i32
      scf.yield %scan3A_354 : i32
    }
    %scan3A_20 = arith.constant 5 : i32
    %barrier3A_21 = arith.constant 0 : index
    tpu.barrier barrier_id(%barrier3A_21)
    %lt3A_22 = arith.constant 15 : i32
    %lt3A_23 = arith.cmpi slt, %arg1, %lt3A_22 : i32
    %convert_element_type3A_24 = arith.extui %lt3A_23 : i1 to i32
    %cond3A_25 = arith.constant 0 : i32
    %cond3A_26 = arith.cmpi ne, %convert_element_type3A_24, %cond3A_25 : i32
    scf.if %cond3A_26 {
      %mul3A_32 = arith.constant 632 : i32
      %mul3A_33 = arith.muli %arg1, %mul3A_32 : i32
      %mul3A_34 = arith.constant 632 : i32
      %mul3A_35 = arith.muli %arg1, %mul3A_34 : i32
      "tpu.region"() ({
        %run_scoped3A = tpu.sem_alloc : memref<!tpu.dma_semaphore, #tpu.memory_space<semaphore_mem>>
        %dma_start3A_36 = arith.constant 0 : i32
        %dma_start3A_37 = tpu.memref_slice %arg6[%arg0, %mul3A_35, %dma_start3A_36] : memref<2x10000x128xf32, #tpu.memory_space<hbm>> -> memref<1x632x128xf32, #tpu.memory_space<hbm>>
        %dma_start3A_38 = tpu.memref_squeeze %dma_start3A_37 : memref<1x632x128xf32, #tpu.memory_space<hbm>> -> memref<632x128xf32, #tpu.memory_space<hbm>>
        %dma_start3A_39 = arith.constant 0 : i32
        %dma_start3A_40 = tpu.memref_slice %arg16[%mul3A_33, %dma_start3A_39] : memref<10000x128xf32, #tpu.memory_space<vmem_shared>> -> memref<632x128xf32, #tpu.memory_space<vmem_shared>>
        tpu.enqueue_dma source(%dma_start3A_40 : memref<632x128xf32, #tpu.memory_space<vmem_shared>>) target(%dma_start3A_38 : memref<632x128xf32, #tpu.memory_space<hbm>>) target_semaphore(%run_scoped3A : memref<!tpu.dma_semaphore, #tpu.memory_space<semaphore_mem>>)
        %dma_wait3A = arith.constant 0 : i32
        %dma_wait3A_41 = tpu.memref_slice %arg6[%arg0, %mul3A_35, %dma_wait3A] : memref<2x10000x128xf32, #tpu.memory_space<hbm>> -> memref<1x632x128xf32, #tpu.memory_space<hbm>>
        %dma_wait3A_42 = tpu.memref_squeeze %dma_wait3A_41 : memref<1x632x128xf32, #tpu.memory_space<hbm>> -> memref<632x128xf32, #tpu.memory_space<hbm>>
        %dma_wait3A_43 = arith.constant 0 : i32
        %dma_wait3A_44 = tpu.memref_slice %arg16[%mul3A_33, %dma_wait3A_43] : memref<10000x128xf32, #tpu.memory_space<vmem_shared>> -> memref<632x128xf32, #tpu.memory_space<vmem_shared>>
        tpu.wait_dma2 semaphore(%run_scoped3A : memref<!tpu.dma_semaphore, #tpu.memory_space<semaphore_mem>>) src(%dma_wait3A_44 : memref<632x128xf32, #tpu.memory_space<vmem_shared>>) dst(%dma_wait3A_42 : memref<632x128xf32, #tpu.memory_space<hbm>>)
        tpu.yield
      }) : () -> ()
    } else {
    }
    %eq3A_27 = arith.constant 15 : i32
    %eq3A_28 = arith.cmpi eq, %arg1, %eq3A_27 : i32
    %convert_element_type3A_29 = arith.extui %eq3A_28 : i1 to i32
    %cond3A_30 = arith.constant 0 : i32
    %cond3A_31 = arith.cmpi ne, %convert_element_type3A_29, %cond3A_30 : i32
    scf.if %cond3A_31 {
      "tpu.region"() ({
        %run_scoped3A = tpu.sem_alloc : memref<!tpu.dma_semaphore, #tpu.memory_space<semaphore_mem>>
        %dma_start3A_32 = arith.constant 9480 : i32
        %dma_start3A_33 = arith.constant 0 : i32
        %dma_start3A_34 = tpu.memref_slice %arg6[%arg0, %dma_start3A_32, %dma_start3A_33] : memref<2x10000x128xf32, #tpu.memory_space<hbm>> -> memref<1x520x128xf32, #tpu.memory_space<hbm>>
        %dma_start3A_35 = tpu.memref_squeeze %dma_start3A_34 : memref<1x520x128xf32, #tpu.memory_space<hbm>> -> memref<520x128xf32, #tpu.memory_space<hbm>>
        %dma_start3A_36 = arith.constant 9480 : i32
        %dma_start3A_37 = arith.constant 0 : i32
        %dma_start3A_38 = tpu.memref_slice %arg16[%dma_start3A_36, %dma_start3A_37] : memref<10000x128xf32, #tpu.memory_space<vmem_shared>> -> memref<520x128xf32, #tpu.memory_space<vmem_shared>>
        tpu.enqueue_dma source(%dma_start3A_38 : memref<520x128xf32, #tpu.memory_space<vmem_shared>>) target(%dma_start3A_35 : memref<520x128xf32, #tpu.memory_space<hbm>>) target_semaphore(%run_scoped3A : memref<!tpu.dma_semaphore, #tpu.memory_space<semaphore_mem>>)
        %dma_wait3A = arith.constant 9480 : i32
        %dma_wait3A_39 = arith.constant 0 : i32
        %dma_wait3A_40 = tpu.memref_slice %arg6[%arg0, %dma_wait3A, %dma_wait3A_39] : memref<2x10000x128xf32, #tpu.memory_space<hbm>> -> memref<1x520x128xf32, #tpu.memory_space<hbm>>
        %dma_wait3A_41 = tpu.memref_squeeze %dma_wait3A_40 : memref<1x520x128xf32, #tpu.memory_space<hbm>> -> memref<520x128xf32, #tpu.memory_space<hbm>>
        %dma_wait3A_42 = arith.constant 9480 : i32
        %dma_wait3A_43 = arith.constant 0 : i32
        %dma_wait3A_44 = tpu.memref_slice %arg16[%dma_wait3A_42, %dma_wait3A_43] : memref<10000x128xf32, #tpu.memory_space<vmem_shared>> -> memref<520x128xf32, #tpu.memory_space<vmem_shared>>
        tpu.wait_dma2 semaphore(%run_scoped3A : memref<!tpu.dma_semaphore, #tpu.memory_space<semaphore_mem>>) src(%dma_wait3A_44 : memref<520x128xf32, #tpu.memory_space<vmem_shared>>) dst(%dma_wait3A_41 : memref<520x128xf32, #tpu.memory_space<hbm>>)
        tpu.yield
      }) : () -> ()
    } else {
    }
    return
  }
}

#map = affine_map<(d0, d1) -> (0, 0)>
#map1 = affine_map<(d0, d1) -> (0, 0, 0)>
module attributes {stable_mosaic.version = 14 : i64} {
  func.func @_scatter_kernel(%arg0: i32, %arg1: i32, %arg2: memref<10000x128xf32, #tpu.memory_space<hbm>>, %arg3: memref<2560x125xi32, #tpu.memory_space<hbm>>, %arg4: memref<2560x125xi32, #tpu.memory_space<hbm>>, %arg5: memref<632x128xf32, #tpu.memory_space<hbm>>, %arg6: memref<2x10000x128xf32, #tpu.memory_space<hbm>>, %arg7: memref<80x125xi32, #tpu.memory_space<vmem>>, %arg8: memref<16x125xi32, #tpu.memory_space<vmem>>, %arg9: memref<125x128xf32, #tpu.memory_space<vmem>>, %arg10: memref<125x128xf32, #tpu.memory_space<vmem>>, %arg11: memref<!tpu.dma_semaphore, #tpu.memory_space<semaphore_mem>>, %arg12: memref<!tpu.dma_semaphore, #tpu.memory_space<semaphore_mem>>, %arg13: memref<!tpu.dma_semaphore, #tpu.memory_space<semaphore_mem>>, %arg14: memref<!tpu.dma_semaphore, #tpu.memory_space<semaphore_mem>>, %arg15: memref<!tpu.dma_semaphore, #tpu.memory_space<semaphore_mem>>, %arg16: memref<10000x128xf32, #tpu.memory_space<vmem_shared>>) attributes {dimension_semantics = [#tpu.dimension_semantics<core_parallel>, #tpu.dimension_semantics<subcore_parallel>], iteration_bounds = array<i64: 2, 16>, scalar_prefetch = 0 : i64, scratch_operands = 10 : i64, tpu.core_type = #tpu.core_type<sc_vector_subcore>, window_params = [{transform_indices = #map}, {transform_indices = #map}, {transform_indices = #map}, {transform_indices = #map}, {transform_indices = #map1}]} {
    %mul3A = arith.constant 16 : i32
    %mul3A_0 = arith.muli %arg0, %mul3A : i32
    %add3A = arith.addi %mul3A_0, %arg1 : i32
    %lt3A = arith.constant 15 : i32
    %lt3A_1 = arith.cmpi slt, %arg1, %lt3A : i32
    %convert_element_type3A = arith.extui %lt3A_1 : i1 to i32
    %cond3A = arith.constant 0 : i32
    %cond3A_2 = arith.cmpi ne, %convert_element_type3A, %cond3A : i32
    scf.if %cond3A_2 {
      %mul3A_32 = arith.constant 632 : i32
      %mul3A_33 = arith.muli %arg1, %mul3A_32 : i32
      "tpu.region"() ({
        %run_scoped3A = tpu.sem_alloc : memref<!tpu.dma_semaphore, #tpu.memory_space<semaphore_mem>>
        %dma_start3A_34 = arith.constant 0 : i32
        %dma_start3A_35 = tpu.memref_slice %arg16[%mul3A_33, %dma_start3A_34] : memref<10000x128xf32, #tpu.memory_space<vmem_shared>> -> memref<632x128xf32, #tpu.memory_space<vmem_shared>>
        tpu.enqueue_dma source(%arg5 : memref<632x128xf32, #tpu.memory_space<hbm>>) target(%dma_start3A_35 : memref<632x128xf32, #tpu.memory_space<vmem_shared>>) target_semaphore(%run_scoped3A : memref<!tpu.dma_semaphore, #tpu.memory_space<semaphore_mem>>)
        %dma_wait3A = arith.constant 0 : i32
        %dma_wait3A_36 = tpu.memref_slice %arg16[%mul3A_33, %dma_wait3A] : memref<10000x128xf32, #tpu.memory_space<vmem_shared>> -> memref<632x128xf32, #tpu.memory_space<vmem_shared>>
        tpu.wait_dma2 semaphore(%run_scoped3A : memref<!tpu.dma_semaphore, #tpu.memory_space<semaphore_mem>>) src(%arg5 : memref<632x128xf32, #tpu.memory_space<hbm>>) dst(%dma_wait3A_36 : memref<632x128xf32, #tpu.memory_space<vmem_shared>>)
        tpu.yield
      }) : () -> ()
    } else {
    }
    %eq3A = arith.constant 15 : i32
    %eq3A_3 = arith.cmpi eq, %arg1, %eq3A : i32
    %convert_element_type3A_4 = arith.extui %eq3A_3 : i1 to i32
    %cond3A_5 = arith.constant 0 : i32
    %cond3A_6 = arith.cmpi ne, %convert_element_type3A_4, %cond3A_5 : i32
    scf.if %cond3A_6 {
      "tpu.region"() ({
        %run_scoped3A = tpu.sem_alloc : memref<!tpu.dma_semaphore, #tpu.memory_space<semaphore_mem>>
        %dma_start3A_32 = arith.constant 9480 : i32
        %dma_start3A_33 = arith.constant 0 : i32
        %dma_start3A_34 = tpu.memref_slice %arg16[%dma_start3A_32, %dma_start3A_33] : memref<10000x128xf32, #tpu.memory_space<vmem_shared>> -> memref<520x128xf32, #tpu.memory_space<vmem_shared>>
        %dma_start3A_35 = arith.constant 0 : i32
        %dma_start3A_36 = arith.constant 0 : i32
        %dma_start3A_37 = tpu.memref_slice %arg5[%dma_start3A_35, %dma_start3A_36] : memref<632x128xf32, #tpu.memory_space<hbm>> -> memref<520x128xf32, #tpu.memory_space<hbm>>
        tpu.enqueue_dma source(%dma_start3A_37 : memref<520x128xf32, #tpu.memory_space<hbm>>) target(%dma_start3A_34 : memref<520x128xf32, #tpu.memory_space<vmem_shared>>) target_semaphore(%run_scoped3A : memref<!tpu.dma_semaphore, #tpu.memory_space<semaphore_mem>>)
        %dma_wait3A = arith.constant 9480 : i32
        %dma_wait3A_38 = arith.constant 0 : i32
        %dma_wait3A_39 = tpu.memref_slice %arg16[%dma_wait3A, %dma_wait3A_38] : memref<10000x128xf32, #tpu.memory_space<vmem_shared>> -> memref<520x128xf32, #tpu.memory_space<vmem_shared>>
        %dma_wait3A_40 = arith.constant 0 : i32
        %dma_wait3A_41 = arith.constant 0 : i32
        %dma_wait3A_42 = tpu.memref_slice %arg5[%dma_wait3A_40, %dma_wait3A_41] : memref<632x128xf32, #tpu.memory_space<hbm>> -> memref<520x128xf32, #tpu.memory_space<hbm>>
        tpu.wait_dma2 semaphore(%run_scoped3A : memref<!tpu.dma_semaphore, #tpu.memory_space<semaphore_mem>>) src(%dma_wait3A_42 : memref<520x128xf32, #tpu.memory_space<hbm>>) dst(%dma_wait3A_39 : memref<520x128xf32, #tpu.memory_space<vmem_shared>>)
        tpu.yield
      }) : () -> ()
    } else {
    }
    %barrier3A = arith.constant 0 : index
    tpu.barrier barrier_id(%barrier3A)
    %mul3A_7 = arith.constant 80 : i32
    %mul3A_8 = arith.muli %add3A, %mul3A_7 : i32
    "tpu.region"() ({
      %run_scoped3A = tpu.sem_alloc : memref<!tpu.dma_semaphore, #tpu.memory_space<semaphore_mem>>
      %dma_start3A_32 = arith.constant 0 : i32
      %dma_start3A_33 = tpu.memref_slice %arg3[%mul3A_8, %dma_start3A_32] : memref<2560x125xi32, #tpu.memory_space<hbm>> -> memref<80x125xi32, #tpu.memory_space<hbm>>
      %dma_start3A_34 = arith.constant 0 : i32
      %dma_start3A_35 = tpu.memref_slice %arg3[%mul3A_8, %dma_start3A_34] : memref<2560x125xi32, #tpu.memory_space<hbm>> -> memref<80x125xi32, #tpu.memory_space<hbm>>
      tpu.enqueue_dma source(%dma_start3A_35 : memref<80x125xi32, #tpu.memory_space<hbm>>) target(%arg7 : memref<80x125xi32, #tpu.memory_space<vmem>>) target_semaphore(%run_scoped3A : memref<!tpu.dma_semaphore, #tpu.memory_space<semaphore_mem>>)
      %dma_wait3A = arith.constant 0 : i32
      %dma_wait3A_36 = tpu.memref_slice %arg3[%mul3A_8, %dma_wait3A] : memref<2560x125xi32, #tpu.memory_space<hbm>> -> memref<80x125xi32, #tpu.memory_space<hbm>>
      %dma_wait3A_37 = arith.constant 0 : i32
      %dma_wait3A_38 = tpu.memref_slice %arg3[%mul3A_8, %dma_wait3A_37] : memref<2560x125xi32, #tpu.memory_space<hbm>> -> memref<80x125xi32, #tpu.memory_space<hbm>>
      tpu.wait_dma2 semaphore(%run_scoped3A : memref<!tpu.dma_semaphore, #tpu.memory_space<semaphore_mem>>) src(%dma_wait3A_38 : memref<80x125xi32, #tpu.memory_space<hbm>>) dst(%arg7 : memref<80x125xi32, #tpu.memory_space<vmem>>)
      tpu.yield
    }) : () -> ()
    %dma_start3A = arith.constant 0 : i32
    %dma_start3A_9 = arith.constant 0 : i32
    %dma_start3A_10 = tpu.memref_slice %arg7[%dma_start3A, %dma_start3A_9] : memref<80x125xi32, #tpu.memory_space<vmem>> -> memref<1x125xi32, #tpu.memory_space<vmem>>
    %dma_start3A_11 = tpu.memref_squeeze %dma_start3A_10 : memref<1x125xi32, #tpu.memory_space<vmem>> -> memref<125xi32, #tpu.memory_space<vmem>>
    %dma_start3A_12 = arith.constant 0 : i32
    %dma_start3A_13 = arith.constant 0 : i32
    %dma_start3A_14 = tpu.memref_slice %arg2[%dma_start3A_12, %dma_start3A_13] : memref<10000x128xf32, #tpu.memory_space<hbm>> -> memref<10000x128xf32, #tpu.memory_space<hbm>>
    tpu.enqueue_indirect_dma source(%dma_start3A_14 : memref<10000x128xf32, #tpu.memory_space<hbm>>) target(%arg9 : memref<125x128xf32, #tpu.memory_space<vmem>>) offsets(%dma_start3A_11 : memref<125xi32, #tpu.memory_space<vmem>>) semaphore(%arg11 : memref<!tpu.dma_semaphore, #tpu.memory_space<semaphore_mem>>)
    %scan3A = arith.constant 0 : i32
    %scan3A_15 = arith.constant 0 : i32
    %scan3A_16 = arith.constant 5 : i32
    %scan3A_17 = arith.addi %scan3A_15, %scan3A_16 : i32
    %scan3A_18 = arith.constant 1 : i32
    %scan3A_19 = scf.for %scan3A_32 = %scan3A_15 to %scan3A_17 step %scan3A_18 iter_args(%scan3A_33 = %scan3A) -> (i32)  : i32 {
      %mul3A_34 = arith.constant 80 : i32
      %mul3A_35 = arith.muli %add3A, %mul3A_34 : i32
      %mul3A_36 = arith.constant 16 : i32
      %mul3A_37 = arith.muli %scan3A_32, %mul3A_36 : i32
      %add3A_38 = arith.addi %mul3A_35, %mul3A_37 : i32
      "tpu.region"() ({
        %run_scoped3A_355 = tpu.sem_alloc : memref<!tpu.dma_semaphore, #tpu.memory_space<semaphore_mem>>
        %dma_start3A_356 = arith.constant 0 : i32
        %dma_start3A_357 = tpu.memref_slice %arg4[%add3A_38, %dma_start3A_356] : memref<2560x125xi32, #tpu.memory_space<hbm>> -> memref<16x125xi32, #tpu.memory_space<hbm>>
        %dma_start3A_358 = arith.constant 0 : i32
        %dma_start3A_359 = tpu.memref_slice %arg4[%add3A_38, %dma_start3A_358] : memref<2560x125xi32, #tpu.memory_space<hbm>> -> memref<16x125xi32, #tpu.memory_space<hbm>>
        tpu.enqueue_dma source(%dma_start3A_359 : memref<16x125xi32, #tpu.memory_space<hbm>>) target(%arg8 : memref<16x125xi32, #tpu.memory_space<vmem>>) target_semaphore(%run_scoped3A_355 : memref<!tpu.dma_semaphore, #tpu.memory_space<semaphore_mem>>)
        %dma_wait3A_360 = arith.constant 0 : i32
        %dma_wait3A_361 = tpu.memref_slice %arg4[%add3A_38, %dma_wait3A_360] : memref<2560x125xi32, #tpu.memory_space<hbm>> -> memref<16x125xi32, #tpu.memory_space<hbm>>
        %dma_wait3A_362 = arith.constant 0 : i32
        %dma_wait3A_363 = tpu.memref_slice %arg4[%add3A_38, %dma_wait3A_362] : memref<2560x125xi32, #tpu.memory_space<hbm>> -> memref<16x125xi32, #tpu.memory_space<hbm>>
        tpu.wait_dma2 semaphore(%run_scoped3A_355 : memref<!tpu.dma_semaphore, #tpu.memory_space<semaphore_mem>>) src(%dma_wait3A_363 : memref<16x125xi32, #tpu.memory_space<hbm>>) dst(%arg8 : memref<16x125xi32, #tpu.memory_space<vmem>>)
        tpu.yield
      }) : () -> ()
      %mul3A_39 = arith.constant 16 : i32
      %mul3A_40 = arith.muli %scan3A_32, %mul3A_39 : i32
      %add3A_41 = arith.constant 0 : i32
      %add3A_42 = arith.addi %mul3A_40, %add3A_41 : i32
      %dma_wait3A = arith.constant 0 : i32
      %dma_wait3A_43 = arith.constant 0 : i32
      %dma_wait3A_44 = tpu.memref_slice %arg7[%dma_wait3A, %dma_wait3A_43] : memref<80x125xi32, #tpu.memory_space<vmem>> -> memref<1x125xi32, #tpu.memory_space<vmem>>
      %dma_wait3A_45 = tpu.memref_squeeze %dma_wait3A_44 : memref<1x125xi32, #tpu.memory_space<vmem>> -> memref<125xi32, #tpu.memory_space<vmem>>
      %dma_wait3A_46 = arith.constant 0 : i32
      %dma_wait3A_47 = arith.constant 0 : i32
      %dma_wait3A_48 = tpu.memref_slice %arg2[%dma_wait3A_46, %dma_wait3A_47] : memref<10000x128xf32, #tpu.memory_space<hbm>> -> memref<10000x128xf32, #tpu.memory_space<hbm>>
      tpu.wait_indirect_dma semaphore(%arg11 : memref<!tpu.dma_semaphore, #tpu.memory_space<semaphore_mem>>) src(%dma_wait3A_48 : memref<10000x128xf32, #tpu.memory_space<hbm>>) dst(%arg9 : memref<125x128xf32, #tpu.memory_space<vmem>>)
      %run_scoped3A = arith.constant 0 : i32
      "tpu.region"() ({
        %run_scoped3A_355 = tpu.sem_alloc : memref<!tpu.dma_semaphore, #tpu.memory_space<semaphore_mem>>
        %dma_start3A_356 = arith.constant 0 : i32
        %dma_start3A_357 = tpu.memref_slice %arg8[%run_scoped3A, %dma_start3A_356] : memref<16x125xi32, #tpu.memory_space<vmem>> -> memref<1x125xi32, #tpu.memory_space<vmem>>
        %dma_start3A_358 = tpu.memref_squeeze %dma_start3A_357 : memref<1x125xi32, #tpu.memory_space<vmem>> -> memref<125xi32, #tpu.memory_space<vmem>>
        %dma_start3A_359 = arith.constant 0 : i32
        %dma_start3A_360 = arith.constant 0 : i32
        %dma_start3A_361 = tpu.memref_slice %arg16[%dma_start3A_359, %dma_start3A_360] : memref<10000x128xf32, #tpu.memory_space<vmem_shared>> -> memref<10000x128xf32, #tpu.memory_space<vmem_shared>>
        tpu.enqueue_indirect_dma source(%arg9 : memref<125x128xf32, #tpu.memory_space<vmem>>) target(%dma_start3A_361 : memref<10000x128xf32, #tpu.memory_space<vmem_shared>>) offsets(%dma_start3A_358 : memref<125xi32, #tpu.memory_space<vmem>>) semaphore(%run_scoped3A_355 : memref<!tpu.dma_semaphore, #tpu.memory_space<semaphore_mem>>) {add = true}
        %dma_wait3A_362 = arith.constant 0 : i32
        %dma_wait3A_363 = tpu.memref_slice %arg8[%run_scoped3A, %dma_wait3A_362] : memref<16x125xi32, #tpu.memory_space<vmem>> -> memref<1x125xi32, #tpu.memory_space<vmem>>
        %dma_wait3A_364 = tpu.memref_squeeze %dma_wait3A_363 : memref<1x125xi32, #tpu.memory_space<vmem>> -> memref<125xi32, #tpu.memory_space<vmem>>
        %dma_wait3A_365 = arith.constant 0 : i32
        %dma_wait3A_366 = arith.constant 0 : i32
        %dma_wait3A_367 = tpu.memref_slice %arg16[%dma_wait3A_365, %dma_wait3A_366] : memref<10000x128xf32, #tpu.memory_space<vmem_shared>> -> memref<10000x128xf32, #tpu.memory_space<vmem_shared>>
        tpu.wait_indirect_dma semaphore(%run_scoped3A_355 : memref<!tpu.dma_semaphore, #tpu.memory_space<semaphore_mem>>) src(%arg9 : memref<125x128xf32, #tpu.memory_space<vmem>>) dst(%dma_wait3A_367 : memref<10000x128xf32, #tpu.memory_space<vmem_shared>>)
        tpu.yield
      }) : () -> ()
      %add3A_49 = arith.constant 1 : i32
      %add3A_50 = arith.addi %add3A_42, %add3A_49 : i32
      %dma_start3A_51 = arith.constant 0 : i32
      %dma_start3A_52 = tpu.memref_slice %arg7[%add3A_50, %dma_start3A_51] : memref<80x125xi32, #tpu.memory_space<vmem>> -> memref<1x125xi32, #tpu.memory_space<vmem>>
      %dma_start3A_53 = tpu.memref_squeeze %dma_start3A_52 : memref<1x125xi32, #tpu.memory_space<vmem>> -> memref<125xi32, #tpu.memory_space<vmem>>
      %dma_start3A_54 = arith.constant 0 : i32
      %dma_start3A_55 = arith.constant 0 : i32
      %dma_start3A_56 = tpu.memref_slice %arg2[%dma_start3A_54, %dma_start3A_55] : memref<10000x128xf32, #tpu.memory_space<hbm>> -> memref<10000x128xf32, #tpu.memory_space<hbm>>
      tpu.enqueue_indirect_dma source(%dma_start3A_56 : memref<10000x128xf32, #tpu.memory_space<hbm>>) target(%arg10 : memref<125x128xf32, #tpu.memory_space<vmem>>) offsets(%dma_start3A_53 : memref<125xi32, #tpu.memory_space<vmem>>) semaphore(%arg12 : memref<!tpu.dma_semaphore, #tpu.memory_space<semaphore_mem>>)
      %mul3A_57 = arith.constant 16 : i32
      %mul3A_58 = arith.muli %scan3A_32, %mul3A_57 : i32
      %add3A_59 = arith.constant 1 : i32
      %add3A_60 = arith.addi %mul3A_58, %add3A_59 : i32
      %dma_wait3A_61 = arith.constant 0 : i32
      %dma_wait3A_62 = arith.constant 0 : i32
      %dma_wait3A_63 = tpu.memref_slice %arg7[%dma_wait3A_61, %dma_wait3A_62] : memref<80x125xi32, #tpu.memory_space<vmem>> -> memref<1x125xi32, #tpu.memory_space<vmem>>
      %dma_wait3A_64 = tpu.memref_squeeze %dma_wait3A_63 : memref<1x125xi32, #tpu.memory_space<vmem>> -> memref<125xi32, #tpu.memory_space<vmem>>
      %dma_wait3A_65 = arith.constant 0 : i32
      %dma_wait3A_66 = arith.constant 0 : i32
      %dma_wait3A_67 = tpu.memref_slice %arg2[%dma_wait3A_65, %dma_wait3A_66] : memref<10000x128xf32, #tpu.memory_space<hbm>> -> memref<10000x128xf32, #tpu.memory_space<hbm>>
      tpu.wait_indirect_dma semaphore(%arg12 : memref<!tpu.dma_semaphore, #tpu.memory_space<semaphore_mem>>) src(%dma_wait3A_67 : memref<10000x128xf32, #tpu.memory_space<hbm>>) dst(%arg10 : memref<125x128xf32, #tpu.memory_space<vmem>>)
      %run_scoped3A_68 = arith.constant 1 : i32
      "tpu.region"() ({
        %run_scoped3A_355 = tpu.sem_alloc : memref<!tpu.dma_semaphore, #tpu.memory_space<semaphore_mem>>
        %dma_start3A_356 = arith.constant 0 : i32
        %dma_start3A_357 = tpu.memref_slice %arg8[%run_scoped3A_68, %dma_start3A_356] : memref<16x125xi32, #tpu.memory_space<vmem>> -> memref<1x125xi32, #tpu.memory_space<vmem>>
        %dma_start3A_358 = tpu.memref_squeeze %dma_start3A_357 : memref<1x125xi32, #tpu.memory_space<vmem>> -> memref<125xi32, #tpu.memory_space<vmem>>
        %dma_start3A_359 = arith.constant 0 : i32
        %dma_start3A_360 = arith.constant 0 : i32
        %dma_start3A_361 = tpu.memref_slice %arg16[%dma_start3A_359, %dma_start3A_360] : memref<10000x128xf32, #tpu.memory_space<vmem_shared>> -> memref<10000x128xf32, #tpu.memory_space<vmem_shared>>
        tpu.enqueue_indirect_dma source(%arg10 : memref<125x128xf32, #tpu.memory_space<vmem>>) target(%dma_start3A_361 : memref<10000x128xf32, #tpu.memory_space<vmem_shared>>) offsets(%dma_start3A_358 : memref<125xi32, #tpu.memory_space<vmem>>) semaphore(%run_scoped3A_355 : memref<!tpu.dma_semaphore, #tpu.memory_space<semaphore_mem>>) {add = true}
        %dma_wait3A_362 = arith.constant 0 : i32
        %dma_wait3A_363 = tpu.memref_slice %arg8[%run_scoped3A_68, %dma_wait3A_362] : memref<16x125xi32, #tpu.memory_space<vmem>> -> memref<1x125xi32, #tpu.memory_space<vmem>>
        %dma_wait3A_364 = tpu.memref_squeeze %dma_wait3A_363 : memref<1x125xi32, #tpu.memory_space<vmem>> -> memref<125xi32, #tpu.memory_space<vmem>>
        %dma_wait3A_365 = arith.constant 0 : i32
        %dma_wait3A_366 = arith.constant 0 : i32
        %dma_wait3A_367 = tpu.memref_slice %arg16[%dma_wait3A_365, %dma_wait3A_366] : memref<10000x128xf32, #tpu.memory_space<vmem_shared>> -> memref<10000x128xf32, #tpu.memory_space<vmem_shared>>
        tpu.wait_indirect_dma semaphore(%run_scoped3A_355 : memref<!tpu.dma_semaphore, #tpu.memory_space<semaphore_mem>>) src(%arg10 : memref<125x128xf32, #tpu.memory_space<vmem>>) dst(%dma_wait3A_367 : memref<10000x128xf32, #tpu.memory_space<vmem_shared>>)
        tpu.yield
      }) : () -> ()
      %add3A_69 = arith.constant 1 : i32
      %add3A_70 = arith.addi %add3A_60, %add3A_69 : i32
      %dma_start3A_71 = arith.constant 0 : i32
      %dma_start3A_72 = tpu.memref_slice %arg7[%add3A_70, %dma_start3A_71] : memref<80x125xi32, #tpu.memory_space<vmem>> -> memref<1x125xi32, #tpu.memory_space<vmem>>
      %dma_start3A_73 = tpu.memref_squeeze %dma_start3A_72 : memref<1x125xi32, #tpu.memory_space<vmem>> -> memref<125xi32, #tpu.memory_space<vmem>>
      %dma_start3A_74 = arith.constant 0 : i32
      %dma_start3A_75 = arith.constant 0 : i32
      %dma_start3A_76 = tpu.memref_slice %arg2[%dma_start3A_74, %dma_start3A_75] : memref<10000x128xf32, #tpu.memory_space<hbm>> -> memref<10000x128xf32, #tpu.memory_space<hbm>>
      tpu.enqueue_indirect_dma source(%dma_start3A_76 : memref<10000x128xf32, #tpu.memory_space<hbm>>) target(%arg9 : memref<125x128xf32, #tpu.memory_space<vmem>>) offsets(%dma_start3A_73 : memref<125xi32, #tpu.memory_space<vmem>>) semaphore(%arg11 : memref<!tpu.dma_semaphore, #tpu.memory_space<semaphore_mem>>)
      %mul3A_77 = arith.constant 16 : i32
      %mul3A_78 = arith.muli %scan3A_32, %mul3A_77 : i32
      %add3A_79 = arith.constant 2 : i32
      %add3A_80 = arith.addi %mul3A_78, %add3A_79 : i32
      %dma_wait3A_81 = arith.constant 0 : i32
      %dma_wait3A_82 = arith.constant 0 : i32
      %dma_wait3A_83 = tpu.memref_slice %arg7[%dma_wait3A_81, %dma_wait3A_82] : memref<80x125xi32, #tpu.memory_space<vmem>> -> memref<1x125xi32, #tpu.memory_space<vmem>>
      %dma_wait3A_84 = tpu.memref_squeeze %dma_wait3A_83 : memref<1x125xi32, #tpu.memory_space<vmem>> -> memref<125xi32, #tpu.memory_space<vmem>>
      %dma_wait3A_85 = arith.constant 0 : i32
      %dma_wait3A_86 = arith.constant 0 : i32
      %dma_wait3A_87 = tpu.memref_slice %arg2[%dma_wait3A_85, %dma_wait3A_86] : memref<10000x128xf32, #tpu.memory_space<hbm>> -> memref<10000x128xf32, #tpu.memory_space<hbm>>
      tpu.wait_indirect_dma semaphore(%arg11 : memref<!tpu.dma_semaphore, #tpu.memory_space<semaphore_mem>>) src(%dma_wait3A_87 : memref<10000x128xf32, #tpu.memory_space<hbm>>) dst(%arg9 : memref<125x128xf32, #tpu.memory_space<vmem>>)
      %run_scoped3A_88 = arith.constant 2 : i32
      "tpu.region"() ({
        %run_scoped3A_355 = tpu.sem_alloc : memref<!tpu.dma_semaphore, #tpu.memory_space<semaphore_mem>>
        %dma_start3A_356 = arith.constant 0 : i32
        %dma_start3A_357 = tpu.memref_slice %arg8[%run_scoped3A_88, %dma_start3A_356] : memref<16x125xi32, #tpu.memory_space<vmem>> -> memref<1x125xi32, #tpu.memory_space<vmem>>
        %dma_start3A_358 = tpu.memref_squeeze %dma_start3A_357 : memref<1x125xi32, #tpu.memory_space<vmem>> -> memref<125xi32, #tpu.memory_space<vmem>>
        %dma_start3A_359 = arith.constant 0 : i32
        %dma_start3A_360 = arith.constant 0 : i32
        %dma_start3A_361 = tpu.memref_slice %arg16[%dma_start3A_359, %dma_start3A_360] : memref<10000x128xf32, #tpu.memory_space<vmem_shared>> -> memref<10000x128xf32, #tpu.memory_space<vmem_shared>>
        tpu.enqueue_indirect_dma source(%arg9 : memref<125x128xf32, #tpu.memory_space<vmem>>) target(%dma_start3A_361 : memref<10000x128xf32, #tpu.memory_space<vmem_shared>>) offsets(%dma_start3A_358 : memref<125xi32, #tpu.memory_space<vmem>>) semaphore(%run_scoped3A_355 : memref<!tpu.dma_semaphore, #tpu.memory_space<semaphore_mem>>) {add = true}
        %dma_wait3A_362 = arith.constant 0 : i32
        %dma_wait3A_363 = tpu.memref_slice %arg8[%run_scoped3A_88, %dma_wait3A_362] : memref<16x125xi32, #tpu.memory_space<vmem>> -> memref<1x125xi32, #tpu.memory_space<vmem>>
        %dma_wait3A_364 = tpu.memref_squeeze %dma_wait3A_363 : memref<1x125xi32, #tpu.memory_space<vmem>> -> memref<125xi32, #tpu.memory_space<vmem>>
        %dma_wait3A_365 = arith.constant 0 : i32
        %dma_wait3A_366 = arith.constant 0 : i32
        %dma_wait3A_367 = tpu.memref_slice %arg16[%dma_wait3A_365, %dma_wait3A_366] : memref<10000x128xf32, #tpu.memory_space<vmem_shared>> -> memref<10000x128xf32, #tpu.memory_space<vmem_shared>>
        tpu.wait_indirect_dma semaphore(%run_scoped3A_355 : memref<!tpu.dma_semaphore, #tpu.memory_space<semaphore_mem>>) src(%arg9 : memref<125x128xf32, #tpu.memory_space<vmem>>) dst(%dma_wait3A_367 : memref<10000x128xf32, #tpu.memory_space<vmem_shared>>)
        tpu.yield
      }) : () -> ()
      %add3A_89 = arith.constant 1 : i32
      %add3A_90 = arith.addi %add3A_80, %add3A_89 : i32
      %dma_start3A_91 = arith.constant 0 : i32
      %dma_start3A_92 = tpu.memref_slice %arg7[%add3A_90, %dma_start3A_91] : memref<80x125xi32, #tpu.memory_space<vmem>> -> memref<1x125xi32, #tpu.memory_space<vmem>>
      %dma_start3A_93 = tpu.memref_squeeze %dma_start3A_92 : memref<1x125xi32, #tpu.memory_space<vmem>> -> memref<125xi32, #tpu.memory_space<vmem>>
      %dma_start3A_94 = arith.constant 0 : i32
      %dma_start3A_95 = arith.constant 0 : i32
      %dma_start3A_96 = tpu.memref_slice %arg2[%dma_start3A_94, %dma_start3A_95] : memref<10000x128xf32, #tpu.memory_space<hbm>> -> memref<10000x128xf32, #tpu.memory_space<hbm>>
      tpu.enqueue_indirect_dma source(%dma_start3A_96 : memref<10000x128xf32, #tpu.memory_space<hbm>>) target(%arg10 : memref<125x128xf32, #tpu.memory_space<vmem>>) offsets(%dma_start3A_93 : memref<125xi32, #tpu.memory_space<vmem>>) semaphore(%arg12 : memref<!tpu.dma_semaphore, #tpu.memory_space<semaphore_mem>>)
      %mul3A_97 = arith.constant 16 : i32
      %mul3A_98 = arith.muli %scan3A_32, %mul3A_97 : i32
      %add3A_99 = arith.constant 3 : i32
      %add3A_100 = arith.addi %mul3A_98, %add3A_99 : i32
      %dma_wait3A_101 = arith.constant 0 : i32
      %dma_wait3A_102 = arith.constant 0 : i32
      %dma_wait3A_103 = tpu.memref_slice %arg7[%dma_wait3A_101, %dma_wait3A_102] : memref<80x125xi32, #tpu.memory_space<vmem>> -> memref<1x125xi32, #tpu.memory_space<vmem>>
      %dma_wait3A_104 = tpu.memref_squeeze %dma_wait3A_103 : memref<1x125xi32, #tpu.memory_space<vmem>> -> memref<125xi32, #tpu.memory_space<vmem>>
      %dma_wait3A_105 = arith.constant 0 : i32
      %dma_wait3A_106 = arith.constant 0 : i32
      %dma_wait3A_107 = tpu.memref_slice %arg2[%dma_wait3A_105, %dma_wait3A_106] : memref<10000x128xf32, #tpu.memory_space<hbm>> -> memref<10000x128xf32, #tpu.memory_space<hbm>>
      tpu.wait_indirect_dma semaphore(%arg12 : memref<!tpu.dma_semaphore, #tpu.memory_space<semaphore_mem>>) src(%dma_wait3A_107 : memref<10000x128xf32, #tpu.memory_space<hbm>>) dst(%arg10 : memref<125x128xf32, #tpu.memory_space<vmem>>)
      %run_scoped3A_108 = arith.constant 3 : i32
      "tpu.region"() ({
        %run_scoped3A_355 = tpu.sem_alloc : memref<!tpu.dma_semaphore, #tpu.memory_space<semaphore_mem>>
        %dma_start3A_356 = arith.constant 0 : i32
        %dma_start3A_357 = tpu.memref_slice %arg8[%run_scoped3A_108, %dma_start3A_356] : memref<16x125xi32, #tpu.memory_space<vmem>> -> memref<1x125xi32, #tpu.memory_space<vmem>>
        %dma_start3A_358 = tpu.memref_squeeze %dma_start3A_357 : memref<1x125xi32, #tpu.memory_space<vmem>> -> memref<125xi32, #tpu.memory_space<vmem>>
        %dma_start3A_359 = arith.constant 0 : i32
        %dma_start3A_360 = arith.constant 0 : i32
        %dma_start3A_361 = tpu.memref_slice %arg16[%dma_start3A_359, %dma_start3A_360] : memref<10000x128xf32, #tpu.memory_space<vmem_shared>> -> memref<10000x128xf32, #tpu.memory_space<vmem_shared>>
        tpu.enqueue_indirect_dma source(%arg10 : memref<125x128xf32, #tpu.memory_space<vmem>>) target(%dma_start3A_361 : memref<10000x128xf32, #tpu.memory_space<vmem_shared>>) offsets(%dma_start3A_358 : memref<125xi32, #tpu.memory_space<vmem>>) semaphore(%run_scoped3A_355 : memref<!tpu.dma_semaphore, #tpu.memory_space<semaphore_mem>>) {add = true}
        %dma_wait3A_362 = arith.constant 0 : i32
        %dma_wait3A_363 = tpu.memref_slice %arg8[%run_scoped3A_108, %dma_wait3A_362] : memref<16x125xi32, #tpu.memory_space<vmem>> -> memref<1x125xi32, #tpu.memory_space<vmem>>
        %dma_wait3A_364 = tpu.memref_squeeze %dma_wait3A_363 : memref<1x125xi32, #tpu.memory_space<vmem>> -> memref<125xi32, #tpu.memory_space<vmem>>
        %dma_wait3A_365 = arith.constant 0 : i32
        %dma_wait3A_366 = arith.constant 0 : i32
        %dma_wait3A_367 = tpu.memref_slice %arg16[%dma_wait3A_365, %dma_wait3A_366] : memref<10000x128xf32, #tpu.memory_space<vmem_shared>> -> memref<10000x128xf32, #tpu.memory_space<vmem_shared>>
        tpu.wait_indirect_dma semaphore(%run_scoped3A_355 : memref<!tpu.dma_semaphore, #tpu.memory_space<semaphore_mem>>) src(%arg10 : memref<125x128xf32, #tpu.memory_space<vmem>>) dst(%dma_wait3A_367 : memref<10000x128xf32, #tpu.memory_space<vmem_shared>>)
        tpu.yield
      }) : () -> ()
      %add3A_109 = arith.constant 1 : i32
      %add3A_110 = arith.addi %add3A_100, %add3A_109 : i32
      %dma_start3A_111 = arith.constant 0 : i32
      %dma_start3A_112 = tpu.memref_slice %arg7[%add3A_110, %dma_start3A_111] : memref<80x125xi32, #tpu.memory_space<vmem>> -> memref<1x125xi32, #tpu.memory_space<vmem>>
      %dma_start3A_113 = tpu.memref_squeeze %dma_start3A_112 : memref<1x125xi32, #tpu.memory_space<vmem>> -> memref<125xi32, #tpu.memory_space<vmem>>
      %dma_start3A_114 = arith.constant 0 : i32
      %dma_start3A_115 = arith.constant 0 : i32
      %dma_start3A_116 = tpu.memref_slice %arg2[%dma_start3A_114, %dma_start3A_115] : memref<10000x128xf32, #tpu.memory_space<hbm>> -> memref<10000x128xf32, #tpu.memory_space<hbm>>
      tpu.enqueue_indirect_dma source(%dma_start3A_116 : memref<10000x128xf32, #tpu.memory_space<hbm>>) target(%arg9 : memref<125x128xf32, #tpu.memory_space<vmem>>) offsets(%dma_start3A_113 : memref<125xi32, #tpu.memory_space<vmem>>) semaphore(%arg11 : memref<!tpu.dma_semaphore, #tpu.memory_space<semaphore_mem>>)
      %mul3A_117 = arith.constant 16 : i32
      %mul3A_118 = arith.muli %scan3A_32, %mul3A_117 : i32
      %add3A_119 = arith.constant 4 : i32
      %add3A_120 = arith.addi %mul3A_118, %add3A_119 : i32
      %dma_wait3A_121 = arith.constant 0 : i32
      %dma_wait3A_122 = arith.constant 0 : i32
      %dma_wait3A_123 = tpu.memref_slice %arg7[%dma_wait3A_121, %dma_wait3A_122] : memref<80x125xi32, #tpu.memory_space<vmem>> -> memref<1x125xi32, #tpu.memory_space<vmem>>
      %dma_wait3A_124 = tpu.memref_squeeze %dma_wait3A_123 : memref<1x125xi32, #tpu.memory_space<vmem>> -> memref<125xi32, #tpu.memory_space<vmem>>
      %dma_wait3A_125 = arith.constant 0 : i32
      %dma_wait3A_126 = arith.constant 0 : i32
      %dma_wait3A_127 = tpu.memref_slice %arg2[%dma_wait3A_125, %dma_wait3A_126] : memref<10000x128xf32, #tpu.memory_space<hbm>> -> memref<10000x128xf32, #tpu.memory_space<hbm>>
      tpu.wait_indirect_dma semaphore(%arg11 : memref<!tpu.dma_semaphore, #tpu.memory_space<semaphore_mem>>) src(%dma_wait3A_127 : memref<10000x128xf32, #tpu.memory_space<hbm>>) dst(%arg9 : memref<125x128xf32, #tpu.memory_space<vmem>>)
      %run_scoped3A_128 = arith.constant 4 : i32
      "tpu.region"() ({
        %run_scoped3A_355 = tpu.sem_alloc : memref<!tpu.dma_semaphore, #tpu.memory_space<semaphore_mem>>
        %dma_start3A_356 = arith.constant 0 : i32
        %dma_start3A_357 = tpu.memref_slice %arg8[%run_scoped3A_128, %dma_start3A_356] : memref<16x125xi32, #tpu.memory_space<vmem>> -> memref<1x125xi32, #tpu.memory_space<vmem>>
        %dma_start3A_358 = tpu.memref_squeeze %dma_start3A_357 : memref<1x125xi32, #tpu.memory_space<vmem>> -> memref<125xi32, #tpu.memory_space<vmem>>
        %dma_start3A_359 = arith.constant 0 : i32
        %dma_start3A_360 = arith.constant 0 : i32
        %dma_start3A_361 = tpu.memref_slice %arg16[%dma_start3A_359, %dma_start3A_360] : memref<10000x128xf32, #tpu.memory_space<vmem_shared>> -> memref<10000x128xf32, #tpu.memory_space<vmem_shared>>
        tpu.enqueue_indirect_dma source(%arg9 : memref<125x128xf32, #tpu.memory_space<vmem>>) target(%dma_start3A_361 : memref<10000x128xf32, #tpu.memory_space<vmem_shared>>) offsets(%dma_start3A_358 : memref<125xi32, #tpu.memory_space<vmem>>) semaphore(%run_scoped3A_355 : memref<!tpu.dma_semaphore, #tpu.memory_space<semaphore_mem>>) {add = true}
        %dma_wait3A_362 = arith.constant 0 : i32
        %dma_wait3A_363 = tpu.memref_slice %arg8[%run_scoped3A_128, %dma_wait3A_362] : memref<16x125xi32, #tpu.memory_space<vmem>> -> memref<1x125xi32, #tpu.memory_space<vmem>>
        %dma_wait3A_364 = tpu.memref_squeeze %dma_wait3A_363 : memref<1x125xi32, #tpu.memory_space<vmem>> -> memref<125xi32, #tpu.memory_space<vmem>>
        %dma_wait3A_365 = arith.constant 0 : i32
        %dma_wait3A_366 = arith.constant 0 : i32
        %dma_wait3A_367 = tpu.memref_slice %arg16[%dma_wait3A_365, %dma_wait3A_366] : memref<10000x128xf32, #tpu.memory_space<vmem_shared>> -> memref<10000x128xf32, #tpu.memory_space<vmem_shared>>
        tpu.wait_indirect_dma semaphore(%run_scoped3A_355 : memref<!tpu.dma_semaphore, #tpu.memory_space<semaphore_mem>>) src(%arg9 : memref<125x128xf32, #tpu.memory_space<vmem>>) dst(%dma_wait3A_367 : memref<10000x128xf32, #tpu.memory_space<vmem_shared>>)
        tpu.yield
      }) : () -> ()
      %add3A_129 = arith.constant 1 : i32
      %add3A_130 = arith.addi %add3A_120, %add3A_129 : i32
      %dma_start3A_131 = arith.constant 0 : i32
      %dma_start3A_132 = tpu.memref_slice %arg7[%add3A_130, %dma_start3A_131] : memref<80x125xi32, #tpu.memory_space<vmem>> -> memref<1x125xi32, #tpu.memory_space<vmem>>
      %dma_start3A_133 = tpu.memref_squeeze %dma_start3A_132 : memref<1x125xi32, #tpu.memory_space<vmem>> -> memref<125xi32, #tpu.memory_space<vmem>>
      %dma_start3A_134 = arith.constant 0 : i32
      %dma_start3A_135 = arith.constant 0 : i32
      %dma_start3A_136 = tpu.memref_slice %arg2[%dma_start3A_134, %dma_start3A_135] : memref<10000x128xf32, #tpu.memory_space<hbm>> -> memref<10000x128xf32, #tpu.memory_space<hbm>>
      tpu.enqueue_indirect_dma source(%dma_start3A_136 : memref<10000x128xf32, #tpu.memory_space<hbm>>) target(%arg10 : memref<125x128xf32, #tpu.memory_space<vmem>>) offsets(%dma_start3A_133 : memref<125xi32, #tpu.memory_space<vmem>>) semaphore(%arg12 : memref<!tpu.dma_semaphore, #tpu.memory_space<semaphore_mem>>)
      %mul3A_137 = arith.constant 16 : i32
      %mul3A_138 = arith.muli %scan3A_32, %mul3A_137 : i32
      %add3A_139 = arith.constant 5 : i32
      %add3A_140 = arith.addi %mul3A_138, %add3A_139 : i32
      %dma_wait3A_141 = arith.constant 0 : i32
      %dma_wait3A_142 = arith.constant 0 : i32
      %dma_wait3A_143 = tpu.memref_slice %arg7[%dma_wait3A_141, %dma_wait3A_142] : memref<80x125xi32, #tpu.memory_space<vmem>> -> memref<1x125xi32, #tpu.memory_space<vmem>>
      %dma_wait3A_144 = tpu.memref_squeeze %dma_wait3A_143 : memref<1x125xi32, #tpu.memory_space<vmem>> -> memref<125xi32, #tpu.memory_space<vmem>>
      %dma_wait3A_145 = arith.constant 0 : i32
      %dma_wait3A_146 = arith.constant 0 : i32
      %dma_wait3A_147 = tpu.memref_slice %arg2[%dma_wait3A_145, %dma_wait3A_146] : memref<10000x128xf32, #tpu.memory_space<hbm>> -> memref<10000x128xf32, #tpu.memory_space<hbm>>
      tpu.wait_indirect_dma semaphore(%arg12 : memref<!tpu.dma_semaphore, #tpu.memory_space<semaphore_mem>>) src(%dma_wait3A_147 : memref<10000x128xf32, #tpu.memory_space<hbm>>) dst(%arg10 : memref<125x128xf32, #tpu.memory_space<vmem>>)
      %run_scoped3A_148 = arith.constant 5 : i32
      "tpu.region"() ({
        %run_scoped3A_355 = tpu.sem_alloc : memref<!tpu.dma_semaphore, #tpu.memory_space<semaphore_mem>>
        %dma_start3A_356 = arith.constant 0 : i32
        %dma_start3A_357 = tpu.memref_slice %arg8[%run_scoped3A_148, %dma_start3A_356] : memref<16x125xi32, #tpu.memory_space<vmem>> -> memref<1x125xi32, #tpu.memory_space<vmem>>
        %dma_start3A_358 = tpu.memref_squeeze %dma_start3A_357 : memref<1x125xi32, #tpu.memory_space<vmem>> -> memref<125xi32, #tpu.memory_space<vmem>>
        %dma_start3A_359 = arith.constant 0 : i32
        %dma_start3A_360 = arith.constant 0 : i32
        %dma_start3A_361 = tpu.memref_slice %arg16[%dma_start3A_359, %dma_start3A_360] : memref<10000x128xf32, #tpu.memory_space<vmem_shared>> -> memref<10000x128xf32, #tpu.memory_space<vmem_shared>>
        tpu.enqueue_indirect_dma source(%arg10 : memref<125x128xf32, #tpu.memory_space<vmem>>) target(%dma_start3A_361 : memref<10000x128xf32, #tpu.memory_space<vmem_shared>>) offsets(%dma_start3A_358 : memref<125xi32, #tpu.memory_space<vmem>>) semaphore(%run_scoped3A_355 : memref<!tpu.dma_semaphore, #tpu.memory_space<semaphore_mem>>) {add = true}
        %dma_wait3A_362 = arith.constant 0 : i32
        %dma_wait3A_363 = tpu.memref_slice %arg8[%run_scoped3A_148, %dma_wait3A_362] : memref<16x125xi32, #tpu.memory_space<vmem>> -> memref<1x125xi32, #tpu.memory_space<vmem>>
        %dma_wait3A_364 = tpu.memref_squeeze %dma_wait3A_363 : memref<1x125xi32, #tpu.memory_space<vmem>> -> memref<125xi32, #tpu.memory_space<vmem>>
        %dma_wait3A_365 = arith.constant 0 : i32
        %dma_wait3A_366 = arith.constant 0 : i32
        %dma_wait3A_367 = tpu.memref_slice %arg16[%dma_wait3A_365, %dma_wait3A_366] : memref<10000x128xf32, #tpu.memory_space<vmem_shared>> -> memref<10000x128xf32, #tpu.memory_space<vmem_shared>>
        tpu.wait_indirect_dma semaphore(%run_scoped3A_355 : memref<!tpu.dma_semaphore, #tpu.memory_space<semaphore_mem>>) src(%arg10 : memref<125x128xf32, #tpu.memory_space<vmem>>) dst(%dma_wait3A_367 : memref<10000x128xf32, #tpu.memory_space<vmem_shared>>)
        tpu.yield
      }) : () -> ()
      %add3A_149 = arith.constant 1 : i32
      %add3A_150 = arith.addi %add3A_140, %add3A_149 : i32
      %dma_start3A_151 = arith.constant 0 : i32
      %dma_start3A_152 = tpu.memref_slice %arg7[%add3A_150, %dma_start3A_151] : memref<80x125xi32, #tpu.memory_space<vmem>> -> memref<1x125xi32, #tpu.memory_space<vmem>>
      %dma_start3A_153 = tpu.memref_squeeze %dma_start3A_152 : memref<1x125xi32, #tpu.memory_space<vmem>> -> memref<125xi32, #tpu.memory_space<vmem>>
      %dma_start3A_154 = arith.constant 0 : i32
      %dma_start3A_155 = arith.constant 0 : i32
      %dma_start3A_156 = tpu.memref_slice %arg2[%dma_start3A_154, %dma_start3A_155] : memref<10000x128xf32, #tpu.memory_space<hbm>> -> memref<10000x128xf32, #tpu.memory_space<hbm>>
      tpu.enqueue_indirect_dma source(%dma_start3A_156 : memref<10000x128xf32, #tpu.memory_space<hbm>>) target(%arg9 : memref<125x128xf32, #tpu.memory_space<vmem>>) offsets(%dma_start3A_153 : memref<125xi32, #tpu.memory_space<vmem>>) semaphore(%arg11 : memref<!tpu.dma_semaphore, #tpu.memory_space<semaphore_mem>>)
      %mul3A_157 = arith.constant 16 : i32
      %mul3A_158 = arith.muli %scan3A_32, %mul3A_157 : i32
      %add3A_159 = arith.constant 6 : i32
      %add3A_160 = arith.addi %mul3A_158, %add3A_159 : i32
      %dma_wait3A_161 = arith.constant 0 : i32
      %dma_wait3A_162 = arith.constant 0 : i32
      %dma_wait3A_163 = tpu.memref_slice %arg7[%dma_wait3A_161, %dma_wait3A_162] : memref<80x125xi32, #tpu.memory_space<vmem>> -> memref<1x125xi32, #tpu.memory_space<vmem>>
      %dma_wait3A_164 = tpu.memref_squeeze %dma_wait3A_163 : memref<1x125xi32, #tpu.memory_space<vmem>> -> memref<125xi32, #tpu.memory_space<vmem>>
      %dma_wait3A_165 = arith.constant 0 : i32
      %dma_wait3A_166 = arith.constant 0 : i32
      %dma_wait3A_167 = tpu.memref_slice %arg2[%dma_wait3A_165, %dma_wait3A_166] : memref<10000x128xf32, #tpu.memory_space<hbm>> -> memref<10000x128xf32, #tpu.memory_space<hbm>>
      tpu.wait_indirect_dma semaphore(%arg11 : memref<!tpu.dma_semaphore, #tpu.memory_space<semaphore_mem>>) src(%dma_wait3A_167 : memref<10000x128xf32, #tpu.memory_space<hbm>>) dst(%arg9 : memref<125x128xf32, #tpu.memory_space<vmem>>)
      %run_scoped3A_168 = arith.constant 6 : i32
      "tpu.region"() ({
        %run_scoped3A_355 = tpu.sem_alloc : memref<!tpu.dma_semaphore, #tpu.memory_space<semaphore_mem>>
        %dma_start3A_356 = arith.constant 0 : i32
        %dma_start3A_357 = tpu.memref_slice %arg8[%run_scoped3A_168, %dma_start3A_356] : memref<16x125xi32, #tpu.memory_space<vmem>> -> memref<1x125xi32, #tpu.memory_space<vmem>>
        %dma_start3A_358 = tpu.memref_squeeze %dma_start3A_357 : memref<1x125xi32, #tpu.memory_space<vmem>> -> memref<125xi32, #tpu.memory_space<vmem>>
        %dma_start3A_359 = arith.constant 0 : i32
        %dma_start3A_360 = arith.constant 0 : i32
        %dma_start3A_361 = tpu.memref_slice %arg16[%dma_start3A_359, %dma_start3A_360] : memref<10000x128xf32, #tpu.memory_space<vmem_shared>> -> memref<10000x128xf32, #tpu.memory_space<vmem_shared>>
        tpu.enqueue_indirect_dma source(%arg9 : memref<125x128xf32, #tpu.memory_space<vmem>>) target(%dma_start3A_361 : memref<10000x128xf32, #tpu.memory_space<vmem_shared>>) offsets(%dma_start3A_358 : memref<125xi32, #tpu.memory_space<vmem>>) semaphore(%run_scoped3A_355 : memref<!tpu.dma_semaphore, #tpu.memory_space<semaphore_mem>>) {add = true}
        %dma_wait3A_362 = arith.constant 0 : i32
        %dma_wait3A_363 = tpu.memref_slice %arg8[%run_scoped3A_168, %dma_wait3A_362] : memref<16x125xi32, #tpu.memory_space<vmem>> -> memref<1x125xi32, #tpu.memory_space<vmem>>
        %dma_wait3A_364 = tpu.memref_squeeze %dma_wait3A_363 : memref<1x125xi32, #tpu.memory_space<vmem>> -> memref<125xi32, #tpu.memory_space<vmem>>
        %dma_wait3A_365 = arith.constant 0 : i32
        %dma_wait3A_366 = arith.constant 0 : i32
        %dma_wait3A_367 = tpu.memref_slice %arg16[%dma_wait3A_365, %dma_wait3A_366] : memref<10000x128xf32, #tpu.memory_space<vmem_shared>> -> memref<10000x128xf32, #tpu.memory_space<vmem_shared>>
        tpu.wait_indirect_dma semaphore(%run_scoped3A_355 : memref<!tpu.dma_semaphore, #tpu.memory_space<semaphore_mem>>) src(%arg9 : memref<125x128xf32, #tpu.memory_space<vmem>>) dst(%dma_wait3A_367 : memref<10000x128xf32, #tpu.memory_space<vmem_shared>>)
        tpu.yield
      }) : () -> ()
      %add3A_169 = arith.constant 1 : i32
      %add3A_170 = arith.addi %add3A_160, %add3A_169 : i32
      %dma_start3A_171 = arith.constant 0 : i32
      %dma_start3A_172 = tpu.memref_slice %arg7[%add3A_170, %dma_start3A_171] : memref<80x125xi32, #tpu.memory_space<vmem>> -> memref<1x125xi32, #tpu.memory_space<vmem>>
      %dma_start3A_173 = tpu.memref_squeeze %dma_start3A_172 : memref<1x125xi32, #tpu.memory_space<vmem>> -> memref<125xi32, #tpu.memory_space<vmem>>
      %dma_start3A_174 = arith.constant 0 : i32
      %dma_start3A_175 = arith.constant 0 : i32
      %dma_start3A_176 = tpu.memref_slice %arg2[%dma_start3A_174, %dma_start3A_175] : memref<10000x128xf32, #tpu.memory_space<hbm>> -> memref<10000x128xf32, #tpu.memory_space<hbm>>
      tpu.enqueue_indirect_dma source(%dma_start3A_176 : memref<10000x128xf32, #tpu.memory_space<hbm>>) target(%arg10 : memref<125x128xf32, #tpu.memory_space<vmem>>) offsets(%dma_start3A_173 : memref<125xi32, #tpu.memory_space<vmem>>) semaphore(%arg12 : memref<!tpu.dma_semaphore, #tpu.memory_space<semaphore_mem>>)
      %mul3A_177 = arith.constant 16 : i32
      %mul3A_178 = arith.muli %scan3A_32, %mul3A_177 : i32
      %add3A_179 = arith.constant 7 : i32
      %add3A_180 = arith.addi %mul3A_178, %add3A_179 : i32
      %dma_wait3A_181 = arith.constant 0 : i32
      %dma_wait3A_182 = arith.constant 0 : i32
      %dma_wait3A_183 = tpu.memref_slice %arg7[%dma_wait3A_181, %dma_wait3A_182] : memref<80x125xi32, #tpu.memory_space<vmem>> -> memref<1x125xi32, #tpu.memory_space<vmem>>
      %dma_wait3A_184 = tpu.memref_squeeze %dma_wait3A_183 : memref<1x125xi32, #tpu.memory_space<vmem>> -> memref<125xi32, #tpu.memory_space<vmem>>
      %dma_wait3A_185 = arith.constant 0 : i32
      %dma_wait3A_186 = arith.constant 0 : i32
      %dma_wait3A_187 = tpu.memref_slice %arg2[%dma_wait3A_185, %dma_wait3A_186] : memref<10000x128xf32, #tpu.memory_space<hbm>> -> memref<10000x128xf32, #tpu.memory_space<hbm>>
      tpu.wait_indirect_dma semaphore(%arg12 : memref<!tpu.dma_semaphore, #tpu.memory_space<semaphore_mem>>) src(%dma_wait3A_187 : memref<10000x128xf32, #tpu.memory_space<hbm>>) dst(%arg10 : memref<125x128xf32, #tpu.memory_space<vmem>>)
      %run_scoped3A_188 = arith.constant 7 : i32
      "tpu.region"() ({
        %run_scoped3A_355 = tpu.sem_alloc : memref<!tpu.dma_semaphore, #tpu.memory_space<semaphore_mem>>
        %dma_start3A_356 = arith.constant 0 : i32
        %dma_start3A_357 = tpu.memref_slice %arg8[%run_scoped3A_188, %dma_start3A_356] : memref<16x125xi32, #tpu.memory_space<vmem>> -> memref<1x125xi32, #tpu.memory_space<vmem>>
        %dma_start3A_358 = tpu.memref_squeeze %dma_start3A_357 : memref<1x125xi32, #tpu.memory_space<vmem>> -> memref<125xi32, #tpu.memory_space<vmem>>
        %dma_start3A_359 = arith.constant 0 : i32
        %dma_start3A_360 = arith.constant 0 : i32
        %dma_start3A_361 = tpu.memref_slice %arg16[%dma_start3A_359, %dma_start3A_360] : memref<10000x128xf32, #tpu.memory_space<vmem_shared>> -> memref<10000x128xf32, #tpu.memory_space<vmem_shared>>
        tpu.enqueue_indirect_dma source(%arg10 : memref<125x128xf32, #tpu.memory_space<vmem>>) target(%dma_start3A_361 : memref<10000x128xf32, #tpu.memory_space<vmem_shared>>) offsets(%dma_start3A_358 : memref<125xi32, #tpu.memory_space<vmem>>) semaphore(%run_scoped3A_355 : memref<!tpu.dma_semaphore, #tpu.memory_space<semaphore_mem>>) {add = true}
        %dma_wait3A_362 = arith.constant 0 : i32
        %dma_wait3A_363 = tpu.memref_slice %arg8[%run_scoped3A_188, %dma_wait3A_362] : memref<16x125xi32, #tpu.memory_space<vmem>> -> memref<1x125xi32, #tpu.memory_space<vmem>>
        %dma_wait3A_364 = tpu.memref_squeeze %dma_wait3A_363 : memref<1x125xi32, #tpu.memory_space<vmem>> -> memref<125xi32, #tpu.memory_space<vmem>>
        %dma_wait3A_365 = arith.constant 0 : i32
        %dma_wait3A_366 = arith.constant 0 : i32
        %dma_wait3A_367 = tpu.memref_slice %arg16[%dma_wait3A_365, %dma_wait3A_366] : memref<10000x128xf32, #tpu.memory_space<vmem_shared>> -> memref<10000x128xf32, #tpu.memory_space<vmem_shared>>
        tpu.wait_indirect_dma semaphore(%run_scoped3A_355 : memref<!tpu.dma_semaphore, #tpu.memory_space<semaphore_mem>>) src(%arg10 : memref<125x128xf32, #tpu.memory_space<vmem>>) dst(%dma_wait3A_367 : memref<10000x128xf32, #tpu.memory_space<vmem_shared>>)
        tpu.yield
      }) : () -> ()
      %add3A_189 = arith.constant 1 : i32
      %add3A_190 = arith.addi %add3A_180, %add3A_189 : i32
      %dma_start3A_191 = arith.constant 0 : i32
      %dma_start3A_192 = tpu.memref_slice %arg7[%add3A_190, %dma_start3A_191] : memref<80x125xi32, #tpu.memory_space<vmem>> -> memref<1x125xi32, #tpu.memory_space<vmem>>
      %dma_start3A_193 = tpu.memref_squeeze %dma_start3A_192 : memref<1x125xi32, #tpu.memory_space<vmem>> -> memref<125xi32, #tpu.memory_space<vmem>>
      %dma_start3A_194 = arith.constant 0 : i32
      %dma_start3A_195 = arith.constant 0 : i32
      %dma_start3A_196 = tpu.memref_slice %arg2[%dma_start3A_194, %dma_start3A_195] : memref<10000x128xf32, #tpu.memory_space<hbm>> -> memref<10000x128xf32, #tpu.memory_space<hbm>>
      tpu.enqueue_indirect_dma source(%dma_start3A_196 : memref<10000x128xf32, #tpu.memory_space<hbm>>) target(%arg9 : memref<125x128xf32, #tpu.memory_space<vmem>>) offsets(%dma_start3A_193 : memref<125xi32, #tpu.memory_space<vmem>>) semaphore(%arg11 : memref<!tpu.dma_semaphore, #tpu.memory_space<semaphore_mem>>)
      %mul3A_197 = arith.constant 16 : i32
      %mul3A_198 = arith.muli %scan3A_32, %mul3A_197 : i32
      %add3A_199 = arith.constant 8 : i32
      %add3A_200 = arith.addi %mul3A_198, %add3A_199 : i32
      %dma_wait3A_201 = arith.constant 0 : i32
      %dma_wait3A_202 = arith.constant 0 : i32
      %dma_wait3A_203 = tpu.memref_slice %arg7[%dma_wait3A_201, %dma_wait3A_202] : memref<80x125xi32, #tpu.memory_space<vmem>> -> memref<1x125xi32, #tpu.memory_space<vmem>>
      %dma_wait3A_204 = tpu.memref_squeeze %dma_wait3A_203 : memref<1x125xi32, #tpu.memory_space<vmem>> -> memref<125xi32, #tpu.memory_space<vmem>>
      %dma_wait3A_205 = arith.constant 0 : i32
      %dma_wait3A_206 = arith.constant 0 : i32
      %dma_wait3A_207 = tpu.memref_slice %arg2[%dma_wait3A_205, %dma_wait3A_206] : memref<10000x128xf32, #tpu.memory_space<hbm>> -> memref<10000x128xf32, #tpu.memory_space<hbm>>
      tpu.wait_indirect_dma semaphore(%arg11 : memref<!tpu.dma_semaphore, #tpu.memory_space<semaphore_mem>>) src(%dma_wait3A_207 : memref<10000x128xf32, #tpu.memory_space<hbm>>) dst(%arg9 : memref<125x128xf32, #tpu.memory_space<vmem>>)
      %run_scoped3A_208 = arith.constant 8 : i32
      "tpu.region"() ({
        %run_scoped3A_355 = tpu.sem_alloc : memref<!tpu.dma_semaphore, #tpu.memory_space<semaphore_mem>>
        %dma_start3A_356 = arith.constant 0 : i32
        %dma_start3A_357 = tpu.memref_slice %arg8[%run_scoped3A_208, %dma_start3A_356] : memref<16x125xi32, #tpu.memory_space<vmem>> -> memref<1x125xi32, #tpu.memory_space<vmem>>
        %dma_start3A_358 = tpu.memref_squeeze %dma_start3A_357 : memref<1x125xi32, #tpu.memory_space<vmem>> -> memref<125xi32, #tpu.memory_space<vmem>>
        %dma_start3A_359 = arith.constant 0 : i32
        %dma_start3A_360 = arith.constant 0 : i32
        %dma_start3A_361 = tpu.memref_slice %arg16[%dma_start3A_359, %dma_start3A_360] : memref<10000x128xf32, #tpu.memory_space<vmem_shared>> -> memref<10000x128xf32, #tpu.memory_space<vmem_shared>>
        tpu.enqueue_indirect_dma source(%arg9 : memref<125x128xf32, #tpu.memory_space<vmem>>) target(%dma_start3A_361 : memref<10000x128xf32, #tpu.memory_space<vmem_shared>>) offsets(%dma_start3A_358 : memref<125xi32, #tpu.memory_space<vmem>>) semaphore(%run_scoped3A_355 : memref<!tpu.dma_semaphore, #tpu.memory_space<semaphore_mem>>) {add = true}
        %dma_wait3A_362 = arith.constant 0 : i32
        %dma_wait3A_363 = tpu.memref_slice %arg8[%run_scoped3A_208, %dma_wait3A_362] : memref<16x125xi32, #tpu.memory_space<vmem>> -> memref<1x125xi32, #tpu.memory_space<vmem>>
        %dma_wait3A_364 = tpu.memref_squeeze %dma_wait3A_363 : memref<1x125xi32, #tpu.memory_space<vmem>> -> memref<125xi32, #tpu.memory_space<vmem>>
        %dma_wait3A_365 = arith.constant 0 : i32
        %dma_wait3A_366 = arith.constant 0 : i32
        %dma_wait3A_367 = tpu.memref_slice %arg16[%dma_wait3A_365, %dma_wait3A_366] : memref<10000x128xf32, #tpu.memory_space<vmem_shared>> -> memref<10000x128xf32, #tpu.memory_space<vmem_shared>>
        tpu.wait_indirect_dma semaphore(%run_scoped3A_355 : memref<!tpu.dma_semaphore, #tpu.memory_space<semaphore_mem>>) src(%arg9 : memref<125x128xf32, #tpu.memory_space<vmem>>) dst(%dma_wait3A_367 : memref<10000x128xf32, #tpu.memory_space<vmem_shared>>)
        tpu.yield
      }) : () -> ()
      %add3A_209 = arith.constant 1 : i32
      %add3A_210 = arith.addi %add3A_200, %add3A_209 : i32
      %dma_start3A_211 = arith.constant 0 : i32
      %dma_start3A_212 = tpu.memref_slice %arg7[%add3A_210, %dma_start3A_211] : memref<80x125xi32, #tpu.memory_space<vmem>> -> memref<1x125xi32, #tpu.memory_space<vmem>>
      %dma_start3A_213 = tpu.memref_squeeze %dma_start3A_212 : memref<1x125xi32, #tpu.memory_space<vmem>> -> memref<125xi32, #tpu.memory_space<vmem>>
      %dma_start3A_214 = arith.constant 0 : i32
      %dma_start3A_215 = arith.constant 0 : i32
      %dma_start3A_216 = tpu.memref_slice %arg2[%dma_start3A_214, %dma_start3A_215] : memref<10000x128xf32, #tpu.memory_space<hbm>> -> memref<10000x128xf32, #tpu.memory_space<hbm>>
      tpu.enqueue_indirect_dma source(%dma_start3A_216 : memref<10000x128xf32, #tpu.memory_space<hbm>>) target(%arg10 : memref<125x128xf32, #tpu.memory_space<vmem>>) offsets(%dma_start3A_213 : memref<125xi32, #tpu.memory_space<vmem>>) semaphore(%arg12 : memref<!tpu.dma_semaphore, #tpu.memory_space<semaphore_mem>>)
      %mul3A_217 = arith.constant 16 : i32
      %mul3A_218 = arith.muli %scan3A_32, %mul3A_217 : i32
      %add3A_219 = arith.constant 9 : i32
      %add3A_220 = arith.addi %mul3A_218, %add3A_219 : i32
      %dma_wait3A_221 = arith.constant 0 : i32
      %dma_wait3A_222 = arith.constant 0 : i32
      %dma_wait3A_223 = tpu.memref_slice %arg7[%dma_wait3A_221, %dma_wait3A_222] : memref<80x125xi32, #tpu.memory_space<vmem>> -> memref<1x125xi32, #tpu.memory_space<vmem>>
      %dma_wait3A_224 = tpu.memref_squeeze %dma_wait3A_223 : memref<1x125xi32, #tpu.memory_space<vmem>> -> memref<125xi32, #tpu.memory_space<vmem>>
      %dma_wait3A_225 = arith.constant 0 : i32
      %dma_wait3A_226 = arith.constant 0 : i32
      %dma_wait3A_227 = tpu.memref_slice %arg2[%dma_wait3A_225, %dma_wait3A_226] : memref<10000x128xf32, #tpu.memory_space<hbm>> -> memref<10000x128xf32, #tpu.memory_space<hbm>>
      tpu.wait_indirect_dma semaphore(%arg12 : memref<!tpu.dma_semaphore, #tpu.memory_space<semaphore_mem>>) src(%dma_wait3A_227 : memref<10000x128xf32, #tpu.memory_space<hbm>>) dst(%arg10 : memref<125x128xf32, #tpu.memory_space<vmem>>)
      %run_scoped3A_228 = arith.constant 9 : i32
      "tpu.region"() ({
        %run_scoped3A_355 = tpu.sem_alloc : memref<!tpu.dma_semaphore, #tpu.memory_space<semaphore_mem>>
        %dma_start3A_356 = arith.constant 0 : i32
        %dma_start3A_357 = tpu.memref_slice %arg8[%run_scoped3A_228, %dma_start3A_356] : memref<16x125xi32, #tpu.memory_space<vmem>> -> memref<1x125xi32, #tpu.memory_space<vmem>>
        %dma_start3A_358 = tpu.memref_squeeze %dma_start3A_357 : memref<1x125xi32, #tpu.memory_space<vmem>> -> memref<125xi32, #tpu.memory_space<vmem>>
        %dma_start3A_359 = arith.constant 0 : i32
        %dma_start3A_360 = arith.constant 0 : i32
        %dma_start3A_361 = tpu.memref_slice %arg16[%dma_start3A_359, %dma_start3A_360] : memref<10000x128xf32, #tpu.memory_space<vmem_shared>> -> memref<10000x128xf32, #tpu.memory_space<vmem_shared>>
        tpu.enqueue_indirect_dma source(%arg10 : memref<125x128xf32, #tpu.memory_space<vmem>>) target(%dma_start3A_361 : memref<10000x128xf32, #tpu.memory_space<vmem_shared>>) offsets(%dma_start3A_358 : memref<125xi32, #tpu.memory_space<vmem>>) semaphore(%run_scoped3A_355 : memref<!tpu.dma_semaphore, #tpu.memory_space<semaphore_mem>>) {add = true}
        %dma_wait3A_362 = arith.constant 0 : i32
        %dma_wait3A_363 = tpu.memref_slice %arg8[%run_scoped3A_228, %dma_wait3A_362] : memref<16x125xi32, #tpu.memory_space<vmem>> -> memref<1x125xi32, #tpu.memory_space<vmem>>
        %dma_wait3A_364 = tpu.memref_squeeze %dma_wait3A_363 : memref<1x125xi32, #tpu.memory_space<vmem>> -> memref<125xi32, #tpu.memory_space<vmem>>
        %dma_wait3A_365 = arith.constant 0 : i32
        %dma_wait3A_366 = arith.constant 0 : i32
        %dma_wait3A_367 = tpu.memref_slice %arg16[%dma_wait3A_365, %dma_wait3A_366] : memref<10000x128xf32, #tpu.memory_space<vmem_shared>> -> memref<10000x128xf32, #tpu.memory_space<vmem_shared>>
        tpu.wait_indirect_dma semaphore(%run_scoped3A_355 : memref<!tpu.dma_semaphore, #tpu.memory_space<semaphore_mem>>) src(%arg10 : memref<125x128xf32, #tpu.memory_space<vmem>>) dst(%dma_wait3A_367 : memref<10000x128xf32, #tpu.memory_space<vmem_shared>>)
        tpu.yield
      }) : () -> ()
      %add3A_229 = arith.constant 1 : i32
      %add3A_230 = arith.addi %add3A_220, %add3A_229 : i32
      %dma_start3A_231 = arith.constant 0 : i32
      %dma_start3A_232 = tpu.memref_slice %arg7[%add3A_230, %dma_start3A_231] : memref<80x125xi32, #tpu.memory_space<vmem>> -> memref<1x125xi32, #tpu.memory_space<vmem>>
      %dma_start3A_233 = tpu.memref_squeeze %dma_start3A_232 : memref<1x125xi32, #tpu.memory_space<vmem>> -> memref<125xi32, #tpu.memory_space<vmem>>
      %dma_start3A_234 = arith.constant 0 : i32
      %dma_start3A_235 = arith.constant 0 : i32
      %dma_start3A_236 = tpu.memref_slice %arg2[%dma_start3A_234, %dma_start3A_235] : memref<10000x128xf32, #tpu.memory_space<hbm>> -> memref<10000x128xf32, #tpu.memory_space<hbm>>
      tpu.enqueue_indirect_dma source(%dma_start3A_236 : memref<10000x128xf32, #tpu.memory_space<hbm>>) target(%arg9 : memref<125x128xf32, #tpu.memory_space<vmem>>) offsets(%dma_start3A_233 : memref<125xi32, #tpu.memory_space<vmem>>) semaphore(%arg11 : memref<!tpu.dma_semaphore, #tpu.memory_space<semaphore_mem>>)
      %mul3A_237 = arith.constant 16 : i32
      %mul3A_238 = arith.muli %scan3A_32, %mul3A_237 : i32
      %add3A_239 = arith.constant 10 : i32
      %add3A_240 = arith.addi %mul3A_238, %add3A_239 : i32
      %dma_wait3A_241 = arith.constant 0 : i32
      %dma_wait3A_242 = arith.constant 0 : i32
      %dma_wait3A_243 = tpu.memref_slice %arg7[%dma_wait3A_241, %dma_wait3A_242] : memref<80x125xi32, #tpu.memory_space<vmem>> -> memref<1x125xi32, #tpu.memory_space<vmem>>
      %dma_wait3A_244 = tpu.memref_squeeze %dma_wait3A_243 : memref<1x125xi32, #tpu.memory_space<vmem>> -> memref<125xi32, #tpu.memory_space<vmem>>
      %dma_wait3A_245 = arith.constant 0 : i32
      %dma_wait3A_246 = arith.constant 0 : i32
      %dma_wait3A_247 = tpu.memref_slice %arg2[%dma_wait3A_245, %dma_wait3A_246] : memref<10000x128xf32, #tpu.memory_space<hbm>> -> memref<10000x128xf32, #tpu.memory_space<hbm>>
      tpu.wait_indirect_dma semaphore(%arg11 : memref<!tpu.dma_semaphore, #tpu.memory_space<semaphore_mem>>) src(%dma_wait3A_247 : memref<10000x128xf32, #tpu.memory_space<hbm>>) dst(%arg9 : memref<125x128xf32, #tpu.memory_space<vmem>>)
      %run_scoped3A_248 = arith.constant 10 : i32
      "tpu.region"() ({
        %run_scoped3A_355 = tpu.sem_alloc : memref<!tpu.dma_semaphore, #tpu.memory_space<semaphore_mem>>
        %dma_start3A_356 = arith.constant 0 : i32
        %dma_start3A_357 = tpu.memref_slice %arg8[%run_scoped3A_248, %dma_start3A_356] : memref<16x125xi32, #tpu.memory_space<vmem>> -> memref<1x125xi32, #tpu.memory_space<vmem>>
        %dma_start3A_358 = tpu.memref_squeeze %dma_start3A_357 : memref<1x125xi32, #tpu.memory_space<vmem>> -> memref<125xi32, #tpu.memory_space<vmem>>
        %dma_start3A_359 = arith.constant 0 : i32
        %dma_start3A_360 = arith.constant 0 : i32
        %dma_start3A_361 = tpu.memref_slice %arg16[%dma_start3A_359, %dma_start3A_360] : memref<10000x128xf32, #tpu.memory_space<vmem_shared>> -> memref<10000x128xf32, #tpu.memory_space<vmem_shared>>
        tpu.enqueue_indirect_dma source(%arg9 : memref<125x128xf32, #tpu.memory_space<vmem>>) target(%dma_start3A_361 : memref<10000x128xf32, #tpu.memory_space<vmem_shared>>) offsets(%dma_start3A_358 : memref<125xi32, #tpu.memory_space<vmem>>) semaphore(%run_scoped3A_355 : memref<!tpu.dma_semaphore, #tpu.memory_space<semaphore_mem>>) {add = true}
        %dma_wait3A_362 = arith.constant 0 : i32
        %dma_wait3A_363 = tpu.memref_slice %arg8[%run_scoped3A_248, %dma_wait3A_362] : memref<16x125xi32, #tpu.memory_space<vmem>> -> memref<1x125xi32, #tpu.memory_space<vmem>>
        %dma_wait3A_364 = tpu.memref_squeeze %dma_wait3A_363 : memref<1x125xi32, #tpu.memory_space<vmem>> -> memref<125xi32, #tpu.memory_space<vmem>>
        %dma_wait3A_365 = arith.constant 0 : i32
        %dma_wait3A_366 = arith.constant 0 : i32
        %dma_wait3A_367 = tpu.memref_slice %arg16[%dma_wait3A_365, %dma_wait3A_366] : memref<10000x128xf32, #tpu.memory_space<vmem_shared>> -> memref<10000x128xf32, #tpu.memory_space<vmem_shared>>
        tpu.wait_indirect_dma semaphore(%run_scoped3A_355 : memref<!tpu.dma_semaphore, #tpu.memory_space<semaphore_mem>>) src(%arg9 : memref<125x128xf32, #tpu.memory_space<vmem>>) dst(%dma_wait3A_367 : memref<10000x128xf32, #tpu.memory_space<vmem_shared>>)
        tpu.yield
      }) : () -> ()
      %add3A_249 = arith.constant 1 : i32
      %add3A_250 = arith.addi %add3A_240, %add3A_249 : i32
      %dma_start3A_251 = arith.constant 0 : i32
      %dma_start3A_252 = tpu.memref_slice %arg7[%add3A_250, %dma_start3A_251] : memref<80x125xi32, #tpu.memory_space<vmem>> -> memref<1x125xi32, #tpu.memory_space<vmem>>
      %dma_start3A_253 = tpu.memref_squeeze %dma_start3A_252 : memref<1x125xi32, #tpu.memory_space<vmem>> -> memref<125xi32, #tpu.memory_space<vmem>>
      %dma_start3A_254 = arith.constant 0 : i32
      %dma_start3A_255 = arith.constant 0 : i32
      %dma_start3A_256 = tpu.memref_slice %arg2[%dma_start3A_254, %dma_start3A_255] : memref<10000x128xf32, #tpu.memory_space<hbm>> -> memref<10000x128xf32, #tpu.memory_space<hbm>>
      tpu.enqueue_indirect_dma source(%dma_start3A_256 : memref<10000x128xf32, #tpu.memory_space<hbm>>) target(%arg10 : memref<125x128xf32, #tpu.memory_space<vmem>>) offsets(%dma_start3A_253 : memref<125xi32, #tpu.memory_space<vmem>>) semaphore(%arg12 : memref<!tpu.dma_semaphore, #tpu.memory_space<semaphore_mem>>)
      %mul3A_257 = arith.constant 16 : i32
      %mul3A_258 = arith.muli %scan3A_32, %mul3A_257 : i32
      %add3A_259 = arith.constant 11 : i32
      %add3A_260 = arith.addi %mul3A_258, %add3A_259 : i32
      %dma_wait3A_261 = arith.constant 0 : i32
      %dma_wait3A_262 = arith.constant 0 : i32
      %dma_wait3A_263 = tpu.memref_slice %arg7[%dma_wait3A_261, %dma_wait3A_262] : memref<80x125xi32, #tpu.memory_space<vmem>> -> memref<1x125xi32, #tpu.memory_space<vmem>>
      %dma_wait3A_264 = tpu.memref_squeeze %dma_wait3A_263 : memref<1x125xi32, #tpu.memory_space<vmem>> -> memref<125xi32, #tpu.memory_space<vmem>>
      %dma_wait3A_265 = arith.constant 0 : i32
      %dma_wait3A_266 = arith.constant 0 : i32
      %dma_wait3A_267 = tpu.memref_slice %arg2[%dma_wait3A_265, %dma_wait3A_266] : memref<10000x128xf32, #tpu.memory_space<hbm>> -> memref<10000x128xf32, #tpu.memory_space<hbm>>
      tpu.wait_indirect_dma semaphore(%arg12 : memref<!tpu.dma_semaphore, #tpu.memory_space<semaphore_mem>>) src(%dma_wait3A_267 : memref<10000x128xf32, #tpu.memory_space<hbm>>) dst(%arg10 : memref<125x128xf32, #tpu.memory_space<vmem>>)
      %run_scoped3A_268 = arith.constant 11 : i32
      "tpu.region"() ({
        %run_scoped3A_355 = tpu.sem_alloc : memref<!tpu.dma_semaphore, #tpu.memory_space<semaphore_mem>>
        %dma_start3A_356 = arith.constant 0 : i32
        %dma_start3A_357 = tpu.memref_slice %arg8[%run_scoped3A_268, %dma_start3A_356] : memref<16x125xi32, #tpu.memory_space<vmem>> -> memref<1x125xi32, #tpu.memory_space<vmem>>
        %dma_start3A_358 = tpu.memref_squeeze %dma_start3A_357 : memref<1x125xi32, #tpu.memory_space<vmem>> -> memref<125xi32, #tpu.memory_space<vmem>>
        %dma_start3A_359 = arith.constant 0 : i32
        %dma_start3A_360 = arith.constant 0 : i32
        %dma_start3A_361 = tpu.memref_slice %arg16[%dma_start3A_359, %dma_start3A_360] : memref<10000x128xf32, #tpu.memory_space<vmem_shared>> -> memref<10000x128xf32, #tpu.memory_space<vmem_shared>>
        tpu.enqueue_indirect_dma source(%arg10 : memref<125x128xf32, #tpu.memory_space<vmem>>) target(%dma_start3A_361 : memref<10000x128xf32, #tpu.memory_space<vmem_shared>>) offsets(%dma_start3A_358 : memref<125xi32, #tpu.memory_space<vmem>>) semaphore(%run_scoped3A_355 : memref<!tpu.dma_semaphore, #tpu.memory_space<semaphore_mem>>) {add = true}
        %dma_wait3A_362 = arith.constant 0 : i32
        %dma_wait3A_363 = tpu.memref_slice %arg8[%run_scoped3A_268, %dma_wait3A_362] : memref<16x125xi32, #tpu.memory_space<vmem>> -> memref<1x125xi32, #tpu.memory_space<vmem>>
        %dma_wait3A_364 = tpu.memref_squeeze %dma_wait3A_363 : memref<1x125xi32, #tpu.memory_space<vmem>> -> memref<125xi32, #tpu.memory_space<vmem>>
        %dma_wait3A_365 = arith.constant 0 : i32
        %dma_wait3A_366 = arith.constant 0 : i32
        %dma_wait3A_367 = tpu.memref_slice %arg16[%dma_wait3A_365, %dma_wait3A_366] : memref<10000x128xf32, #tpu.memory_space<vmem_shared>> -> memref<10000x128xf32, #tpu.memory_space<vmem_shared>>
        tpu.wait_indirect_dma semaphore(%run_scoped3A_355 : memref<!tpu.dma_semaphore, #tpu.memory_space<semaphore_mem>>) src(%arg10 : memref<125x128xf32, #tpu.memory_space<vmem>>) dst(%dma_wait3A_367 : memref<10000x128xf32, #tpu.memory_space<vmem_shared>>)
        tpu.yield
      }) : () -> ()
      %add3A_269 = arith.constant 1 : i32
      %add3A_270 = arith.addi %add3A_260, %add3A_269 : i32
      %dma_start3A_271 = arith.constant 0 : i32
      %dma_start3A_272 = tpu.memref_slice %arg7[%add3A_270, %dma_start3A_271] : memref<80x125xi32, #tpu.memory_space<vmem>> -> memref<1x125xi32, #tpu.memory_space<vmem>>
      %dma_start3A_273 = tpu.memref_squeeze %dma_start3A_272 : memref<1x125xi32, #tpu.memory_space<vmem>> -> memref<125xi32, #tpu.memory_space<vmem>>
      %dma_start3A_274 = arith.constant 0 : i32
      %dma_start3A_275 = arith.constant 0 : i32
      %dma_start3A_276 = tpu.memref_slice %arg2[%dma_start3A_274, %dma_start3A_275] : memref<10000x128xf32, #tpu.memory_space<hbm>> -> memref<10000x128xf32, #tpu.memory_space<hbm>>
      tpu.enqueue_indirect_dma source(%dma_start3A_276 : memref<10000x128xf32, #tpu.memory_space<hbm>>) target(%arg9 : memref<125x128xf32, #tpu.memory_space<vmem>>) offsets(%dma_start3A_273 : memref<125xi32, #tpu.memory_space<vmem>>) semaphore(%arg11 : memref<!tpu.dma_semaphore, #tpu.memory_space<semaphore_mem>>)
      %mul3A_277 = arith.constant 16 : i32
      %mul3A_278 = arith.muli %scan3A_32, %mul3A_277 : i32
      %add3A_279 = arith.constant 12 : i32
      %add3A_280 = arith.addi %mul3A_278, %add3A_279 : i32
      %dma_wait3A_281 = arith.constant 0 : i32
      %dma_wait3A_282 = arith.constant 0 : i32
      %dma_wait3A_283 = tpu.memref_slice %arg7[%dma_wait3A_281, %dma_wait3A_282] : memref<80x125xi32, #tpu.memory_space<vmem>> -> memref<1x125xi32, #tpu.memory_space<vmem>>
      %dma_wait3A_284 = tpu.memref_squeeze %dma_wait3A_283 : memref<1x125xi32, #tpu.memory_space<vmem>> -> memref<125xi32, #tpu.memory_space<vmem>>
      %dma_wait3A_285 = arith.constant 0 : i32
      %dma_wait3A_286 = arith.constant 0 : i32
      %dma_wait3A_287 = tpu.memref_slice %arg2[%dma_wait3A_285, %dma_wait3A_286] : memref<10000x128xf32, #tpu.memory_space<hbm>> -> memref<10000x128xf32, #tpu.memory_space<hbm>>
      tpu.wait_indirect_dma semaphore(%arg11 : memref<!tpu.dma_semaphore, #tpu.memory_space<semaphore_mem>>) src(%dma_wait3A_287 : memref<10000x128xf32, #tpu.memory_space<hbm>>) dst(%arg9 : memref<125x128xf32, #tpu.memory_space<vmem>>)
      %run_scoped3A_288 = arith.constant 12 : i32
      "tpu.region"() ({
        %run_scoped3A_355 = tpu.sem_alloc : memref<!tpu.dma_semaphore, #tpu.memory_space<semaphore_mem>>
        %dma_start3A_356 = arith.constant 0 : i32
        %dma_start3A_357 = tpu.memref_slice %arg8[%run_scoped3A_288, %dma_start3A_356] : memref<16x125xi32, #tpu.memory_space<vmem>> -> memref<1x125xi32, #tpu.memory_space<vmem>>
        %dma_start3A_358 = tpu.memref_squeeze %dma_start3A_357 : memref<1x125xi32, #tpu.memory_space<vmem>> -> memref<125xi32, #tpu.memory_space<vmem>>
        %dma_start3A_359 = arith.constant 0 : i32
        %dma_start3A_360 = arith.constant 0 : i32
        %dma_start3A_361 = tpu.memref_slice %arg16[%dma_start3A_359, %dma_start3A_360] : memref<10000x128xf32, #tpu.memory_space<vmem_shared>> -> memref<10000x128xf32, #tpu.memory_space<vmem_shared>>
        tpu.enqueue_indirect_dma source(%arg9 : memref<125x128xf32, #tpu.memory_space<vmem>>) target(%dma_start3A_361 : memref<10000x128xf32, #tpu.memory_space<vmem_shared>>) offsets(%dma_start3A_358 : memref<125xi32, #tpu.memory_space<vmem>>) semaphore(%run_scoped3A_355 : memref<!tpu.dma_semaphore, #tpu.memory_space<semaphore_mem>>) {add = true}
        %dma_wait3A_362 = arith.constant 0 : i32
        %dma_wait3A_363 = tpu.memref_slice %arg8[%run_scoped3A_288, %dma_wait3A_362] : memref<16x125xi32, #tpu.memory_space<vmem>> -> memref<1x125xi32, #tpu.memory_space<vmem>>
        %dma_wait3A_364 = tpu.memref_squeeze %dma_wait3A_363 : memref<1x125xi32, #tpu.memory_space<vmem>> -> memref<125xi32, #tpu.memory_space<vmem>>
        %dma_wait3A_365 = arith.constant 0 : i32
        %dma_wait3A_366 = arith.constant 0 : i32
        %dma_wait3A_367 = tpu.memref_slice %arg16[%dma_wait3A_365, %dma_wait3A_366] : memref<10000x128xf32, #tpu.memory_space<vmem_shared>> -> memref<10000x128xf32, #tpu.memory_space<vmem_shared>>
        tpu.wait_indirect_dma semaphore(%run_scoped3A_355 : memref<!tpu.dma_semaphore, #tpu.memory_space<semaphore_mem>>) src(%arg9 : memref<125x128xf32, #tpu.memory_space<vmem>>) dst(%dma_wait3A_367 : memref<10000x128xf32, #tpu.memory_space<vmem_shared>>)
        tpu.yield
      }) : () -> ()
      %add3A_289 = arith.constant 1 : i32
      %add3A_290 = arith.addi %add3A_280, %add3A_289 : i32
      %dma_start3A_291 = arith.constant 0 : i32
      %dma_start3A_292 = tpu.memref_slice %arg7[%add3A_290, %dma_start3A_291] : memref<80x125xi32, #tpu.memory_space<vmem>> -> memref<1x125xi32, #tpu.memory_space<vmem>>
      %dma_start3A_293 = tpu.memref_squeeze %dma_start3A_292 : memref<1x125xi32, #tpu.memory_space<vmem>> -> memref<125xi32, #tpu.memory_space<vmem>>
      %dma_start3A_294 = arith.constant 0 : i32
      %dma_start3A_295 = arith.constant 0 : i32
      %dma_start3A_296 = tpu.memref_slice %arg2[%dma_start3A_294, %dma_start3A_295] : memref<10000x128xf32, #tpu.memory_space<hbm>> -> memref<10000x128xf32, #tpu.memory_space<hbm>>
      tpu.enqueue_indirect_dma source(%dma_start3A_296 : memref<10000x128xf32, #tpu.memory_space<hbm>>) target(%arg10 : memref<125x128xf32, #tpu.memory_space<vmem>>) offsets(%dma_start3A_293 : memref<125xi32, #tpu.memory_space<vmem>>) semaphore(%arg12 : memref<!tpu.dma_semaphore, #tpu.memory_space<semaphore_mem>>)
      %mul3A_297 = arith.constant 16 : i32
      %mul3A_298 = arith.muli %scan3A_32, %mul3A_297 : i32
      %add3A_299 = arith.constant 13 : i32
      %add3A_300 = arith.addi %mul3A_298, %add3A_299 : i32
      %dma_wait3A_301 = arith.constant 0 : i32
      %dma_wait3A_302 = arith.constant 0 : i32
      %dma_wait3A_303 = tpu.memref_slice %arg7[%dma_wait3A_301, %dma_wait3A_302] : memref<80x125xi32, #tpu.memory_space<vmem>> -> memref<1x125xi32, #tpu.memory_space<vmem>>
      %dma_wait3A_304 = tpu.memref_squeeze %dma_wait3A_303 : memref<1x125xi32, #tpu.memory_space<vmem>> -> memref<125xi32, #tpu.memory_space<vmem>>
      %dma_wait3A_305 = arith.constant 0 : i32
      %dma_wait3A_306 = arith.constant 0 : i32
      %dma_wait3A_307 = tpu.memref_slice %arg2[%dma_wait3A_305, %dma_wait3A_306] : memref<10000x128xf32, #tpu.memory_space<hbm>> -> memref<10000x128xf32, #tpu.memory_space<hbm>>
      tpu.wait_indirect_dma semaphore(%arg12 : memref<!tpu.dma_semaphore, #tpu.memory_space<semaphore_mem>>) src(%dma_wait3A_307 : memref<10000x128xf32, #tpu.memory_space<hbm>>) dst(%arg10 : memref<125x128xf32, #tpu.memory_space<vmem>>)
      %run_scoped3A_308 = arith.constant 13 : i32
      "tpu.region"() ({
        %run_scoped3A_355 = tpu.sem_alloc : memref<!tpu.dma_semaphore, #tpu.memory_space<semaphore_mem>>
        %dma_start3A_356 = arith.constant 0 : i32
        %dma_start3A_357 = tpu.memref_slice %arg8[%run_scoped3A_308, %dma_start3A_356] : memref<16x125xi32, #tpu.memory_space<vmem>> -> memref<1x125xi32, #tpu.memory_space<vmem>>
        %dma_start3A_358 = tpu.memref_squeeze %dma_start3A_357 : memref<1x125xi32, #tpu.memory_space<vmem>> -> memref<125xi32, #tpu.memory_space<vmem>>
        %dma_start3A_359 = arith.constant 0 : i32
        %dma_start3A_360 = arith.constant 0 : i32
        %dma_start3A_361 = tpu.memref_slice %arg16[%dma_start3A_359, %dma_start3A_360] : memref<10000x128xf32, #tpu.memory_space<vmem_shared>> -> memref<10000x128xf32, #tpu.memory_space<vmem_shared>>
        tpu.enqueue_indirect_dma source(%arg10 : memref<125x128xf32, #tpu.memory_space<vmem>>) target(%dma_start3A_361 : memref<10000x128xf32, #tpu.memory_space<vmem_shared>>) offsets(%dma_start3A_358 : memref<125xi32, #tpu.memory_space<vmem>>) semaphore(%run_scoped3A_355 : memref<!tpu.dma_semaphore, #tpu.memory_space<semaphore_mem>>) {add = true}
        %dma_wait3A_362 = arith.constant 0 : i32
        %dma_wait3A_363 = tpu.memref_slice %arg8[%run_scoped3A_308, %dma_wait3A_362] : memref<16x125xi32, #tpu.memory_space<vmem>> -> memref<1x125xi32, #tpu.memory_space<vmem>>
        %dma_wait3A_364 = tpu.memref_squeeze %dma_wait3A_363 : memref<1x125xi32, #tpu.memory_space<vmem>> -> memref<125xi32, #tpu.memory_space<vmem>>
        %dma_wait3A_365 = arith.constant 0 : i32
        %dma_wait3A_366 = arith.constant 0 : i32
        %dma_wait3A_367 = tpu.memref_slice %arg16[%dma_wait3A_365, %dma_wait3A_366] : memref<10000x128xf32, #tpu.memory_space<vmem_shared>> -> memref<10000x128xf32, #tpu.memory_space<vmem_shared>>
        tpu.wait_indirect_dma semaphore(%run_scoped3A_355 : memref<!tpu.dma_semaphore, #tpu.memory_space<semaphore_mem>>) src(%arg10 : memref<125x128xf32, #tpu.memory_space<vmem>>) dst(%dma_wait3A_367 : memref<10000x128xf32, #tpu.memory_space<vmem_shared>>)
        tpu.yield
      }) : () -> ()
      %add3A_309 = arith.constant 1 : i32
      %add3A_310 = arith.addi %add3A_300, %add3A_309 : i32
      %dma_start3A_311 = arith.constant 0 : i32
      %dma_start3A_312 = tpu.memref_slice %arg7[%add3A_310, %dma_start3A_311] : memref<80x125xi32, #tpu.memory_space<vmem>> -> memref<1x125xi32, #tpu.memory_space<vmem>>
      %dma_start3A_313 = tpu.memref_squeeze %dma_start3A_312 : memref<1x125xi32, #tpu.memory_space<vmem>> -> memref<125xi32, #tpu.memory_space<vmem>>
      %dma_start3A_314 = arith.constant 0 : i32
      %dma_start3A_315 = arith.constant 0 : i32
      %dma_start3A_316 = tpu.memref_slice %arg2[%dma_start3A_314, %dma_start3A_315] : memref<10000x128xf32, #tpu.memory_space<hbm>> -> memref<10000x128xf32, #tpu.memory_space<hbm>>
      tpu.enqueue_indirect_dma source(%dma_start3A_316 : memref<10000x128xf32, #tpu.memory_space<hbm>>) target(%arg9 : memref<125x128xf32, #tpu.memory_space<vmem>>) offsets(%dma_start3A_313 : memref<125xi32, #tpu.memory_space<vmem>>) semaphore(%arg11 : memref<!tpu.dma_semaphore, #tpu.memory_space<semaphore_mem>>)
      %mul3A_317 = arith.constant 16 : i32
      %mul3A_318 = arith.muli %scan3A_32, %mul3A_317 : i32
      %add3A_319 = arith.constant 14 : i32
      %add3A_320 = arith.addi %mul3A_318, %add3A_319 : i32
      %dma_wait3A_321 = arith.constant 0 : i32
      %dma_wait3A_322 = arith.constant 0 : i32
      %dma_wait3A_323 = tpu.memref_slice %arg7[%dma_wait3A_321, %dma_wait3A_322] : memref<80x125xi32, #tpu.memory_space<vmem>> -> memref<1x125xi32, #tpu.memory_space<vmem>>
      %dma_wait3A_324 = tpu.memref_squeeze %dma_wait3A_323 : memref<1x125xi32, #tpu.memory_space<vmem>> -> memref<125xi32, #tpu.memory_space<vmem>>
      %dma_wait3A_325 = arith.constant 0 : i32
      %dma_wait3A_326 = arith.constant 0 : i32
      %dma_wait3A_327 = tpu.memref_slice %arg2[%dma_wait3A_325, %dma_wait3A_326] : memref<10000x128xf32, #tpu.memory_space<hbm>> -> memref<10000x128xf32, #tpu.memory_space<hbm>>
      tpu.wait_indirect_dma semaphore(%arg11 : memref<!tpu.dma_semaphore, #tpu.memory_space<semaphore_mem>>) src(%dma_wait3A_327 : memref<10000x128xf32, #tpu.memory_space<hbm>>) dst(%arg9 : memref<125x128xf32, #tpu.memory_space<vmem>>)
      %run_scoped3A_328 = arith.constant 14 : i32
      "tpu.region"() ({
        %run_scoped3A_355 = tpu.sem_alloc : memref<!tpu.dma_semaphore, #tpu.memory_space<semaphore_mem>>
        %dma_start3A_356 = arith.constant 0 : i32
        %dma_start3A_357 = tpu.memref_slice %arg8[%run_scoped3A_328, %dma_start3A_356] : memref<16x125xi32, #tpu.memory_space<vmem>> -> memref<1x125xi32, #tpu.memory_space<vmem>>
        %dma_start3A_358 = tpu.memref_squeeze %dma_start3A_357 : memref<1x125xi32, #tpu.memory_space<vmem>> -> memref<125xi32, #tpu.memory_space<vmem>>
        %dma_start3A_359 = arith.constant 0 : i32
        %dma_start3A_360 = arith.constant 0 : i32
        %dma_start3A_361 = tpu.memref_slice %arg16[%dma_start3A_359, %dma_start3A_360] : memref<10000x128xf32, #tpu.memory_space<vmem_shared>> -> memref<10000x128xf32, #tpu.memory_space<vmem_shared>>
        tpu.enqueue_indirect_dma source(%arg9 : memref<125x128xf32, #tpu.memory_space<vmem>>) target(%dma_start3A_361 : memref<10000x128xf32, #tpu.memory_space<vmem_shared>>) offsets(%dma_start3A_358 : memref<125xi32, #tpu.memory_space<vmem>>) semaphore(%run_scoped3A_355 : memref<!tpu.dma_semaphore, #tpu.memory_space<semaphore_mem>>) {add = true}
        %dma_wait3A_362 = arith.constant 0 : i32
        %dma_wait3A_363 = tpu.memref_slice %arg8[%run_scoped3A_328, %dma_wait3A_362] : memref<16x125xi32, #tpu.memory_space<vmem>> -> memref<1x125xi32, #tpu.memory_space<vmem>>
        %dma_wait3A_364 = tpu.memref_squeeze %dma_wait3A_363 : memref<1x125xi32, #tpu.memory_space<vmem>> -> memref<125xi32, #tpu.memory_space<vmem>>
        %dma_wait3A_365 = arith.constant 0 : i32
        %dma_wait3A_366 = arith.constant 0 : i32
        %dma_wait3A_367 = tpu.memref_slice %arg16[%dma_wait3A_365, %dma_wait3A_366] : memref<10000x128xf32, #tpu.memory_space<vmem_shared>> -> memref<10000x128xf32, #tpu.memory_space<vmem_shared>>
        tpu.wait_indirect_dma semaphore(%run_scoped3A_355 : memref<!tpu.dma_semaphore, #tpu.memory_space<semaphore_mem>>) src(%arg9 : memref<125x128xf32, #tpu.memory_space<vmem>>) dst(%dma_wait3A_367 : memref<10000x128xf32, #tpu.memory_space<vmem_shared>>)
        tpu.yield
      }) : () -> ()
      %add3A_329 = arith.constant 1 : i32
      %add3A_330 = arith.addi %add3A_320, %add3A_329 : i32
      %dma_start3A_331 = arith.constant 0 : i32
      %dma_start3A_332 = tpu.memref_slice %arg7[%add3A_330, %dma_start3A_331] : memref<80x125xi32, #tpu.memory_space<vmem>> -> memref<1x125xi32, #tpu.memory_space<vmem>>
      %dma_start3A_333 = tpu.memref_squeeze %dma_start3A_332 : memref<1x125xi32, #tpu.memory_space<vmem>> -> memref<125xi32, #tpu.memory_space<vmem>>
      %dma_start3A_334 = arith.constant 0 : i32
      %dma_start3A_335 = arith.constant 0 : i32
      %dma_start3A_336 = tpu.memref_slice %arg2[%dma_start3A_334, %dma_start3A_335] : memref<10000x128xf32, #tpu.memory_space<hbm>> -> memref<10000x128xf32, #tpu.memory_space<hbm>>
      tpu.enqueue_indirect_dma source(%dma_start3A_336 : memref<10000x128xf32, #tpu.memory_space<hbm>>) target(%arg10 : memref<125x128xf32, #tpu.memory_space<vmem>>) offsets(%dma_start3A_333 : memref<125xi32, #tpu.memory_space<vmem>>) semaphore(%arg12 : memref<!tpu.dma_semaphore, #tpu.memory_space<semaphore_mem>>)
      %mul3A_337 = arith.constant 16 : i32
      %mul3A_338 = arith.muli %scan3A_32, %mul3A_337 : i32
      %add3A_339 = arith.constant 15 : i32
      %add3A_340 = arith.addi %mul3A_338, %add3A_339 : i32
      %dma_wait3A_341 = arith.constant 0 : i32
      %dma_wait3A_342 = arith.constant 0 : i32
      %dma_wait3A_343 = tpu.memref_slice %arg7[%dma_wait3A_341, %dma_wait3A_342] : memref<80x125xi32, #tpu.memory_space<vmem>> -> memref<1x125xi32, #tpu.memory_space<vmem>>
      %dma_wait3A_344 = tpu.memref_squeeze %dma_wait3A_343 : memref<1x125xi32, #tpu.memory_space<vmem>> -> memref<125xi32, #tpu.memory_space<vmem>>
      %dma_wait3A_345 = arith.constant 0 : i32
      %dma_wait3A_346 = arith.constant 0 : i32
      %dma_wait3A_347 = tpu.memref_slice %arg2[%dma_wait3A_345, %dma_wait3A_346] : memref<10000x128xf32, #tpu.memory_space<hbm>> -> memref<10000x128xf32, #tpu.memory_space<hbm>>
      tpu.wait_indirect_dma semaphore(%arg12 : memref<!tpu.dma_semaphore, #tpu.memory_space<semaphore_mem>>) src(%dma_wait3A_347 : memref<10000x128xf32, #tpu.memory_space<hbm>>) dst(%arg10 : memref<125x128xf32, #tpu.memory_space<vmem>>)
      %run_scoped3A_348 = arith.constant 15 : i32
      "tpu.region"() ({
        %run_scoped3A_355 = tpu.sem_alloc : memref<!tpu.dma_semaphore, #tpu.memory_space<semaphore_mem>>
        %dma_start3A_356 = arith.constant 0 : i32
        %dma_start3A_357 = tpu.memref_slice %arg8[%run_scoped3A_348, %dma_start3A_356] : memref<16x125xi32, #tpu.memory_space<vmem>> -> memref<1x125xi32, #tpu.memory_space<vmem>>
        %dma_start3A_358 = tpu.memref_squeeze %dma_start3A_357 : memref<1x125xi32, #tpu.memory_space<vmem>> -> memref<125xi32, #tpu.memory_space<vmem>>
        %dma_start3A_359 = arith.constant 0 : i32
        %dma_start3A_360 = arith.constant 0 : i32
        %dma_start3A_361 = tpu.memref_slice %arg16[%dma_start3A_359, %dma_start3A_360] : memref<10000x128xf32, #tpu.memory_space<vmem_shared>> -> memref<10000x128xf32, #tpu.memory_space<vmem_shared>>
        tpu.enqueue_indirect_dma source(%arg10 : memref<125x128xf32, #tpu.memory_space<vmem>>) target(%dma_start3A_361 : memref<10000x128xf32, #tpu.memory_space<vmem_shared>>) offsets(%dma_start3A_358 : memref<125xi32, #tpu.memory_space<vmem>>) semaphore(%run_scoped3A_355 : memref<!tpu.dma_semaphore, #tpu.memory_space<semaphore_mem>>) {add = true}
        %dma_wait3A_362 = arith.constant 0 : i32
        %dma_wait3A_363 = tpu.memref_slice %arg8[%run_scoped3A_348, %dma_wait3A_362] : memref<16x125xi32, #tpu.memory_space<vmem>> -> memref<1x125xi32, #tpu.memory_space<vmem>>
        %dma_wait3A_364 = tpu.memref_squeeze %dma_wait3A_363 : memref<1x125xi32, #tpu.memory_space<vmem>> -> memref<125xi32, #tpu.memory_space<vmem>>
        %dma_wait3A_365 = arith.constant 0 : i32
        %dma_wait3A_366 = arith.constant 0 : i32
        %dma_wait3A_367 = tpu.memref_slice %arg16[%dma_wait3A_365, %dma_wait3A_366] : memref<10000x128xf32, #tpu.memory_space<vmem_shared>> -> memref<10000x128xf32, #tpu.memory_space<vmem_shared>>
        tpu.wait_indirect_dma semaphore(%run_scoped3A_355 : memref<!tpu.dma_semaphore, #tpu.memory_space<semaphore_mem>>) src(%arg10 : memref<125x128xf32, #tpu.memory_space<vmem>>) dst(%dma_wait3A_367 : memref<10000x128xf32, #tpu.memory_space<vmem_shared>>)
        tpu.yield
      }) : () -> ()
      %lt3A_349 = arith.constant 4 : i32
      %lt3A_350 = arith.cmpi slt, %scan3A_32, %lt3A_349 : i32
      %convert_element_type3A_351 = arith.extui %lt3A_350 : i1 to i32
      %cond3A_352 = arith.constant 0 : i32
      %cond3A_353 = arith.cmpi ne, %convert_element_type3A_351, %cond3A_352 : i32
      scf.if %cond3A_353 {
        %add3A_355 = arith.constant 1 : i32
        %add3A_356 = arith.addi %add3A_340, %add3A_355 : i32
        %dma_start3A_357 = arith.constant 0 : i32
        %dma_start3A_358 = tpu.memref_slice %arg7[%add3A_356, %dma_start3A_357] : memref<80x125xi32, #tpu.memory_space<vmem>> -> memref<1x125xi32, #tpu.memory_space<vmem>>
        %dma_start3A_359 = tpu.memref_squeeze %dma_start3A_358 : memref<1x125xi32, #tpu.memory_space<vmem>> -> memref<125xi32, #tpu.memory_space<vmem>>
        %dma_start3A_360 = arith.constant 0 : i32
        %dma_start3A_361 = arith.constant 0 : i32
        %dma_start3A_362 = tpu.memref_slice %arg2[%dma_start3A_360, %dma_start3A_361] : memref<10000x128xf32, #tpu.memory_space<hbm>> -> memref<10000x128xf32, #tpu.memory_space<hbm>>
        tpu.enqueue_indirect_dma source(%dma_start3A_362 : memref<10000x128xf32, #tpu.memory_space<hbm>>) target(%arg9 : memref<125x128xf32, #tpu.memory_space<vmem>>) offsets(%dma_start3A_359 : memref<125xi32, #tpu.memory_space<vmem>>) semaphore(%arg11 : memref<!tpu.dma_semaphore, #tpu.memory_space<semaphore_mem>>)
      } else {
      }
      %scan3A_354 = arith.constant 0 : i32
      scf.yield %scan3A_354 : i32
    }
    %scan3A_20 = arith.constant 5 : i32
    %barrier3A_21 = arith.constant 0 : index
    tpu.barrier barrier_id(%barrier3A_21)
    %lt3A_22 = arith.constant 15 : i32
    %lt3A_23 = arith.cmpi slt, %arg1, %lt3A_22 : i32
    %convert_element_type3A_24 = arith.extui %lt3A_23 : i1 to i32
    %cond3A_25 = arith.constant 0 : i32
    %cond3A_26 = arith.cmpi ne, %convert_element_type3A_24, %cond3A_25 : i32
    scf.if %cond3A_26 {
      %mul3A_32 = arith.constant 632 : i32
      %mul3A_33 = arith.muli %arg1, %mul3A_32 : i32
      %mul3A_34 = arith.constant 632 : i32
      %mul3A_35 = arith.muli %arg1, %mul3A_34 : i32
      "tpu.region"() ({
        %run_scoped3A = tpu.sem_alloc : memref<!tpu.dma_semaphore, #tpu.memory_space<semaphore_mem>>
        %dma_start3A_36 = arith.constant 0 : i32
        %dma_start3A_37 = tpu.memref_slice %arg6[%arg0, %mul3A_35, %dma_start3A_36] : memref<2x10000x128xf32, #tpu.memory_space<hbm>> -> memref<1x632x128xf32, #tpu.memory_space<hbm>>
        %dma_start3A_38 = tpu.memref_squeeze %dma_start3A_37 : memref<1x632x128xf32, #tpu.memory_space<hbm>> -> memref<632x128xf32, #tpu.memory_space<hbm>>
        %dma_start3A_39 = arith.constant 0 : i32
        %dma_start3A_40 = tpu.memref_slice %arg16[%mul3A_33, %dma_start3A_39] : memref<10000x128xf32, #tpu.memory_space<vmem_shared>> -> memref<632x128xf32, #tpu.memory_space<vmem_shared>>
        tpu.enqueue_dma source(%dma_start3A_40 : memref<632x128xf32, #tpu.memory_space<vmem_shared>>) target(%dma_start3A_38 : memref<632x128xf32, #tpu.memory_space<hbm>>) target_semaphore(%run_scoped3A : memref<!tpu.dma_semaphore, #tpu.memory_space<semaphore_mem>>)
        %dma_wait3A = arith.constant 0 : i32
        %dma_wait3A_41 = tpu.memref_slice %arg6[%arg0, %mul3A_35, %dma_wait3A] : memref<2x10000x128xf32, #tpu.memory_space<hbm>> -> memref<1x632x128xf32, #tpu.memory_space<hbm>>
        %dma_wait3A_42 = tpu.memref_squeeze %dma_wait3A_41 : memref<1x632x128xf32, #tpu.memory_space<hbm>> -> memref<632x128xf32, #tpu.memory_space<hbm>>
        %dma_wait3A_43 = arith.constant 0 : i32
        %dma_wait3A_44 = tpu.memref_slice %arg16[%mul3A_33, %dma_wait3A_43] : memref<10000x128xf32, #tpu.memory_space<vmem_shared>> -> memref<632x128xf32, #tpu.memory_space<vmem_shared>>
        tpu.wait_dma2 semaphore(%run_scoped3A : memref<!tpu.dma_semaphore, #tpu.memory_space<semaphore_mem>>) src(%dma_wait3A_44 : memref<632x128xf32, #tpu.memory_space<vmem_shared>>) dst(%dma_wait3A_42 : memref<632x128xf32, #tpu.memory_space<hbm>>)
        tpu.yield
      }) : () -> ()
    } else {
    }
    %eq3A_27 = arith.constant 15 : i32
    %eq3A_28 = arith.cmpi eq, %arg1, %eq3A_27 : i32
    %convert_element_type3A_29 = arith.extui %eq3A_28 : i1 to i32
    %cond3A_30 = arith.constant 0 : i32
    %cond3A_31 = arith.cmpi ne, %convert_element_type3A_29, %cond3A_30 : i32
    scf.if %cond3A_31 {
      "tpu.region"() ({
        %run_scoped3A = tpu.sem_alloc : memref<!tpu.dma_semaphore, #tpu.memory_space<semaphore_mem>>
        %dma_start3A_32 = arith.constant 9480 : i32
        %dma_start3A_33 = arith.constant 0 : i32
        %dma_start3A_34 = tpu.memref_slice %arg6[%arg0, %dma_start3A_32, %dma_start3A_33] : memref<2x10000x128xf32, #tpu.memory_space<hbm>> -> memref<1x520x128xf32, #tpu.memory_space<hbm>>
        %dma_start3A_35 = tpu.memref_squeeze %dma_start3A_34 : memref<1x520x128xf32, #tpu.memory_space<hbm>> -> memref<520x128xf32, #tpu.memory_space<hbm>>
        %dma_start3A_36 = arith.constant 9480 : i32
        %dma_start3A_37 = arith.constant 0 : i32
        %dma_start3A_38 = tpu.memref_slice %arg16[%dma_start3A_36, %dma_start3A_37] : memref<10000x128xf32, #tpu.memory_space<vmem_shared>> -> memref<520x128xf32, #tpu.memory_space<vmem_shared>>
        tpu.enqueue_dma source(%dma_start3A_38 : memref<520x128xf32, #tpu.memory_space<vmem_shared>>) target(%dma_start3A_35 : memref<520x128xf32, #tpu.memory_space<hbm>>) target_semaphore(%run_scoped3A : memref<!tpu.dma_semaphore, #tpu.memory_space<semaphore_mem>>)
        %dma_wait3A = arith.constant 9480 : i32
        %dma_wait3A_39 = arith.constant 0 : i32
        %dma_wait3A_40 = tpu.memref_slice %arg6[%arg0, %dma_wait3A, %dma_wait3A_39] : memref<2x10000x128xf32, #tpu.memory_space<hbm>> -> memref<1x520x128xf32, #tpu.memory_space<hbm>>
        %dma_wait3A_41 = tpu.memref_squeeze %dma_wait3A_40 : memref<1x520x128xf32, #tpu.memory_space<hbm>> -> memref<520x128xf32, #tpu.memory_space<hbm>>
        %dma_wait3A_42 = arith.constant 9480 : i32
        %dma_wait3A_43 = arith.constant 0 : i32
        %dma_wait3A_44 = tpu.memref_slice %arg16[%dma_wait3A_42, %dma_wait3A_43] : memref<10000x128xf32, #tpu.memory_space<vmem_shared>> -> memref<520x128xf32, #tpu.memory_space<vmem_shared>>
        tpu.wait_dma2 semaphore(%run_scoped3A : memref<!tpu.dma_semaphore, #tpu.memory_space<semaphore_mem>>) src(%dma_wait3A_44 : memref<520x128xf32, #tpu.memory_space<vmem_shared>>) dst(%dma_wait3A_41 : memref<520x128xf32, #tpu.memory_space<hbm>>)
        tpu.yield
      }) : () -> ()
    } else {
    }
    return
  }
}

#map = affine_map<(d0, d1) -> (0, 0)>
#map1 = affine_map<(d0, d1) -> (0, 0, 0)>
module attributes {stable_mosaic.version = 14 : i64} {
  func.func @_scatter_kernel(%arg0: i32, %arg1: i32, %arg2: memref<10000x128xf32, #tpu.memory_space<hbm>>, %arg3: memref<2560x125xi32, #tpu.memory_space<hbm>>, %arg4: memref<2560x125xi32, #tpu.memory_space<hbm>>, %arg5: memref<632x128xf32, #tpu.memory_space<hbm>>, %arg6: memref<2x10000x128xf32, #tpu.memory_space<hbm>>, %arg7: memref<80x125xi32, #tpu.memory_space<vmem>>, %arg8: memref<16x125xi32, #tpu.memory_space<vmem>>, %arg9: memref<125x128xf32, #tpu.memory_space<vmem>>, %arg10: memref<125x128xf32, #tpu.memory_space<vmem>>, %arg11: memref<!tpu.dma_semaphore, #tpu.memory_space<semaphore_mem>>, %arg12: memref<!tpu.dma_semaphore, #tpu.memory_space<semaphore_mem>>, %arg13: memref<!tpu.dma_semaphore, #tpu.memory_space<semaphore_mem>>, %arg14: memref<!tpu.dma_semaphore, #tpu.memory_space<semaphore_mem>>, %arg15: memref<!tpu.dma_semaphore, #tpu.memory_space<semaphore_mem>>, %arg16: memref<10000x128xf32, #tpu.memory_space<vmem_shared>>) attributes {dimension_semantics = [#tpu.dimension_semantics<core_parallel>, #tpu.dimension_semantics<subcore_parallel>], iteration_bounds = array<i64: 2, 16>, scalar_prefetch = 0 : i64, scratch_operands = 10 : i64, tpu.core_type = #tpu.core_type<sc_vector_subcore>, window_params = [{transform_indices = #map}, {transform_indices = #map}, {transform_indices = #map}, {transform_indices = #map}, {transform_indices = #map1}]} {
    %mul3A = arith.constant 16 : i32
    %mul3A_0 = arith.muli %arg0, %mul3A : i32
    %add3A = arith.addi %mul3A_0, %arg1 : i32
    %lt3A = arith.constant 15 : i32
    %lt3A_1 = arith.cmpi slt, %arg1, %lt3A : i32
    %convert_element_type3A = arith.extui %lt3A_1 : i1 to i32
    %cond3A = arith.constant 0 : i32
    %cond3A_2 = arith.cmpi ne, %convert_element_type3A, %cond3A : i32
    scf.if %cond3A_2 {
      %mul3A_32 = arith.constant 632 : i32
      %mul3A_33 = arith.muli %arg1, %mul3A_32 : i32
      "tpu.region"() ({
        %run_scoped3A = tpu.sem_alloc : memref<!tpu.dma_semaphore, #tpu.memory_space<semaphore_mem>>
        %dma_start3A_34 = arith.constant 0 : i32
        %dma_start3A_35 = tpu.memref_slice %arg16[%mul3A_33, %dma_start3A_34] : memref<10000x128xf32, #tpu.memory_space<vmem_shared>> -> memref<632x128xf32, #tpu.memory_space<vmem_shared>>
        tpu.enqueue_dma source(%arg5 : memref<632x128xf32, #tpu.memory_space<hbm>>) target(%dma_start3A_35 : memref<632x128xf32, #tpu.memory_space<vmem_shared>>) target_semaphore(%run_scoped3A : memref<!tpu.dma_semaphore, #tpu.memory_space<semaphore_mem>>)
        %dma_wait3A = arith.constant 0 : i32
        %dma_wait3A_36 = tpu.memref_slice %arg16[%mul3A_33, %dma_wait3A] : memref<10000x128xf32, #tpu.memory_space<vmem_shared>> -> memref<632x128xf32, #tpu.memory_space<vmem_shared>>
        tpu.wait_dma2 semaphore(%run_scoped3A : memref<!tpu.dma_semaphore, #tpu.memory_space<semaphore_mem>>) src(%arg5 : memref<632x128xf32, #tpu.memory_space<hbm>>) dst(%dma_wait3A_36 : memref<632x128xf32, #tpu.memory_space<vmem_shared>>)
        tpu.yield
      }) : () -> ()
    } else {
    }
    %eq3A = arith.constant 15 : i32
    %eq3A_3 = arith.cmpi eq, %arg1, %eq3A : i32
    %convert_element_type3A_4 = arith.extui %eq3A_3 : i1 to i32
    %cond3A_5 = arith.constant 0 : i32
    %cond3A_6 = arith.cmpi ne, %convert_element_type3A_4, %cond3A_5 : i32
    scf.if %cond3A_6 {
      "tpu.region"() ({
        %run_scoped3A = tpu.sem_alloc : memref<!tpu.dma_semaphore, #tpu.memory_space<semaphore_mem>>
        %dma_start3A_32 = arith.constant 9480 : i32
        %dma_start3A_33 = arith.constant 0 : i32
        %dma_start3A_34 = tpu.memref_slice %arg16[%dma_start3A_32, %dma_start3A_33] : memref<10000x128xf32, #tpu.memory_space<vmem_shared>> -> memref<520x128xf32, #tpu.memory_space<vmem_shared>>
        %dma_start3A_35 = arith.constant 0 : i32
        %dma_start3A_36 = arith.constant 0 : i32
        %dma_start3A_37 = tpu.memref_slice %arg5[%dma_start3A_35, %dma_start3A_36] : memref<632x128xf32, #tpu.memory_space<hbm>> -> memref<520x128xf32, #tpu.memory_space<hbm>>
        tpu.enqueue_dma source(%dma_start3A_37 : memref<520x128xf32, #tpu.memory_space<hbm>>) target(%dma_start3A_34 : memref<520x128xf32, #tpu.memory_space<vmem_shared>>) target_semaphore(%run_scoped3A : memref<!tpu.dma_semaphore, #tpu.memory_space<semaphore_mem>>)
        %dma_wait3A = arith.constant 9480 : i32
        %dma_wait3A_38 = arith.constant 0 : i32
        %dma_wait3A_39 = tpu.memref_slice %arg16[%dma_wait3A, %dma_wait3A_38] : memref<10000x128xf32, #tpu.memory_space<vmem_shared>> -> memref<520x128xf32, #tpu.memory_space<vmem_shared>>
        %dma_wait3A_40 = arith.constant 0 : i32
        %dma_wait3A_41 = arith.constant 0 : i32
        %dma_wait3A_42 = tpu.memref_slice %arg5[%dma_wait3A_40, %dma_wait3A_41] : memref<632x128xf32, #tpu.memory_space<hbm>> -> memref<520x128xf32, #tpu.memory_space<hbm>>
        tpu.wait_dma2 semaphore(%run_scoped3A : memref<!tpu.dma_semaphore, #tpu.memory_space<semaphore_mem>>) src(%dma_wait3A_42 : memref<520x128xf32, #tpu.memory_space<hbm>>) dst(%dma_wait3A_39 : memref<520x128xf32, #tpu.memory_space<vmem_shared>>)
        tpu.yield
      }) : () -> ()
    } else {
    }
    %barrier3A = arith.constant 0 : index
    tpu.barrier barrier_id(%barrier3A)
    %mul3A_7 = arith.constant 80 : i32
    %mul3A_8 = arith.muli %add3A, %mul3A_7 : i32
    "tpu.region"() ({
      %run_scoped3A = tpu.sem_alloc : memref<!tpu.dma_semaphore, #tpu.memory_space<semaphore_mem>>
      %dma_start3A_32 = arith.constant 0 : i32
      %dma_start3A_33 = tpu.memref_slice %arg3[%mul3A_8, %dma_start3A_32] : memref<2560x125xi32, #tpu.memory_space<hbm>> -> memref<80x125xi32, #tpu.memory_space<hbm>>
      %dma_start3A_34 = arith.constant 0 : i32
      %dma_start3A_35 = tpu.memref_slice %arg3[%mul3A_8, %dma_start3A_34] : memref<2560x125xi32, #tpu.memory_space<hbm>> -> memref<80x125xi32, #tpu.memory_space<hbm>>
      tpu.enqueue_dma source(%dma_start3A_35 : memref<80x125xi32, #tpu.memory_space<hbm>>) target(%arg7 : memref<80x125xi32, #tpu.memory_space<vmem>>) target_semaphore(%run_scoped3A : memref<!tpu.dma_semaphore, #tpu.memory_space<semaphore_mem>>)
      %dma_wait3A = arith.constant 0 : i32
      %dma_wait3A_36 = tpu.memref_slice %arg3[%mul3A_8, %dma_wait3A] : memref<2560x125xi32, #tpu.memory_space<hbm>> -> memref<80x125xi32, #tpu.memory_space<hbm>>
      %dma_wait3A_37 = arith.constant 0 : i32
      %dma_wait3A_38 = tpu.memref_slice %arg3[%mul3A_8, %dma_wait3A_37] : memref<2560x125xi32, #tpu.memory_space<hbm>> -> memref<80x125xi32, #tpu.memory_space<hbm>>
      tpu.wait_dma2 semaphore(%run_scoped3A : memref<!tpu.dma_semaphore, #tpu.memory_space<semaphore_mem>>) src(%dma_wait3A_38 : memref<80x125xi32, #tpu.memory_space<hbm>>) dst(%arg7 : memref<80x125xi32, #tpu.memory_space<vmem>>)
      tpu.yield
    }) : () -> ()
    %dma_start3A = arith.constant 0 : i32
    %dma_start3A_9 = arith.constant 0 : i32
    %dma_start3A_10 = tpu.memref_slice %arg7[%dma_start3A, %dma_start3A_9] : memref<80x125xi32, #tpu.memory_space<vmem>> -> memref<1x125xi32, #tpu.memory_space<vmem>>
    %dma_start3A_11 = tpu.memref_squeeze %dma_start3A_10 : memref<1x125xi32, #tpu.memory_space<vmem>> -> memref<125xi32, #tpu.memory_space<vmem>>
    %dma_start3A_12 = arith.constant 0 : i32
    %dma_start3A_13 = arith.constant 0 : i32
    %dma_start3A_14 = tpu.memref_slice %arg2[%dma_start3A_12, %dma_start3A_13] : memref<10000x128xf32, #tpu.memory_space<hbm>> -> memref<10000x128xf32, #tpu.memory_space<hbm>>
    tpu.enqueue_indirect_dma source(%dma_start3A_14 : memref<10000x128xf32, #tpu.memory_space<hbm>>) target(%arg9 : memref<125x128xf32, #tpu.memory_space<vmem>>) offsets(%dma_start3A_11 : memref<125xi32, #tpu.memory_space<vmem>>) semaphore(%arg11 : memref<!tpu.dma_semaphore, #tpu.memory_space<semaphore_mem>>)
    %scan3A = arith.constant 0 : i32
    %scan3A_15 = arith.constant 0 : i32
    %scan3A_16 = arith.constant 5 : i32
    %scan3A_17 = arith.addi %scan3A_15, %scan3A_16 : i32
    %scan3A_18 = arith.constant 1 : i32
    %scan3A_19 = scf.for %scan3A_32 = %scan3A_15 to %scan3A_17 step %scan3A_18 iter_args(%scan3A_33 = %scan3A) -> (i32)  : i32 {
      %mul3A_34 = arith.constant 80 : i32
      %mul3A_35 = arith.muli %add3A, %mul3A_34 : i32
      %mul3A_36 = arith.constant 16 : i32
      %mul3A_37 = arith.muli %scan3A_32, %mul3A_36 : i32
      %add3A_38 = arith.addi %mul3A_35, %mul3A_37 : i32
      "tpu.region"() ({
        %run_scoped3A_355 = tpu.sem_alloc : memref<!tpu.dma_semaphore, #tpu.memory_space<semaphore_mem>>
        %dma_start3A_356 = arith.constant 0 : i32
        %dma_start3A_357 = tpu.memref_slice %arg4[%add3A_38, %dma_start3A_356] : memref<2560x125xi32, #tpu.memory_space<hbm>> -> memref<16x125xi32, #tpu.memory_space<hbm>>
        %dma_start3A_358 = arith.constant 0 : i32
        %dma_start3A_359 = tpu.memref_slice %arg4[%add3A_38, %dma_start3A_358] : memref<2560x125xi32, #tpu.memory_space<hbm>> -> memref<16x125xi32, #tpu.memory_space<hbm>>
        tpu.enqueue_dma source(%dma_start3A_359 : memref<16x125xi32, #tpu.memory_space<hbm>>) target(%arg8 : memref<16x125xi32, #tpu.memory_space<vmem>>) target_semaphore(%run_scoped3A_355 : memref<!tpu.dma_semaphore, #tpu.memory_space<semaphore_mem>>)
        %dma_wait3A_360 = arith.constant 0 : i32
        %dma_wait3A_361 = tpu.memref_slice %arg4[%add3A_38, %dma_wait3A_360] : memref<2560x125xi32, #tpu.memory_space<hbm>> -> memref<16x125xi32, #tpu.memory_space<hbm>>
        %dma_wait3A_362 = arith.constant 0 : i32
        %dma_wait3A_363 = tpu.memref_slice %arg4[%add3A_38, %dma_wait3A_362] : memref<2560x125xi32, #tpu.memory_space<hbm>> -> memref<16x125xi32, #tpu.memory_space<hbm>>
        tpu.wait_dma2 semaphore(%run_scoped3A_355 : memref<!tpu.dma_semaphore, #tpu.memory_space<semaphore_mem>>) src(%dma_wait3A_363 : memref<16x125xi32, #tpu.memory_space<hbm>>) dst(%arg8 : memref<16x125xi32, #tpu.memory_space<vmem>>)
        tpu.yield
      }) : () -> ()
      %mul3A_39 = arith.constant 16 : i32
      %mul3A_40 = arith.muli %scan3A_32, %mul3A_39 : i32
      %add3A_41 = arith.constant 0 : i32
      %add3A_42 = arith.addi %mul3A_40, %add3A_41 : i32
      %dma_wait3A = arith.constant 0 : i32
      %dma_wait3A_43 = arith.constant 0 : i32
      %dma_wait3A_44 = tpu.memref_slice %arg7[%dma_wait3A, %dma_wait3A_43] : memref<80x125xi32, #tpu.memory_space<vmem>> -> memref<1x125xi32, #tpu.memory_space<vmem>>
      %dma_wait3A_45 = tpu.memref_squeeze %dma_wait3A_44 : memref<1x125xi32, #tpu.memory_space<vmem>> -> memref<125xi32, #tpu.memory_space<vmem>>
      %dma_wait3A_46 = arith.constant 0 : i32
      %dma_wait3A_47 = arith.constant 0 : i32
      %dma_wait3A_48 = tpu.memref_slice %arg2[%dma_wait3A_46, %dma_wait3A_47] : memref<10000x128xf32, #tpu.memory_space<hbm>> -> memref<10000x128xf32, #tpu.memory_space<hbm>>
      tpu.wait_indirect_dma semaphore(%arg11 : memref<!tpu.dma_semaphore, #tpu.memory_space<semaphore_mem>>) src(%dma_wait3A_48 : memref<10000x128xf32, #tpu.memory_space<hbm>>) dst(%arg9 : memref<125x128xf32, #tpu.memory_space<vmem>>)
      %run_scoped3A = arith.constant 0 : i32
      "tpu.region"() ({
        %run_scoped3A_355 = tpu.sem_alloc : memref<!tpu.dma_semaphore, #tpu.memory_space<semaphore_mem>>
        %dma_start3A_356 = arith.constant 0 : i32
        %dma_start3A_357 = tpu.memref_slice %arg8[%run_scoped3A, %dma_start3A_356] : memref<16x125xi32, #tpu.memory_space<vmem>> -> memref<1x125xi32, #tpu.memory_space<vmem>>
        %dma_start3A_358 = tpu.memref_squeeze %dma_start3A_357 : memref<1x125xi32, #tpu.memory_space<vmem>> -> memref<125xi32, #tpu.memory_space<vmem>>
        %dma_start3A_359 = arith.constant 0 : i32
        %dma_start3A_360 = arith.constant 0 : i32
        %dma_start3A_361 = tpu.memref_slice %arg16[%dma_start3A_359, %dma_start3A_360] : memref<10000x128xf32, #tpu.memory_space<vmem_shared>> -> memref<10000x128xf32, #tpu.memory_space<vmem_shared>>
        tpu.enqueue_indirect_dma source(%arg9 : memref<125x128xf32, #tpu.memory_space<vmem>>) target(%dma_start3A_361 : memref<10000x128xf32, #tpu.memory_space<vmem_shared>>) offsets(%dma_start3A_358 : memref<125xi32, #tpu.memory_space<vmem>>) semaphore(%run_scoped3A_355 : memref<!tpu.dma_semaphore, #tpu.memory_space<semaphore_mem>>) {add = true}
        %dma_wait3A_362 = arith.constant 0 : i32
        %dma_wait3A_363 = tpu.memref_slice %arg8[%run_scoped3A, %dma_wait3A_362] : memref<16x125xi32, #tpu.memory_space<vmem>> -> memref<1x125xi32, #tpu.memory_space<vmem>>
        %dma_wait3A_364 = tpu.memref_squeeze %dma_wait3A_363 : memref<1x125xi32, #tpu.memory_space<vmem>> -> memref<125xi32, #tpu.memory_space<vmem>>
        %dma_wait3A_365 = arith.constant 0 : i32
        %dma_wait3A_366 = arith.constant 0 : i32
        %dma_wait3A_367 = tpu.memref_slice %arg16[%dma_wait3A_365, %dma_wait3A_366] : memref<10000x128xf32, #tpu.memory_space<vmem_shared>> -> memref<10000x128xf32, #tpu.memory_space<vmem_shared>>
        tpu.wait_indirect_dma semaphore(%run_scoped3A_355 : memref<!tpu.dma_semaphore, #tpu.memory_space<semaphore_mem>>) src(%arg9 : memref<125x128xf32, #tpu.memory_space<vmem>>) dst(%dma_wait3A_367 : memref<10000x128xf32, #tpu.memory_space<vmem_shared>>)
        tpu.yield
      }) : () -> ()
      %add3A_49 = arith.constant 1 : i32
      %add3A_50 = arith.addi %add3A_42, %add3A_49 : i32
      %dma_start3A_51 = arith.constant 0 : i32
      %dma_start3A_52 = tpu.memref_slice %arg7[%add3A_50, %dma_start3A_51] : memref<80x125xi32, #tpu.memory_space<vmem>> -> memref<1x125xi32, #tpu.memory_space<vmem>>
      %dma_start3A_53 = tpu.memref_squeeze %dma_start3A_52 : memref<1x125xi32, #tpu.memory_space<vmem>> -> memref<125xi32, #tpu.memory_space<vmem>>
      %dma_start3A_54 = arith.constant 0 : i32
      %dma_start3A_55 = arith.constant 0 : i32
      %dma_start3A_56 = tpu.memref_slice %arg2[%dma_start3A_54, %dma_start3A_55] : memref<10000x128xf32, #tpu.memory_space<hbm>> -> memref<10000x128xf32, #tpu.memory_space<hbm>>
      tpu.enqueue_indirect_dma source(%dma_start3A_56 : memref<10000x128xf32, #tpu.memory_space<hbm>>) target(%arg10 : memref<125x128xf32, #tpu.memory_space<vmem>>) offsets(%dma_start3A_53 : memref<125xi32, #tpu.memory_space<vmem>>) semaphore(%arg12 : memref<!tpu.dma_semaphore, #tpu.memory_space<semaphore_mem>>)
      %mul3A_57 = arith.constant 16 : i32
      %mul3A_58 = arith.muli %scan3A_32, %mul3A_57 : i32
      %add3A_59 = arith.constant 1 : i32
      %add3A_60 = arith.addi %mul3A_58, %add3A_59 : i32
      %dma_wait3A_61 = arith.constant 0 : i32
      %dma_wait3A_62 = arith.constant 0 : i32
      %dma_wait3A_63 = tpu.memref_slice %arg7[%dma_wait3A_61, %dma_wait3A_62] : memref<80x125xi32, #tpu.memory_space<vmem>> -> memref<1x125xi32, #tpu.memory_space<vmem>>
      %dma_wait3A_64 = tpu.memref_squeeze %dma_wait3A_63 : memref<1x125xi32, #tpu.memory_space<vmem>> -> memref<125xi32, #tpu.memory_space<vmem>>
      %dma_wait3A_65 = arith.constant 0 : i32
      %dma_wait3A_66 = arith.constant 0 : i32
      %dma_wait3A_67 = tpu.memref_slice %arg2[%dma_wait3A_65, %dma_wait3A_66] : memref<10000x128xf32, #tpu.memory_space<hbm>> -> memref<10000x128xf32, #tpu.memory_space<hbm>>
      tpu.wait_indirect_dma semaphore(%arg12 : memref<!tpu.dma_semaphore, #tpu.memory_space<semaphore_mem>>) src(%dma_wait3A_67 : memref<10000x128xf32, #tpu.memory_space<hbm>>) dst(%arg10 : memref<125x128xf32, #tpu.memory_space<vmem>>)
      %run_scoped3A_68 = arith.constant 1 : i32
      "tpu.region"() ({
        %run_scoped3A_355 = tpu.sem_alloc : memref<!tpu.dma_semaphore, #tpu.memory_space<semaphore_mem>>
        %dma_start3A_356 = arith.constant 0 : i32
        %dma_start3A_357 = tpu.memref_slice %arg8[%run_scoped3A_68, %dma_start3A_356] : memref<16x125xi32, #tpu.memory_space<vmem>> -> memref<1x125xi32, #tpu.memory_space<vmem>>
        %dma_start3A_358 = tpu.memref_squeeze %dma_start3A_357 : memref<1x125xi32, #tpu.memory_space<vmem>> -> memref<125xi32, #tpu.memory_space<vmem>>
        %dma_start3A_359 = arith.constant 0 : i32
        %dma_start3A_360 = arith.constant 0 : i32
        %dma_start3A_361 = tpu.memref_slice %arg16[%dma_start3A_359, %dma_start3A_360] : memref<10000x128xf32, #tpu.memory_space<vmem_shared>> -> memref<10000x128xf32, #tpu.memory_space<vmem_shared>>
        tpu.enqueue_indirect_dma source(%arg10 : memref<125x128xf32, #tpu.memory_space<vmem>>) target(%dma_start3A_361 : memref<10000x128xf32, #tpu.memory_space<vmem_shared>>) offsets(%dma_start3A_358 : memref<125xi32, #tpu.memory_space<vmem>>) semaphore(%run_scoped3A_355 : memref<!tpu.dma_semaphore, #tpu.memory_space<semaphore_mem>>) {add = true}
        %dma_wait3A_362 = arith.constant 0 : i32
        %dma_wait3A_363 = tpu.memref_slice %arg8[%run_scoped3A_68, %dma_wait3A_362] : memref<16x125xi32, #tpu.memory_space<vmem>> -> memref<1x125xi32, #tpu.memory_space<vmem>>
        %dma_wait3A_364 = tpu.memref_squeeze %dma_wait3A_363 : memref<1x125xi32, #tpu.memory_space<vmem>> -> memref<125xi32, #tpu.memory_space<vmem>>
        %dma_wait3A_365 = arith.constant 0 : i32
        %dma_wait3A_366 = arith.constant 0 : i32
        %dma_wait3A_367 = tpu.memref_slice %arg16[%dma_wait3A_365, %dma_wait3A_366] : memref<10000x128xf32, #tpu.memory_space<vmem_shared>> -> memref<10000x128xf32, #tpu.memory_space<vmem_shared>>
        tpu.wait_indirect_dma semaphore(%run_scoped3A_355 : memref<!tpu.dma_semaphore, #tpu.memory_space<semaphore_mem>>) src(%arg10 : memref<125x128xf32, #tpu.memory_space<vmem>>) dst(%dma_wait3A_367 : memref<10000x128xf32, #tpu.memory_space<vmem_shared>>)
        tpu.yield
      }) : () -> ()
      %add3A_69 = arith.constant 1 : i32
      %add3A_70 = arith.addi %add3A_60, %add3A_69 : i32
      %dma_start3A_71 = arith.constant 0 : i32
      %dma_start3A_72 = tpu.memref_slice %arg7[%add3A_70, %dma_start3A_71] : memref<80x125xi32, #tpu.memory_space<vmem>> -> memref<1x125xi32, #tpu.memory_space<vmem>>
      %dma_start3A_73 = tpu.memref_squeeze %dma_start3A_72 : memref<1x125xi32, #tpu.memory_space<vmem>> -> memref<125xi32, #tpu.memory_space<vmem>>
      %dma_start3A_74 = arith.constant 0 : i32
      %dma_start3A_75 = arith.constant 0 : i32
      %dma_start3A_76 = tpu.memref_slice %arg2[%dma_start3A_74, %dma_start3A_75] : memref<10000x128xf32, #tpu.memory_space<hbm>> -> memref<10000x128xf32, #tpu.memory_space<hbm>>
      tpu.enqueue_indirect_dma source(%dma_start3A_76 : memref<10000x128xf32, #tpu.memory_space<hbm>>) target(%arg9 : memref<125x128xf32, #tpu.memory_space<vmem>>) offsets(%dma_start3A_73 : memref<125xi32, #tpu.memory_space<vmem>>) semaphore(%arg11 : memref<!tpu.dma_semaphore, #tpu.memory_space<semaphore_mem>>)
      %mul3A_77 = arith.constant 16 : i32
      %mul3A_78 = arith.muli %scan3A_32, %mul3A_77 : i32
      %add3A_79 = arith.constant 2 : i32
      %add3A_80 = arith.addi %mul3A_78, %add3A_79 : i32
      %dma_wait3A_81 = arith.constant 0 : i32
      %dma_wait3A_82 = arith.constant 0 : i32
      %dma_wait3A_83 = tpu.memref_slice %arg7[%dma_wait3A_81, %dma_wait3A_82] : memref<80x125xi32, #tpu.memory_space<vmem>> -> memref<1x125xi32, #tpu.memory_space<vmem>>
      %dma_wait3A_84 = tpu.memref_squeeze %dma_wait3A_83 : memref<1x125xi32, #tpu.memory_space<vmem>> -> memref<125xi32, #tpu.memory_space<vmem>>
      %dma_wait3A_85 = arith.constant 0 : i32
      %dma_wait3A_86 = arith.constant 0 : i32
      %dma_wait3A_87 = tpu.memref_slice %arg2[%dma_wait3A_85, %dma_wait3A_86] : memref<10000x128xf32, #tpu.memory_space<hbm>> -> memref<10000x128xf32, #tpu.memory_space<hbm>>
      tpu.wait_indirect_dma semaphore(%arg11 : memref<!tpu.dma_semaphore, #tpu.memory_space<semaphore_mem>>) src(%dma_wait3A_87 : memref<10000x128xf32, #tpu.memory_space<hbm>>) dst(%arg9 : memref<125x128xf32, #tpu.memory_space<vmem>>)
      %run_scoped3A_88 = arith.constant 2 : i32
      "tpu.region"() ({
        %run_scoped3A_355 = tpu.sem_alloc : memref<!tpu.dma_semaphore, #tpu.memory_space<semaphore_mem>>
        %dma_start3A_356 = arith.constant 0 : i32
        %dma_start3A_357 = tpu.memref_slice %arg8[%run_scoped3A_88, %dma_start3A_356] : memref<16x125xi32, #tpu.memory_space<vmem>> -> memref<1x125xi32, #tpu.memory_space<vmem>>
        %dma_start3A_358 = tpu.memref_squeeze %dma_start3A_357 : memref<1x125xi32, #tpu.memory_space<vmem>> -> memref<125xi32, #tpu.memory_space<vmem>>
        %dma_start3A_359 = arith.constant 0 : i32
        %dma_start3A_360 = arith.constant 0 : i32
        %dma_start3A_361 = tpu.memref_slice %arg16[%dma_start3A_359, %dma_start3A_360] : memref<10000x128xf32, #tpu.memory_space<vmem_shared>> -> memref<10000x128xf32, #tpu.memory_space<vmem_shared>>
        tpu.enqueue_indirect_dma source(%arg9 : memref<125x128xf32, #tpu.memory_space<vmem>>) target(%dma_start3A_361 : memref<10000x128xf32, #tpu.memory_space<vmem_shared>>) offsets(%dma_start3A_358 : memref<125xi32, #tpu.memory_space<vmem>>) semaphore(%run_scoped3A_355 : memref<!tpu.dma_semaphore, #tpu.memory_space<semaphore_mem>>) {add = true}
        %dma_wait3A_362 = arith.constant 0 : i32
        %dma_wait3A_363 = tpu.memref_slice %arg8[%run_scoped3A_88, %dma_wait3A_362] : memref<16x125xi32, #tpu.memory_space<vmem>> -> memref<1x125xi32, #tpu.memory_space<vmem>>
        %dma_wait3A_364 = tpu.memref_squeeze %dma_wait3A_363 : memref<1x125xi32, #tpu.memory_space<vmem>> -> memref<125xi32, #tpu.memory_space<vmem>>
        %dma_wait3A_365 = arith.constant 0 : i32
        %dma_wait3A_366 = arith.constant 0 : i32
        %dma_wait3A_367 = tpu.memref_slice %arg16[%dma_wait3A_365, %dma_wait3A_366] : memref<10000x128xf32, #tpu.memory_space<vmem_shared>> -> memref<10000x128xf32, #tpu.memory_space<vmem_shared>>
        tpu.wait_indirect_dma semaphore(%run_scoped3A_355 : memref<!tpu.dma_semaphore, #tpu.memory_space<semaphore_mem>>) src(%arg9 : memref<125x128xf32, #tpu.memory_space<vmem>>) dst(%dma_wait3A_367 : memref<10000x128xf32, #tpu.memory_space<vmem_shared>>)
        tpu.yield
      }) : () -> ()
      %add3A_89 = arith.constant 1 : i32
      %add3A_90 = arith.addi %add3A_80, %add3A_89 : i32
      %dma_start3A_91 = arith.constant 0 : i32
      %dma_start3A_92 = tpu.memref_slice %arg7[%add3A_90, %dma_start3A_91] : memref<80x125xi32, #tpu.memory_space<vmem>> -> memref<1x125xi32, #tpu.memory_space<vmem>>
      %dma_start3A_93 = tpu.memref_squeeze %dma_start3A_92 : memref<1x125xi32, #tpu.memory_space<vmem>> -> memref<125xi32, #tpu.memory_space<vmem>>
      %dma_start3A_94 = arith.constant 0 : i32
      %dma_start3A_95 = arith.constant 0 : i32
      %dma_start3A_96 = tpu.memref_slice %arg2[%dma_start3A_94, %dma_start3A_95] : memref<10000x128xf32, #tpu.memory_space<hbm>> -> memref<10000x128xf32, #tpu.memory_space<hbm>>
      tpu.enqueue_indirect_dma source(%dma_start3A_96 : memref<10000x128xf32, #tpu.memory_space<hbm>>) target(%arg10 : memref<125x128xf32, #tpu.memory_space<vmem>>) offsets(%dma_start3A_93 : memref<125xi32, #tpu.memory_space<vmem>>) semaphore(%arg12 : memref<!tpu.dma_semaphore, #tpu.memory_space<semaphore_mem>>)
      %mul3A_97 = arith.constant 16 : i32
      %mul3A_98 = arith.muli %scan3A_32, %mul3A_97 : i32
      %add3A_99 = arith.constant 3 : i32
      %add3A_100 = arith.addi %mul3A_98, %add3A_99 : i32
      %dma_wait3A_101 = arith.constant 0 : i32
      %dma_wait3A_102 = arith.constant 0 : i32
      %dma_wait3A_103 = tpu.memref_slice %arg7[%dma_wait3A_101, %dma_wait3A_102] : memref<80x125xi32, #tpu.memory_space<vmem>> -> memref<1x125xi32, #tpu.memory_space<vmem>>
      %dma_wait3A_104 = tpu.memref_squeeze %dma_wait3A_103 : memref<1x125xi32, #tpu.memory_space<vmem>> -> memref<125xi32, #tpu.memory_space<vmem>>
      %dma_wait3A_105 = arith.constant 0 : i32
      %dma_wait3A_106 = arith.constant 0 : i32
      %dma_wait3A_107 = tpu.memref_slice %arg2[%dma_wait3A_105, %dma_wait3A_106] : memref<10000x128xf32, #tpu.memory_space<hbm>> -> memref<10000x128xf32, #tpu.memory_space<hbm>>
      tpu.wait_indirect_dma semaphore(%arg12 : memref<!tpu.dma_semaphore, #tpu.memory_space<semaphore_mem>>) src(%dma_wait3A_107 : memref<10000x128xf32, #tpu.memory_space<hbm>>) dst(%arg10 : memref<125x128xf32, #tpu.memory_space<vmem>>)
      %run_scoped3A_108 = arith.constant 3 : i32
      "tpu.region"() ({
        %run_scoped3A_355 = tpu.sem_alloc : memref<!tpu.dma_semaphore, #tpu.memory_space<semaphore_mem>>
        %dma_start3A_356 = arith.constant 0 : i32
        %dma_start3A_357 = tpu.memref_slice %arg8[%run_scoped3A_108, %dma_start3A_356] : memref<16x125xi32, #tpu.memory_space<vmem>> -> memref<1x125xi32, #tpu.memory_space<vmem>>
        %dma_start3A_358 = tpu.memref_squeeze %dma_start3A_357 : memref<1x125xi32, #tpu.memory_space<vmem>> -> memref<125xi32, #tpu.memory_space<vmem>>
        %dma_start3A_359 = arith.constant 0 : i32
        %dma_start3A_360 = arith.constant 0 : i32
        %dma_start3A_361 = tpu.memref_slice %arg16[%dma_start3A_359, %dma_start3A_360] : memref<10000x128xf32, #tpu.memory_space<vmem_shared>> -> memref<10000x128xf32, #tpu.memory_space<vmem_shared>>
        tpu.enqueue_indirect_dma source(%arg10 : memref<125x128xf32, #tpu.memory_space<vmem>>) target(%dma_start3A_361 : memref<10000x128xf32, #tpu.memory_space<vmem_shared>>) offsets(%dma_start3A_358 : memref<125xi32, #tpu.memory_space<vmem>>) semaphore(%run_scoped3A_355 : memref<!tpu.dma_semaphore, #tpu.memory_space<semaphore_mem>>) {add = true}
        %dma_wait3A_362 = arith.constant 0 : i32
        %dma_wait3A_363 = tpu.memref_slice %arg8[%run_scoped3A_108, %dma_wait3A_362] : memref<16x125xi32, #tpu.memory_space<vmem>> -> memref<1x125xi32, #tpu.memory_space<vmem>>
        %dma_wait3A_364 = tpu.memref_squeeze %dma_wait3A_363 : memref<1x125xi32, #tpu.memory_space<vmem>> -> memref<125xi32, #tpu.memory_space<vmem>>
        %dma_wait3A_365 = arith.constant 0 : i32
        %dma_wait3A_366 = arith.constant 0 : i32
        %dma_wait3A_367 = tpu.memref_slice %arg16[%dma_wait3A_365, %dma_wait3A_366] : memref<10000x128xf32, #tpu.memory_space<vmem_shared>> -> memref<10000x128xf32, #tpu.memory_space<vmem_shared>>
        tpu.wait_indirect_dma semaphore(%run_scoped3A_355 : memref<!tpu.dma_semaphore, #tpu.memory_space<semaphore_mem>>) src(%arg10 : memref<125x128xf32, #tpu.memory_space<vmem>>) dst(%dma_wait3A_367 : memref<10000x128xf32, #tpu.memory_space<vmem_shared>>)
        tpu.yield
      }) : () -> ()
      %add3A_109 = arith.constant 1 : i32
      %add3A_110 = arith.addi %add3A_100, %add3A_109 : i32
      %dma_start3A_111 = arith.constant 0 : i32
      %dma_start3A_112 = tpu.memref_slice %arg7[%add3A_110, %dma_start3A_111] : memref<80x125xi32, #tpu.memory_space<vmem>> -> memref<1x125xi32, #tpu.memory_space<vmem>>
      %dma_start3A_113 = tpu.memref_squeeze %dma_start3A_112 : memref<1x125xi32, #tpu.memory_space<vmem>> -> memref<125xi32, #tpu.memory_space<vmem>>
      %dma_start3A_114 = arith.constant 0 : i32
      %dma_start3A_115 = arith.constant 0 : i32
      %dma_start3A_116 = tpu.memref_slice %arg2[%dma_start3A_114, %dma_start3A_115] : memref<10000x128xf32, #tpu.memory_space<hbm>> -> memref<10000x128xf32, #tpu.memory_space<hbm>>
      tpu.enqueue_indirect_dma source(%dma_start3A_116 : memref<10000x128xf32, #tpu.memory_space<hbm>>) target(%arg9 : memref<125x128xf32, #tpu.memory_space<vmem>>) offsets(%dma_start3A_113 : memref<125xi32, #tpu.memory_space<vmem>>) semaphore(%arg11 : memref<!tpu.dma_semaphore, #tpu.memory_space<semaphore_mem>>)
      %mul3A_117 = arith.constant 16 : i32
      %mul3A_118 = arith.muli %scan3A_32, %mul3A_117 : i32
      %add3A_119 = arith.constant 4 : i32
      %add3A_120 = arith.addi %mul3A_118, %add3A_119 : i32
      %dma_wait3A_121 = arith.constant 0 : i32
      %dma_wait3A_122 = arith.constant 0 : i32
      %dma_wait3A_123 = tpu.memref_slice %arg7[%dma_wait3A_121, %dma_wait3A_122] : memref<80x125xi32, #tpu.memory_space<vmem>> -> memref<1x125xi32, #tpu.memory_space<vmem>>
      %dma_wait3A_124 = tpu.memref_squeeze %dma_wait3A_123 : memref<1x125xi32, #tpu.memory_space<vmem>> -> memref<125xi32, #tpu.memory_space<vmem>>
      %dma_wait3A_125 = arith.constant 0 : i32
      %dma_wait3A_126 = arith.constant 0 : i32
      %dma_wait3A_127 = tpu.memref_slice %arg2[%dma_wait3A_125, %dma_wait3A_126] : memref<10000x128xf32, #tpu.memory_space<hbm>> -> memref<10000x128xf32, #tpu.memory_space<hbm>>
      tpu.wait_indirect_dma semaphore(%arg11 : memref<!tpu.dma_semaphore, #tpu.memory_space<semaphore_mem>>) src(%dma_wait3A_127 : memref<10000x128xf32, #tpu.memory_space<hbm>>) dst(%arg9 : memref<125x128xf32, #tpu.memory_space<vmem>>)
      %run_scoped3A_128 = arith.constant 4 : i32
      "tpu.region"() ({
        %run_scoped3A_355 = tpu.sem_alloc : memref<!tpu.dma_semaphore, #tpu.memory_space<semaphore_mem>>
        %dma_start3A_356 = arith.constant 0 : i32
        %dma_start3A_357 = tpu.memref_slice %arg8[%run_scoped3A_128, %dma_start3A_356] : memref<16x125xi32, #tpu.memory_space<vmem>> -> memref<1x125xi32, #tpu.memory_space<vmem>>
        %dma_start3A_358 = tpu.memref_squeeze %dma_start3A_357 : memref<1x125xi32, #tpu.memory_space<vmem>> -> memref<125xi32, #tpu.memory_space<vmem>>
        %dma_start3A_359 = arith.constant 0 : i32
        %dma_start3A_360 = arith.constant 0 : i32
        %dma_start3A_361 = tpu.memref_slice %arg16[%dma_start3A_359, %dma_start3A_360] : memref<10000x128xf32, #tpu.memory_space<vmem_shared>> -> memref<10000x128xf32, #tpu.memory_space<vmem_shared>>
        tpu.enqueue_indirect_dma source(%arg9 : memref<125x128xf32, #tpu.memory_space<vmem>>) target(%dma_start3A_361 : memref<10000x128xf32, #tpu.memory_space<vmem_shared>>) offsets(%dma_start3A_358 : memref<125xi32, #tpu.memory_space<vmem>>) semaphore(%run_scoped3A_355 : memref<!tpu.dma_semaphore, #tpu.memory_space<semaphore_mem>>) {add = true}
        %dma_wait3A_362 = arith.constant 0 : i32
        %dma_wait3A_363 = tpu.memref_slice %arg8[%run_scoped3A_128, %dma_wait3A_362] : memref<16x125xi32, #tpu.memory_space<vmem>> -> memref<1x125xi32, #tpu.memory_space<vmem>>
        %dma_wait3A_364 = tpu.memref_squeeze %dma_wait3A_363 : memref<1x125xi32, #tpu.memory_space<vmem>> -> memref<125xi32, #tpu.memory_space<vmem>>
        %dma_wait3A_365 = arith.constant 0 : i32
        %dma_wait3A_366 = arith.constant 0 : i32
        %dma_wait3A_367 = tpu.memref_slice %arg16[%dma_wait3A_365, %dma_wait3A_366] : memref<10000x128xf32, #tpu.memory_space<vmem_shared>> -> memref<10000x128xf32, #tpu.memory_space<vmem_shared>>
        tpu.wait_indirect_dma semaphore(%run_scoped3A_355 : memref<!tpu.dma_semaphore, #tpu.memory_space<semaphore_mem>>) src(%arg9 : memref<125x128xf32, #tpu.memory_space<vmem>>) dst(%dma_wait3A_367 : memref<10000x128xf32, #tpu.memory_space<vmem_shared>>)
        tpu.yield
      }) : () -> ()
      %add3A_129 = arith.constant 1 : i32
      %add3A_130 = arith.addi %add3A_120, %add3A_129 : i32
      %dma_start3A_131 = arith.constant 0 : i32
      %dma_start3A_132 = tpu.memref_slice %arg7[%add3A_130, %dma_start3A_131] : memref<80x125xi32, #tpu.memory_space<vmem>> -> memref<1x125xi32, #tpu.memory_space<vmem>>
      %dma_start3A_133 = tpu.memref_squeeze %dma_start3A_132 : memref<1x125xi32, #tpu.memory_space<vmem>> -> memref<125xi32, #tpu.memory_space<vmem>>
      %dma_start3A_134 = arith.constant 0 : i32
      %dma_start3A_135 = arith.constant 0 : i32
      %dma_start3A_136 = tpu.memref_slice %arg2[%dma_start3A_134, %dma_start3A_135] : memref<10000x128xf32, #tpu.memory_space<hbm>> -> memref<10000x128xf32, #tpu.memory_space<hbm>>
      tpu.enqueue_indirect_dma source(%dma_start3A_136 : memref<10000x128xf32, #tpu.memory_space<hbm>>) target(%arg10 : memref<125x128xf32, #tpu.memory_space<vmem>>) offsets(%dma_start3A_133 : memref<125xi32, #tpu.memory_space<vmem>>) semaphore(%arg12 : memref<!tpu.dma_semaphore, #tpu.memory_space<semaphore_mem>>)
      %mul3A_137 = arith.constant 16 : i32
      %mul3A_138 = arith.muli %scan3A_32, %mul3A_137 : i32
      %add3A_139 = arith.constant 5 : i32
      %add3A_140 = arith.addi %mul3A_138, %add3A_139 : i32
      %dma_wait3A_141 = arith.constant 0 : i32
      %dma_wait3A_142 = arith.constant 0 : i32
      %dma_wait3A_143 = tpu.memref_slice %arg7[%dma_wait3A_141, %dma_wait3A_142] : memref<80x125xi32, #tpu.memory_space<vmem>> -> memref<1x125xi32, #tpu.memory_space<vmem>>
      %dma_wait3A_144 = tpu.memref_squeeze %dma_wait3A_143 : memref<1x125xi32, #tpu.memory_space<vmem>> -> memref<125xi32, #tpu.memory_space<vmem>>
      %dma_wait3A_145 = arith.constant 0 : i32
      %dma_wait3A_146 = arith.constant 0 : i32
      %dma_wait3A_147 = tpu.memref_slice %arg2[%dma_wait3A_145, %dma_wait3A_146] : memref<10000x128xf32, #tpu.memory_space<hbm>> -> memref<10000x128xf32, #tpu.memory_space<hbm>>
      tpu.wait_indirect_dma semaphore(%arg12 : memref<!tpu.dma_semaphore, #tpu.memory_space<semaphore_mem>>) src(%dma_wait3A_147 : memref<10000x128xf32, #tpu.memory_space<hbm>>) dst(%arg10 : memref<125x128xf32, #tpu.memory_space<vmem>>)
      %run_scoped3A_148 = arith.constant 5 : i32
      "tpu.region"() ({
        %run_scoped3A_355 = tpu.sem_alloc : memref<!tpu.dma_semaphore, #tpu.memory_space<semaphore_mem>>
        %dma_start3A_356 = arith.constant 0 : i32
        %dma_start3A_357 = tpu.memref_slice %arg8[%run_scoped3A_148, %dma_start3A_356] : memref<16x125xi32, #tpu.memory_space<vmem>> -> memref<1x125xi32, #tpu.memory_space<vmem>>
        %dma_start3A_358 = tpu.memref_squeeze %dma_start3A_357 : memref<1x125xi32, #tpu.memory_space<vmem>> -> memref<125xi32, #tpu.memory_space<vmem>>
        %dma_start3A_359 = arith.constant 0 : i32
        %dma_start3A_360 = arith.constant 0 : i32
        %dma_start3A_361 = tpu.memref_slice %arg16[%dma_start3A_359, %dma_start3A_360] : memref<10000x128xf32, #tpu.memory_space<vmem_shared>> -> memref<10000x128xf32, #tpu.memory_space<vmem_shared>>
        tpu.enqueue_indirect_dma source(%arg10 : memref<125x128xf32, #tpu.memory_space<vmem>>) target(%dma_start3A_361 : memref<10000x128xf32, #tpu.memory_space<vmem_shared>>) offsets(%dma_start3A_358 : memref<125xi32, #tpu.memory_space<vmem>>) semaphore(%run_scoped3A_355 : memref<!tpu.dma_semaphore, #tpu.memory_space<semaphore_mem>>) {add = true}
        %dma_wait3A_362 = arith.constant 0 : i32
        %dma_wait3A_363 = tpu.memref_slice %arg8[%run_scoped3A_148, %dma_wait3A_362] : memref<16x125xi32, #tpu.memory_space<vmem>> -> memref<1x125xi32, #tpu.memory_space<vmem>>
        %dma_wait3A_364 = tpu.memref_squeeze %dma_wait3A_363 : memref<1x125xi32, #tpu.memory_space<vmem>> -> memref<125xi32, #tpu.memory_space<vmem>>
        %dma_wait3A_365 = arith.constant 0 : i32
        %dma_wait3A_366 = arith.constant 0 : i32
        %dma_wait3A_367 = tpu.memref_slice %arg16[%dma_wait3A_365, %dma_wait3A_366] : memref<10000x128xf32, #tpu.memory_space<vmem_shared>> -> memref<10000x128xf32, #tpu.memory_space<vmem_shared>>
        tpu.wait_indirect_dma semaphore(%run_scoped3A_355 : memref<!tpu.dma_semaphore, #tpu.memory_space<semaphore_mem>>) src(%arg10 : memref<125x128xf32, #tpu.memory_space<vmem>>) dst(%dma_wait3A_367 : memref<10000x128xf32, #tpu.memory_space<vmem_shared>>)
        tpu.yield
      }) : () -> ()
      %add3A_149 = arith.constant 1 : i32
      %add3A_150 = arith.addi %add3A_140, %add3A_149 : i32
      %dma_start3A_151 = arith.constant 0 : i32
      %dma_start3A_152 = tpu.memref_slice %arg7[%add3A_150, %dma_start3A_151] : memref<80x125xi32, #tpu.memory_space<vmem>> -> memref<1x125xi32, #tpu.memory_space<vmem>>
      %dma_start3A_153 = tpu.memref_squeeze %dma_start3A_152 : memref<1x125xi32, #tpu.memory_space<vmem>> -> memref<125xi32, #tpu.memory_space<vmem>>
      %dma_start3A_154 = arith.constant 0 : i32
      %dma_start3A_155 = arith.constant 0 : i32
      %dma_start3A_156 = tpu.memref_slice %arg2[%dma_start3A_154, %dma_start3A_155] : memref<10000x128xf32, #tpu.memory_space<hbm>> -> memref<10000x128xf32, #tpu.memory_space<hbm>>
      tpu.enqueue_indirect_dma source(%dma_start3A_156 : memref<10000x128xf32, #tpu.memory_space<hbm>>) target(%arg9 : memref<125x128xf32, #tpu.memory_space<vmem>>) offsets(%dma_start3A_153 : memref<125xi32, #tpu.memory_space<vmem>>) semaphore(%arg11 : memref<!tpu.dma_semaphore, #tpu.memory_space<semaphore_mem>>)
      %mul3A_157 = arith.constant 16 : i32
      %mul3A_158 = arith.muli %scan3A_32, %mul3A_157 : i32
      %add3A_159 = arith.constant 6 : i32
      %add3A_160 = arith.addi %mul3A_158, %add3A_159 : i32
      %dma_wait3A_161 = arith.constant 0 : i32
      %dma_wait3A_162 = arith.constant 0 : i32
      %dma_wait3A_163 = tpu.memref_slice %arg7[%dma_wait3A_161, %dma_wait3A_162] : memref<80x125xi32, #tpu.memory_space<vmem>> -> memref<1x125xi32, #tpu.memory_space<vmem>>
      %dma_wait3A_164 = tpu.memref_squeeze %dma_wait3A_163 : memref<1x125xi32, #tpu.memory_space<vmem>> -> memref<125xi32, #tpu.memory_space<vmem>>
      %dma_wait3A_165 = arith.constant 0 : i32
      %dma_wait3A_166 = arith.constant 0 : i32
      %dma_wait3A_167 = tpu.memref_slice %arg2[%dma_wait3A_165, %dma_wait3A_166] : memref<10000x128xf32, #tpu.memory_space<hbm>> -> memref<10000x128xf32, #tpu.memory_space<hbm>>
      tpu.wait_indirect_dma semaphore(%arg11 : memref<!tpu.dma_semaphore, #tpu.memory_space<semaphore_mem>>) src(%dma_wait3A_167 : memref<10000x128xf32, #tpu.memory_space<hbm>>) dst(%arg9 : memref<125x128xf32, #tpu.memory_space<vmem>>)
      %run_scoped3A_168 = arith.constant 6 : i32
      "tpu.region"() ({
        %run_scoped3A_355 = tpu.sem_alloc : memref<!tpu.dma_semaphore, #tpu.memory_space<semaphore_mem>>
        %dma_start3A_356 = arith.constant 0 : i32
        %dma_start3A_357 = tpu.memref_slice %arg8[%run_scoped3A_168, %dma_start3A_356] : memref<16x125xi32, #tpu.memory_space<vmem>> -> memref<1x125xi32, #tpu.memory_space<vmem>>
        %dma_start3A_358 = tpu.memref_squeeze %dma_start3A_357 : memref<1x125xi32, #tpu.memory_space<vmem>> -> memref<125xi32, #tpu.memory_space<vmem>>
        %dma_start3A_359 = arith.constant 0 : i32
        %dma_start3A_360 = arith.constant 0 : i32
        %dma_start3A_361 = tpu.memref_slice %arg16[%dma_start3A_359, %dma_start3A_360] : memref<10000x128xf32, #tpu.memory_space<vmem_shared>> -> memref<10000x128xf32, #tpu.memory_space<vmem_shared>>
        tpu.enqueue_indirect_dma source(%arg9 : memref<125x128xf32, #tpu.memory_space<vmem>>) target(%dma_start3A_361 : memref<10000x128xf32, #tpu.memory_space<vmem_shared>>) offsets(%dma_start3A_358 : memref<125xi32, #tpu.memory_space<vmem>>) semaphore(%run_scoped3A_355 : memref<!tpu.dma_semaphore, #tpu.memory_space<semaphore_mem>>) {add = true}
        %dma_wait3A_362 = arith.constant 0 : i32
        %dma_wait3A_363 = tpu.memref_slice %arg8[%run_scoped3A_168, %dma_wait3A_362] : memref<16x125xi32, #tpu.memory_space<vmem>> -> memref<1x125xi32, #tpu.memory_space<vmem>>
        %dma_wait3A_364 = tpu.memref_squeeze %dma_wait3A_363 : memref<1x125xi32, #tpu.memory_space<vmem>> -> memref<125xi32, #tpu.memory_space<vmem>>
        %dma_wait3A_365 = arith.constant 0 : i32
        %dma_wait3A_366 = arith.constant 0 : i32
        %dma_wait3A_367 = tpu.memref_slice %arg16[%dma_wait3A_365, %dma_wait3A_366] : memref<10000x128xf32, #tpu.memory_space<vmem_shared>> -> memref<10000x128xf32, #tpu.memory_space<vmem_shared>>
        tpu.wait_indirect_dma semaphore(%run_scoped3A_355 : memref<!tpu.dma_semaphore, #tpu.memory_space<semaphore_mem>>) src(%arg9 : memref<125x128xf32, #tpu.memory_space<vmem>>) dst(%dma_wait3A_367 : memref<10000x128xf32, #tpu.memory_space<vmem_shared>>)
        tpu.yield
      }) : () -> ()
      %add3A_169 = arith.constant 1 : i32
      %add3A_170 = arith.addi %add3A_160, %add3A_169 : i32
      %dma_start3A_171 = arith.constant 0 : i32
      %dma_start3A_172 = tpu.memref_slice %arg7[%add3A_170, %dma_start3A_171] : memref<80x125xi32, #tpu.memory_space<vmem>> -> memref<1x125xi32, #tpu.memory_space<vmem>>
      %dma_start3A_173 = tpu.memref_squeeze %dma_start3A_172 : memref<1x125xi32, #tpu.memory_space<vmem>> -> memref<125xi32, #tpu.memory_space<vmem>>
      %dma_start3A_174 = arith.constant 0 : i32
      %dma_start3A_175 = arith.constant 0 : i32
      %dma_start3A_176 = tpu.memref_slice %arg2[%dma_start3A_174, %dma_start3A_175] : memref<10000x128xf32, #tpu.memory_space<hbm>> -> memref<10000x128xf32, #tpu.memory_space<hbm>>
      tpu.enqueue_indirect_dma source(%dma_start3A_176 : memref<10000x128xf32, #tpu.memory_space<hbm>>) target(%arg10 : memref<125x128xf32, #tpu.memory_space<vmem>>) offsets(%dma_start3A_173 : memref<125xi32, #tpu.memory_space<vmem>>) semaphore(%arg12 : memref<!tpu.dma_semaphore, #tpu.memory_space<semaphore_mem>>)
      %mul3A_177 = arith.constant 16 : i32
      %mul3A_178 = arith.muli %scan3A_32, %mul3A_177 : i32
      %add3A_179 = arith.constant 7 : i32
      %add3A_180 = arith.addi %mul3A_178, %add3A_179 : i32
      %dma_wait3A_181 = arith.constant 0 : i32
      %dma_wait3A_182 = arith.constant 0 : i32
      %dma_wait3A_183 = tpu.memref_slice %arg7[%dma_wait3A_181, %dma_wait3A_182] : memref<80x125xi32, #tpu.memory_space<vmem>> -> memref<1x125xi32, #tpu.memory_space<vmem>>
      %dma_wait3A_184 = tpu.memref_squeeze %dma_wait3A_183 : memref<1x125xi32, #tpu.memory_space<vmem>> -> memref<125xi32, #tpu.memory_space<vmem>>
      %dma_wait3A_185 = arith.constant 0 : i32
      %dma_wait3A_186 = arith.constant 0 : i32
      %dma_wait3A_187 = tpu.memref_slice %arg2[%dma_wait3A_185, %dma_wait3A_186] : memref<10000x128xf32, #tpu.memory_space<hbm>> -> memref<10000x128xf32, #tpu.memory_space<hbm>>
      tpu.wait_indirect_dma semaphore(%arg12 : memref<!tpu.dma_semaphore, #tpu.memory_space<semaphore_mem>>) src(%dma_wait3A_187 : memref<10000x128xf32, #tpu.memory_space<hbm>>) dst(%arg10 : memref<125x128xf32, #tpu.memory_space<vmem>>)
      %run_scoped3A_188 = arith.constant 7 : i32
      "tpu.region"() ({
        %run_scoped3A_355 = tpu.sem_alloc : memref<!tpu.dma_semaphore, #tpu.memory_space<semaphore_mem>>
        %dma_start3A_356 = arith.constant 0 : i32
        %dma_start3A_357 = tpu.memref_slice %arg8[%run_scoped3A_188, %dma_start3A_356] : memref<16x125xi32, #tpu.memory_space<vmem>> -> memref<1x125xi32, #tpu.memory_space<vmem>>
        %dma_start3A_358 = tpu.memref_squeeze %dma_start3A_357 : memref<1x125xi32, #tpu.memory_space<vmem>> -> memref<125xi32, #tpu.memory_space<vmem>>
        %dma_start3A_359 = arith.constant 0 : i32
        %dma_start3A_360 = arith.constant 0 : i32
        %dma_start3A_361 = tpu.memref_slice %arg16[%dma_start3A_359, %dma_start3A_360] : memref<10000x128xf32, #tpu.memory_space<vmem_shared>> -> memref<10000x128xf32, #tpu.memory_space<vmem_shared>>
        tpu.enqueue_indirect_dma source(%arg10 : memref<125x128xf32, #tpu.memory_space<vmem>>) target(%dma_start3A_361 : memref<10000x128xf32, #tpu.memory_space<vmem_shared>>) offsets(%dma_start3A_358 : memref<125xi32, #tpu.memory_space<vmem>>) semaphore(%run_scoped3A_355 : memref<!tpu.dma_semaphore, #tpu.memory_space<semaphore_mem>>) {add = true}
        %dma_wait3A_362 = arith.constant 0 : i32
        %dma_wait3A_363 = tpu.memref_slice %arg8[%run_scoped3A_188, %dma_wait3A_362] : memref<16x125xi32, #tpu.memory_space<vmem>> -> memref<1x125xi32, #tpu.memory_space<vmem>>
        %dma_wait3A_364 = tpu.memref_squeeze %dma_wait3A_363 : memref<1x125xi32, #tpu.memory_space<vmem>> -> memref<125xi32, #tpu.memory_space<vmem>>
        %dma_wait3A_365 = arith.constant 0 : i32
        %dma_wait3A_366 = arith.constant 0 : i32
        %dma_wait3A_367 = tpu.memref_slice %arg16[%dma_wait3A_365, %dma_wait3A_366] : memref<10000x128xf32, #tpu.memory_space<vmem_shared>> -> memref<10000x128xf32, #tpu.memory_space<vmem_shared>>
        tpu.wait_indirect_dma semaphore(%run_scoped3A_355 : memref<!tpu.dma_semaphore, #tpu.memory_space<semaphore_mem>>) src(%arg10 : memref<125x128xf32, #tpu.memory_space<vmem>>) dst(%dma_wait3A_367 : memref<10000x128xf32, #tpu.memory_space<vmem_shared>>)
        tpu.yield
      }) : () -> ()
      %add3A_189 = arith.constant 1 : i32
      %add3A_190 = arith.addi %add3A_180, %add3A_189 : i32
      %dma_start3A_191 = arith.constant 0 : i32
      %dma_start3A_192 = tpu.memref_slice %arg7[%add3A_190, %dma_start3A_191] : memref<80x125xi32, #tpu.memory_space<vmem>> -> memref<1x125xi32, #tpu.memory_space<vmem>>
      %dma_start3A_193 = tpu.memref_squeeze %dma_start3A_192 : memref<1x125xi32, #tpu.memory_space<vmem>> -> memref<125xi32, #tpu.memory_space<vmem>>
      %dma_start3A_194 = arith.constant 0 : i32
      %dma_start3A_195 = arith.constant 0 : i32
      %dma_start3A_196 = tpu.memref_slice %arg2[%dma_start3A_194, %dma_start3A_195] : memref<10000x128xf32, #tpu.memory_space<hbm>> -> memref<10000x128xf32, #tpu.memory_space<hbm>>
      tpu.enqueue_indirect_dma source(%dma_start3A_196 : memref<10000x128xf32, #tpu.memory_space<hbm>>) target(%arg9 : memref<125x128xf32, #tpu.memory_space<vmem>>) offsets(%dma_start3A_193 : memref<125xi32, #tpu.memory_space<vmem>>) semaphore(%arg11 : memref<!tpu.dma_semaphore, #tpu.memory_space<semaphore_mem>>)
      %mul3A_197 = arith.constant 16 : i32
      %mul3A_198 = arith.muli %scan3A_32, %mul3A_197 : i32
      %add3A_199 = arith.constant 8 : i32
      %add3A_200 = arith.addi %mul3A_198, %add3A_199 : i32
      %dma_wait3A_201 = arith.constant 0 : i32
      %dma_wait3A_202 = arith.constant 0 : i32
      %dma_wait3A_203 = tpu.memref_slice %arg7[%dma_wait3A_201, %dma_wait3A_202] : memref<80x125xi32, #tpu.memory_space<vmem>> -> memref<1x125xi32, #tpu.memory_space<vmem>>
      %dma_wait3A_204 = tpu.memref_squeeze %dma_wait3A_203 : memref<1x125xi32, #tpu.memory_space<vmem>> -> memref<125xi32, #tpu.memory_space<vmem>>
      %dma_wait3A_205 = arith.constant 0 : i32
      %dma_wait3A_206 = arith.constant 0 : i32
      %dma_wait3A_207 = tpu.memref_slice %arg2[%dma_wait3A_205, %dma_wait3A_206] : memref<10000x128xf32, #tpu.memory_space<hbm>> -> memref<10000x128xf32, #tpu.memory_space<hbm>>
      tpu.wait_indirect_dma semaphore(%arg11 : memref<!tpu.dma_semaphore, #tpu.memory_space<semaphore_mem>>) src(%dma_wait3A_207 : memref<10000x128xf32, #tpu.memory_space<hbm>>) dst(%arg9 : memref<125x128xf32, #tpu.memory_space<vmem>>)
      %run_scoped3A_208 = arith.constant 8 : i32
      "tpu.region"() ({
        %run_scoped3A_355 = tpu.sem_alloc : memref<!tpu.dma_semaphore, #tpu.memory_space<semaphore_mem>>
        %dma_start3A_356 = arith.constant 0 : i32
        %dma_start3A_357 = tpu.memref_slice %arg8[%run_scoped3A_208, %dma_start3A_356] : memref<16x125xi32, #tpu.memory_space<vmem>> -> memref<1x125xi32, #tpu.memory_space<vmem>>
        %dma_start3A_358 = tpu.memref_squeeze %dma_start3A_357 : memref<1x125xi32, #tpu.memory_space<vmem>> -> memref<125xi32, #tpu.memory_space<vmem>>
        %dma_start3A_359 = arith.constant 0 : i32
        %dma_start3A_360 = arith.constant 0 : i32
        %dma_start3A_361 = tpu.memref_slice %arg16[%dma_start3A_359, %dma_start3A_360] : memref<10000x128xf32, #tpu.memory_space<vmem_shared>> -> memref<10000x128xf32, #tpu.memory_space<vmem_shared>>
        tpu.enqueue_indirect_dma source(%arg9 : memref<125x128xf32, #tpu.memory_space<vmem>>) target(%dma_start3A_361 : memref<10000x128xf32, #tpu.memory_space<vmem_shared>>) offsets(%dma_start3A_358 : memref<125xi32, #tpu.memory_space<vmem>>) semaphore(%run_scoped3A_355 : memref<!tpu.dma_semaphore, #tpu.memory_space<semaphore_mem>>) {add = true}
        %dma_wait3A_362 = arith.constant 0 : i32
        %dma_wait3A_363 = tpu.memref_slice %arg8[%run_scoped3A_208, %dma_wait3A_362] : memref<16x125xi32, #tpu.memory_space<vmem>> -> memref<1x125xi32, #tpu.memory_space<vmem>>
        %dma_wait3A_364 = tpu.memref_squeeze %dma_wait3A_363 : memref<1x125xi32, #tpu.memory_space<vmem>> -> memref<125xi32, #tpu.memory_space<vmem>>
        %dma_wait3A_365 = arith.constant 0 : i32
        %dma_wait3A_366 = arith.constant 0 : i32
        %dma_wait3A_367 = tpu.memref_slice %arg16[%dma_wait3A_365, %dma_wait3A_366] : memref<10000x128xf32, #tpu.memory_space<vmem_shared>> -> memref<10000x128xf32, #tpu.memory_space<vmem_shared>>
        tpu.wait_indirect_dma semaphore(%run_scoped3A_355 : memref<!tpu.dma_semaphore, #tpu.memory_space<semaphore_mem>>) src(%arg9 : memref<125x128xf32, #tpu.memory_space<vmem>>) dst(%dma_wait3A_367 : memref<10000x128xf32, #tpu.memory_space<vmem_shared>>)
        tpu.yield
      }) : () -> ()
      %add3A_209 = arith.constant 1 : i32
      %add3A_210 = arith.addi %add3A_200, %add3A_209 : i32
      %dma_start3A_211 = arith.constant 0 : i32
      %dma_start3A_212 = tpu.memref_slice %arg7[%add3A_210, %dma_start3A_211] : memref<80x125xi32, #tpu.memory_space<vmem>> -> memref<1x125xi32, #tpu.memory_space<vmem>>
      %dma_start3A_213 = tpu.memref_squeeze %dma_start3A_212 : memref<1x125xi32, #tpu.memory_space<vmem>> -> memref<125xi32, #tpu.memory_space<vmem>>
      %dma_start3A_214 = arith.constant 0 : i32
      %dma_start3A_215 = arith.constant 0 : i32
      %dma_start3A_216 = tpu.memref_slice %arg2[%dma_start3A_214, %dma_start3A_215] : memref<10000x128xf32, #tpu.memory_space<hbm>> -> memref<10000x128xf32, #tpu.memory_space<hbm>>
      tpu.enqueue_indirect_dma source(%dma_start3A_216 : memref<10000x128xf32, #tpu.memory_space<hbm>>) target(%arg10 : memref<125x128xf32, #tpu.memory_space<vmem>>) offsets(%dma_start3A_213 : memref<125xi32, #tpu.memory_space<vmem>>) semaphore(%arg12 : memref<!tpu.dma_semaphore, #tpu.memory_space<semaphore_mem>>)
      %mul3A_217 = arith.constant 16 : i32
      %mul3A_218 = arith.muli %scan3A_32, %mul3A_217 : i32
      %add3A_219 = arith.constant 9 : i32
      %add3A_220 = arith.addi %mul3A_218, %add3A_219 : i32
      %dma_wait3A_221 = arith.constant 0 : i32
      %dma_wait3A_222 = arith.constant 0 : i32
      %dma_wait3A_223 = tpu.memref_slice %arg7[%dma_wait3A_221, %dma_wait3A_222] : memref<80x125xi32, #tpu.memory_space<vmem>> -> memref<1x125xi32, #tpu.memory_space<vmem>>
      %dma_wait3A_224 = tpu.memref_squeeze %dma_wait3A_223 : memref<1x125xi32, #tpu.memory_space<vmem>> -> memref<125xi32, #tpu.memory_space<vmem>>
      %dma_wait3A_225 = arith.constant 0 : i32
      %dma_wait3A_226 = arith.constant 0 : i32
      %dma_wait3A_227 = tpu.memref_slice %arg2[%dma_wait3A_225, %dma_wait3A_226] : memref<10000x128xf32, #tpu.memory_space<hbm>> -> memref<10000x128xf32, #tpu.memory_space<hbm>>
      tpu.wait_indirect_dma semaphore(%arg12 : memref<!tpu.dma_semaphore, #tpu.memory_space<semaphore_mem>>) src(%dma_wait3A_227 : memref<10000x128xf32, #tpu.memory_space<hbm>>) dst(%arg10 : memref<125x128xf32, #tpu.memory_space<vmem>>)
      %run_scoped3A_228 = arith.constant 9 : i32
      "tpu.region"() ({
        %run_scoped3A_355 = tpu.sem_alloc : memref<!tpu.dma_semaphore, #tpu.memory_space<semaphore_mem>>
        %dma_start3A_356 = arith.constant 0 : i32
        %dma_start3A_357 = tpu.memref_slice %arg8[%run_scoped3A_228, %dma_start3A_356] : memref<16x125xi32, #tpu.memory_space<vmem>> -> memref<1x125xi32, #tpu.memory_space<vmem>>
        %dma_start3A_358 = tpu.memref_squeeze %dma_start3A_357 : memref<1x125xi32, #tpu.memory_space<vmem>> -> memref<125xi32, #tpu.memory_space<vmem>>
        %dma_start3A_359 = arith.constant 0 : i32
        %dma_start3A_360 = arith.constant 0 : i32
        %dma_start3A_361 = tpu.memref_slice %arg16[%dma_start3A_359, %dma_start3A_360] : memref<10000x128xf32, #tpu.memory_space<vmem_shared>> -> memref<10000x128xf32, #tpu.memory_space<vmem_shared>>
        tpu.enqueue_indirect_dma source(%arg10 : memref<125x128xf32, #tpu.memory_space<vmem>>) target(%dma_start3A_361 : memref<10000x128xf32, #tpu.memory_space<vmem_shared>>) offsets(%dma_start3A_358 : memref<125xi32, #tpu.memory_space<vmem>>) semaphore(%run_scoped3A_355 : memref<!tpu.dma_semaphore, #tpu.memory_space<semaphore_mem>>) {add = true}
        %dma_wait3A_362 = arith.constant 0 : i32
        %dma_wait3A_363 = tpu.memref_slice %arg8[%run_scoped3A_228, %dma_wait3A_362] : memref<16x125xi32, #tpu.memory_space<vmem>> -> memref<1x125xi32, #tpu.memory_space<vmem>>
        %dma_wait3A_364 = tpu.memref_squeeze %dma_wait3A_363 : memref<1x125xi32, #tpu.memory_space<vmem>> -> memref<125xi32, #tpu.memory_space<vmem>>
        %dma_wait3A_365 = arith.constant 0 : i32
        %dma_wait3A_366 = arith.constant 0 : i32
        %dma_wait3A_367 = tpu.memref_slice %arg16[%dma_wait3A_365, %dma_wait3A_366] : memref<10000x128xf32, #tpu.memory_space<vmem_shared>> -> memref<10000x128xf32, #tpu.memory_space<vmem_shared>>
        tpu.wait_indirect_dma semaphore(%run_scoped3A_355 : memref<!tpu.dma_semaphore, #tpu.memory_space<semaphore_mem>>) src(%arg10 : memref<125x128xf32, #tpu.memory_space<vmem>>) dst(%dma_wait3A_367 : memref<10000x128xf32, #tpu.memory_space<vmem_shared>>)
        tpu.yield
      }) : () -> ()
      %add3A_229 = arith.constant 1 : i32
      %add3A_230 = arith.addi %add3A_220, %add3A_229 : i32
      %dma_start3A_231 = arith.constant 0 : i32
      %dma_start3A_232 = tpu.memref_slice %arg7[%add3A_230, %dma_start3A_231] : memref<80x125xi32, #tpu.memory_space<vmem>> -> memref<1x125xi32, #tpu.memory_space<vmem>>
      %dma_start3A_233 = tpu.memref_squeeze %dma_start3A_232 : memref<1x125xi32, #tpu.memory_space<vmem>> -> memref<125xi32, #tpu.memory_space<vmem>>
      %dma_start3A_234 = arith.constant 0 : i32
      %dma_start3A_235 = arith.constant 0 : i32
      %dma_start3A_236 = tpu.memref_slice %arg2[%dma_start3A_234, %dma_start3A_235] : memref<10000x128xf32, #tpu.memory_space<hbm>> -> memref<10000x128xf32, #tpu.memory_space<hbm>>
      tpu.enqueue_indirect_dma source(%dma_start3A_236 : memref<10000x128xf32, #tpu.memory_space<hbm>>) target(%arg9 : memref<125x128xf32, #tpu.memory_space<vmem>>) offsets(%dma_start3A_233 : memref<125xi32, #tpu.memory_space<vmem>>) semaphore(%arg11 : memref<!tpu.dma_semaphore, #tpu.memory_space<semaphore_mem>>)
      %mul3A_237 = arith.constant 16 : i32
      %mul3A_238 = arith.muli %scan3A_32, %mul3A_237 : i32
      %add3A_239 = arith.constant 10 : i32
      %add3A_240 = arith.addi %mul3A_238, %add3A_239 : i32
      %dma_wait3A_241 = arith.constant 0 : i32
      %dma_wait3A_242 = arith.constant 0 : i32
      %dma_wait3A_243 = tpu.memref_slice %arg7[%dma_wait3A_241, %dma_wait3A_242] : memref<80x125xi32, #tpu.memory_space<vmem>> -> memref<1x125xi32, #tpu.memory_space<vmem>>
      %dma_wait3A_244 = tpu.memref_squeeze %dma_wait3A_243 : memref<1x125xi32, #tpu.memory_space<vmem>> -> memref<125xi32, #tpu.memory_space<vmem>>
      %dma_wait3A_245 = arith.constant 0 : i32
      %dma_wait3A_246 = arith.constant 0 : i32
      %dma_wait3A_247 = tpu.memref_slice %arg2[%dma_wait3A_245, %dma_wait3A_246] : memref<10000x128xf32, #tpu.memory_space<hbm>> -> memref<10000x128xf32, #tpu.memory_space<hbm>>
      tpu.wait_indirect_dma semaphore(%arg11 : memref<!tpu.dma_semaphore, #tpu.memory_space<semaphore_mem>>) src(%dma_wait3A_247 : memref<10000x128xf32, #tpu.memory_space<hbm>>) dst(%arg9 : memref<125x128xf32, #tpu.memory_space<vmem>>)
      %run_scoped3A_248 = arith.constant 10 : i32
      "tpu.region"() ({
        %run_scoped3A_355 = tpu.sem_alloc : memref<!tpu.dma_semaphore, #tpu.memory_space<semaphore_mem>>
        %dma_start3A_356 = arith.constant 0 : i32
        %dma_start3A_357 = tpu.memref_slice %arg8[%run_scoped3A_248, %dma_start3A_356] : memref<16x125xi32, #tpu.memory_space<vmem>> -> memref<1x125xi32, #tpu.memory_space<vmem>>
        %dma_start3A_358 = tpu.memref_squeeze %dma_start3A_357 : memref<1x125xi32, #tpu.memory_space<vmem>> -> memref<125xi32, #tpu.memory_space<vmem>>
        %dma_start3A_359 = arith.constant 0 : i32
        %dma_start3A_360 = arith.constant 0 : i32
        %dma_start3A_361 = tpu.memref_slice %arg16[%dma_start3A_359, %dma_start3A_360] : memref<10000x128xf32, #tpu.memory_space<vmem_shared>> -> memref<10000x128xf32, #tpu.memory_space<vmem_shared>>
        tpu.enqueue_indirect_dma source(%arg9 : memref<125x128xf32, #tpu.memory_space<vmem>>) target(%dma_start3A_361 : memref<10000x128xf32, #tpu.memory_space<vmem_shared>>) offsets(%dma_start3A_358 : memref<125xi32, #tpu.memory_space<vmem>>) semaphore(%run_scoped3A_355 : memref<!tpu.dma_semaphore, #tpu.memory_space<semaphore_mem>>) {add = true}
        %dma_wait3A_362 = arith.constant 0 : i32
        %dma_wait3A_363 = tpu.memref_slice %arg8[%run_scoped3A_248, %dma_wait3A_362] : memref<16x125xi32, #tpu.memory_space<vmem>> -> memref<1x125xi32, #tpu.memory_space<vmem>>
        %dma_wait3A_364 = tpu.memref_squeeze %dma_wait3A_363 : memref<1x125xi32, #tpu.memory_space<vmem>> -> memref<125xi32, #tpu.memory_space<vmem>>
        %dma_wait3A_365 = arith.constant 0 : i32
        %dma_wait3A_366 = arith.constant 0 : i32
        %dma_wait3A_367 = tpu.memref_slice %arg16[%dma_wait3A_365, %dma_wait3A_366] : memref<10000x128xf32, #tpu.memory_space<vmem_shared>> -> memref<10000x128xf32, #tpu.memory_space<vmem_shared>>
        tpu.wait_indirect_dma semaphore(%run_scoped3A_355 : memref<!tpu.dma_semaphore, #tpu.memory_space<semaphore_mem>>) src(%arg9 : memref<125x128xf32, #tpu.memory_space<vmem>>) dst(%dma_wait3A_367 : memref<10000x128xf32, #tpu.memory_space<vmem_shared>>)
        tpu.yield
      }) : () -> ()
      %add3A_249 = arith.constant 1 : i32
      %add3A_250 = arith.addi %add3A_240, %add3A_249 : i32
      %dma_start3A_251 = arith.constant 0 : i32
      %dma_start3A_252 = tpu.memref_slice %arg7[%add3A_250, %dma_start3A_251] : memref<80x125xi32, #tpu.memory_space<vmem>> -> memref<1x125xi32, #tpu.memory_space<vmem>>
      %dma_start3A_253 = tpu.memref_squeeze %dma_start3A_252 : memref<1x125xi32, #tpu.memory_space<vmem>> -> memref<125xi32, #tpu.memory_space<vmem>>
      %dma_start3A_254 = arith.constant 0 : i32
      %dma_start3A_255 = arith.constant 0 : i32
      %dma_start3A_256 = tpu.memref_slice %arg2[%dma_start3A_254, %dma_start3A_255] : memref<10000x128xf32, #tpu.memory_space<hbm>> -> memref<10000x128xf32, #tpu.memory_space<hbm>>
      tpu.enqueue_indirect_dma source(%dma_start3A_256 : memref<10000x128xf32, #tpu.memory_space<hbm>>) target(%arg10 : memref<125x128xf32, #tpu.memory_space<vmem>>) offsets(%dma_start3A_253 : memref<125xi32, #tpu.memory_space<vmem>>) semaphore(%arg12 : memref<!tpu.dma_semaphore, #tpu.memory_space<semaphore_mem>>)
      %mul3A_257 = arith.constant 16 : i32
      %mul3A_258 = arith.muli %scan3A_32, %mul3A_257 : i32
      %add3A_259 = arith.constant 11 : i32
      %add3A_260 = arith.addi %mul3A_258, %add3A_259 : i32
      %dma_wait3A_261 = arith.constant 0 : i32
      %dma_wait3A_262 = arith.constant 0 : i32
      %dma_wait3A_263 = tpu.memref_slice %arg7[%dma_wait3A_261, %dma_wait3A_262] : memref<80x125xi32, #tpu.memory_space<vmem>> -> memref<1x125xi32, #tpu.memory_space<vmem>>
      %dma_wait3A_264 = tpu.memref_squeeze %dma_wait3A_263 : memref<1x125xi32, #tpu.memory_space<vmem>> -> memref<125xi32, #tpu.memory_space<vmem>>
      %dma_wait3A_265 = arith.constant 0 : i32
      %dma_wait3A_266 = arith.constant 0 : i32
      %dma_wait3A_267 = tpu.memref_slice %arg2[%dma_wait3A_265, %dma_wait3A_266] : memref<10000x128xf32, #tpu.memory_space<hbm>> -> memref<10000x128xf32, #tpu.memory_space<hbm>>
      tpu.wait_indirect_dma semaphore(%arg12 : memref<!tpu.dma_semaphore, #tpu.memory_space<semaphore_mem>>) src(%dma_wait3A_267 : memref<10000x128xf32, #tpu.memory_space<hbm>>) dst(%arg10 : memref<125x128xf32, #tpu.memory_space<vmem>>)
      %run_scoped3A_268 = arith.constant 11 : i32
      "tpu.region"() ({
        %run_scoped3A_355 = tpu.sem_alloc : memref<!tpu.dma_semaphore, #tpu.memory_space<semaphore_mem>>
        %dma_start3A_356 = arith.constant 0 : i32
        %dma_start3A_357 = tpu.memref_slice %arg8[%run_scoped3A_268, %dma_start3A_356] : memref<16x125xi32, #tpu.memory_space<vmem>> -> memref<1x125xi32, #tpu.memory_space<vmem>>
        %dma_start3A_358 = tpu.memref_squeeze %dma_start3A_357 : memref<1x125xi32, #tpu.memory_space<vmem>> -> memref<125xi32, #tpu.memory_space<vmem>>
        %dma_start3A_359 = arith.constant 0 : i32
        %dma_start3A_360 = arith.constant 0 : i32
        %dma_start3A_361 = tpu.memref_slice %arg16[%dma_start3A_359, %dma_start3A_360] : memref<10000x128xf32, #tpu.memory_space<vmem_shared>> -> memref<10000x128xf32, #tpu.memory_space<vmem_shared>>
        tpu.enqueue_indirect_dma source(%arg10 : memref<125x128xf32, #tpu.memory_space<vmem>>) target(%dma_start3A_361 : memref<10000x128xf32, #tpu.memory_space<vmem_shared>>) offsets(%dma_start3A_358 : memref<125xi32, #tpu.memory_space<vmem>>) semaphore(%run_scoped3A_355 : memref<!tpu.dma_semaphore, #tpu.memory_space<semaphore_mem>>) {add = true}
        %dma_wait3A_362 = arith.constant 0 : i32
        %dma_wait3A_363 = tpu.memref_slice %arg8[%run_scoped3A_268, %dma_wait3A_362] : memref<16x125xi32, #tpu.memory_space<vmem>> -> memref<1x125xi32, #tpu.memory_space<vmem>>
        %dma_wait3A_364 = tpu.memref_squeeze %dma_wait3A_363 : memref<1x125xi32, #tpu.memory_space<vmem>> -> memref<125xi32, #tpu.memory_space<vmem>>
        %dma_wait3A_365 = arith.constant 0 : i32
        %dma_wait3A_366 = arith.constant 0 : i32
        %dma_wait3A_367 = tpu.memref_slice %arg16[%dma_wait3A_365, %dma_wait3A_366] : memref<10000x128xf32, #tpu.memory_space<vmem_shared>> -> memref<10000x128xf32, #tpu.memory_space<vmem_shared>>
        tpu.wait_indirect_dma semaphore(%run_scoped3A_355 : memref<!tpu.dma_semaphore, #tpu.memory_space<semaphore_mem>>) src(%arg10 : memref<125x128xf32, #tpu.memory_space<vmem>>) dst(%dma_wait3A_367 : memref<10000x128xf32, #tpu.memory_space<vmem_shared>>)
        tpu.yield
      }) : () -> ()
      %add3A_269 = arith.constant 1 : i32
      %add3A_270 = arith.addi %add3A_260, %add3A_269 : i32
      %dma_start3A_271 = arith.constant 0 : i32
      %dma_start3A_272 = tpu.memref_slice %arg7[%add3A_270, %dma_start3A_271] : memref<80x125xi32, #tpu.memory_space<vmem>> -> memref<1x125xi32, #tpu.memory_space<vmem>>
      %dma_start3A_273 = tpu.memref_squeeze %dma_start3A_272 : memref<1x125xi32, #tpu.memory_space<vmem>> -> memref<125xi32, #tpu.memory_space<vmem>>
      %dma_start3A_274 = arith.constant 0 : i32
      %dma_start3A_275 = arith.constant 0 : i32
      %dma_start3A_276 = tpu.memref_slice %arg2[%dma_start3A_274, %dma_start3A_275] : memref<10000x128xf32, #tpu.memory_space<hbm>> -> memref<10000x128xf32, #tpu.memory_space<hbm>>
      tpu.enqueue_indirect_dma source(%dma_start3A_276 : memref<10000x128xf32, #tpu.memory_space<hbm>>) target(%arg9 : memref<125x128xf32, #tpu.memory_space<vmem>>) offsets(%dma_start3A_273 : memref<125xi32, #tpu.memory_space<vmem>>) semaphore(%arg11 : memref<!tpu.dma_semaphore, #tpu.memory_space<semaphore_mem>>)
      %mul3A_277 = arith.constant 16 : i32
      %mul3A_278 = arith.muli %scan3A_32, %mul3A_277 : i32
      %add3A_279 = arith.constant 12 : i32
      %add3A_280 = arith.addi %mul3A_278, %add3A_279 : i32
      %dma_wait3A_281 = arith.constant 0 : i32
      %dma_wait3A_282 = arith.constant 0 : i32
      %dma_wait3A_283 = tpu.memref_slice %arg7[%dma_wait3A_281, %dma_wait3A_282] : memref<80x125xi32, #tpu.memory_space<vmem>> -> memref<1x125xi32, #tpu.memory_space<vmem>>
      %dma_wait3A_284 = tpu.memref_squeeze %dma_wait3A_283 : memref<1x125xi32, #tpu.memory_space<vmem>> -> memref<125xi32, #tpu.memory_space<vmem>>
      %dma_wait3A_285 = arith.constant 0 : i32
      %dma_wait3A_286 = arith.constant 0 : i32
      %dma_wait3A_287 = tpu.memref_slice %arg2[%dma_wait3A_285, %dma_wait3A_286] : memref<10000x128xf32, #tpu.memory_space<hbm>> -> memref<10000x128xf32, #tpu.memory_space<hbm>>
      tpu.wait_indirect_dma semaphore(%arg11 : memref<!tpu.dma_semaphore, #tpu.memory_space<semaphore_mem>>) src(%dma_wait3A_287 : memref<10000x128xf32, #tpu.memory_space<hbm>>) dst(%arg9 : memref<125x128xf32, #tpu.memory_space<vmem>>)
      %run_scoped3A_288 = arith.constant 12 : i32
      "tpu.region"() ({
        %run_scoped3A_355 = tpu.sem_alloc : memref<!tpu.dma_semaphore, #tpu.memory_space<semaphore_mem>>
        %dma_start3A_356 = arith.constant 0 : i32
        %dma_start3A_357 = tpu.memref_slice %arg8[%run_scoped3A_288, %dma_start3A_356] : memref<16x125xi32, #tpu.memory_space<vmem>> -> memref<1x125xi32, #tpu.memory_space<vmem>>
        %dma_start3A_358 = tpu.memref_squeeze %dma_start3A_357 : memref<1x125xi32, #tpu.memory_space<vmem>> -> memref<125xi32, #tpu.memory_space<vmem>>
        %dma_start3A_359 = arith.constant 0 : i32
        %dma_start3A_360 = arith.constant 0 : i32
        %dma_start3A_361 = tpu.memref_slice %arg16[%dma_start3A_359, %dma_start3A_360] : memref<10000x128xf32, #tpu.memory_space<vmem_shared>> -> memref<10000x128xf32, #tpu.memory_space<vmem_shared>>
        tpu.enqueue_indirect_dma source(%arg9 : memref<125x128xf32, #tpu.memory_space<vmem>>) target(%dma_start3A_361 : memref<10000x128xf32, #tpu.memory_space<vmem_shared>>) offsets(%dma_start3A_358 : memref<125xi32, #tpu.memory_space<vmem>>) semaphore(%run_scoped3A_355 : memref<!tpu.dma_semaphore, #tpu.memory_space<semaphore_mem>>) {add = true}
        %dma_wait3A_362 = arith.constant 0 : i32
        %dma_wait3A_363 = tpu.memref_slice %arg8[%run_scoped3A_288, %dma_wait3A_362] : memref<16x125xi32, #tpu.memory_space<vmem>> -> memref<1x125xi32, #tpu.memory_space<vmem>>
        %dma_wait3A_364 = tpu.memref_squeeze %dma_wait3A_363 : memref<1x125xi32, #tpu.memory_space<vmem>> -> memref<125xi32, #tpu.memory_space<vmem>>
        %dma_wait3A_365 = arith.constant 0 : i32
        %dma_wait3A_366 = arith.constant 0 : i32
        %dma_wait3A_367 = tpu.memref_slice %arg16[%dma_wait3A_365, %dma_wait3A_366] : memref<10000x128xf32, #tpu.memory_space<vmem_shared>> -> memref<10000x128xf32, #tpu.memory_space<vmem_shared>>
        tpu.wait_indirect_dma semaphore(%run_scoped3A_355 : memref<!tpu.dma_semaphore, #tpu.memory_space<semaphore_mem>>) src(%arg9 : memref<125x128xf32, #tpu.memory_space<vmem>>) dst(%dma_wait3A_367 : memref<10000x128xf32, #tpu.memory_space<vmem_shared>>)
        tpu.yield
      }) : () -> ()
      %add3A_289 = arith.constant 1 : i32
      %add3A_290 = arith.addi %add3A_280, %add3A_289 : i32
      %dma_start3A_291 = arith.constant 0 : i32
      %dma_start3A_292 = tpu.memref_slice %arg7[%add3A_290, %dma_start3A_291] : memref<80x125xi32, #tpu.memory_space<vmem>> -> memref<1x125xi32, #tpu.memory_space<vmem>>
      %dma_start3A_293 = tpu.memref_squeeze %dma_start3A_292 : memref<1x125xi32, #tpu.memory_space<vmem>> -> memref<125xi32, #tpu.memory_space<vmem>>
      %dma_start3A_294 = arith.constant 0 : i32
      %dma_start3A_295 = arith.constant 0 : i32
      %dma_start3A_296 = tpu.memref_slice %arg2[%dma_start3A_294, %dma_start3A_295] : memref<10000x128xf32, #tpu.memory_space<hbm>> -> memref<10000x128xf32, #tpu.memory_space<hbm>>
      tpu.enqueue_indirect_dma source(%dma_start3A_296 : memref<10000x128xf32, #tpu.memory_space<hbm>>) target(%arg10 : memref<125x128xf32, #tpu.memory_space<vmem>>) offsets(%dma_start3A_293 : memref<125xi32, #tpu.memory_space<vmem>>) semaphore(%arg12 : memref<!tpu.dma_semaphore, #tpu.memory_space<semaphore_mem>>)
      %mul3A_297 = arith.constant 16 : i32
      %mul3A_298 = arith.muli %scan3A_32, %mul3A_297 : i32
      %add3A_299 = arith.constant 13 : i32
      %add3A_300 = arith.addi %mul3A_298, %add3A_299 : i32
      %dma_wait3A_301 = arith.constant 0 : i32
      %dma_wait3A_302 = arith.constant 0 : i32
      %dma_wait3A_303 = tpu.memref_slice %arg7[%dma_wait3A_301, %dma_wait3A_302] : memref<80x125xi32, #tpu.memory_space<vmem>> -> memref<1x125xi32, #tpu.memory_space<vmem>>
      %dma_wait3A_304 = tpu.memref_squeeze %dma_wait3A_303 : memref<1x125xi32, #tpu.memory_space<vmem>> -> memref<125xi32, #tpu.memory_space<vmem>>
      %dma_wait3A_305 = arith.constant 0 : i32
      %dma_wait3A_306 = arith.constant 0 : i32
      %dma_wait3A_307 = tpu.memref_slice %arg2[%dma_wait3A_305, %dma_wait3A_306] : memref<10000x128xf32, #tpu.memory_space<hbm>> -> memref<10000x128xf32, #tpu.memory_space<hbm>>
      tpu.wait_indirect_dma semaphore(%arg12 : memref<!tpu.dma_semaphore, #tpu.memory_space<semaphore_mem>>) src(%dma_wait3A_307 : memref<10000x128xf32, #tpu.memory_space<hbm>>) dst(%arg10 : memref<125x128xf32, #tpu.memory_space<vmem>>)
      %run_scoped3A_308 = arith.constant 13 : i32
      "tpu.region"() ({
        %run_scoped3A_355 = tpu.sem_alloc : memref<!tpu.dma_semaphore, #tpu.memory_space<semaphore_mem>>
        %dma_start3A_356 = arith.constant 0 : i32
        %dma_start3A_357 = tpu.memref_slice %arg8[%run_scoped3A_308, %dma_start3A_356] : memref<16x125xi32, #tpu.memory_space<vmem>> -> memref<1x125xi32, #tpu.memory_space<vmem>>
        %dma_start3A_358 = tpu.memref_squeeze %dma_start3A_357 : memref<1x125xi32, #tpu.memory_space<vmem>> -> memref<125xi32, #tpu.memory_space<vmem>>
        %dma_start3A_359 = arith.constant 0 : i32
        %dma_start3A_360 = arith.constant 0 : i32
        %dma_start3A_361 = tpu.memref_slice %arg16[%dma_start3A_359, %dma_start3A_360] : memref<10000x128xf32, #tpu.memory_space<vmem_shared>> -> memref<10000x128xf32, #tpu.memory_space<vmem_shared>>
        tpu.enqueue_indirect_dma source(%arg10 : memref<125x128xf32, #tpu.memory_space<vmem>>) target(%dma_start3A_361 : memref<10000x128xf32, #tpu.memory_space<vmem_shared>>) offsets(%dma_start3A_358 : memref<125xi32, #tpu.memory_space<vmem>>) semaphore(%run_scoped3A_355 : memref<!tpu.dma_semaphore, #tpu.memory_space<semaphore_mem>>) {add = true}
        %dma_wait3A_362 = arith.constant 0 : i32
        %dma_wait3A_363 = tpu.memref_slice %arg8[%run_scoped3A_308, %dma_wait3A_362] : memref<16x125xi32, #tpu.memory_space<vmem>> -> memref<1x125xi32, #tpu.memory_space<vmem>>
        %dma_wait3A_364 = tpu.memref_squeeze %dma_wait3A_363 : memref<1x125xi32, #tpu.memory_space<vmem>> -> memref<125xi32, #tpu.memory_space<vmem>>
        %dma_wait3A_365 = arith.constant 0 : i32
        %dma_wait3A_366 = arith.constant 0 : i32
        %dma_wait3A_367 = tpu.memref_slice %arg16[%dma_wait3A_365, %dma_wait3A_366] : memref<10000x128xf32, #tpu.memory_space<vmem_shared>> -> memref<10000x128xf32, #tpu.memory_space<vmem_shared>>
        tpu.wait_indirect_dma semaphore(%run_scoped3A_355 : memref<!tpu.dma_semaphore, #tpu.memory_space<semaphore_mem>>) src(%arg10 : memref<125x128xf32, #tpu.memory_space<vmem>>) dst(%dma_wait3A_367 : memref<10000x128xf32, #tpu.memory_space<vmem_shared>>)
        tpu.yield
      }) : () -> ()
      %add3A_309 = arith.constant 1 : i32
      %add3A_310 = arith.addi %add3A_300, %add3A_309 : i32
      %dma_start3A_311 = arith.constant 0 : i32
      %dma_start3A_312 = tpu.memref_slice %arg7[%add3A_310, %dma_start3A_311] : memref<80x125xi32, #tpu.memory_space<vmem>> -> memref<1x125xi32, #tpu.memory_space<vmem>>
      %dma_start3A_313 = tpu.memref_squeeze %dma_start3A_312 : memref<1x125xi32, #tpu.memory_space<vmem>> -> memref<125xi32, #tpu.memory_space<vmem>>
      %dma_start3A_314 = arith.constant 0 : i32
      %dma_start3A_315 = arith.constant 0 : i32
      %dma_start3A_316 = tpu.memref_slice %arg2[%dma_start3A_314, %dma_start3A_315] : memref<10000x128xf32, #tpu.memory_space<hbm>> -> memref<10000x128xf32, #tpu.memory_space<hbm>>
      tpu.enqueue_indirect_dma source(%dma_start3A_316 : memref<10000x128xf32, #tpu.memory_space<hbm>>) target(%arg9 : memref<125x128xf32, #tpu.memory_space<vmem>>) offsets(%dma_start3A_313 : memref<125xi32, #tpu.memory_space<vmem>>) semaphore(%arg11 : memref<!tpu.dma_semaphore, #tpu.memory_space<semaphore_mem>>)
      %mul3A_317 = arith.constant 16 : i32
      %mul3A_318 = arith.muli %scan3A_32, %mul3A_317 : i32
      %add3A_319 = arith.constant 14 : i32
      %add3A_320 = arith.addi %mul3A_318, %add3A_319 : i32
      %dma_wait3A_321 = arith.constant 0 : i32
      %dma_wait3A_322 = arith.constant 0 : i32
      %dma_wait3A_323 = tpu.memref_slice %arg7[%dma_wait3A_321, %dma_wait3A_322] : memref<80x125xi32, #tpu.memory_space<vmem>> -> memref<1x125xi32, #tpu.memory_space<vmem>>
      %dma_wait3A_324 = tpu.memref_squeeze %dma_wait3A_323 : memref<1x125xi32, #tpu.memory_space<vmem>> -> memref<125xi32, #tpu.memory_space<vmem>>
      %dma_wait3A_325 = arith.constant 0 : i32
      %dma_wait3A_326 = arith.constant 0 : i32
      %dma_wait3A_327 = tpu.memref_slice %arg2[%dma_wait3A_325, %dma_wait3A_326] : memref<10000x128xf32, #tpu.memory_space<hbm>> -> memref<10000x128xf32, #tpu.memory_space<hbm>>
      tpu.wait_indirect_dma semaphore(%arg11 : memref<!tpu.dma_semaphore, #tpu.memory_space<semaphore_mem>>) src(%dma_wait3A_327 : memref<10000x128xf32, #tpu.memory_space<hbm>>) dst(%arg9 : memref<125x128xf32, #tpu.memory_space<vmem>>)
      %run_scoped3A_328 = arith.constant 14 : i32
      "tpu.region"() ({
        %run_scoped3A_355 = tpu.sem_alloc : memref<!tpu.dma_semaphore, #tpu.memory_space<semaphore_mem>>
        %dma_start3A_356 = arith.constant 0 : i32
        %dma_start3A_357 = tpu.memref_slice %arg8[%run_scoped3A_328, %dma_start3A_356] : memref<16x125xi32, #tpu.memory_space<vmem>> -> memref<1x125xi32, #tpu.memory_space<vmem>>
        %dma_start3A_358 = tpu.memref_squeeze %dma_start3A_357 : memref<1x125xi32, #tpu.memory_space<vmem>> -> memref<125xi32, #tpu.memory_space<vmem>>
        %dma_start3A_359 = arith.constant 0 : i32
        %dma_start3A_360 = arith.constant 0 : i32
        %dma_start3A_361 = tpu.memref_slice %arg16[%dma_start3A_359, %dma_start3A_360] : memref<10000x128xf32, #tpu.memory_space<vmem_shared>> -> memref<10000x128xf32, #tpu.memory_space<vmem_shared>>
        tpu.enqueue_indirect_dma source(%arg9 : memref<125x128xf32, #tpu.memory_space<vmem>>) target(%dma_start3A_361 : memref<10000x128xf32, #tpu.memory_space<vmem_shared>>) offsets(%dma_start3A_358 : memref<125xi32, #tpu.memory_space<vmem>>) semaphore(%run_scoped3A_355 : memref<!tpu.dma_semaphore, #tpu.memory_space<semaphore_mem>>) {add = true}
        %dma_wait3A_362 = arith.constant 0 : i32
        %dma_wait3A_363 = tpu.memref_slice %arg8[%run_scoped3A_328, %dma_wait3A_362] : memref<16x125xi32, #tpu.memory_space<vmem>> -> memref<1x125xi32, #tpu.memory_space<vmem>>
        %dma_wait3A_364 = tpu.memref_squeeze %dma_wait3A_363 : memref<1x125xi32, #tpu.memory_space<vmem>> -> memref<125xi32, #tpu.memory_space<vmem>>
        %dma_wait3A_365 = arith.constant 0 : i32
        %dma_wait3A_366 = arith.constant 0 : i32
        %dma_wait3A_367 = tpu.memref_slice %arg16[%dma_wait3A_365, %dma_wait3A_366] : memref<10000x128xf32, #tpu.memory_space<vmem_shared>> -> memref<10000x128xf32, #tpu.memory_space<vmem_shared>>
        tpu.wait_indirect_dma semaphore(%run_scoped3A_355 : memref<!tpu.dma_semaphore, #tpu.memory_space<semaphore_mem>>) src(%arg9 : memref<125x128xf32, #tpu.memory_space<vmem>>) dst(%dma_wait3A_367 : memref<10000x128xf32, #tpu.memory_space<vmem_shared>>)
        tpu.yield
      }) : () -> ()
      %add3A_329 = arith.constant 1 : i32
      %add3A_330 = arith.addi %add3A_320, %add3A_329 : i32
      %dma_start3A_331 = arith.constant 0 : i32
      %dma_start3A_332 = tpu.memref_slice %arg7[%add3A_330, %dma_start3A_331] : memref<80x125xi32, #tpu.memory_space<vmem>> -> memref<1x125xi32, #tpu.memory_space<vmem>>
      %dma_start3A_333 = tpu.memref_squeeze %dma_start3A_332 : memref<1x125xi32, #tpu.memory_space<vmem>> -> memref<125xi32, #tpu.memory_space<vmem>>
      %dma_start3A_334 = arith.constant 0 : i32
      %dma_start3A_335 = arith.constant 0 : i32
      %dma_start3A_336 = tpu.memref_slice %arg2[%dma_start3A_334, %dma_start3A_335] : memref<10000x128xf32, #tpu.memory_space<hbm>> -> memref<10000x128xf32, #tpu.memory_space<hbm>>
      tpu.enqueue_indirect_dma source(%dma_start3A_336 : memref<10000x128xf32, #tpu.memory_space<hbm>>) target(%arg10 : memref<125x128xf32, #tpu.memory_space<vmem>>) offsets(%dma_start3A_333 : memref<125xi32, #tpu.memory_space<vmem>>) semaphore(%arg12 : memref<!tpu.dma_semaphore, #tpu.memory_space<semaphore_mem>>)
      %mul3A_337 = arith.constant 16 : i32
      %mul3A_338 = arith.muli %scan3A_32, %mul3A_337 : i32
      %add3A_339 = arith.constant 15 : i32
      %add3A_340 = arith.addi %mul3A_338, %add3A_339 : i32
      %dma_wait3A_341 = arith.constant 0 : i32
      %dma_wait3A_342 = arith.constant 0 : i32
      %dma_wait3A_343 = tpu.memref_slice %arg7[%dma_wait3A_341, %dma_wait3A_342] : memref<80x125xi32, #tpu.memory_space<vmem>> -> memref<1x125xi32, #tpu.memory_space<vmem>>
      %dma_wait3A_344 = tpu.memref_squeeze %dma_wait3A_343 : memref<1x125xi32, #tpu.memory_space<vmem>> -> memref<125xi32, #tpu.memory_space<vmem>>
      %dma_wait3A_345 = arith.constant 0 : i32
      %dma_wait3A_346 = arith.constant 0 : i32
      %dma_wait3A_347 = tpu.memref_slice %arg2[%dma_wait3A_345, %dma_wait3A_346] : memref<10000x128xf32, #tpu.memory_space<hbm>> -> memref<10000x128xf32, #tpu.memory_space<hbm>>
      tpu.wait_indirect_dma semaphore(%arg12 : memref<!tpu.dma_semaphore, #tpu.memory_space<semaphore_mem>>) src(%dma_wait3A_347 : memref<10000x128xf32, #tpu.memory_space<hbm>>) dst(%arg10 : memref<125x128xf32, #tpu.memory_space<vmem>>)
      %run_scoped3A_348 = arith.constant 15 : i32
      "tpu.region"() ({
        %run_scoped3A_355 = tpu.sem_alloc : memref<!tpu.dma_semaphore, #tpu.memory_space<semaphore_mem>>
        %dma_start3A_356 = arith.constant 0 : i32
        %dma_start3A_357 = tpu.memref_slice %arg8[%run_scoped3A_348, %dma_start3A_356] : memref<16x125xi32, #tpu.memory_space<vmem>> -> memref<1x125xi32, #tpu.memory_space<vmem>>
        %dma_start3A_358 = tpu.memref_squeeze %dma_start3A_357 : memref<1x125xi32, #tpu.memory_space<vmem>> -> memref<125xi32, #tpu.memory_space<vmem>>
        %dma_start3A_359 = arith.constant 0 : i32
        %dma_start3A_360 = arith.constant 0 : i32
        %dma_start3A_361 = tpu.memref_slice %arg16[%dma_start3A_359, %dma_start3A_360] : memref<10000x128xf32, #tpu.memory_space<vmem_shared>> -> memref<10000x128xf32, #tpu.memory_space<vmem_shared>>
        tpu.enqueue_indirect_dma source(%arg10 : memref<125x128xf32, #tpu.memory_space<vmem>>) target(%dma_start3A_361 : memref<10000x128xf32, #tpu.memory_space<vmem_shared>>) offsets(%dma_start3A_358 : memref<125xi32, #tpu.memory_space<vmem>>) semaphore(%run_scoped3A_355 : memref<!tpu.dma_semaphore, #tpu.memory_space<semaphore_mem>>) {add = true}
        %dma_wait3A_362 = arith.constant 0 : i32
        %dma_wait3A_363 = tpu.memref_slice %arg8[%run_scoped3A_348, %dma_wait3A_362] : memref<16x125xi32, #tpu.memory_space<vmem>> -> memref<1x125xi32, #tpu.memory_space<vmem>>
        %dma_wait3A_364 = tpu.memref_squeeze %dma_wait3A_363 : memref<1x125xi32, #tpu.memory_space<vmem>> -> memref<125xi32, #tpu.memory_space<vmem>>
        %dma_wait3A_365 = arith.constant 0 : i32
        %dma_wait3A_366 = arith.constant 0 : i32
        %dma_wait3A_367 = tpu.memref_slice %arg16[%dma_wait3A_365, %dma_wait3A_366] : memref<10000x128xf32, #tpu.memory_space<vmem_shared>> -> memref<10000x128xf32, #tpu.memory_space<vmem_shared>>
        tpu.wait_indirect_dma semaphore(%run_scoped3A_355 : memref<!tpu.dma_semaphore, #tpu.memory_space<semaphore_mem>>) src(%arg10 : memref<125x128xf32, #tpu.memory_space<vmem>>) dst(%dma_wait3A_367 : memref<10000x128xf32, #tpu.memory_space<vmem_shared>>)
        tpu.yield
      }) : () -> ()
      %lt3A_349 = arith.constant 4 : i32
      %lt3A_350 = arith.cmpi slt, %scan3A_32, %lt3A_349 : i32
      %convert_element_type3A_351 = arith.extui %lt3A_350 : i1 to i32
      %cond3A_352 = arith.constant 0 : i32
      %cond3A_353 = arith.cmpi ne, %convert_element_type3A_351, %cond3A_352 : i32
      scf.if %cond3A_353 {
        %add3A_355 = arith.constant 1 : i32
        %add3A_356 = arith.addi %add3A_340, %add3A_355 : i32
        %dma_start3A_357 = arith.constant 0 : i32
        %dma_start3A_358 = tpu.memref_slice %arg7[%add3A_356, %dma_start3A_357] : memref<80x125xi32, #tpu.memory_space<vmem>> -> memref<1x125xi32, #tpu.memory_space<vmem>>
        %dma_start3A_359 = tpu.memref_squeeze %dma_start3A_358 : memref<1x125xi32, #tpu.memory_space<vmem>> -> memref<125xi32, #tpu.memory_space<vmem>>
        %dma_start3A_360 = arith.constant 0 : i32
        %dma_start3A_361 = arith.constant 0 : i32
        %dma_start3A_362 = tpu.memref_slice %arg2[%dma_start3A_360, %dma_start3A_361] : memref<10000x128xf32, #tpu.memory_space<hbm>> -> memref<10000x128xf32, #tpu.memory_space<hbm>>
        tpu.enqueue_indirect_dma source(%dma_start3A_362 : memref<10000x128xf32, #tpu.memory_space<hbm>>) target(%arg9 : memref<125x128xf32, #tpu.memory_space<vmem>>) offsets(%dma_start3A_359 : memref<125xi32, #tpu.memory_space<vmem>>) semaphore(%arg11 : memref<!tpu.dma_semaphore, #tpu.memory_space<semaphore_mem>>)
      } else {
      }
      %scan3A_354 = arith.constant 0 : i32
      scf.yield %scan3A_354 : i32
    }
    %scan3A_20 = arith.constant 5 : i32
    %barrier3A_21 = arith.constant 0 : index
    tpu.barrier barrier_id(%barrier3A_21)
    %lt3A_22 = arith.constant 15 : i32
    %lt3A_23 = arith.cmpi slt, %arg1, %lt3A_22 : i32
    %convert_element_type3A_24 = arith.extui %lt3A_23 : i1 to i32
    %cond3A_25 = arith.constant 0 : i32
    %cond3A_26 = arith.cmpi ne, %convert_element_type3A_24, %cond3A_25 : i32
    scf.if %cond3A_26 {
      %mul3A_32 = arith.constant 632 : i32
      %mul3A_33 = arith.muli %arg1, %mul3A_32 : i32
      %mul3A_34 = arith.constant 632 : i32
      %mul3A_35 = arith.muli %arg1, %mul3A_34 : i32
      "tpu.region"() ({
        %run_scoped3A = tpu.sem_alloc : memref<!tpu.dma_semaphore, #tpu.memory_space<semaphore_mem>>
        %dma_start3A_36 = arith.constant 0 : i32
        %dma_start3A_37 = tpu.memref_slice %arg6[%arg0, %mul3A_35, %dma_start3A_36] : memref<2x10000x128xf32, #tpu.memory_space<hbm>> -> memref<1x632x128xf32, #tpu.memory_space<hbm>>
        %dma_start3A_38 = tpu.memref_squeeze %dma_start3A_37 : memref<1x632x128xf32, #tpu.memory_space<hbm>> -> memref<632x128xf32, #tpu.memory_space<hbm>>
        %dma_start3A_39 = arith.constant 0 : i32
        %dma_start3A_40 = tpu.memref_slice %arg16[%mul3A_33, %dma_start3A_39] : memref<10000x128xf32, #tpu.memory_space<vmem_shared>> -> memref<632x128xf32, #tpu.memory_space<vmem_shared>>
        tpu.enqueue_dma source(%dma_start3A_40 : memref<632x128xf32, #tpu.memory_space<vmem_shared>>) target(%dma_start3A_38 : memref<632x128xf32, #tpu.memory_space<hbm>>) target_semaphore(%run_scoped3A : memref<!tpu.dma_semaphore, #tpu.memory_space<semaphore_mem>>)
        %dma_wait3A = arith.constant 0 : i32
        %dma_wait3A_41 = tpu.memref_slice %arg6[%arg0, %mul3A_35, %dma_wait3A] : memref<2x10000x128xf32, #tpu.memory_space<hbm>> -> memref<1x632x128xf32, #tpu.memory_space<hbm>>
        %dma_wait3A_42 = tpu.memref_squeeze %dma_wait3A_41 : memref<1x632x128xf32, #tpu.memory_space<hbm>> -> memref<632x128xf32, #tpu.memory_space<hbm>>
        %dma_wait3A_43 = arith.constant 0 : i32
        %dma_wait3A_44 = tpu.memref_slice %arg16[%mul3A_33, %dma_wait3A_43] : memref<10000x128xf32, #tpu.memory_space<vmem_shared>> -> memref<632x128xf32, #tpu.memory_space<vmem_shared>>
        tpu.wait_dma2 semaphore(%run_scoped3A : memref<!tpu.dma_semaphore, #tpu.memory_space<semaphore_mem>>) src(%dma_wait3A_44 : memref<632x128xf32, #tpu.memory_space<vmem_shared>>) dst(%dma_wait3A_42 : memref<632x128xf32, #tpu.memory_space<hbm>>)
        tpu.yield
      }) : () -> ()
    } else {
    }
    %eq3A_27 = arith.constant 15 : i32
    %eq3A_28 = arith.cmpi eq, %arg1, %eq3A_27 : i32
    %convert_element_type3A_29 = arith.extui %eq3A_28 : i1 to i32
    %cond3A_30 = arith.constant 0 : i32
    %cond3A_31 = arith.cmpi ne, %convert_element_type3A_29, %cond3A_30 : i32
    scf.if %cond3A_31 {
      "tpu.region"() ({
        %run_scoped3A = tpu.sem_alloc : memref<!tpu.dma_semaphore, #tpu.memory_space<semaphore_mem>>
        %dma_start3A_32 = arith.constant 9480 : i32
        %dma_start3A_33 = arith.constant 0 : i32
        %dma_start3A_34 = tpu.memref_slice %arg6[%arg0, %dma_start3A_32, %dma_start3A_33] : memref<2x10000x128xf32, #tpu.memory_space<hbm>> -> memref<1x520x128xf32, #tpu.memory_space<hbm>>
        %dma_start3A_35 = tpu.memref_squeeze %dma_start3A_34 : memref<1x520x128xf32, #tpu.memory_space<hbm>> -> memref<520x128xf32, #tpu.memory_space<hbm>>
        %dma_start3A_36 = arith.constant 9480 : i32
        %dma_start3A_37 = arith.constant 0 : i32
        %dma_start3A_38 = tpu.memref_slice %arg16[%dma_start3A_36, %dma_start3A_37] : memref<10000x128xf32, #tpu.memory_space<vmem_shared>> -> memref<520x128xf32, #tpu.memory_space<vmem_shared>>
        tpu.enqueue_dma source(%dma_start3A_38 : memref<520x128xf32, #tpu.memory_space<vmem_shared>>) target(%dma_start3A_35 : memref<520x128xf32, #tpu.memory_space<hbm>>) target_semaphore(%run_scoped3A : memref<!tpu.dma_semaphore, #tpu.memory_space<semaphore_mem>>)
        %dma_wait3A = arith.constant 9480 : i32
        %dma_wait3A_39 = arith.constant 0 : i32
        %dma_wait3A_40 = tpu.memref_slice %arg6[%arg0, %dma_wait3A, %dma_wait3A_39] : memref<2x10000x128xf32, #tpu.memory_space<hbm>> -> memref<1x520x128xf32, #tpu.memory_space<hbm>>
        %dma_wait3A_41 = tpu.memref_squeeze %dma_wait3A_40 : memref<1x520x128xf32, #tpu.memory_space<hbm>> -> memref<520x128xf32, #tpu.memory_space<hbm>>
        %dma_wait3A_42 = arith.constant 9480 : i32
        %dma_wait3A_43 = arith.constant 0 : i32
        %dma_wait3A_44 = tpu.memref_slice %arg16[%dma_wait3A_42, %dma_wait3A_43] : memref<10000x128xf32, #tpu.memory_space<vmem_shared>> -> memref<520x128xf32, #tpu.memory_space<vmem_shared>>
        tpu.wait_dma2 semaphore(%run_scoped3A : memref<!tpu.dma_semaphore, #tpu.memory_space<semaphore_mem>>) src(%dma_wait3A_44 : memref<520x128xf32, #tpu.memory_space<vmem_shared>>) dst(%dma_wait3A_41 : memref<520x128xf32, #tpu.memory_space<hbm>>)
        tpu.yield
      }) : () -> ()
    } else {
    }
    return
  }
}

module attributes {stable_mosaic.version = 14 : i64} {
  func.func @_tc1_body(%arg0: i32, %arg1: memref<2000x128xf32, #tpu.memory_space<vmem>>, %arg2: memref<2000x128xf32, #tpu.memory_space<vmem>>, %arg3: memref<2000x128xf32, #tpu.memory_space<vmem>>, %arg4: memref<128x128xf32, #tpu.memory_space<vmem>>, %arg5: memref<128x128xf32, #tpu.memory_space<vmem>>, %arg6: memref<2000x1xf32, #tpu.memory_space<vmem>>, %arg7: memref<2000x128xf32, #tpu.memory_space<vmem>>, %arg8: memref<2000x128xf32, #tpu.memory_space<vmem>>) attributes {dimension_semantics = [#tpu.dimension_semantics<arbitrary>], iteration_bounds = array<i64: 5>, scalar_prefetch = 0 : i64, scratch_operands = 0 : i64, tpu.core_type = #tpu.core_type<tc>, window_params = [{transform_indices = @transform_0, window_bounds = array<i64: 2000, 128>}, {transform_indices = @transform_1, window_bounds = array<i64: 2000, 128>}, {transform_indices = @transform_2, window_bounds = array<i64: 2000, 128>}, {pipeline_mode = #tpu.pipeline_mode<synchronous>, transform_indices = @transform_3, window_bounds = array<i64: 128, 128>}, {pipeline_mode = #tpu.pipeline_mode<synchronous>, transform_indices = @transform_4, window_bounds = array<i64: 128, 128>}, {transform_indices = @transform_5, window_bounds = array<i64: 2000, 1>}, {transform_indices = @transform_6, window_bounds = array<i64: 2000, 128>}, {transform_indices = @transform_7, window_bounds = array<i64: 2000, 128>}]} {
    %get3A = arith.constant 0 : index
    %get3A_0 = arith.constant 0 : index
    %get3A_1 = vector.load %arg1[%get3A, %get3A_0] : memref<2000x128xf32, #tpu.memory_space<vmem>>, vector<2000x1xf32>
    %get3A_2 = arith.constant 0 : index
    %get3A_3 = arith.constant 0 : index
    %get3A_4 = vector.load %arg2[%get3A_2, %get3A_3] : memref<2000x128xf32, #tpu.memory_space<vmem>>, vector<2000x1xf32>
    %add3A = arith.addf %get3A_1, %get3A_4 : vector<2000x1xf32>
    %add3A_5 = arith.constant 1.000000e+00 : f32
    %add3A_6 = vector.broadcast %add3A_5 : f32 to vector<2000x1xf32>
    %add3A_7 = arith.addf %add3A, %add3A_6 : vector<2000x1xf32>
    %rsqrt3A = math.rsqrt %add3A_7 : vector<2000x1xf32>
    %swap3A = arith.constant 0 : index
    %swap3A_8 = arith.constant 0 : index
    %swap3A_9 = vector.load %arg6[%swap3A, %swap3A_8] : memref<2000x1xf32, #tpu.memory_space<vmem>>, vector<2000x1xf32>
    tpu.vector_store %arg6[%swap3A, %swap3A_8], %rsqrt3A {strides = array<i32>} : memref<2000x1xf32, #tpu.memory_space<vmem>>, vector<2000x1xf32>,
    %get3A_10 = arith.constant 0 : index
    %get3A_11 = arith.constant 0 : index
    %get3A_12 = vector.load %arg3[%get3A_10, %get3A_11] : memref<2000x128xf32, #tpu.memory_space<vmem>>, vector<2000x128xf32>
    %get3A_13 = arith.constant 0 : index
    %get3A_14 = arith.constant 0 : index
    %get3A_15 = vector.load %arg4[%get3A_13, %get3A_14] : memref<128x128xf32, #tpu.memory_space<vmem>>, vector<128x128xf32>
    %dot_general3A = arith.constant dense<0.000000e+00> : vector<2000x128xf32>
    %dot_general3A_16 = tpu.matmul %get3A_12, %get3A_15, %dot_general3A {dimension_numbers = #tpu.dot_dimension_numbers<[1], [0], [0], [1], [0, 0, 1, 1], [], []>, transpose_lhs_hint = false} : vector<2000x128xf32>, vector<128x128xf32>, vector<2000x128xf32> -> vector<2000x128xf32>
    %mul3A = vector.broadcast %rsqrt3A : vector<2000x1xf32> to vector<2000x128xf32>
    %mul3A_17 = arith.mulf %dot_general3A_16, %mul3A : vector<2000x128xf32>
    %swap3A_18 = arith.constant 0 : index
    %swap3A_19 = arith.constant 0 : index
    %swap3A_20 = vector.load %arg7[%swap3A_18, %swap3A_19] : memref<2000x128xf32, #tpu.memory_space<vmem>>, vector<2000x128xf32>
    tpu.vector_store %arg7[%swap3A_18, %swap3A_19], %mul3A_17 {strides = array<i32>} : memref<2000x128xf32, #tpu.memory_space<vmem>>, vector<2000x128xf32>,
    %get3A_21 = arith.constant 0 : index
    %get3A_22 = arith.constant 0 : index
    %get3A_23 = vector.load %arg5[%get3A_21, %get3A_22] : memref<128x128xf32, #tpu.memory_space<vmem>>, vector<128x128xf32>
    %dot_general3A_24 = arith.constant dense<0.000000e+00> : vector<2000x128xf32>
    %dot_general3A_25 = tpu.matmul %get3A_12, %get3A_23, %dot_general3A_24 {dimension_numbers = #tpu.dot_dimension_numbers<[1], [0], [0], [1], [0, 0, 1, 1], [], []>, transpose_lhs_hint = false} : vector<2000x128xf32>, vector<128x128xf32>, vector<2000x128xf32> -> vector<2000x128xf32>
    %swap3A_26 = arith.constant 0 : index
    %swap3A_27 = arith.constant 0 : index
    %swap3A_28 = vector.load %arg8[%swap3A_26, %swap3A_27] : memref<2000x128xf32, #tpu.memory_space<vmem>>, vector<2000x128xf32>
    tpu.vector_store %arg8[%swap3A_26, %swap3A_27], %dot_general3A_25 {strides = array<i32>} : memref<2000x128xf32, #tpu.memory_space<vmem>>, vector<2000x128xf32>,
    return
  }
  func.func @transform_0(%arg0: i32) -> (i32, i32) {
    %c0_i32 = arith.constant 0 : i32
    %c0_i32_0 = arith.constant 0 : i32
    return %arg0, %c0_i32 : i32, i32
  }
  func.func @transform_1(%arg0: i32) -> (i32, i32) {
    %c0_i32 = arith.constant 0 : i32
    %c0_i32_0 = arith.constant 0 : i32
    return %arg0, %c0_i32 : i32, i32
  }
  func.func @transform_2(%arg0: i32) -> (i32, i32) {
    %c0_i32 = arith.constant 0 : i32
    %c0_i32_0 = arith.constant 0 : i32
    return %arg0, %c0_i32 : i32, i32
  }
  func.func @transform_3(%arg0: i32) -> (i32, i32) {
    %c0_i32 = arith.constant 0 : i32
    %c0_i32_0 = arith.constant 0 : i32
    %c0_i32_1 = arith.constant 0 : i32
    return %c0_i32, %c0_i32_0 : i32, i32
  }
  func.func @transform_4(%arg0: i32) -> (i32, i32) {
    %c0_i32 = arith.constant 0 : i32
    %c0_i32_0 = arith.constant 0 : i32
    %c0_i32_1 = arith.constant 0 : i32
    return %c0_i32, %c0_i32_0 : i32, i32
  }
  func.func @transform_5(%arg0: i32) -> (i32, i32) {
    %c0_i32 = arith.constant 0 : i32
    %c0_i32_0 = arith.constant 0 : i32
    return %arg0, %c0_i32 : i32, i32
  }
  func.func @transform_6(%arg0: i32) -> (i32, i32) {
    %c0_i32 = arith.constant 0 : i32
    %c0_i32_0 = arith.constant 0 : i32
    return %arg0, %c0_i32 : i32, i32
  }
  func.func @transform_7(%arg0: i32) -> (i32, i32) {
    %c0_i32 = arith.constant 0 : i32
    %c0_i32_0 = arith.constant 0 : i32
    return %arg0, %c0_i32 : i32, i32
  }
}

module attributes {stable_mosaic.version = 14 : i64} {
  func.func @_tc_mid_body(%arg0: i32, %arg1: memref<2000x128xf32, #tpu.memory_space<vmem>>, %arg2: memref<2000x128xf32, #tpu.memory_space<vmem>>, %arg3: memref<2000x128xf32, #tpu.memory_space<vmem>>, %arg4: memref<2000x1xf32, #tpu.memory_space<vmem>>, %arg5: memref<1x128xf32, #tpu.memory_space<vmem>>, %arg6: memref<128x128xf32, #tpu.memory_space<vmem>>, %arg7: memref<128x128xf32, #tpu.memory_space<vmem>>, %arg8: memref<2000x128xf32, #tpu.memory_space<vmem>>, %arg9: memref<2000x128xf32, #tpu.memory_space<vmem>>, %arg10: memref<2000x128xf32, #tpu.memory_space<vmem>>) attributes {dimension_semantics = [#tpu.dimension_semantics<arbitrary>], iteration_bounds = array<i64: 5>, scalar_prefetch = 0 : i64, scratch_operands = 0 : i64, tpu.core_type = #tpu.core_type<tc>, window_params = [{transform_indices = @transform_0, window_bounds = array<i64: 2000, 128>}, {transform_indices = @transform_1, window_bounds = array<i64: 2000, 128>}, {transform_indices = @transform_2, window_bounds = array<i64: 2000, 128>}, {transform_indices = @transform_3, window_bounds = array<i64: 2000, 1>}, {pipeline_mode = #tpu.pipeline_mode<synchronous>, transform_indices = @transform_4, window_bounds = array<i64: 1, 128>}, {pipeline_mode = #tpu.pipeline_mode<synchronous>, transform_indices = @transform_5, window_bounds = array<i64: 128, 128>}, {pipeline_mode = #tpu.pipeline_mode<synchronous>, transform_indices = @transform_6, window_bounds = array<i64: 128, 128>}, {transform_indices = @transform_7, window_bounds = array<i64: 2000, 128>}, {transform_indices = @transform_8, window_bounds = array<i64: 2000, 128>}, {transform_indices = @transform_9, window_bounds = array<i64: 2000, 128>}]} {
    %get3A = arith.constant 0 : index
    %get3A_0 = arith.constant 0 : index
    %get3A_1 = vector.load %arg4[%get3A, %get3A_0] : memref<2000x1xf32, #tpu.memory_space<vmem>>, vector<2000x1xf32>
    %get3A_2 = arith.constant 0 : index
    %get3A_3 = arith.constant 0 : index
    %get3A_4 = vector.load %arg1[%get3A_2, %get3A_3] : memref<2000x128xf32, #tpu.memory_space<vmem>>, vector<2000x128xf32>
    %get3A_5 = arith.constant 0 : index
    %get3A_6 = arith.constant 0 : index
    %get3A_7 = vector.load %arg2[%get3A_5, %get3A_6] : memref<2000x128xf32, #tpu.memory_space<vmem>>, vector<2000x128xf32>
    %add3A = arith.addf %get3A_4, %get3A_7 : vector<2000x128xf32>
    %get3A_8 = arith.constant 0 : index
    %get3A_9 = arith.constant 0 : index
    %get3A_10 = vector.load %arg3[%get3A_8, %get3A_9] : memref<2000x128xf32, #tpu.memory_space<vmem>>, vector<2000x128xf32>
    %add3A_11 = arith.addf %add3A, %get3A_10 : vector<2000x128xf32>
    %mul3A = vector.broadcast %get3A_1 : vector<2000x1xf32> to vector<2000x128xf32>
    %mul3A_12 = arith.mulf %mul3A, %add3A_11 : vector<2000x128xf32>
    %get3A_13 = arith.constant 0 : index
    %get3A_14 = arith.constant 0 : index
    %get3A_15 = vector.load %arg5[%get3A_13, %get3A_14] : memref<1x128xf32, #tpu.memory_space<vmem>>, vector<1x128xf32>
    %add3A_16 = vector.broadcast %get3A_15 : vector<1x128xf32> to vector<2000x128xf32>
    %add3A_17 = arith.addf %mul3A_12, %add3A_16 : vector<2000x128xf32>
    %max3A = arith.constant 0.000000e+00 : f32
    %max3A_18 = vector.broadcast %max3A : f32 to vector<2000x128xf32>
    %max3A_19 = arith.maximumf %add3A_17, %max3A_18 : vector<2000x128xf32>
    %get3A_20 = arith.constant 0 : index
    %get3A_21 = arith.constant 0 : index
    %get3A_22 = vector.load %arg6[%get3A_20, %get3A_21] : memref<128x128xf32, #tpu.memory_space<vmem>>, vector<128x128xf32>
    %dot_general3A = arith.constant dense<0.000000e+00> : vector<2000x128xf32>
    %dot_general3A_23 = tpu.matmul %max3A_19, %get3A_22, %dot_general3A {dimension_numbers = #tpu.dot_dimension_numbers<[1], [0], [0], [1], [0, 0, 1, 1], [], []>, transpose_lhs_hint = false} : vector<2000x128xf32>, vector<128x128xf32>, vector<2000x128xf32> -> vector<2000x128xf32>
    %mul3A_24 = vector.broadcast %get3A_1 : vector<2000x1xf32> to vector<2000x128xf32>
    %mul3A_25 = arith.mulf %dot_general3A_23, %mul3A_24 : vector<2000x128xf32>
    %swap3A = arith.constant 0 : index
    %swap3A_26 = arith.constant 0 : index
    %swap3A_27 = vector.load %arg9[%swap3A, %swap3A_26] : memref<2000x128xf32, #tpu.memory_space<vmem>>, vector<2000x128xf32>
    tpu.vector_store %arg9[%swap3A, %swap3A_26], %mul3A_25 {strides = array<i32>} : memref<2000x128xf32, #tpu.memory_space<vmem>>, vector<2000x128xf32>,
    %get3A_28 = arith.constant 0 : index
    %get3A_29 = arith.constant 0 : index
    %get3A_30 = vector.load %arg8[%get3A_28, %get3A_29] : memref<2000x128xf32, #tpu.memory_space<vmem>>, vector<2000x128xf32>
    %get3A_31 = arith.constant 0 : index
    %get3A_32 = arith.constant 0 : index
    %get3A_33 = vector.load %arg7[%get3A_31, %get3A_32] : memref<128x128xf32, #tpu.memory_space<vmem>>, vector<128x128xf32>
    %dot_general3A_34 = arith.constant dense<0.000000e+00> : vector<2000x128xf32>
    %dot_general3A_35 = tpu.matmul %max3A_19, %get3A_33, %dot_general3A_34 {dimension_numbers = #tpu.dot_dimension_numbers<[1], [0], [0], [1], [0, 0, 1, 1], [], []>, transpose_lhs_hint = false} : vector<2000x128xf32>, vector<128x128xf32>, vector<2000x128xf32> -> vector<2000x128xf32>
    %add3A_36 = arith.addf %get3A_30, %dot_general3A_35 : vector<2000x128xf32>
    %swap3A_37 = arith.constant 0 : index
    %swap3A_38 = arith.constant 0 : index
    %swap3A_39 = vector.load %arg10[%swap3A_37, %swap3A_38] : memref<2000x128xf32, #tpu.memory_space<vmem>>, vector<2000x128xf32>
    tpu.vector_store %arg10[%swap3A_37, %swap3A_38], %add3A_36 {strides = array<i32>} : memref<2000x128xf32, #tpu.memory_space<vmem>>, vector<2000x128xf32>,
    return
  }
  func.func @transform_0(%arg0: i32) -> (i32, i32) {
    %c0_i32 = arith.constant 0 : i32
    %c0_i32_0 = arith.constant 0 : i32
    return %arg0, %c0_i32 : i32, i32
  }
  func.func @transform_1(%arg0: i32) -> (i32, i32) {
    %c0_i32 = arith.constant 0 : i32
    %c0_i32_0 = arith.constant 0 : i32
    return %arg0, %c0_i32 : i32, i32
  }
  func.func @transform_2(%arg0: i32) -> (i32, i32) {
    %c0_i32 = arith.constant 0 : i32
    %c0_i32_0 = arith.constant 0 : i32
    return %arg0, %c0_i32 : i32, i32
  }
  func.func @transform_3(%arg0: i32) -> (i32, i32) {
    %c0_i32 = arith.constant 0 : i32
    %c0_i32_0 = arith.constant 0 : i32
    return %arg0, %c0_i32 : i32, i32
  }
  func.func @transform_4(%arg0: i32) -> (i32, i32) {
    %c0_i32 = arith.constant 0 : i32
    %c0_i32_0 = arith.constant 0 : i32
    %c0_i32_1 = arith.constant 0 : i32
    return %c0_i32, %c0_i32_0 : i32, i32
  }
  func.func @transform_5(%arg0: i32) -> (i32, i32) {
    %c0_i32 = arith.constant 0 : i32
    %c0_i32_0 = arith.constant 0 : i32
    %c0_i32_1 = arith.constant 0 : i32
    return %c0_i32, %c0_i32_0 : i32, i32
  }
  func.func @transform_6(%arg0: i32) -> (i32, i32) {
    %c0_i32 = arith.constant 0 : i32
    %c0_i32_0 = arith.constant 0 : i32
    %c0_i32_1 = arith.constant 0 : i32
    return %c0_i32, %c0_i32_0 : i32, i32
  }
  func.func @transform_7(%arg0: i32) -> (i32, i32) {
    %c0_i32 = arith.constant 0 : i32
    %c0_i32_0 = arith.constant 0 : i32
    return %arg0, %c0_i32 : i32, i32
  }
  func.func @transform_8(%arg0: i32) -> (i32, i32) {
    %c0_i32 = arith.constant 0 : i32
    %c0_i32_0 = arith.constant 0 : i32
    return %arg0, %c0_i32 : i32, i32
  }
  func.func @transform_9(%arg0: i32) -> (i32, i32) {
    %c0_i32 = arith.constant 0 : i32
    %c0_i32_0 = arith.constant 0 : i32
    return %arg0, %c0_i32 : i32, i32
  }
}

module attributes {stable_mosaic.version = 14 : i64} {
  func.func @_tc_fin_body(%arg0: i32, %arg1: memref<2000x128xf32, #tpu.memory_space<vmem>>, %arg2: memref<2000x128xf32, #tpu.memory_space<vmem>>, %arg3: memref<2000x128xf32, #tpu.memory_space<vmem>>, %arg4: memref<2000x1xf32, #tpu.memory_space<vmem>>, %arg5: memref<1x128xf32, #tpu.memory_space<vmem>>, %arg6: memref<128x128xf32, #tpu.memory_space<vmem>>, %arg7: memref<1x128xf32, #tpu.memory_space<vmem>>, %arg8: memref<2000x128xf32, #tpu.memory_space<vmem>>, %arg9: memref<2000x128xf32, #tpu.memory_space<vmem>>) attributes {dimension_semantics = [#tpu.dimension_semantics<arbitrary>], iteration_bounds = array<i64: 5>, scalar_prefetch = 0 : i64, scratch_operands = 0 : i64, tpu.core_type = #tpu.core_type<tc>, window_params = [{transform_indices = @transform_0, window_bounds = array<i64: 2000, 128>}, {transform_indices = @transform_1, window_bounds = array<i64: 2000, 128>}, {transform_indices = @transform_2, window_bounds = array<i64: 2000, 128>}, {transform_indices = @transform_3, window_bounds = array<i64: 2000, 1>}, {pipeline_mode = #tpu.pipeline_mode<synchronous>, transform_indices = @transform_4, window_bounds = array<i64: 1, 128>}, {pipeline_mode = #tpu.pipeline_mode<synchronous>, transform_indices = @transform_5, window_bounds = array<i64: 128, 128>}, {pipeline_mode = #tpu.pipeline_mode<synchronous>, transform_indices = @transform_6, window_bounds = array<i64: 1, 128>}, {transform_indices = @transform_7, window_bounds = array<i64: 2000, 128>}, {transform_indices = @transform_8, window_bounds = array<i64: 2000, 128>}]} {
    %get3A = arith.constant 0 : index
    %get3A_0 = arith.constant 0 : index
    %get3A_1 = vector.load %arg4[%get3A, %get3A_0] : memref<2000x1xf32, #tpu.memory_space<vmem>>, vector<2000x1xf32>
    %get3A_2 = arith.constant 0 : index
    %get3A_3 = arith.constant 0 : index
    %get3A_4 = vector.load %arg1[%get3A_2, %get3A_3] : memref<2000x128xf32, #tpu.memory_space<vmem>>, vector<2000x128xf32>
    %get3A_5 = arith.constant 0 : index
    %get3A_6 = arith.constant 0 : index
    %get3A_7 = vector.load %arg2[%get3A_5, %get3A_6] : memref<2000x128xf32, #tpu.memory_space<vmem>>, vector<2000x128xf32>
    %add3A = arith.addf %get3A_4, %get3A_7 : vector<2000x128xf32>
    %get3A_8 = arith.constant 0 : index
    %get3A_9 = arith.constant 0 : index
    %get3A_10 = vector.load %arg3[%get3A_8, %get3A_9] : memref<2000x128xf32, #tpu.memory_space<vmem>>, vector<2000x128xf32>
    %add3A_11 = arith.addf %add3A, %get3A_10 : vector<2000x128xf32>
    %mul3A = vector.broadcast %get3A_1 : vector<2000x1xf32> to vector<2000x128xf32>
    %mul3A_12 = arith.mulf %mul3A, %add3A_11 : vector<2000x128xf32>
    %get3A_13 = arith.constant 0 : index
    %get3A_14 = arith.constant 0 : index
    %get3A_15 = vector.load %arg5[%get3A_13, %get3A_14] : memref<1x128xf32, #tpu.memory_space<vmem>>, vector<1x128xf32>
    %add3A_16 = vector.broadcast %get3A_15 : vector<1x128xf32> to vector<2000x128xf32>
    %add3A_17 = arith.addf %mul3A_12, %add3A_16 : vector<2000x128xf32>
    %max3A = arith.constant 0.000000e+00 : f32
    %max3A_18 = vector.broadcast %max3A : f32 to vector<2000x128xf32>
    %max3A_19 = arith.maximumf %add3A_17, %max3A_18 : vector<2000x128xf32>
    %get3A_20 = arith.constant 0 : index
    %get3A_21 = arith.constant 0 : index
    %get3A_22 = vector.load %arg8[%get3A_20, %get3A_21] : memref<2000x128xf32, #tpu.memory_space<vmem>>, vector<2000x128xf32>
    %get3A_23 = arith.constant 0 : index
    %get3A_24 = arith.constant 0 : index
    %get3A_25 = vector.load %arg6[%get3A_23, %get3A_24] : memref<128x128xf32, #tpu.memory_space<vmem>>, vector<128x128xf32>
    %dot_general3A = arith.constant dense<0.000000e+00> : vector<2000x128xf32>
    %dot_general3A_26 = tpu.matmul %max3A_19, %get3A_25, %dot_general3A {dimension_numbers = #tpu.dot_dimension_numbers<[1], [0], [0], [1], [0, 0, 1, 1], [], []>, transpose_lhs_hint = false} : vector<2000x128xf32>, vector<128x128xf32>, vector<2000x128xf32> -> vector<2000x128xf32>
    %add3A_27 = arith.addf %get3A_22, %dot_general3A_26 : vector<2000x128xf32>
    %get3A_28 = arith.constant 0 : index
    %get3A_29 = arith.constant 0 : index
    %get3A_30 = vector.load %arg7[%get3A_28, %get3A_29] : memref<1x128xf32, #tpu.memory_space<vmem>>, vector<1x128xf32>
    %add3A_31 = vector.broadcast %get3A_30 : vector<1x128xf32> to vector<2000x128xf32>
    %add3A_32 = arith.addf %add3A_27, %add3A_31 : vector<2000x128xf32>
    %swap3A = arith.constant 0 : index
    %swap3A_33 = arith.constant 0 : index
    %swap3A_34 = vector.load %arg9[%swap3A, %swap3A_33] : memref<2000x128xf32, #tpu.memory_space<vmem>>, vector<2000x128xf32>
    tpu.vector_store %arg9[%swap3A, %swap3A_33], %add3A_32 {strides = array<i32>} : memref<2000x128xf32, #tpu.memory_space<vmem>>, vector<2000x128xf32>,
    return
  }
  func.func @transform_0(%arg0: i32) -> (i32, i32) {
    %c0_i32 = arith.constant 0 : i32
    %c0_i32_0 = arith.constant 0 : i32
    return %arg0, %c0_i32 : i32, i32
  }
  func.func @transform_1(%arg0: i32) -> (i32, i32) {
    %c0_i32 = arith.constant 0 : i32
    %c0_i32_0 = arith.constant 0 : i32
    return %arg0, %c0_i32 : i32, i32
  }
  func.func @transform_2(%arg0: i32) -> (i32, i32) {
    %c0_i32 = arith.constant 0 : i32
    %c0_i32_0 = arith.constant 0 : i32
    return %arg0, %c0_i32 : i32, i32
  }
  func.func @transform_3(%arg0: i32) -> (i32, i32) {
    %c0_i32 = arith.constant 0 : i32
    %c0_i32_0 = arith.constant 0 : i32
    return %arg0, %c0_i32 : i32, i32
  }
  func.func @transform_4(%arg0: i32) -> (i32, i32) {
    %c0_i32 = arith.constant 0 : i32
    %c0_i32_0 = arith.constant 0 : i32
    %c0_i32_1 = arith.constant 0 : i32
    return %c0_i32, %c0_i32_0 : i32, i32
  }
  func.func @transform_5(%arg0: i32) -> (i32, i32) {
    %c0_i32 = arith.constant 0 : i32
    %c0_i32_0 = arith.constant 0 : i32
    %c0_i32_1 = arith.constant 0 : i32
    return %c0_i32, %c0_i32_0 : i32, i32
  }
  func.func @transform_6(%arg0: i32) -> (i32, i32) {
    %c0_i32 = arith.constant 0 : i32
    %c0_i32_0 = arith.constant 0 : i32
    %c0_i32_1 = arith.constant 0 : i32
    return %c0_i32, %c0_i32_0 : i32, i32
  }
  func.func @transform_7(%arg0: i32) -> (i32, i32) {
    %c0_i32 = arith.constant 0 : i32
    %c0_i32_0 = arith.constant 0 : i32
    return %arg0, %c0_i32 : i32, i32
  }
  func.func @transform_8(%arg0: i32) -> (i32, i32) {
    %c0_i32 = arith.constant 0 : i32
    %c0_i32_0 = arith.constant 0 : i32
    return %arg0, %c0_i32 : i32, i32
  }
}

</mosaic_0001>

<sc_bundles>
// kernel: kernel.10.cloned.1.call-start
scs
__scs_entry_jumppad:
0x0: {  	(pc) =	sbr.rel $0x88, $3  }
0x1: {  	(tag) =	ssettag $0x0;
	lr =	simm.s32 $0x1  }
0x2: {  	[smem:$0x3F97] =	sst lr;
	_ =	strace $0xD0000000  }
0x3: {  	_ = 	snop  }
0x4: {  	_ = 	snop  }
0x5: {  	_ = 	snop  }
0x6: {  	_ = 	snop  }
0x7: {  	_ = 	snop  }
__scs_overlays_trampoline_lowered:
0x8: {  	[smem:$0x3FA6] =	sst s0  }
0x9: {  	[smem:$0x3FA7] =	sst s1  }
0xa: {  	[smem:$0x3FA8] =	sst s2  }
0xb: {  	[smem:$0x3FA9] =	sst s3  }
0xc: {  	[smem:$0x3FAA] =	sst s4  }
0xd: {  	[smem:$0x3FAB] =	sst s5  }
0xe: {  	[smem:$0x3FAC] =	sst s6  }
0xf: {  	[smem:$0x3FAD] =	sst s7  }
0x10: {  	[smem:$0x3FAE] =	sst s8  }
0x11: {  	[smem:$0x3FAF] =	sst s9;
	s0 =	simm.s32 @!p0 $0x0  }
0x12: {  	s1 =	sld [smem:$0x3F95];
	s0 =	simm.s32 @p0 $0x1  }
0x13: {  	[smem:$0x3FB0] =	sst s0;
	s0 =	simm.s32 @!p1 $0x0  }
0x14: {  	s2 =	sld [smem:$0x3F94];
	s0 =	simm.s32 @p1 $0x1  }
0x15: {  	[smem:$0x3FB1] =	sst s0;
	s0 =	simm.s32 @!p2 $0x0  }
0x16: {  	s3 =	sld [smem:$0x3FDB];
	s0 =	simm.s32 @p2 $0x1  }
0x17: {  	s4 =	simm.s32 $0x1BF5;
	[smem:$0x3FB3] =	sst s0  }
0x18: {  	s0 =	sld [smem:$0x3F96];
	_ =	swait.ge [sflag:s4], $0x0  }
0x19: {  	s7 =	sld [smem:$0x3F97]  }
0x1a: {  	s8 =	sadd.s32 $0xFFFFE003, lr  }
0x1b: {  	s9 =	sadd.s32 $0xFFFFFEF7, lr;
	s5 =	simm.s32 $0xFFFFFFFF;
	p2 =	slt.u32 s8, $0xFFFFF086  }
0x1c: {  	p1 =	slt.u32 s9, $0xF7A;
	s5 =	simm.s32 @!p2 $0x0  }
0x1d: {  	s5 =	simm.s32 @p1 $0x1;
	p0 =	seq.s32 s7, s2  }
0x1e: {  	s7 =	smul.u32 @!p0 $0xF7A, s2;
	p2 =	seq.s32 @!p0 s5, $0x0  }
0x1f: {  	s9 =	smul.u32 $0xF7A, s1;
	s8 =	simm.s32 @!p0 $0x1BF5;
	p2 =	por !p2, p0  }
0x20: {  	[sflag:s8] =	ssyncset.s32 @!p0 $0xFFFFF086;
	s6 =	sadd.s32 @!p0 s3, s7;
	s7 =	simm.s32 @!p0 $0x108  }
0x21: {  	s3 =	sadd.s32 s3, s9;
	s6 =	sadd.s32 @!p0 $0x88, s6;
	s7 =	simm.s32 @p2 $0x1082  }
0x22: {  	[simem:s7], [sflag:s8] =	dma.local @!p0 [hbm:s6], $0xF7A  }
0x23: {  	s9 =	sor.u32 $0xD0000000, s2;
	s6 =	simm.s32 $0x108;
	_ =	swait.ge @!p0 [sflag:s8], $0x0  }
0x24: {  	s3 =	sadd.s32 $0x88, s3;
	s6 =	simm.s32 @!p1 $0x1082;
	[sflag:s4] =	ssyncset.s32 $0xFFFFF086  }
0x25: {  	[simem:s6], [sflag:s4] =	dma.local [hbm:s3], $0xF7A  }
0x26: {  	[smem:$0x3F97] =	sst s1;
	(tag) =	ssettag s2;
	_ =	strace s9  }
0x27: {  	s1 =	sld [smem:$0x3FA7]  }
0x28: {  	s2 =	sld [smem:$0x3FA8]  }
0x29: {  	s4 =	sld [smem:$0x3FAA]  }
0x2a: {  	p0 =	seq.s32 s5, $0x0;
	s5 =	sld [smem:$0x3FAB]  }
0x2b: {  	s6 =	sld [smem:$0x3FAC]  }
0x2c: {  	s7 =	sld [smem:$0x3FAD]  }
0x2d: {  	s3 =	simm.s32 $0x108;
	s8 =	sld [smem:$0x3FAE]  }
0x2e: {  	s3 =	simm.s32 @!p0 $0x1082;
	s9 =	sld [smem:$0x3FAF]  }
0x2f: {  	lr =	sadd.s32 s0, s3;
	s0 =	sld [smem:$0x3FA6]  }
0x30: {  	s3 =	sld [smem:$0x3FA9]  }
0x31: {  	[smem:$0x3FB2] =	sst s10  }
0x32: {  	s10 =	sld [smem:$0x3FB0];
	_ =	sdelay $0x3  }
0x33: {  	p0 =	seq.s32 s10, $0x1;
	s10 =	sld [smem:$0x3FB2];
	_ =	sdelay $0x3  }
0x34: {  	[smem:$0x3FB2] =	sst s10  }
0x35: {  	s10 =	sld [smem:$0x3FB1];
	_ =	sdelay $0x3  }
0x36: {  	p1 =	seq.s32 s10, $0x1;
	s10 =	sld [smem:$0x3FB2];
	_ =	sdelay $0x3  }
0x37: {  	[smem:$0x3FB2] =	sst s10  }
0x38: {  	s10 =	sld [smem:$0x3FB3]  }
0x39: {  	_ = 	snop;
	(pc) =	sbr.ind lr, $3  }
0x3a: {  	_ = 	snop  }
0x3b: {  	_ = 	snop  }
0x3c: {  	p2 =	seq.s32 s10, $0x1;
	s10 =	sld [smem:$0x3FB2]  }
0x3d: {  	_ =	shalt  }
0x3e: {  	_ =	shalt  }
0x3f: {  	_ =	shalt  }
0x40: {  	_ =	shalt  }
0x41: {  	_ =	shalt  }
0x42: {  	_ =	shalt  }
0x43: {  	_ =	shalt  }
0x44: {  	_ =	shalt  }
0x45: {  	_ =	shalt  }
0x46: {  	_ =	shalt  }
0x47: {  	_ =	shalt  }
0x48: {  	_ =	shalt  }
0x49: {  	_ =	shalt  }
0x4a: {  	_ =	shalt  }
0x4b: {  	_ =	shalt  }
0x4c: {  	_ =	shalt  }
0x4d: {  	_ =	shalt  }
0x4e: {  	_ =	shalt  }
0x4f: {  	_ =	shalt  }
0x50: {  	_ =	shalt  }
0x51: {  	_ =	shalt  }
0x52: {  	_ =	shalt  }
0x53: {  	_ =	shalt  }
0x54: {  	_ =	shalt  }
0x55: {  	_ =	shalt  }
0x56: {  	_ =	shalt  }
0x57: {  	_ =	shalt  }
0x58: {  	_ =	shalt  }
0x59: {  	_ =	shalt  }
0x5a: {  	_ =	shalt  }
0x5b: {  	_ =	shalt  }
0x5c: {  	_ =	shalt  }
0x5d: {  	_ =	shalt  }
0x5e: {  	_ =	shalt  }
0x5f: {  	_ =	shalt  }
0x60: {  	_ =	shalt  }
0x61: {  	_ =	shalt  }
0x62: {  	_ =	shalt  }
0x63: {  	_ =	shalt  }
0x64: {  	_ =	shalt  }
0x65: {  	_ =	shalt  }
0x66: {  	_ =	shalt  }
0x67: {  	_ =	shalt  }
0x68: {  	_ =	shalt  }
0x69: {  	_ =	shalt  }
0x6a: {  	_ =	shalt  }
0x6b: {  	_ =	shalt  }
0x6c: {  	_ =	shalt  }
0x6d: {  	_ =	shalt  }
0x6e: {  	_ =	shalt  }
0x6f: {  	_ =	shalt  }
0x70: {  	_ =	shalt  }
0x71: {  	_ =	shalt  }
0x72: {  	_ =	shalt  }
0x73: {  	_ =	shalt  }
0x74: {  	_ =	shalt  }
0x75: {  	_ =	shalt  }
0x76: {  	_ =	shalt  }
0x77: {  	_ =	shalt  }
0x78: {  	_ =	shalt  }
0x79: {  	_ =	shalt  }
0x7a: {  	_ =	shalt  }
0x7b: {  	_ =	shalt  }
0x7c: {  	_ =	shalt  }
0x7d: {  	_ =	shalt  }
0x7e: {  	_ =	shalt  }
0x7f: {  	_ =	shalt  }
0x80: {  	_ =	shalt  }
0x81: {  	_ =	shalt  }
0x82: {  	_ =	shalt  }
0x83: {  	_ =	shalt  }
0x84: {  	_ =	shalt  }
0x85: {  	_ =	shalt  }
0x86: {  	_ =	shalt  }
0x87: {  	_ =	shalt  }
.Lfunc_end0:
.L_simem_size_0:
called_computation_lowered:
.L_overlay_start_0:
0x88: {  	s2 =	sld [smem:$0x3FD9]  }
0x89: {  	s3 =	sld [smem:$0x3FFE];
	_ =	sdelay $0x1  }
0x8a: {  	s1 =	srdreg.scid  }
0x8b: {  	s0 =	sand.u32 $0x1, s1  }
0x8c: {  	s17 =	sshll.u32 s0, $0xA;
	s2 =	sadd.s32 s3, s2  }
0x8d: {  	s2 =	sadd.s32 s2, s17  }
0x8e: {  	[smem:$0x3FBE] =	sst s2  }
0x8f: {  	_ = 	snop  }
0x90: {  	s2 =	sld [smem:$0x3FD0];
	(tm) =	ssettm $0x1  }
0x91: {  	s18 =	sld [smem:$0x3FFB];
	_ =	sdelay $0x3  }
0x92: {  	_ =	strace s18  }
0x93: {  	s3 =	sld [smem:$0x3FFC];
	_ =	sdelay $0x3  }
0x94: {  	_ =	strace s3  }
0x95: {  	s3 =	sld [smem:$0x3FFD];
	_ =	sdelay $0x3  }
0x96: {  	_ =	strace s3  }
0x97: {  	_ =	strace $0x8FFFFFFF  }
0x98: {  	s19 =	sld [smem:$0x3FDB];
	_ =	sdelay $0x1  }
0x99: {  	s4 =	simm.s32 $_scs_section_size  }
0x9a: {  	s5 =	simm.s32 $_size__tile_overlayer_lowered;
	s6 =	simm.s32 $_tile_overlayer_lowered  }
0x9b: {  	s22 =	simm.s32 $0x1BFF;
	s21 =	sshll.u32 s6, $0x1;
	s3 =	sadd.s32 s4, s19  }
0x9c: {  	s7 =	simm.s32 $0x0;
	s20 =	sshll.u32 s5, $0x1;
	s5 =	sadd.s32 s21, s3  }
0x9d: {  	[timem:s7], [sflag:s22] =	dma.local [hbm:s5], s20  }
0x9e: {  	_ =	swait.ge [sflag:s22], s20  }
0x9f: {  	s4 =	ssub.s32 $0x0, s20;
	[sflag:s22] =	ssyncset.done $0x0  }
0xa0: {  	[sflag:s22] =	ssyncadd.s32 s4;
	_ =	sdelay $0x1  }
0xa1: {  	s23 =	simm.s32 $0x1B8B  }
0xa2: {  	_ =	swait.ge [sflag:s23], $0x1  }
0xa3: {  	[sflag:s23] =	ssyncset.done $0x0  }
0xa4: {  	s25 =	simm.s32 $0x1B8E;
	s24 =	sld [smem:$0x3FFE];
	[sflag:s23] =	ssyncadd.s32 $0xFFFFFFFF  }
0xa5: {  	s26 =	simm.s32 $execute0_lowered;
	[smem:$0x3FD2] =	sst s25  }
0xa6: {  	s5 =	sshll.u32 s26, $0x1;
	_ =	strace $0x80000046;
	[dreg:$0x1] =	wrdreg $0xFFFFFFFF  }
0xa7: {  	s28 =	simm.s32 $_size_execute0_lowered;
	s3 =	sadd.s32 s3, s5;
	[dreg:$0x0] =	wrdreg $0x0  }
0xa8: {  	s5 =	sshll.u32 s28, $0x1;
	[dreg:$0x2] =	wrdreg s3  }
0xa9: {  	[dreg:$0x3] =	wrdreg s5  }
0xaa: {  	[dreg:$0x4] =	wrdreg $0xC0  }
0xab: {  	_ =	task [dreg:s7], $0x5FFFF  }
0xac: {  	[dreg:$0x1] =	wrdreg $0xFFFFFFFF  }
0xad: {  	[dreg:$0x0] =	wrdreg $0x60  }
0xae: {  	[dreg:$0x2] =	wrdreg s2  }
0xaf: {  	[dreg:$0x3] =	wrdreg s24  }
0xb0: {  	[dreg:$0x4] =	wrdreg $0xB0000  }
0xb1: {  	[dreg:$0x5] =	wrdreg $0x9  }
0xb2: {  	_ =	task.clear_ibuf [dreg:s7], $0x6FFFF;
	_ =	strace $0x90000046  }
0xb3: {  	s29 =	simm.s32 $0x9;
	_ =	strace $0x80000048  }
0xb4: {  	_ =	swait.ge [sflag:s29], $0x1  }
0xb5: {  	[sflag:s29] =	ssyncadd.s32 $0xFFFFFFFF  }
0xb6: {  	_ =	strace $0x90000048  }
0xb7: {  	_ =	sfence  }
0xb8: {  	s30 =	sld [smem:$0x0];
	_ =	sdelay $0x2  }
0xb9: {  	s31 =	sshll.u32 s1, $0xD;
	s1 =	sshrl.u32 s1, $0x2  }
0xba: {  	s3 =	sand.u32 $0x4000, s31;
	s1 =	sadd.s32 s1, s30  }
0xbb: {  	s0 =	sor.u32 s3, s0;
	s1 =	sshll.u32 s1, $0x11  }
0xbc: {  	s0 =	sor.u32 s1, s0  }
0xbd: {  	s0 =	sadd.s32 $0x8F2B, s0  }
0xbe: {  	[sflag:s0] =	ssyncadd.remote.s32 $0x1  }
0xbf: {  	_ =	sfence.sel $0xFFFF  }
0xc0: {  	[dreg:$0x0] =	wrdreg $0xFFFFFFFF;
	(pc) =	sbr.abs _section_cstart, $3  }
0xc1: {  	[dreg:$0x1] =	wrdreg $0xFFFFFFFF  }
0xc2: {  	_ =	task.clear_ibuf [dreg:s7], $0x2FFFF;
	_ =	strace $0x9FFFFFFF  }
0xc3: {  	(tm) =	ssettm $0x7FFFFFFF  }
tec
execute0_lowered:
.L_overlay_start_1:
0x0: {  	(tag) =	ssettag $0x1  }
0x1: {  	s1 =	rddreg [dreg:$0x0]  }
0x2: {  	s0 =	srdreg.scid;
	s2 =	rddreg [dreg:$0x1]  }
0x3: {  	s11 =	stileid.u32;
	s3 =	rddreg [dreg:$0x2];
	s14 =	simm.s32 $0x3  }
0x4: {  	s15 =	simm.s32 $0x7D;
	s16 =	simm.s32 $0x3000;
	s17 =	simm.s32 $0x2800  }
0x5: {  	s18 =	simm.s32 $0x1;
	s19 =	simm.s32 $0x7000;
	s20 =	simm.s32 $0x2  }
0x6: {  	s21 =	simm.s32 $0x2880;
	s28 =	simm.s32 $0x2B80;
	s22 =	smul.u32 $0x4F000, s11  }
0x7: {  	s29 =	simm.s32 $0x2C00;
	s30 =	simm.s32 $0x2C80;
	s10 =	smul.u32 $0x13C00, s11  }
0x8: {  	s31 =	simm.s32 $0x2D00;
	s0 =	sand.u32 $0x1, s0;
	s24 =	smul.u32 $0x500, s11  }
0x9: {  	s7 =	sadd.s32 $0x18000, s2;
	p0 =	seq.s32 s11, $0xF;
	s6 =	smul.u32 $0x5000, s0  }
0xa: {  	s4 =	sshll.u32 s0, $0x4;
	s8 =	ssub.s32 $0x2, s0;
	s0 =	smul.u32 $0x138800, s0  }
0xb: {  	s5 =	sor.u32 s11, s4;
	s4 =	simm.s32 $0x0;
	s9 =	sshrl.u32 s8, $0x1  }
0xc: {  	s5 =	smul.u32 $0x500, s5;
	[smem:$0x7FF] =	sst s4;
	s6 =	sadd.s32 s6, s2  }
0xd: {  	s8 =	ssub.s32 s8, s9;
	s9 =	sadd.s32 $0x128400, s3;
	s23 =	sadd.s32 s10, s0  }
0xe: {  	s0 =	sshrl.u32 s0, $0x3;
	_ =	strace $0x80000047;
	[dreg:$0x4] =	wrdreg s7  }
0xf: {  	s7 =	sshrl.u32 s22, $0x2;
	s25 =	smax.u32 s8, $0x1;
	s26 =	sadd.s32 s24, s6  }
0x10: {  	s22 =	simm.s32 $0x2900;
	s24 =	simm.s32 $0x2A00;
	s6 =	simm.s32 $0x2E80  }
0x11: {  	s8 =	simm.s32 $0x2F80;
	s5 =	sadd.s32 s5, s2;
	s2 =	sadd.s32 $0x1A800, s2  }
0x12: {  	s7 =	sadd.s32 s7, s3;
	[dreg:$0x8] =	wrdreg s25;
	s25 =	simm.s32 $0x2A80  }
0x13: {  	s5 =	sadd.s32 $0xE000, s5;
	s0 =	sadd.s32 s2, s0;
	s13 =	sshrl.u32 @!p0 s7, $0x3  }
0x14: {  	s7 =	simm.s32 $0x2F00;
	[dreg:$0x5] =	wrdreg s5;
	s5 =	sshrl.u32 s23, $0x3  }
0x15: {  	s0 =	sadd.s32 $0x25080, s0;
	s23 =	simm.s32 $0x2980;
	[dreg:$0xb] =	wrdreg s13  }
.Ltmp0:
0x16: {  	s2 =	sadd.s32 s2, s5;
	[dreg:$0x7] =	wrdreg s0;
	(pc) =	sbr.rel .LBB2_1-.Ltmp0, $4  }
0x17: {  	s0 =	sadd.s32 $0x4000, s26;
	s26 =	simm.s32 $0x2B00;
	[dreg:$0x6] =	wrdreg s2  }
0x18: {  	s2 =	sshll.u32 @!p0 s11, $0x6;
	[dreg:$0x9] =	wrdreg s0;
	s11 =	sshrl.u32 @p0 s9, $0x3  }
0x19: {  	s0 =	simm.s32 $0x2E00;
	s12 =	sor.u32 @!p0 $0x1C03, s2;
	[dreg:$0xc] =	wrdreg s11  }
0x1a: {  	s9 =	simm.s32 $0x0;
	s2 =	simm.s32 $0x2D80;
	[dreg:$0xa] =	wrdreg s12  }
.LBB2_4:
0x1b: {  	[bflag:$0x0] =	sbarrier.arrive $0xFFFF  }
0x1c: {  	s10 =	rddreg [dreg:$0x7]  }
0x1d: {  	s5 =	simm.s32 @p0 $0x1FC3;
	s11 =	rddreg [dreg:$0xc]  }
0x1e: {  	[hbm:s10], [sflag:s5] =	dma.local @p0 [spmem:s11], $0x2080  }
0x1f: {  	s5 =	simm.s32 @p0 $0x3  }
0x20: {  	_ =	swait.ge @p0 [sflag:s5], $0x2080  }
0x21: {  	s12 =	rddreg [dreg:$0xa]  }
0x22: {  	[sflag:s5] =	ssyncset.done @p0 $0x0;
	s13 =	rddreg [dreg:$0xb]  }
0x23: {  	[sflag:s5] =	ssyncadd.s32 @p0 $0xFFFFDF80;
	s5 =	rddreg [dreg:$0x6]  }
0x24: {  	[hbm:s5], [sflag:s12] =	dma.local @!p0 [spmem:s13], $0x2780  }
0x25: {  	s5 =	simm.s32 @!p0 $0x3  }
0x26: {  	_ =	swait.ge @!p0 [sflag:s5], $0x2780  }
0x27: {  	s9 =	sadd.s32 $0x1, s9;
	s10 =	rddreg [dreg:$0x8]  }
0x28: {  	p1 =	sne.s32 s9, s10  }
.Ltmp1:
0x29: {  	_ = 	snop;
	(pc) =	sbr.rel @!p1 .LBB2_5-.Ltmp1, $3  }
0x2a: {  	_ =	sdelay $0x1  }
0x2b: {  	[sflag:s5] =	ssyncset.done @!p0 $0x0  }
0x2c: {  	[sflag:s5] =	ssyncadd.s32 @!p0 $0xFFFFD880  }
.LBB2_1:
0x2d: {  	s5 =	simm.s32 @p0 $0x1FC3;
	s10 =	rddreg [dreg:$0x4]  }
0x2e: {  	[spmem:s11], [sflag:s5] =	dma.local @p0 [hbm:s10], $0x2080  }
0x2f: {  	s5 =	simm.s32 @p0 $0x3  }
0x30: {  	_ =	swait.ge @p0 [sflag:s5], $0x2080  }
0x31: {  	[sflag:s5] =	ssyncset.done @p0 $0x0  }
0x32: {  	[sflag:s5] =	ssyncadd.s32 @p0 $0xFFFFDF80;
	s5 =	simm.s32 @!p0 $0x3  }
0x33: {  	[spmem:s13], [sflag:s12] =	dma.local @!p0 [hbm:s10], $0x2780  }
0x34: {  	_ =	swait.ge @!p0 [sflag:s5], $0x2780  }
0x35: {  	[sflag:s5] =	ssyncset.done @!p0 $0x0  }
0x36: {  	[sflag:s5] =	ssyncadd.s32 @!p0 $0xFFFFD880  }
0x37: {  	[bflag:$0x0] =	sbarrier.arrive $0xFFFF  }
0x38: {  	s13 =	rddreg [dreg:$0x5]  }
0x39: {  	[tilespmem:s4], [sflag:$0x3] =	stream.linear.gather [hbm4b:s13+s4], $0x2800, $0x38;
	[tilespmem:$0x1E880] =	vst v63  }
0x3a: {  	_ =	swait.ge [sflag:s14], $0x2800  }
0x3b: {  	[sflag:s14] =	ssyncset.done $0x0  }
0x3c: {  	s10 =	simm.s32 $0x0;
	s5 =	rddreg [dreg:$0x9];
	[sflag:s14] =	ssyncadd.s32 $0xFFFFD800  }
0x3d: {  	[tilespmem:s16], [sflag:$0x1] =	stream.indirect.gather [hbm4b:s1+s15], $0x80, s4, s15, $0xb8;
	[tilespmem:$0x1E880] =	vst v63  }
.LBB2_2:
0x3e: {  	[tilespmem:s17], [sflag:$0x3] =	stream.linear.gather [hbm4b:s5+s4], $0x800, $0x38;
	[tilespmem:$0x1E880] =	vst v63  }
0x3f: {  	_ =	swait.ge [sflag:s14], $0x800  }
0x40: {  	[sflag:s14] =	ssyncset.done $0x0  }
0x41: {  	[sflag:s14] =	ssyncadd.s32 $0xFFFFF800  }
0x42: {  	_ =	swait.ge [sflag:s18], $0x3E80  }
0x43: {  	[sflag:s18] =	ssyncset.done $0x0  }
0x44: {  	[sflag:s18] =	ssyncadd.s32 $0xFFFFC180  }
0x45: {  	[spmem:s3] =	stream.indirect.scatter.add.f32 [tilespmem:s16], [sflag:$0x3], $0x80, s17, s15, $0xb8;
	[tilespmem:$0x1E880] =	vst v63  }
0x46: {  	_ =	swait.ge [sflag:s14], $0x3E80  }
0x47: {  	s11 =	sshra.s32 s10, $0x2;
	[sflag:s14] =	ssyncset.done $0x0  }
0x48: {  	s12 =	sadd.s32 $0x80, s11;
	[sflag:s14] =	ssyncadd.s32 $0xFFFFC180  }
0x49: {  	[tilespmem:s19], [sflag:$0x2] =	stream.indirect.gather [hbm4b:s1+s15], $0x80, s12, s15, $0xb8;
	[tilespmem:$0x1E880] =	vst v63  }
0x4a: {  	_ =	swait.ge [sflag:s20], $0x3E80  }
0x4b: {  	[sflag:s20] =	ssyncset.done $0x0  }
0x4c: {  	[sflag:s20] =	ssyncadd.s32 $0xFFFFC180  }
0x4d: {  	[spmem:s3] =	stream.indirect.scatter.add.f32 [tilespmem:s19], [sflag:$0x3], $0x80, s21, s15, $0xb8;
	[tilespmem:$0x1E880] =	vst v63  }
0x4e: {  	_ =	swait.ge [sflag:s14], $0x3E80  }
0x4f: {  	[sflag:s14] =	ssyncset.done $0x0  }
0x50: {  	s13 =	sadd.s32 $0x100, s11;
	[sflag:s14] =	ssyncadd.s32 $0xFFFFC180  }
0x51: {  	[tilespmem:s16], [sflag:$0x1] =	stream.indirect.gather [hbm4b:s1+s15], $0x80, s13, s15, $0xb8;
	[tilespmem:$0x1E880] =	vst v63  }
0x52: {  	_ =	swait.ge [sflag:s18], $0x3E80  }
0x53: {  	[sflag:s18] =	ssyncset.done $0x0  }
0x54: {  	[sflag:s18] =	ssyncadd.s32 $0xFFFFC180  }
0x55: {  	[spmem:s3] =	stream.indirect.scatter.add.f32 [tilespmem:s16], [sflag:$0x3], $0x80, s22, s15, $0xb8;
	[tilespmem:$0x1E880] =	vst v63  }
0x56: {  	_ =	swait.ge [sflag:s14], $0x3E80  }
0x57: {  	[sflag:s14] =	ssyncset.done $0x0  }
0x58: {  	s13 =	sadd.s32 $0x180, s11;
	[sflag:s14] =	ssyncadd.s32 $0xFFFFC180  }
0x59: {  	[tilespmem:s19], [sflag:$0x2] =	stream.indirect.gather [hbm4b:s1+s15], $0x80, s13, s15, $0xb8;
	[tilespmem:$0x1E880] =	vst v63  }
0x5a: {  	_ =	swait.ge [sflag:s20], $0x3E80  }
0x5b: {  	[sflag:s20] =	ssyncset.done $0x0  }
0x5c: {  	[sflag:s20] =	ssyncadd.s32 $0xFFFFC180  }
0x5d: {  	[spmem:s3] =	stream.indirect.scatter.add.f32 [tilespmem:s19], [sflag:$0x3], $0x80, s23, s15, $0xb8;
	[tilespmem:$0x1E880] =	vst v63  }
0x5e: {  	_ =	swait.ge [sflag:s14], $0x3E80  }
0x5f: {  	[sflag:s14] =	ssyncset.done $0x0  }
0x60: {  	s13 =	sadd.s32 $0x200, s11;
	[sflag:s14] =	ssyncadd.s32 $0xFFFFC180  }
0x61: {  	[tilespmem:s16], [sflag:$0x1] =	stream.indirect.gather [hbm4b:s1+s15], $0x80, s13, s15, $0xb8;
	[tilespmem:$0x1E880] =	vst v63  }
0x62: {  	_ =	swait.ge [sflag:s18], $0x3E80  }
0x63: {  	[sflag:s18] =	ssyncset.done $0x0  }
0x64: {  	[sflag:s18] =	ssyncadd.s32 $0xFFFFC180  }
0x65: {  	[spmem:s3] =	stream.indirect.scatter.add.f32 [tilespmem:s16], [sflag:$0x3], $0x80, s24, s15, $0xb8;
	[tilespmem:$0x1E880] =	vst v63  }
0x66: {  	_ =	swait.ge [sflag:s14], $0x3E80  }
0x67: {  	[sflag:s14] =	ssyncset.done $0x0  }
0x68: {  	s13 =	sadd.s32 $0x280, s11;
	[sflag:s14] =	ssyncadd.s32 $0xFFFFC180  }
0x69: {  	[tilespmem:s19], [sflag:$0x2] =	stream.indirect.gather [hbm4b:s1+s15], $0x80, s13, s15, $0xb8;
	[tilespmem:$0x1E880] =	vst v63  }
0x6a: {  	_ =	swait.ge [sflag:s20], $0x3E80  }
0x6b: {  	[sflag:s20] =	ssyncset.done $0x0  }
0x6c: {  	[sflag:s20] =	ssyncadd.s32 $0xFFFFC180  }
0x6d: {  	[spmem:s3] =	stream.indirect.scatter.add.f32 [tilespmem:s19], [sflag:$0x3], $0x80, s25, s15, $0xb8;
	[tilespmem:$0x1E880] =	vst v63  }
0x6e: {  	_ =	swait.ge [sflag:s14], $0x3E80  }
0x6f: {  	[sflag:s14] =	ssyncset.done $0x0  }
0x70: {  	s13 =	sadd.s32 $0x300, s11;
	[sflag:s14] =	ssyncadd.s32 $0xFFFFC180  }
0x71: {  	[tilespmem:s16], [sflag:$0x1] =	stream.indirect.gather [hbm4b:s1+s15], $0x80, s13, s15, $0xb8;
	[tilespmem:$0x1E880] =	vst v63  }
0x72: {  	_ =	swait.ge [sflag:s18], $0x3E80  }
0x73: {  	[sflag:s18] =	ssyncset.done $0x0  }
0x74: {  	[sflag:s18] =	ssyncadd.s32 $0xFFFFC180  }
0x75: {  	[spmem:s3] =	stream.indirect.scatter.add.f32 [tilespmem:s16], [sflag:$0x3], $0x80, s26, s15, $0xb8;
	[tilespmem:$0x1E880] =	vst v63  }
0x76: {  	_ =	swait.ge [sflag:s14], $0x3E80  }
0x77: {  	[sflag:s14] =	ssyncset.done $0x0  }
0x78: {  	s13 =	sadd.s32 $0x380, s11;
	[sflag:s14] =	ssyncadd.s32 $0xFFFFC180  }
0x79: {  	[tilespmem:s19], [sflag:$0x2] =	stream.indirect.gather [hbm4b:s1+s15], $0x80, s13, s15, $0xb8;
	[tilespmem:$0x1E880] =	vst v63  }
0x7a: {  	_ =	swait.ge [sflag:s20], $0x3E80  }
0x7b: {  	[sflag:s20] =	ssyncset.done $0x0  }
0x7c: {  	[sflag:s20] =	ssyncadd.s32 $0xFFFFC180  }
0x7d: {  	[spmem:s3] =	stream.indirect.scatter.add.f32 [tilespmem:s19], [sflag:$0x3], $0x80, s28, s15, $0xb8;
	[tilespmem:$0x1E880] =	vst v63  }
0x7e: {  	_ =	swait.ge [sflag:s14], $0x3E80  }
0x7f: {  	[sflag:s14] =	ssyncset.done $0x0  }
0x80: {  	s13 =	sadd.s32 $0x400, s11;
	[sflag:s14] =	ssyncadd.s32 $0xFFFFC180  }
0x81: {  	[tilespmem:s16], [sflag:$0x1] =	stream.indirect.gather [hbm4b:s1+s15], $0x80, s13, s15, $0xb8;
	[tilespmem:$0x1E880] =	vst v63  }
0x82: {  	_ =	swait.ge [sflag:s18], $0x3E80  }
0x83: {  	[sflag:s18] =	ssyncset.done $0x0  }
0x84: {  	[sflag:s18] =	ssyncadd.s32 $0xFFFFC180  }
0x85: {  	[spmem:s3] =	stream.indirect.scatter.add.f32 [tilespmem:s16], [sflag:$0x3], $0x80, s29, s15, $0xb8;
	[tilespmem:$0x1E880] =	vst v63  }
0x86: {  	_ =	swait.ge [sflag:s14], $0x3E80  }
0x87: {  	[sflag:s14] =	ssyncset.done $0x0  }
0x88: {  	s13 =	sadd.s32 $0x480, s11;
	[sflag:s14] =	ssyncadd.s32 $0xFFFFC180  }
0x89: {  	[tilespmem:s19], [sflag:$0x2] =	stream.indirect.gather [hbm4b:s1+s15], $0x80, s13, s15, $0xb8;
	[tilespmem:$0x1E880] =	vst v63  }
0x8a: {  	_ =	swait.ge [sflag:s20], $0x3E80  }
0x8b: {  	[sflag:s20] =	ssyncset.done $0x0  }
0x8c: {  	[sflag:s20] =	ssyncadd.s32 $0xFFFFC180  }
0x8d: {  	[spmem:s3] =	stream.indirect.scatter.add.f32 [tilespmem:s19], [sflag:$0x3], $0x80, s30, s15, $0xb8;
	[tilespmem:$0x1E880] =	vst v63  }
0x8e: {  	_ =	swait.ge [sflag:s14], $0x3E80  }
0x8f: {  	[sflag:s14] =	ssyncset.done $0x0  }
0x90: {  	s13 =	sadd.s32 $0x500, s11;
	[sflag:s14] =	ssyncadd.s32 $0xFFFFC180  }
0x91: {  	[tilespmem:s16], [sflag:$0x1] =	stream.indirect.gather [hbm4b:s1+s15], $0x80, s13, s15, $0xb8;
	[tilespmem:$0x1E880] =	vst v63  }
0x92: {  	_ =	swait.ge [sflag:s18], $0x3E80  }
0x93: {  	[sflag:s18] =	ssyncset.done $0x0  }
0x94: {  	[sflag:s18] =	ssyncadd.s32 $0xFFFFC180  }
0x95: {  	[spmem:s3] =	stream.indirect.scatter.add.f32 [tilespmem:s16], [sflag:$0x3], $0x80, s31, s15, $0xb8;
	[tilespmem:$0x1E880] =	vst v63  }
0x96: {  	_ =	swait.ge [sflag:s14], $0x3E80  }
0x97: {  	[sflag:s14] =	ssyncset.done $0x0  }
0x98: {  	s13 =	sadd.s32 $0x580, s11;
	[sflag:s14] =	ssyncadd.s32 $0xFFFFC180  }
0x99: {  	[tilespmem:s19], [sflag:$0x2] =	stream.indirect.gather [hbm4b:s1+s15], $0x80, s13, s15, $0xb8;
	[tilespmem:$0x1E880] =	vst v63  }
0x9a: {  	_ =	swait.ge [sflag:s20], $0x3E80  }
0x9b: {  	[sflag:s20] =	ssyncset.done $0x0  }
0x9c: {  	[sflag:s20] =	ssyncadd.s32 $0xFFFFC180  }
0x9d: {  	[spmem:s3] =	stream.indirect.scatter.add.f32 [tilespmem:s19], [sflag:$0x3], $0x80, s2, s15, $0xb8;
	[tilespmem:$0x1E880] =	vst v63  }
0x9e: {  	_ =	swait.ge [sflag:s14], $0x3E80  }
0x9f: {  	[sflag:s14] =	ssyncset.done $0x0  }
0xa0: {  	s13 =	sadd.s32 $0x600, s11;
	[sflag:s14] =	ssyncadd.s32 $0xFFFFC180  }
0xa1: {  	[tilespmem:s16], [sflag:$0x1] =	stream.indirect.gather [hbm4b:s1+s15], $0x80, s13, s15, $0xb8;
	[tilespmem:$0x1E880] =	vst v63  }
0xa2: {  	_ =	swait.ge [sflag:s18], $0x3E80  }
0xa3: {  	[sflag:s18] =	ssyncset.done $0x0  }
0xa4: {  	[sflag:s18] =	ssyncadd.s32 $0xFFFFC180  }
0xa5: {  	[spmem:s3] =	stream.indirect.scatter.add.f32 [tilespmem:s16], [sflag:$0x3], $0x80, s0, s15, $0xb8;
	[tilespmem:$0x1E880] =	vst v63  }
0xa6: {  	_ =	swait.ge [sflag:s14], $0x3E80  }
0xa7: {  	[sflag:s14] =	ssyncset.done $0x0  }
0xa8: {  	s13 =	sadd.s32 $0x680, s11;
	[sflag:s14] =	ssyncadd.s32 $0xFFFFC180  }
0xa9: {  	[tilespmem:s19], [sflag:$0x2] =	stream.indirect.gather [hbm4b:s1+s15], $0x80, s13, s15, $0xb8;
	[tilespmem:$0x1E880] =	vst v63  }
0xaa: {  	_ =	swait.ge [sflag:s20], $0x3E80  }
0xab: {  	[sflag:s20] =	ssyncset.done $0x0  }
0xac: {  	[sflag:s20] =	ssyncadd.s32 $0xFFFFC180  }
0xad: {  	[spmem:s3] =	stream.indirect.scatter.add.f32 [tilespmem:s19], [sflag:$0x3], $0x80, s6, s15, $0xb8;
	[tilespmem:$0x1E880] =	vst v63  }
0xae: {  	_ =	swait.ge [sflag:s14], $0x3E80  }
0xaf: {  	[sflag:s14] =	ssyncset.done $0x0  }
0xb0: {  	s13 =	sadd.s32 $0x700, s11;
	[sflag:s14] =	ssyncadd.s32 $0xFFFFC180  }
0xb1: {  	[tilespmem:s16], [sflag:$0x1] =	stream.indirect.gather [hbm4b:s1+s15], $0x80, s13, s15, $0xb8;
	[tilespmem:$0x1E880] =	vst v63  }
0xb2: {  	_ =	swait.ge [sflag:s18], $0x3E80  }
0xb3: {  	[sflag:s18] =	ssyncset.done $0x0  }
0xb4: {  	[sflag:s18] =	ssyncadd.s32 $0xFFFFC180  }
0xb5: {  	[spmem:s3] =	stream.indirect.scatter.add.f32 [tilespmem:s16], [sflag:$0x3], $0x80, s7, s15, $0xb8;
	[tilespmem:$0x1E880] =	vst v63  }
0xb6: {  	_ =	swait.ge [sflag:s14], $0x3E80  }
0xb7: {  	[sflag:s14] =	ssyncset.done $0x0  }
0xb8: {  	s13 =	sadd.s32 $0x780, s11;
	[sflag:s14] =	ssyncadd.s32 $0xFFFFC180  }
0xb9: {  	[tilespmem:s19], [sflag:$0x2] =	stream.indirect.gather [hbm4b:s1+s15], $0x80, s13, s15, $0xb8;
	[tilespmem:$0x1E880] =	vst v63  }
0xba: {  	_ =	swait.ge [sflag:s20], $0x3E80  }
0xbb: {  	p1 =	seq.s32 s10, $0x8000;
	[sflag:s20] =	ssyncset.done $0x0  }
.Ltmp2:
0xbc: {  	[sflag:s20] =	ssyncadd.s32 $0xFFFFC180;
	(pc) =	sbr.rel @p1 .LBB2_4-.Ltmp2, $4  }
0xbd: {  	[spmem:s3] =	stream.indirect.scatter.add.f32 [tilespmem:s19], [sflag:$0x3], $0x80, s8, s15, $0xb8;
	[tilespmem:$0x1E880] =	vst v63  }
0xbe: {  	_ =	swait.ge [sflag:s14], $0x3E80  }
0xbf: {  	[sflag:s14] =	ssyncset.done $0x0  }
0xc0: {  	[sflag:s14] =	ssyncadd.s32 $0xFFFFC180  }
.Ltmp3:
0xc1: {  	(pc) =	sbr.rel .LBB2_2-.Ltmp3, $3  }
0xc2: {  	_ =	sdelay $0x1  }
0xc3: {  	s11 =	sadd.s32 $0x800, s11;
	s5 =	sadd.s32 $0x100, s5;
	s10 =	sadd.s32 $0x2000, s10  }
0xc4: {  	[tilespmem:s16], [sflag:$0x1] =	stream.indirect.gather [hbm4b:s1+s15], $0x80, s11, s15, $0xb8;
	[tilespmem:$0x1E880] =	vst v63  }
.LBB2_5:
0xc5: {  	_ =	sfence.sel $0x180000  }
0xc6: {  	[bflag:$0x0] =	sbarrier.arrive $0xFFFF  }
0xc7: {  	_ =	strace $0x90000047  }
0xc8: {  	s0 =	stileid.u32;
	[bflag:$0x2] =	sbarrier.arrive $0xFFFF  }
0xc9: {  	p0 =	sne.s32 s0, $0x0;
	s0 =	rddreg [dreg:$0x3]  }
0xca: {  	s0 =	sadd.s32 @!p0 $0x100000, s0  }
0xcb: {  	[sflag:s0] =	ssyncadd.tile.s32 @!p0 $0x1;
	_ =	shalt  }
.Lfunc_end2:
_tile_overlayer_lowered:
.L_overlay_start_2:
0xcc: {  	(tag) =	ssettag $0x2  }
0xcd: {  	s0 =	rddreg [dreg:$0x0];
	s2 =	stileid.u32  }
0xce: {  	s1 =	rddreg [dreg:$0x1];
	p0 =	sne.s32 s2, $0x0  }
0xcf: {  	s3 =	rddreg [dreg:$0x2];
	[bflag:$0x3] =	sbarrier.arrive $0xFFFF;
	s2 =	simm.s32 @!p0 $0x1C03  }
0xd0: {  	[timem:s3], [sflag:s2] =	dma.local @!p0 [hbm:s0], s1  }
0xd1: {  	s0 =	simm.s32 @!p0 $0x3  }
0xd2: {  	_ =	swait.ge @!p0 [sflag:s0], s1  }
0xd3: {  	s1 =	ssub.s32 @!p0 $0x0, s1;
	[sflag:s0] =	ssyncset.done @!p0 $0x0  }
0xd4: {  	[sflag:s0] =	ssyncadd.s32 @!p0 s1  }
0xd5: {  	[bflag:$0x3] =	sbarrier.arrive $0xFFFF  }
0xd6: {  	_ =	shalt  }

// kernel: kernel.13.cloned.1.call-start
scs
__scs_entry_jumppad:
0x0: {  	(pc) =	sbr.rel $0x88, $3  }
0x1: {  	(tag) =	ssettag $0x0;
	lr =	simm.s32 $0x1  }
0x2: {  	[smem:$0x3F97] =	sst lr;
	_ =	strace $0xD0000000  }
0x3: {  	_ = 	snop  }
0x4: {  	_ = 	snop  }
0x5: {  	_ = 	snop  }
0x6: {  	_ = 	snop  }
0x7: {  	_ = 	snop  }
__scs_overlays_trampoline_lowered:
0x8: {  	[smem:$0x3FA6] =	sst s0  }
0x9: {  	[smem:$0x3FA7] =	sst s1  }
0xa: {  	[smem:$0x3FA8] =	sst s2  }
0xb: {  	[smem:$0x3FA9] =	sst s3  }
0xc: {  	[smem:$0x3FAA] =	sst s4  }
0xd: {  	[smem:$0x3FAB] =	sst s5  }
0xe: {  	[smem:$0x3FAC] =	sst s6  }
0xf: {  	[smem:$0x3FAD] =	sst s7  }
0x10: {  	[smem:$0x3FAE] =	sst s8  }
0x11: {  	[smem:$0x3FAF] =	sst s9;
	s0 =	simm.s32 @!p0 $0x0  }
0x12: {  	s1 =	sld [smem:$0x3F95];
	s0 =	simm.s32 @p0 $0x1  }
0x13: {  	[smem:$0x3FB0] =	sst s0;
	s0 =	simm.s32 @!p1 $0x0  }
0x14: {  	s2 =	sld [smem:$0x3F94];
	s0 =	simm.s32 @p1 $0x1  }
0x15: {  	[smem:$0x3FB1] =	sst s0;
	s0 =	simm.s32 @!p2 $0x0  }
0x16: {  	s3 =	sld [smem:$0x3FDB];
	s0 =	simm.s32 @p2 $0x1  }
0x17: {  	s4 =	simm.s32 $0x1BF5;
	[smem:$0x3FB3] =	sst s0  }
0x18: {  	s0 =	sld [smem:$0x3F96];
	_ =	swait.ge [sflag:s4], $0x0  }
0x19: {  	s7 =	sld [smem:$0x3F97]  }
0x1a: {  	s8 =	sadd.s32 $0xFFFFE003, lr  }
0x1b: {  	s9 =	sadd.s32 $0xFFFFFEF7, lr;
	s5 =	simm.s32 $0xFFFFFFFF;
	p2 =	slt.u32 s8, $0xFFFFF086  }
0x1c: {  	p1 =	slt.u32 s9, $0xF7A;
	s5 =	simm.s32 @!p2 $0x0  }
0x1d: {  	s5 =	simm.s32 @p1 $0x1;
	p0 =	seq.s32 s7, s2  }
0x1e: {  	s7 =	smul.u32 @!p0 $0xF7A, s2;
	p2 =	seq.s32 @!p0 s5, $0x0  }
0x1f: {  	s9 =	smul.u32 $0xF7A, s1;
	s8 =	simm.s32 @!p0 $0x1BF5;
	p2 =	por !p2, p0  }
0x20: {  	[sflag:s8] =	ssyncset.s32 @!p0 $0xFFFFF086;
	s6 =	sadd.s32 @!p0 s3, s7;
	s7 =	simm.s32 @!p0 $0x108  }
0x21: {  	s3 =	sadd.s32 s3, s9;
	s6 =	sadd.s32 @!p0 $0x88, s6;
	s7 =	simm.s32 @p2 $0x1082  }
0x22: {  	[simem:s7], [sflag:s8] =	dma.local @!p0 [hbm:s6], $0xF7A  }
0x23: {  	s9 =	sor.u32 $0xD0000000, s2;
	s6 =	simm.s32 $0x108;
	_ =	swait.ge @!p0 [sflag:s8], $0x0  }
0x24: {  	s3 =	sadd.s32 $0x88, s3;
	s6 =	simm.s32 @!p1 $0x1082;
	[sflag:s4] =	ssyncset.s32 $0xFFFFF086  }
0x25: {  	[simem:s6], [sflag:s4] =	dma.local [hbm:s3], $0xF7A  }
0x26: {  	[smem:$0x3F97] =	sst s1;
	(tag) =	ssettag s2;
	_ =	strace s9  }
0x27: {  	s1 =	sld [smem:$0x3FA7]  }
0x28: {  	s2 =	sld [smem:$0x3FA8]  }
0x29: {  	s4 =	sld [smem:$0x3FAA]  }
0x2a: {  	p0 =	seq.s32 s5, $0x0;
	s5 =	sld [smem:$0x3FAB]  }
0x2b: {  	s6 =	sld [smem:$0x3FAC]  }
0x2c: {  	s7 =	sld [smem:$0x3FAD]  }
0x2d: {  	s3 =	simm.s32 $0x108;
	s8 =	sld [smem:$0x3FAE]  }
0x2e: {  	s3 =	simm.s32 @!p0 $0x1082;
	s9 =	sld [smem:$0x3FAF]  }
0x2f: {  	lr =	sadd.s32 s0, s3;
	s0 =	sld [smem:$0x3FA6]  }
0x30: {  	s3 =	sld [smem:$0x3FA9]  }
0x31: {  	[smem:$0x3FB2] =	sst s10  }
0x32: {  	s10 =	sld [smem:$0x3FB0];
	_ =	sdelay $0x3  }
0x33: {  	p0 =	seq.s32 s10, $0x1;
	s10 =	sld [smem:$0x3FB2];
	_ =	sdelay $0x3  }
0x34: {  	[smem:$0x3FB2] =	sst s10  }
0x35: {  	s10 =	sld [smem:$0x3FB1];
	_ =	sdelay $0x3  }
0x36: {  	p1 =	seq.s32 s10, $0x1;
	s10 =	sld [smem:$0x3FB2];
	_ =	sdelay $0x3  }
0x37: {  	[smem:$0x3FB2] =	sst s10  }
0x38: {  	s10 =	sld [smem:$0x3FB3]  }
0x39: {  	_ = 	snop;
	(pc) =	sbr.ind lr, $3  }
0x3a: {  	_ = 	snop  }
0x3b: {  	_ = 	snop  }
0x3c: {  	p2 =	seq.s32 s10, $0x1;
	s10 =	sld [smem:$0x3FB2]  }
0x3d: {  	_ =	shalt  }
0x3e: {  	_ =	shalt  }
0x3f: {  	_ =	shalt  }
0x40: {  	_ =	shalt  }
0x41: {  	_ =	shalt  }
0x42: {  	_ =	shalt  }
0x43: {  	_ =	shalt  }
0x44: {  	_ =	shalt  }
0x45: {  	_ =	shalt  }
0x46: {  	_ =	shalt  }
0x47: {  	_ =	shalt  }
0x48: {  	_ =	shalt  }
0x49: {  	_ =	shalt  }
0x4a: {  	_ =	shalt  }
0x4b: {  	_ =	shalt  }
0x4c: {  	_ =	shalt  }
0x4d: {  	_ =	shalt  }
0x4e: {  	_ =	shalt  }
0x4f: {  	_ =	shalt  }
0x50: {  	_ =	shalt  }
0x51: {  	_ =	shalt  }
0x52: {  	_ =	shalt  }
0x53: {  	_ =	shalt  }
0x54: {  	_ =	shalt  }
0x55: {  	_ =	shalt  }
0x56: {  	_ =	shalt  }
0x57: {  	_ =	shalt  }
0x58: {  	_ =	shalt  }
0x59: {  	_ =	shalt  }
0x5a: {  	_ =	shalt  }
0x5b: {  	_ =	shalt  }
0x5c: {  	_ =	shalt  }
0x5d: {  	_ =	shalt  }
0x5e: {  	_ =	shalt  }
0x5f: {  	_ =	shalt  }
0x60: {  	_ =	shalt  }
0x61: {  	_ =	shalt  }
0x62: {  	_ =	shalt  }
0x63: {  	_ =	shalt  }
0x64: {  	_ =	shalt  }
0x65: {  	_ =	shalt  }
0x66: {  	_ =	shalt  }
0x67: {  	_ =	shalt  }
0x68: {  	_ =	shalt  }
0x69: {  	_ =	shalt  }
0x6a: {  	_ =	shalt  }
0x6b: {  	_ =	shalt  }
0x6c: {  	_ =	shalt  }
0x6d: {  	_ =	shalt  }
0x6e: {  	_ =	shalt  }
0x6f: {  	_ =	shalt  }
0x70: {  	_ =	shalt  }
0x71: {  	_ =	shalt  }
0x72: {  	_ =	shalt  }
0x73: {  	_ =	shalt  }
0x74: {  	_ =	shalt  }
0x75: {  	_ =	shalt  }
0x76: {  	_ =	shalt  }
0x77: {  	_ =	shalt  }
0x78: {  	_ =	shalt  }
0x79: {  	_ =	shalt  }
0x7a: {  	_ =	shalt  }
0x7b: {  	_ =	shalt  }
0x7c: {  	_ =	shalt  }
0x7d: {  	_ =	shalt  }
0x7e: {  	_ =	shalt  }
0x7f: {  	_ =	shalt  }
0x80: {  	_ =	shalt  }
0x81: {  	_ =	shalt  }
0x82: {  	_ =	shalt  }
0x83: {  	_ =	shalt  }
0x84: {  	_ =	shalt  }
0x85: {  	_ =	shalt  }
0x86: {  	_ =	shalt  }
0x87: {  	_ =	shalt  }
.Lfunc_end0:
.L_simem_size_0:
called_computation.1_lowered:
.L_overlay_start_0:
0x88: {  	s2 =	sld [smem:$0x3FD9]  }
0x89: {  	s3 =	sld [smem:$0x3FFE];
	_ =	sdelay $0x1  }
0x8a: {  	s1 =	srdreg.scid  }
0x8b: {  	s0 =	sand.u32 $0x1, s1  }
0x8c: {  	s17 =	sshll.u32 s0, $0xA;
	s2 =	sadd.s32 s3, s2  }
0x8d: {  	s2 =	sadd.s32 s2, s17  }
0x8e: {  	[smem:$0x3FBE] =	sst s2  }
0x8f: {  	_ = 	snop  }
0x90: {  	s2 =	sld [smem:$0x3FD0];
	(tm) =	ssettm $0x1  }
0x91: {  	s18 =	sld [smem:$0x3FFB];
	_ =	sdelay $0x3  }
0x92: {  	_ =	strace s18  }
0x93: {  	s3 =	sld [smem:$0x3FFC];
	_ =	sdelay $0x3  }
0x94: {  	_ =	strace s3  }
0x95: {  	s3 =	sld [smem:$0x3FFD];
	_ =	sdelay $0x3  }
0x96: {  	_ =	strace s3  }
0x97: {  	_ =	strace $0x8FFFFFFF  }
0x98: {  	s19 =	sld [smem:$0x3FDB];
	_ =	sdelay $0x1  }
0x99: {  	s4 =	simm.s32 $_scs_section_size  }
0x9a: {  	s5 =	simm.s32 $_size__tile_overlayer_lowered;
	s6 =	simm.s32 $_tile_overlayer_lowered  }
0x9b: {  	s22 =	simm.s32 $0x1BFF;
	s21 =	sshll.u32 s6, $0x1;
	s3 =	sadd.s32 s4, s19  }
0x9c: {  	s7 =	simm.s32 $0x0;
	s20 =	sshll.u32 s5, $0x1;
	s5 =	sadd.s32 s21, s3  }
0x9d: {  	[timem:s7], [sflag:s22] =	dma.local [hbm:s5], s20  }
0x9e: {  	_ =	swait.ge [sflag:s22], s20  }
0x9f: {  	s4 =	ssub.s32 $0x0, s20;
	[sflag:s22] =	ssyncset.done $0x0  }
0xa0: {  	[sflag:s22] =	ssyncadd.s32 s4;
	_ =	sdelay $0x1  }
0xa1: {  	s23 =	simm.s32 $0x1B8B  }
0xa2: {  	_ =	swait.ge [sflag:s23], $0x1  }
0xa3: {  	[sflag:s23] =	ssyncset.done $0x0  }
0xa4: {  	s25 =	simm.s32 $0x1B8E;
	s24 =	sld [smem:$0x3FFE];
	[sflag:s23] =	ssyncadd.s32 $0xFFFFFFFF  }
0xa5: {  	s26 =	simm.s32 $execute0_lowered;
	[smem:$0x3FD2] =	sst s25  }
0xa6: {  	s5 =	sshll.u32 s26, $0x1;
	_ =	strace $0x80000049;
	[dreg:$0x1] =	wrdreg $0xFFFFFFFF  }
0xa7: {  	s28 =	simm.s32 $_size_execute0_lowered;
	s3 =	sadd.s32 s3, s5;
	[dreg:$0x0] =	wrdreg $0x0  }
0xa8: {  	s5 =	sshll.u32 s28, $0x1;
	[dreg:$0x2] =	wrdreg s3  }
0xa9: {  	[dreg:$0x3] =	wrdreg s5  }
0xaa: {  	[dreg:$0x4] =	wrdreg $0xC0  }
0xab: {  	_ =	task [dreg:s7], $0x5FFFF  }
0xac: {  	[dreg:$0x1] =	wrdreg $0xFFFFFFFF  }
0xad: {  	[dreg:$0x0] =	wrdreg $0x60  }
0xae: {  	[dreg:$0x2] =	wrdreg s2  }
0xaf: {  	[dreg:$0x3] =	wrdreg s24  }
0xb0: {  	[dreg:$0x4] =	wrdreg $0xB0000  }
0xb1: {  	[dreg:$0x5] =	wrdreg $0x9  }
0xb2: {  	_ =	task.clear_ibuf [dreg:s7], $0x6FFFF;
	_ =	strace $0x90000049  }
0xb3: {  	s29 =	simm.s32 $0x9;
	_ =	strace $0x8000004B  }
0xb4: {  	_ =	swait.ge [sflag:s29], $0x1  }
0xb5: {  	[sflag:s29] =	ssyncadd.s32 $0xFFFFFFFF  }
0xb6: {  	_ =	strace $0x9000004B  }
0xb7: {  	_ =	sfence  }
0xb8: {  	s30 =	sld [smem:$0x0];
	_ =	sdelay $0x2  }
0xb9: {  	s31 =	sshll.u32 s1, $0xD;
	s1 =	sshrl.u32 s1, $0x2  }
0xba: {  	s3 =	sand.u32 $0x4000, s31;
	s1 =	sadd.s32 s1, s30  }
0xbb: {  	s0 =	sor.u32 s3, s0;
	s1 =	sshll.u32 s1, $0x11  }
0xbc: {  	s0 =	sor.u32 s1, s0  }
0xbd: {  	s0 =	sadd.s32 $0x8F2B, s0  }
0xbe: {  	[sflag:s0] =	ssyncadd.remote.s32 $0x1  }
0xbf: {  	_ =	sfence.sel $0xFFFF  }
0xc0: {  	[dreg:$0x0] =	wrdreg $0xFFFFFFFF;
	(pc) =	sbr.abs _section_cstart, $3  }
0xc1: {  	[dreg:$0x1] =	wrdreg $0xFFFFFFFF  }
0xc2: {  	_ =	task.clear_ibuf [dreg:s7], $0x2FFFF;
	_ =	strace $0x9FFFFFFF  }
0xc3: {  	(tm) =	ssettm $0x7FFFFFFF  }
tec
execute0_lowered:
.L_overlay_start_1:
0x0: {  	(tag) =	ssettag $0x1  }
0x1: {  	s1 =	rddreg [dreg:$0x0]  }
0x2: {  	s0 =	srdreg.scid;
	s2 =	rddreg [dreg:$0x1]  }
0x3: {  	s11 =	stileid.u32;
	s3 =	rddreg [dreg:$0x2];
	s14 =	simm.s32 $0x3  }
0x4: {  	s15 =	simm.s32 $0x7D;
	s16 =	simm.s32 $0x3000;
	s17 =	simm.s32 $0x2800  }
0x5: {  	s18 =	simm.s32 $0x1;
	s19 =	simm.s32 $0x7000;
	s20 =	simm.s32 $0x2  }
0x6: {  	s21 =	simm.s32 $0x2880;
	s28 =	simm.s32 $0x2B80;
	s22 =	smul.u32 $0x4F000, s11  }
0x7: {  	s29 =	simm.s32 $0x2C00;
	s30 =	simm.s32 $0x2C80;
	s10 =	smul.u32 $0x13C00, s11  }
0x8: {  	s31 =	simm.s32 $0x2D00;
	s0 =	sand.u32 $0x1, s0;
	s24 =	smul.u32 $0x500, s11  }
0x9: {  	s7 =	sadd.s32 $0x18000, s2;
	p0 =	seq.s32 s11, $0xF;
	s6 =	smul.u32 $0x5000, s0  }
0xa: {  	s4 =	sshll.u32 s0, $0x4;
	s8 =	ssub.s32 $0x2, s0;
	s0 =	smul.u32 $0x138800, s0  }
0xb: {  	s5 =	sor.u32 s11, s4;
	s4 =	simm.s32 $0x0;
	s9 =	sshrl.u32 s8, $0x1  }
0xc: {  	s5 =	smul.u32 $0x500, s5;
	[smem:$0x7FF] =	sst s4;
	s6 =	sadd.s32 s6, s2  }
0xd: {  	s8 =	ssub.s32 s8, s9;
	s9 =	sadd.s32 $0x128400, s3;
	s23 =	sadd.s32 s10, s0  }
0xe: {  	s0 =	sshrl.u32 s0, $0x3;
	_ =	strace $0x8000004A;
	[dreg:$0x4] =	wrdreg s7  }
0xf: {  	s7 =	sshrl.u32 s22, $0x2;
	s25 =	smax.u32 s8, $0x1;
	s26 =	sadd.s32 s24, s6  }
0x10: {  	s22 =	simm.s32 $0x2900;
	s24 =	simm.s32 $0x2A00;
	s6 =	simm.s32 $0x2E80  }
0x11: {  	s8 =	simm.s32 $0x2F80;
	s5 =	sadd.s32 s5, s2;
	s2 =	sadd.s32 $0x68C00, s2  }
0x12: {  	s7 =	sadd.s32 s7, s3;
	[dreg:$0x8] =	wrdreg s25;
	s25 =	simm.s32 $0x2A80  }
0x13: {  	s5 =	sadd.s32 $0xE000, s5;
	s0 =	sadd.s32 s2, s0;
	s13 =	sshrl.u32 @!p0 s7, $0x3  }
0x14: {  	s7 =	simm.s32 $0x2F00;
	[dreg:$0x5] =	wrdreg s5;
	s5 =	sshrl.u32 s23, $0x3  }
0x15: {  	s0 =	sadd.s32 $0x25080, s0;
	s23 =	simm.s32 $0x2980;
	[dreg:$0xb] =	wrdreg s13  }
.Ltmp0:
0x16: {  	s2 =	sadd.s32 s2, s5;
	[dreg:$0x7] =	wrdreg s0;
	(pc) =	sbr.rel .LBB2_1-.Ltmp0, $4  }
0x17: {  	s0 =	sadd.s32 $0x4000, s26;
	s26 =	simm.s32 $0x2B00;
	[dreg:$0x6] =	wrdreg s2  }
0x18: {  	s2 =	sshll.u32 @!p0 s11, $0x6;
	[dreg:$0x9] =	wrdreg s0;
	s11 =	sshrl.u32 @p0 s9, $0x3  }
0x19: {  	s0 =	simm.s32 $0x2E00;
	s12 =	sor.u32 @!p0 $0x1C03, s2;
	[dreg:$0xc] =	wrdreg s11  }
0x1a: {  	s9 =	simm.s32 $0x0;
	s2 =	simm.s32 $0x2D80;
	[dreg:$0xa] =	wrdreg s12  }
.LBB2_4:
0x1b: {  	[bflag:$0x0] =	sbarrier.arrive $0xFFFF  }
0x1c: {  	s10 =	rddreg [dreg:$0x7]  }
0x1d: {  	s5 =	simm.s32 @p0 $0x1FC3;
	s11 =	rddreg [dreg:$0xc]  }
0x1e: {  	[hbm:s10], [sflag:s5] =	dma.local @p0 [spmem:s11], $0x2080  }
0x1f: {  	s5 =	simm.s32 @p0 $0x3  }
0x20: {  	_ =	swait.ge @p0 [sflag:s5], $0x2080  }
0x21: {  	s12 =	rddreg [dreg:$0xa]  }
0x22: {  	[sflag:s5] =	ssyncset.done @p0 $0x0;
	s13 =	rddreg [dreg:$0xb]  }
0x23: {  	[sflag:s5] =	ssyncadd.s32 @p0 $0xFFFFDF80;
	s5 =	rddreg [dreg:$0x6]  }
0x24: {  	[hbm:s5], [sflag:s12] =	dma.local @!p0 [spmem:s13], $0x2780  }
0x25: {  	s5 =	simm.s32 @!p0 $0x3  }
0x26: {  	_ =	swait.ge @!p0 [sflag:s5], $0x2780  }
0x27: {  	s9 =	sadd.s32 $0x1, s9;
	s10 =	rddreg [dreg:$0x8]  }
0x28: {  	p1 =	sne.s32 s9, s10  }
.Ltmp1:
0x29: {  	_ = 	snop;
	(pc) =	sbr.rel @!p1 .LBB2_5-.Ltmp1, $3  }
0x2a: {  	_ =	sdelay $0x1  }
0x2b: {  	[sflag:s5] =	ssyncset.done @!p0 $0x0  }
0x2c: {  	[sflag:s5] =	ssyncadd.s32 @!p0 $0xFFFFD880  }
.LBB2_1:
0x2d: {  	s5 =	simm.s32 @p0 $0x1FC3;
	s10 =	rddreg [dreg:$0x4]  }
0x2e: {  	[spmem:s11], [sflag:s5] =	dma.local @p0 [hbm:s10], $0x2080  }
0x2f: {  	s5 =	simm.s32 @p0 $0x3  }
0x30: {  	_ =	swait.ge @p0 [sflag:s5], $0x2080  }
0x31: {  	[sflag:s5] =	ssyncset.done @p0 $0x0  }
0x32: {  	[sflag:s5] =	ssyncadd.s32 @p0 $0xFFFFDF80;
	s5 =	simm.s32 @!p0 $0x3  }
0x33: {  	[spmem:s13], [sflag:s12] =	dma.local @!p0 [hbm:s10], $0x2780  }
0x34: {  	_ =	swait.ge @!p0 [sflag:s5], $0x2780  }
0x35: {  	[sflag:s5] =	ssyncset.done @!p0 $0x0  }
0x36: {  	[sflag:s5] =	ssyncadd.s32 @!p0 $0xFFFFD880  }
0x37: {  	[bflag:$0x0] =	sbarrier.arrive $0xFFFF  }
0x38: {  	s13 =	rddreg [dreg:$0x5]  }
0x39: {  	[tilespmem:s4], [sflag:$0x3] =	stream.linear.gather [hbm4b:s13+s4], $0x2800, $0x38;
	[tilespmem:$0x1E880] =	vst v63  }
0x3a: {  	_ =	swait.ge [sflag:s14], $0x2800  }
0x3b: {  	[sflag:s14] =	ssyncset.done $0x0  }
0x3c: {  	s10 =	simm.s32 $0x0;
	s5 =	rddreg [dreg:$0x9];
	[sflag:s14] =	ssyncadd.s32 $0xFFFFD800  }
0x3d: {  	[tilespmem:s16], [sflag:$0x1] =	stream.indirect.gather [hbm4b:s1+s15], $0x80, s4, s15, $0xb8;
	[tilespmem:$0x1E880] =	vst v63  }
.LBB2_2:
0x3e: {  	[tilespmem:s17], [sflag:$0x3] =	stream.linear.gather [hbm4b:s5+s4], $0x800, $0x38;
	[tilespmem:$0x1E880] =	vst v63  }
0x3f: {  	_ =	swait.ge [sflag:s14], $0x800  }
0x40: {  	[sflag:s14] =	ssyncset.done $0x0  }
0x41: {  	[sflag:s14] =	ssyncadd.s32 $0xFFFFF800  }
0x42: {  	_ =	swait.ge [sflag:s18], $0x3E80  }
0x43: {  	[sflag:s18] =	ssyncset.done $0x0  }
0x44: {  	[sflag:s18] =	ssyncadd.s32 $0xFFFFC180  }
0x45: {  	[spmem:s3] =	stream.indirect.scatter.add.f32 [tilespmem:s16], [sflag:$0x3], $0x80, s17, s15, $0xb8;
	[tilespmem:$0x1E880] =	vst v63  }
0x46: {  	_ =	swait.ge [sflag:s14], $0x3E80  }
0x47: {  	s11 =	sshra.s32 s10, $0x2;
	[sflag:s14] =	ssyncset.done $0x0  }
0x48: {  	s12 =	sadd.s32 $0x80, s11;
	[sflag:s14] =	ssyncadd.s32 $0xFFFFC180  }
0x49: {  	[tilespmem:s19], [sflag:$0x2] =	stream.indirect.gather [hbm4b:s1+s15], $0x80, s12, s15, $0xb8;
	[tilespmem:$0x1E880] =	vst v63  }
0x4a: {  	_ =	swait.ge [sflag:s20], $0x3E80  }
0x4b: {  	[sflag:s20] =	ssyncset.done $0x0  }
0x4c: {  	[sflag:s20] =	ssyncadd.s32 $0xFFFFC180  }
0x4d: {  	[spmem:s3] =	stream.indirect.scatter.add.f32 [tilespmem:s19], [sflag:$0x3], $0x80, s21, s15, $0xb8;
	[tilespmem:$0x1E880] =	vst v63  }
0x4e: {  	_ =	swait.ge [sflag:s14], $0x3E80  }
0x4f: {  	[sflag:s14] =	ssyncset.done $0x0  }
0x50: {  	s13 =	sadd.s32 $0x100, s11;
	[sflag:s14] =	ssyncadd.s32 $0xFFFFC180  }
0x51: {  	[tilespmem:s16], [sflag:$0x1] =	stream.indirect.gather [hbm4b:s1+s15], $0x80, s13, s15, $0xb8;
	[tilespmem:$0x1E880] =	vst v63  }
0x52: {  	_ =	swait.ge [sflag:s18], $0x3E80  }
0x53: {  	[sflag:s18] =	ssyncset.done $0x0  }
0x54: {  	[sflag:s18] =	ssyncadd.s32 $0xFFFFC180  }
0x55: {  	[spmem:s3] =	stream.indirect.scatter.add.f32 [tilespmem:s16], [sflag:$0x3], $0x80, s22, s15, $0xb8;
	[tilespmem:$0x1E880] =	vst v63  }
0x56: {  	_ =	swait.ge [sflag:s14], $0x3E80  }
0x57: {  	[sflag:s14] =	ssyncset.done $0x0  }
0x58: {  	s13 =	sadd.s32 $0x180, s11;
	[sflag:s14] =	ssyncadd.s32 $0xFFFFC180  }
0x59: {  	[tilespmem:s19], [sflag:$0x2] =	stream.indirect.gather [hbm4b:s1+s15], $0x80, s13, s15, $0xb8;
	[tilespmem:$0x1E880] =	vst v63  }
0x5a: {  	_ =	swait.ge [sflag:s20], $0x3E80  }
0x5b: {  	[sflag:s20] =	ssyncset.done $0x0  }
0x5c: {  	[sflag:s20] =	ssyncadd.s32 $0xFFFFC180  }
0x5d: {  	[spmem:s3] =	stream.indirect.scatter.add.f32 [tilespmem:s19], [sflag:$0x3], $0x80, s23, s15, $0xb8;
	[tilespmem:$0x1E880] =	vst v63  }
0x5e: {  	_ =	swait.ge [sflag:s14], $0x3E80  }
0x5f: {  	[sflag:s14] =	ssyncset.done $0x0  }
0x60: {  	s13 =	sadd.s32 $0x200, s11;
	[sflag:s14] =	ssyncadd.s32 $0xFFFFC180  }
0x61: {  	[tilespmem:s16], [sflag:$0x1] =	stream.indirect.gather [hbm4b:s1+s15], $0x80, s13, s15, $0xb8;
	[tilespmem:$0x1E880] =	vst v63  }
0x62: {  	_ =	swait.ge [sflag:s18], $0x3E80  }
0x63: {  	[sflag:s18] =	ssyncset.done $0x0  }
0x64: {  	[sflag:s18] =	ssyncadd.s32 $0xFFFFC180  }
0x65: {  	[spmem:s3] =	stream.indirect.scatter.add.f32 [tilespmem:s16], [sflag:$0x3], $0x80, s24, s15, $0xb8;
	[tilespmem:$0x1E880] =	vst v63  }
0x66: {  	_ =	swait.ge [sflag:s14], $0x3E80  }
0x67: {  	[sflag:s14] =	ssyncset.done $0x0  }
0x68: {  	s13 =	sadd.s32 $0x280, s11;
	[sflag:s14] =	ssyncadd.s32 $0xFFFFC180  }
0x69: {  	[tilespmem:s19], [sflag:$0x2] =	stream.indirect.gather [hbm4b:s1+s15], $0x80, s13, s15, $0xb8;
	[tilespmem:$0x1E880] =	vst v63  }
0x6a: {  	_ =	swait.ge [sflag:s20], $0x3E80  }
0x6b: {  	[sflag:s20] =	ssyncset.done $0x0  }
0x6c: {  	[sflag:s20] =	ssyncadd.s32 $0xFFFFC180  }
0x6d: {  	[spmem:s3] =	stream.indirect.scatter.add.f32 [tilespmem:s19], [sflag:$0x3], $0x80, s25, s15, $0xb8;
	[tilespmem:$0x1E880] =	vst v63  }
0x6e: {  	_ =	swait.ge [sflag:s14], $0x3E80  }
0x6f: {  	[sflag:s14] =	ssyncset.done $0x0  }
0x70: {  	s13 =	sadd.s32 $0x300, s11;
	[sflag:s14] =	ssyncadd.s32 $0xFFFFC180  }
0x71: {  	[tilespmem:s16], [sflag:$0x1] =	stream.indirect.gather [hbm4b:s1+s15], $0x80, s13, s15, $0xb8;
	[tilespmem:$0x1E880] =	vst v63  }
0x72: {  	_ =	swait.ge [sflag:s18], $0x3E80  }
0x73: {  	[sflag:s18] =	ssyncset.done $0x0  }
0x74: {  	[sflag:s18] =	ssyncadd.s32 $0xFFFFC180  }
0x75: {  	[spmem:s3] =	stream.indirect.scatter.add.f32 [tilespmem:s16], [sflag:$0x3], $0x80, s26, s15, $0xb8;
	[tilespmem:$0x1E880] =	vst v63  }
0x76: {  	_ =	swait.ge [sflag:s14], $0x3E80  }
0x77: {  	[sflag:s14] =	ssyncset.done $0x0  }
0x78: {  	s13 =	sadd.s32 $0x380, s11;
	[sflag:s14] =	ssyncadd.s32 $0xFFFFC180  }
0x79: {  	[tilespmem:s19], [sflag:$0x2] =	stream.indirect.gather [hbm4b:s1+s15], $0x80, s13, s15, $0xb8;
	[tilespmem:$0x1E880] =	vst v63  }
0x7a: {  	_ =	swait.ge [sflag:s20], $0x3E80  }
0x7b: {  	[sflag:s20] =	ssyncset.done $0x0  }
0x7c: {  	[sflag:s20] =	ssyncadd.s32 $0xFFFFC180  }
0x7d: {  	[spmem:s3] =	stream.indirect.scatter.add.f32 [tilespmem:s19], [sflag:$0x3], $0x80, s28, s15, $0xb8;
	[tilespmem:$0x1E880] =	vst v63  }
0x7e: {  	_ =	swait.ge [sflag:s14], $0x3E80  }
0x7f: {  	[sflag:s14] =	ssyncset.done $0x0  }
0x80: {  	s13 =	sadd.s32 $0x400, s11;
	[sflag:s14] =	ssyncadd.s32 $0xFFFFC180  }
0x81: {  	[tilespmem:s16], [sflag:$0x1] =	stream.indirect.gather [hbm4b:s1+s15], $0x80, s13, s15, $0xb8;
	[tilespmem:$0x1E880] =	vst v63  }
0x82: {  	_ =	swait.ge [sflag:s18], $0x3E80  }
0x83: {  	[sflag:s18] =	ssyncset.done $0x0  }
0x84: {  	[sflag:s18] =	ssyncadd.s32 $0xFFFFC180  }
0x85: {  	[spmem:s3] =	stream.indirect.scatter.add.f32 [tilespmem:s16], [sflag:$0x3], $0x80, s29, s15, $0xb8;
	[tilespmem:$0x1E880] =	vst v63  }
0x86: {  	_ =	swait.ge [sflag:s14], $0x3E80  }
0x87: {  	[sflag:s14] =	ssyncset.done $0x0  }
0x88: {  	s13 =	sadd.s32 $0x480, s11;
	[sflag:s14] =	ssyncadd.s32 $0xFFFFC180  }
0x89: {  	[tilespmem:s19], [sflag:$0x2] =	stream.indirect.gather [hbm4b:s1+s15], $0x80, s13, s15, $0xb8;
	[tilespmem:$0x1E880] =	vst v63  }
0x8a: {  	_ =	swait.ge [sflag:s20], $0x3E80  }
0x8b: {  	[sflag:s20] =	ssyncset.done $0x0  }
0x8c: {  	[sflag:s20] =	ssyncadd.s32 $0xFFFFC180  }
0x8d: {  	[spmem:s3] =	stream.indirect.scatter.add.f32 [tilespmem:s19], [sflag:$0x3], $0x80, s30, s15, $0xb8;
	[tilespmem:$0x1E880] =	vst v63  }
0x8e: {  	_ =	swait.ge [sflag:s14], $0x3E80  }
0x8f: {  	[sflag:s14] =	ssyncset.done $0x0  }
0x90: {  	s13 =	sadd.s32 $0x500, s11;
	[sflag:s14] =	ssyncadd.s32 $0xFFFFC180  }
0x91: {  	[tilespmem:s16], [sflag:$0x1] =	stream.indirect.gather [hbm4b:s1+s15], $0x80, s13, s15, $0xb8;
	[tilespmem:$0x1E880] =	vst v63  }
0x92: {  	_ =	swait.ge [sflag:s18], $0x3E80  }
0x93: {  	[sflag:s18] =	ssyncset.done $0x0  }
0x94: {  	[sflag:s18] =	ssyncadd.s32 $0xFFFFC180  }
0x95: {  	[spmem:s3] =	stream.indirect.scatter.add.f32 [tilespmem:s16], [sflag:$0x3], $0x80, s31, s15, $0xb8;
	[tilespmem:$0x1E880] =	vst v63  }
0x96: {  	_ =	swait.ge [sflag:s14], $0x3E80  }
0x97: {  	[sflag:s14] =	ssyncset.done $0x0  }
0x98: {  	s13 =	sadd.s32 $0x580, s11;
	[sflag:s14] =	ssyncadd.s32 $0xFFFFC180  }
0x99: {  	[tilespmem:s19], [sflag:$0x2] =	stream.indirect.gather [hbm4b:s1+s15], $0x80, s13, s15, $0xb8;
	[tilespmem:$0x1E880] =	vst v63  }
0x9a: {  	_ =	swait.ge [sflag:s20], $0x3E80  }
0x9b: {  	[sflag:s20] =	ssyncset.done $0x0  }
0x9c: {  	[sflag:s20] =	ssyncadd.s32 $0xFFFFC180  }
0x9d: {  	[spmem:s3] =	stream.indirect.scatter.add.f32 [tilespmem:s19], [sflag:$0x3], $0x80, s2, s15, $0xb8;
	[tilespmem:$0x1E880] =	vst v63  }
0x9e: {  	_ =	swait.ge [sflag:s14], $0x3E80  }
0x9f: {  	[sflag:s14] =	ssyncset.done $0x0  }
0xa0: {  	s13 =	sadd.s32 $0x600, s11;
	[sflag:s14] =	ssyncadd.s32 $0xFFFFC180  }
0xa1: {  	[tilespmem:s16], [sflag:$0x1] =	stream.indirect.gather [hbm4b:s1+s15], $0x80, s13, s15, $0xb8;
	[tilespmem:$0x1E880] =	vst v63  }
0xa2: {  	_ =	swait.ge [sflag:s18], $0x3E80  }
0xa3: {  	[sflag:s18] =	ssyncset.done $0x0  }
0xa4: {  	[sflag:s18] =	ssyncadd.s32 $0xFFFFC180  }
0xa5: {  	[spmem:s3] =	stream.indirect.scatter.add.f32 [tilespmem:s16], [sflag:$0x3], $0x80, s0, s15, $0xb8;
	[tilespmem:$0x1E880] =	vst v63  }
0xa6: {  	_ =	swait.ge [sflag:s14], $0x3E80  }
0xa7: {  	[sflag:s14] =	ssyncset.done $0x0  }
0xa8: {  	s13 =	sadd.s32 $0x680, s11;
	[sflag:s14] =	ssyncadd.s32 $0xFFFFC180  }
0xa9: {  	[tilespmem:s19], [sflag:$0x2] =	stream.indirect.gather [hbm4b:s1+s15], $0x80, s13, s15, $0xb8;
	[tilespmem:$0x1E880] =	vst v63  }
0xaa: {  	_ =	swait.ge [sflag:s20], $0x3E80  }
0xab: {  	[sflag:s20] =	ssyncset.done $0x0  }
0xac: {  	[sflag:s20] =	ssyncadd.s32 $0xFFFFC180  }
0xad: {  	[spmem:s3] =	stream.indirect.scatter.add.f32 [tilespmem:s19], [sflag:$0x3], $0x80, s6, s15, $0xb8;
	[tilespmem:$0x1E880] =	vst v63  }
0xae: {  	_ =	swait.ge [sflag:s14], $0x3E80  }
0xaf: {  	[sflag:s14] =	ssyncset.done $0x0  }
0xb0: {  	s13 =	sadd.s32 $0x700, s11;
	[sflag:s14] =	ssyncadd.s32 $0xFFFFC180  }
0xb1: {  	[tilespmem:s16], [sflag:$0x1] =	stream.indirect.gather [hbm4b:s1+s15], $0x80, s13, s15, $0xb8;
	[tilespmem:$0x1E880] =	vst v63  }
0xb2: {  	_ =	swait.ge [sflag:s18], $0x3E80  }
0xb3: {  	[sflag:s18] =	ssyncset.done $0x0  }
0xb4: {  	[sflag:s18] =	ssyncadd.s32 $0xFFFFC180  }
0xb5: {  	[spmem:s3] =	stream.indirect.scatter.add.f32 [tilespmem:s16], [sflag:$0x3], $0x80, s7, s15, $0xb8;
	[tilespmem:$0x1E880] =	vst v63  }
0xb6: {  	_ =	swait.ge [sflag:s14], $0x3E80  }
0xb7: {  	[sflag:s14] =	ssyncset.done $0x0  }
0xb8: {  	s13 =	sadd.s32 $0x780, s11;
	[sflag:s14] =	ssyncadd.s32 $0xFFFFC180  }
0xb9: {  	[tilespmem:s19], [sflag:$0x2] =	stream.indirect.gather [hbm4b:s1+s15], $0x80, s13, s15, $0xb8;
	[tilespmem:$0x1E880] =	vst v63  }
0xba: {  	_ =	swait.ge [sflag:s20], $0x3E80  }
0xbb: {  	p1 =	seq.s32 s10, $0x8000;
	[sflag:s20] =	ssyncset.done $0x0  }
.Ltmp2:
0xbc: {  	[sflag:s20] =	ssyncadd.s32 $0xFFFFC180;
	(pc) =	sbr.rel @p1 .LBB2_4-.Ltmp2, $4  }
0xbd: {  	[spmem:s3] =	stream.indirect.scatter.add.f32 [tilespmem:s19], [sflag:$0x3], $0x80, s8, s15, $0xb8;
	[tilespmem:$0x1E880] =	vst v63  }
0xbe: {  	_ =	swait.ge [sflag:s14], $0x3E80  }
0xbf: {  	[sflag:s14] =	ssyncset.done $0x0  }
0xc0: {  	[sflag:s14] =	ssyncadd.s32 $0xFFFFC180  }
.Ltmp3:
0xc1: {  	(pc) =	sbr.rel .LBB2_2-.Ltmp3, $3  }
0xc2: {  	_ =	sdelay $0x1  }
0xc3: {  	s11 =	sadd.s32 $0x800, s11;
	s5 =	sadd.s32 $0x100, s5;
	s10 =	sadd.s32 $0x2000, s10  }
0xc4: {  	[tilespmem:s16], [sflag:$0x1] =	stream.indirect.gather [hbm4b:s1+s15], $0x80, s11, s15, $0xb8;
	[tilespmem:$0x1E880] =	vst v63  }
.LBB2_5:
0xc5: {  	_ =	sfence.sel $0x180000  }
0xc6: {  	[bflag:$0x0] =	sbarrier.arrive $0xFFFF  }
0xc7: {  	_ =	strace $0x9000004A  }
0xc8: {  	s0 =	stileid.u32;
	[bflag:$0x2] =	sbarrier.arrive $0xFFFF  }
0xc9: {  	p0 =	sne.s32 s0, $0x0;
	s0 =	rddreg [dreg:$0x3]  }
0xca: {  	s0 =	sadd.s32 @!p0 $0x100000, s0  }
0xcb: {  	[sflag:s0] =	ssyncadd.tile.s32 @!p0 $0x1;
	_ =	shalt  }
.Lfunc_end2:
_tile_overlayer_lowered:
.L_overlay_start_2:
0xcc: {  	(tag) =	ssettag $0x2  }
0xcd: {  	s0 =	rddreg [dreg:$0x0];
	s2 =	stileid.u32  }
0xce: {  	s1 =	rddreg [dreg:$0x1];
	p0 =	sne.s32 s2, $0x0  }
0xcf: {  	s3 =	rddreg [dreg:$0x2];
	[bflag:$0x3] =	sbarrier.arrive $0xFFFF;
	s2 =	simm.s32 @!p0 $0x1C03  }
0xd0: {  	[timem:s3], [sflag:s2] =	dma.local @!p0 [hbm:s0], s1  }
0xd1: {  	s0 =	simm.s32 @!p0 $0x3  }
0xd2: {  	_ =	swait.ge @!p0 [sflag:s0], s1  }
0xd3: {  	s1 =	ssub.s32 @!p0 $0x0, s1;
	[sflag:s0] =	ssyncset.done @!p0 $0x0  }
0xd4: {  	[sflag:s0] =	ssyncadd.s32 @!p0 s1  }
0xd5: {  	[bflag:$0x3] =	sbarrier.arrive $0xFFFF  }
0xd6: {  	_ =	shalt  }

// kernel: kernel.16.cloned.1.call-start
scs
__scs_entry_jumppad:
0x0: {  	(pc) =	sbr.rel $0x88, $3  }
0x1: {  	(tag) =	ssettag $0x0;
	lr =	simm.s32 $0x1  }
0x2: {  	[smem:$0x3F97] =	sst lr;
	_ =	strace $0xD0000000  }
0x3: {  	_ = 	snop  }
0x4: {  	_ = 	snop  }
0x5: {  	_ = 	snop  }
0x6: {  	_ = 	snop  }
0x7: {  	_ = 	snop  }
__scs_overlays_trampoline_lowered:
0x8: {  	[smem:$0x3FA6] =	sst s0  }
0x9: {  	[smem:$0x3FA7] =	sst s1  }
0xa: {  	[smem:$0x3FA8] =	sst s2  }
0xb: {  	[smem:$0x3FA9] =	sst s3  }
0xc: {  	[smem:$0x3FAA] =	sst s4  }
0xd: {  	[smem:$0x3FAB] =	sst s5  }
0xe: {  	[smem:$0x3FAC] =	sst s6  }
0xf: {  	[smem:$0x3FAD] =	sst s7  }
0x10: {  	[smem:$0x3FAE] =	sst s8  }
0x11: {  	[smem:$0x3FAF] =	sst s9;
	s0 =	simm.s32 @!p0 $0x0  }
0x12: {  	s1 =	sld [smem:$0x3F95];
	s0 =	simm.s32 @p0 $0x1  }
0x13: {  	[smem:$0x3FB0] =	sst s0;
	s0 =	simm.s32 @!p1 $0x0  }
0x14: {  	s2 =	sld [smem:$0x3F94];
	s0 =	simm.s32 @p1 $0x1  }
0x15: {  	[smem:$0x3FB1] =	sst s0;
	s0 =	simm.s32 @!p2 $0x0  }
0x16: {  	s3 =	sld [smem:$0x3FDB];
	s0 =	simm.s32 @p2 $0x1  }
0x17: {  	s4 =	simm.s32 $0x1BF5;
	[smem:$0x3FB3] =	sst s0  }
0x18: {  	s0 =	sld [smem:$0x3F96];
	_ =	swait.ge [sflag:s4], $0x0  }
0x19: {  	s7 =	sld [smem:$0x3F97]  }
0x1a: {  	s8 =	sadd.s32 $0xFFFFE003, lr  }
0x1b: {  	s9 =	sadd.s32 $0xFFFFFEF7, lr;
	s5 =	simm.s32 $0xFFFFFFFF;
	p2 =	slt.u32 s8, $0xFFFFF086  }
0x1c: {  	p1 =	slt.u32 s9, $0xF7A;
	s5 =	simm.s32 @!p2 $0x0  }
0x1d: {  	s5 =	simm.s32 @p1 $0x1;
	p0 =	seq.s32 s7, s2  }
0x1e: {  	s7 =	smul.u32 @!p0 $0xF7A, s2;
	p2 =	seq.s32 @!p0 s5, $0x0  }
0x1f: {  	s9 =	smul.u32 $0xF7A, s1;
	s8 =	simm.s32 @!p0 $0x1BF5;
	p2 =	por !p2, p0  }
0x20: {  	[sflag:s8] =	ssyncset.s32 @!p0 $0xFFFFF086;
	s6 =	sadd.s32 @!p0 s3, s7;
	s7 =	simm.s32 @!p0 $0x108  }
0x21: {  	s3 =	sadd.s32 s3, s9;
	s6 =	sadd.s32 @!p0 $0x88, s6;
	s7 =	simm.s32 @p2 $0x1082  }
0x22: {  	[simem:s7], [sflag:s8] =	dma.local @!p0 [hbm:s6], $0xF7A  }
0x23: {  	s9 =	sor.u32 $0xD0000000, s2;
	s6 =	simm.s32 $0x108;
	_ =	swait.ge @!p0 [sflag:s8], $0x0  }
0x24: {  	s3 =	sadd.s32 $0x88, s3;
	s6 =	simm.s32 @!p1 $0x1082;
	[sflag:s4] =	ssyncset.s32 $0xFFFFF086  }
0x25: {  	[simem:s6], [sflag:s4] =	dma.local [hbm:s3], $0xF7A  }
0x26: {  	[smem:$0x3F97] =	sst s1;
	(tag) =	ssettag s2;
	_ =	strace s9  }
0x27: {  	s1 =	sld [smem:$0x3FA7]  }
0x28: {  	s2 =	sld [smem:$0x3FA8]  }
0x29: {  	s4 =	sld [smem:$0x3FAA]  }
0x2a: {  	p0 =	seq.s32 s5, $0x0;
	s5 =	sld [smem:$0x3FAB]  }
0x2b: {  	s6 =	sld [smem:$0x3FAC]  }
0x2c: {  	s7 =	sld [smem:$0x3FAD]  }
0x2d: {  	s3 =	simm.s32 $0x108;
	s8 =	sld [smem:$0x3FAE]  }
0x2e: {  	s3 =	simm.s32 @!p0 $0x1082;
	s9 =	sld [smem:$0x3FAF]  }
0x2f: {  	lr =	sadd.s32 s0, s3;
	s0 =	sld [smem:$0x3FA6]  }
0x30: {  	s3 =	sld [smem:$0x3FA9]  }
0x31: {  	[smem:$0x3FB2] =	sst s10  }
0x32: {  	s10 =	sld [smem:$0x3FB0];
	_ =	sdelay $0x3  }
0x33: {  	p0 =	seq.s32 s10, $0x1;
	s10 =	sld [smem:$0x3FB2];
	_ =	sdelay $0x3  }
0x34: {  	[smem:$0x3FB2] =	sst s10  }
0x35: {  	s10 =	sld [smem:$0x3FB1];
	_ =	sdelay $0x3  }
0x36: {  	p1 =	seq.s32 s10, $0x1;
	s10 =	sld [smem:$0x3FB2];
	_ =	sdelay $0x3  }
0x37: {  	[smem:$0x3FB2] =	sst s10  }
0x38: {  	s10 =	sld [smem:$0x3FB3]  }
0x39: {  	_ = 	snop;
	(pc) =	sbr.ind lr, $3  }
0x3a: {  	_ = 	snop  }
0x3b: {  	_ = 	snop  }
0x3c: {  	p2 =	seq.s32 s10, $0x1;
	s10 =	sld [smem:$0x3FB2]  }
0x3d: {  	_ =	shalt  }
0x3e: {  	_ =	shalt  }
0x3f: {  	_ =	shalt  }
0x40: {  	_ =	shalt  }
0x41: {  	_ =	shalt  }
0x42: {  	_ =	shalt  }
0x43: {  	_ =	shalt  }
0x44: {  	_ =	shalt  }
0x45: {  	_ =	shalt  }
0x46: {  	_ =	shalt  }
0x47: {  	_ =	shalt  }
0x48: {  	_ =	shalt  }
0x49: {  	_ =	shalt  }
0x4a: {  	_ =	shalt  }
0x4b: {  	_ =	shalt  }
0x4c: {  	_ =	shalt  }
0x4d: {  	_ =	shalt  }
0x4e: {  	_ =	shalt  }
0x4f: {  	_ =	shalt  }
0x50: {  	_ =	shalt  }
0x51: {  	_ =	shalt  }
0x52: {  	_ =	shalt  }
0x53: {  	_ =	shalt  }
0x54: {  	_ =	shalt  }
0x55: {  	_ =	shalt  }
0x56: {  	_ =	shalt  }
0x57: {  	_ =	shalt  }
0x58: {  	_ =	shalt  }
0x59: {  	_ =	shalt  }
0x5a: {  	_ =	shalt  }
0x5b: {  	_ =	shalt  }
0x5c: {  	_ =	shalt  }
0x5d: {  	_ =	shalt  }
0x5e: {  	_ =	shalt  }
0x5f: {  	_ =	shalt  }
0x60: {  	_ =	shalt  }
0x61: {  	_ =	shalt  }
0x62: {  	_ =	shalt  }
0x63: {  	_ =	shalt  }
0x64: {  	_ =	shalt  }
0x65: {  	_ =	shalt  }
0x66: {  	_ =	shalt  }
0x67: {  	_ =	shalt  }
0x68: {  	_ =	shalt  }
0x69: {  	_ =	shalt  }
0x6a: {  	_ =	shalt  }
0x6b: {  	_ =	shalt  }
0x6c: {  	_ =	shalt  }
0x6d: {  	_ =	shalt  }
0x6e: {  	_ =	shalt  }
0x6f: {  	_ =	shalt  }
0x70: {  	_ =	shalt  }
0x71: {  	_ =	shalt  }
0x72: {  	_ =	shalt  }
0x73: {  	_ =	shalt  }
0x74: {  	_ =	shalt  }
0x75: {  	_ =	shalt  }
0x76: {  	_ =	shalt  }
0x77: {  	_ =	shalt  }
0x78: {  	_ =	shalt  }
0x79: {  	_ =	shalt  }
0x7a: {  	_ =	shalt  }
0x7b: {  	_ =	shalt  }
0x7c: {  	_ =	shalt  }
0x7d: {  	_ =	shalt  }
0x7e: {  	_ =	shalt  }
0x7f: {  	_ =	shalt  }
0x80: {  	_ =	shalt  }
0x81: {  	_ =	shalt  }
0x82: {  	_ =	shalt  }
0x83: {  	_ =	shalt  }
0x84: {  	_ =	shalt  }
0x85: {  	_ =	shalt  }
0x86: {  	_ =	shalt  }
0x87: {  	_ =	shalt  }
.Lfunc_end0:
.L_simem_size_0:
called_computation.2_lowered:
.L_overlay_start_0:
0x88: {  	s2 =	sld [smem:$0x3FD9]  }
0x89: {  	s3 =	sld [smem:$0x3FFE];
	_ =	sdelay $0x1  }
0x8a: {  	s1 =	srdreg.scid  }
0x8b: {  	s0 =	sand.u32 $0x1, s1  }
0x8c: {  	s17 =	sshll.u32 s0, $0xA;
	s2 =	sadd.s32 s3, s2  }
0x8d: {  	s2 =	sadd.s32 s2, s17  }
0x8e: {  	[smem:$0x3FBE] =	sst s2  }
0x8f: {  	_ = 	snop  }
0x90: {  	s2 =	sld [smem:$0x3FD0];
	(tm) =	ssettm $0x1  }
0x91: {  	s18 =	sld [smem:$0x3FFB];
	_ =	sdelay $0x3  }
0x92: {  	_ =	strace s18  }
0x93: {  	s3 =	sld [smem:$0x3FFC];
	_ =	sdelay $0x3  }
0x94: {  	_ =	strace s3  }
0x95: {  	s3 =	sld [smem:$0x3FFD];
	_ =	sdelay $0x3  }
0x96: {  	_ =	strace s3  }
0x97: {  	_ =	strace $0x8FFFFFFF  }
0x98: {  	s19 =	sld [smem:$0x3FDB];
	_ =	sdelay $0x1  }
0x99: {  	s4 =	simm.s32 $_scs_section_size  }
0x9a: {  	s5 =	simm.s32 $_size__tile_overlayer_lowered;
	s6 =	simm.s32 $_tile_overlayer_lowered  }
0x9b: {  	s22 =	simm.s32 $0x1BFF;
	s21 =	sshll.u32 s6, $0x1;
	s3 =	sadd.s32 s4, s19  }
0x9c: {  	s7 =	simm.s32 $0x0;
	s20 =	sshll.u32 s5, $0x1;
	s5 =	sadd.s32 s21, s3  }
0x9d: {  	[timem:s7], [sflag:s22] =	dma.local [hbm:s5], s20  }
0x9e: {  	_ =	swait.ge [sflag:s22], s20  }
0x9f: {  	s4 =	ssub.s32 $0x0, s20;
	[sflag:s22] =	ssyncset.done $0x0  }
0xa0: {  	[sflag:s22] =	ssyncadd.s32 s4;
	_ =	sdelay $0x1  }
0xa1: {  	s23 =	simm.s32 $0x1B8B  }
0xa2: {  	_ =	swait.ge [sflag:s23], $0x1  }
0xa3: {  	[sflag:s23] =	ssyncset.done $0x0  }
0xa4: {  	s25 =	simm.s32 $0x1B8E;
	s24 =	sld [smem:$0x3FFE];
	[sflag:s23] =	ssyncadd.s32 $0xFFFFFFFF  }
0xa5: {  	s26 =	simm.s32 $execute0_lowered;
	[smem:$0x3FD2] =	sst s25  }
0xa6: {  	s5 =	sshll.u32 s26, $0x1;
	_ =	strace $0x8000004C;
	[dreg:$0x1] =	wrdreg $0xFFFFFFFF  }
0xa7: {  	s28 =	simm.s32 $_size_execute0_lowered;
	s3 =	sadd.s32 s3, s5;
	[dreg:$0x0] =	wrdreg $0x0  }
0xa8: {  	s5 =	sshll.u32 s28, $0x1;
	[dreg:$0x2] =	wrdreg s3  }
0xa9: {  	[dreg:$0x3] =	wrdreg s5  }
0xaa: {  	[dreg:$0x4] =	wrdreg $0xC0  }
0xab: {  	_ =	task [dreg:s7], $0x5FFFF  }
0xac: {  	[dreg:$0x1] =	wrdreg $0xFFFFFFFF  }
0xad: {  	[dreg:$0x0] =	wrdreg $0x60  }
0xae: {  	[dreg:$0x2] =	wrdreg s2  }
0xaf: {  	[dreg:$0x3] =	wrdreg s24  }
0xb0: {  	[dreg:$0x4] =	wrdreg $0xB0000  }
0xb1: {  	[dreg:$0x5] =	wrdreg $0x9  }
0xb2: {  	_ =	task.clear_ibuf [dreg:s7], $0x6FFFF;
	_ =	strace $0x9000004C  }
0xb3: {  	s29 =	simm.s32 $0x9;
	_ =	strace $0x8000004E  }
0xb4: {  	_ =	swait.ge [sflag:s29], $0x1  }
0xb5: {  	[sflag:s29] =	ssyncadd.s32 $0xFFFFFFFF  }
0xb6: {  	_ =	strace $0x9000004E  }
0xb7: {  	_ =	sfence  }
0xb8: {  	s30 =	sld [smem:$0x0];
	_ =	sdelay $0x2  }
0xb9: {  	s31 =	sshll.u32 s1, $0xD;
	s1 =	sshrl.u32 s1, $0x2  }
0xba: {  	s3 =	sand.u32 $0x4000, s31;
	s1 =	sadd.s32 s1, s30  }
0xbb: {  	s0 =	sor.u32 s3, s0;
	s1 =	sshll.u32 s1, $0x11  }
0xbc: {  	s0 =	sor.u32 s1, s0  }
0xbd: {  	s0 =	sadd.s32 $0x8F2B, s0  }
0xbe: {  	[sflag:s0] =	ssyncadd.remote.s32 $0x1  }
0xbf: {  	_ =	sfence.sel $0xFFFF  }
0xc0: {  	[dreg:$0x0] =	wrdreg $0xFFFFFFFF;
	(pc) =	sbr.abs _section_cstart, $3  }
0xc1: {  	[dreg:$0x1] =	wrdreg $0xFFFFFFFF  }
0xc2: {  	_ =	task.clear_ibuf [dreg:s7], $0x2FFFF;
	_ =	strace $0x9FFFFFFF  }
0xc3: {  	(tm) =	ssettm $0x7FFFFFFF  }
tec
execute0_lowered:
.L_overlay_start_1:
0x0: {  	(tag) =	ssettag $0x1  }
0x1: {  	s1 =	rddreg [dreg:$0x0]  }
0x2: {  	s0 =	srdreg.scid;
	s2 =	rddreg [dreg:$0x1]  }
0x3: {  	s11 =	stileid.u32;
	s3 =	rddreg [dreg:$0x2];
	s14 =	simm.s32 $0x3  }
0x4: {  	s15 =	simm.s32 $0x7D;
	s16 =	simm.s32 $0x3000;
	s17 =	simm.s32 $0x2800  }
0x5: {  	s18 =	simm.s32 $0x1;
	s19 =	simm.s32 $0x7000;
	s20 =	simm.s32 $0x2  }
0x6: {  	s21 =	simm.s32 $0x2880;
	s28 =	simm.s32 $0x2B80;
	s22 =	smul.u32 $0x4F000, s11  }
0x7: {  	s29 =	simm.s32 $0x2C00;
	s30 =	simm.s32 $0x2C80;
	s10 =	smul.u32 $0x13C00, s11  }
0x8: {  	s31 =	simm.s32 $0x2D00;
	s0 =	sand.u32 $0x1, s0;
	s24 =	smul.u32 $0x500, s11  }
0x9: {  	s7 =	sadd.s32 $0x18000, s2;
	p0 =	seq.s32 s11, $0xF;
	s6 =	smul.u32 $0x5000, s0  }
0xa: {  	s4 =	sshll.u32 s0, $0x4;
	s8 =	ssub.s32 $0x2, s0;
	s0 =	smul.u32 $0x138800, s0  }
0xb: {  	s5 =	sor.u32 s11, s4;
	s4 =	simm.s32 $0x0;
	s9 =	sshrl.u32 s8, $0x1  }
0xc: {  	s5 =	smul.u32 $0x500, s5;
	[smem:$0x7FF] =	sst s4;
	s6 =	sadd.s32 s6, s2  }
0xd: {  	s8 =	ssub.s32 s8, s9;
	s9 =	sadd.s32 $0x128400, s3;
	s23 =	sadd.s32 s10, s0  }
0xe: {  	s0 =	sshrl.u32 s0, $0x3;
	_ =	strace $0x8000004D;
	[dreg:$0x4] =	wrdreg s7  }
0xf: {  	s7 =	sshrl.u32 s22, $0x2;
	s25 =	smax.u32 s8, $0x1;
	s26 =	sadd.s32 s24, s6  }
0x10: {  	s22 =	simm.s32 $0x2900;
	s24 =	simm.s32 $0x2A00;
	s6 =	simm.s32 $0x2E80  }
0x11: {  	s8 =	simm.s32 $0x2F80;
	s5 =	sadd.s32 s5, s2;
	s2 =	sadd.s32 $0x68C00, s2  }
0x12: {  	s7 =	sadd.s32 s7, s3;
	[dreg:$0x8] =	wrdreg s25;
	s25 =	simm.s32 $0x2A80  }
0x13: {  	s5 =	sadd.s32 $0xE000, s5;
	s0 =	sadd.s32 s2, s0;
	s13 =	sshrl.u32 @!p0 s7, $0x3  }
0x14: {  	s7 =	simm.s32 $0x2F00;
	[dreg:$0x5] =	wrdreg s5;
	s5 =	sshrl.u32 s23, $0x3  }
0x15: {  	s0 =	sadd.s32 $0x25080, s0;
	s23 =	simm.s32 $0x2980;
	[dreg:$0xb] =	wrdreg s13  }
.Ltmp0:
0x16: {  	s2 =	sadd.s32 s2, s5;
	[dreg:$0x7] =	wrdreg s0;
	(pc) =	sbr.rel .LBB2_1-.Ltmp0, $4  }
0x17: {  	s0 =	sadd.s32 $0x4000, s26;
	s26 =	simm.s32 $0x2B00;
	[dreg:$0x6] =	wrdreg s2  }
0x18: {  	s2 =	sshll.u32 @!p0 s11, $0x6;
	[dreg:$0x9] =	wrdreg s0;
	s11 =	sshrl.u32 @p0 s9, $0x3  }
0x19: {  	s0 =	simm.s32 $0x2E00;
	s12 =	sor.u32 @!p0 $0x1C03, s2;
	[dreg:$0xc] =	wrdreg s11  }
0x1a: {  	s9 =	simm.s32 $0x0;
	s2 =	simm.s32 $0x2D80;
	[dreg:$0xa] =	wrdreg s12  }
.LBB2_4:
0x1b: {  	[bflag:$0x0] =	sbarrier.arrive $0xFFFF  }
0x1c: {  	s10 =	rddreg [dreg:$0x7]  }
0x1d: {  	s5 =	simm.s32 @p0 $0x1FC3;
	s11 =	rddreg [dreg:$0xc]  }
0x1e: {  	[hbm:s10], [sflag:s5] =	dma.local @p0 [spmem:s11], $0x2080  }
0x1f: {  	s5 =	simm.s32 @p0 $0x3  }
0x20: {  	_ =	swait.ge @p0 [sflag:s5], $0x2080  }
0x21: {  	s12 =	rddreg [dreg:$0xa]  }
0x22: {  	[sflag:s5] =	ssyncset.done @p0 $0x0;
	s13 =	rddreg [dreg:$0xb]  }
0x23: {  	[sflag:s5] =	ssyncadd.s32 @p0 $0xFFFFDF80;
	s5 =	rddreg [dreg:$0x6]  }
0x24: {  	[hbm:s5], [sflag:s12] =	dma.local @!p0 [spmem:s13], $0x2780  }
0x25: {  	s5 =	simm.s32 @!p0 $0x3  }
0x26: {  	_ =	swait.ge @!p0 [sflag:s5], $0x2780  }
0x27: {  	s9 =	sadd.s32 $0x1, s9;
	s10 =	rddreg [dreg:$0x8]  }
0x28: {  	p1 =	sne.s32 s9, s10  }
.Ltmp1:
0x29: {  	_ = 	snop;
	(pc) =	sbr.rel @!p1 .LBB2_5-.Ltmp1, $3  }
0x2a: {  	_ =	sdelay $0x1  }
0x2b: {  	[sflag:s5] =	ssyncset.done @!p0 $0x0  }
0x2c: {  	[sflag:s5] =	ssyncadd.s32 @!p0 $0xFFFFD880  }
.LBB2_1:
0x2d: {  	s5 =	simm.s32 @p0 $0x1FC3;
	s10 =	rddreg [dreg:$0x4]  }
0x2e: {  	[spmem:s11], [sflag:s5] =	dma.local @p0 [hbm:s10], $0x2080  }
0x2f: {  	s5 =	simm.s32 @p0 $0x3  }
0x30: {  	_ =	swait.ge @p0 [sflag:s5], $0x2080  }
0x31: {  	[sflag:s5] =	ssyncset.done @p0 $0x0  }
0x32: {  	[sflag:s5] =	ssyncadd.s32 @p0 $0xFFFFDF80;
	s5 =	simm.s32 @!p0 $0x3  }
0x33: {  	[spmem:s13], [sflag:s12] =	dma.local @!p0 [hbm:s10], $0x2780  }
0x34: {  	_ =	swait.ge @!p0 [sflag:s5], $0x2780  }
0x35: {  	[sflag:s5] =	ssyncset.done @!p0 $0x0  }
0x36: {  	[sflag:s5] =	ssyncadd.s32 @!p0 $0xFFFFD880  }
0x37: {  	[bflag:$0x0] =	sbarrier.arrive $0xFFFF  }
0x38: {  	s13 =	rddreg [dreg:$0x5]  }
0x39: {  	[tilespmem:s4], [sflag:$0x3] =	stream.linear.gather [hbm4b:s13+s4], $0x2800, $0x38;
	[tilespmem:$0x1E880] =	vst v63  }
0x3a: {  	_ =	swait.ge [sflag:s14], $0x2800  }
0x3b: {  	[sflag:s14] =	ssyncset.done $0x0  }
0x3c: {  	s10 =	simm.s32 $0x0;
	s5 =	rddreg [dreg:$0x9];
	[sflag:s14] =	ssyncadd.s32 $0xFFFFD800  }
0x3d: {  	[tilespmem:s16], [sflag:$0x1] =	stream.indirect.gather [hbm4b:s1+s15], $0x80, s4, s15, $0xb8;
	[tilespmem:$0x1E880] =	vst v63  }
.LBB2_2:
0x3e: {  	[tilespmem:s17], [sflag:$0x3] =	stream.linear.gather [hbm4b:s5+s4], $0x800, $0x38;
	[tilespmem:$0x1E880] =	vst v63  }
0x3f: {  	_ =	swait.ge [sflag:s14], $0x800  }
0x40: {  	[sflag:s14] =	ssyncset.done $0x0  }
0x41: {  	[sflag:s14] =	ssyncadd.s32 $0xFFFFF800  }
0x42: {  	_ =	swait.ge [sflag:s18], $0x3E80  }
0x43: {  	[sflag:s18] =	ssyncset.done $0x0  }
0x44: {  	[sflag:s18] =	ssyncadd.s32 $0xFFFFC180  }
0x45: {  	[spmem:s3] =	stream.indirect.scatter.add.f32 [tilespmem:s16], [sflag:$0x3], $0x80, s17, s15, $0xb8;
	[tilespmem:$0x1E880] =	vst v63  }
0x46: {  	_ =	swait.ge [sflag:s14], $0x3E80  }
0x47: {  	s11 =	sshra.s32 s10, $0x2;
	[sflag:s14] =	ssyncset.done $0x0  }
0x48: {  	s12 =	sadd.s32 $0x80, s11;
	[sflag:s14] =	ssyncadd.s32 $0xFFFFC180  }
0x49: {  	[tilespmem:s19], [sflag:$0x2] =	stream.indirect.gather [hbm4b:s1+s15], $0x80, s12, s15, $0xb8;
	[tilespmem:$0x1E880] =	vst v63  }
0x4a: {  	_ =	swait.ge [sflag:s20], $0x3E80  }
0x4b: {  	[sflag:s20] =	ssyncset.done $0x0  }
0x4c: {  	[sflag:s20] =	ssyncadd.s32 $0xFFFFC180  }
0x4d: {  	[spmem:s3] =	stream.indirect.scatter.add.f32 [tilespmem:s19], [sflag:$0x3], $0x80, s21, s15, $0xb8;
	[tilespmem:$0x1E880] =	vst v63  }
0x4e: {  	_ =	swait.ge [sflag:s14], $0x3E80  }
0x4f: {  	[sflag:s14] =	ssyncset.done $0x0  }
0x50: {  	s13 =	sadd.s32 $0x100, s11;
	[sflag:s14] =	ssyncadd.s32 $0xFFFFC180  }
0x51: {  	[tilespmem:s16], [sflag:$0x1] =	stream.indirect.gather [hbm4b:s1+s15], $0x80, s13, s15, $0xb8;
	[tilespmem:$0x1E880] =	vst v63  }
0x52: {  	_ =	swait.ge [sflag:s18], $0x3E80  }
0x53: {  	[sflag:s18] =	ssyncset.done $0x0  }
0x54: {  	[sflag:s18] =	ssyncadd.s32 $0xFFFFC180  }
0x55: {  	[spmem:s3] =	stream.indirect.scatter.add.f32 [tilespmem:s16], [sflag:$0x3], $0x80, s22, s15, $0xb8;
	[tilespmem:$0x1E880] =	vst v63  }
0x56: {  	_ =	swait.ge [sflag:s14], $0x3E80  }
0x57: {  	[sflag:s14] =	ssyncset.done $0x0  }
0x58: {  	s13 =	sadd.s32 $0x180, s11;
	[sflag:s14] =	ssyncadd.s32 $0xFFFFC180  }
0x59: {  	[tilespmem:s19], [sflag:$0x2] =	stream.indirect.gather [hbm4b:s1+s15], $0x80, s13, s15, $0xb8;
	[tilespmem:$0x1E880] =	vst v63  }
0x5a: {  	_ =	swait.ge [sflag:s20], $0x3E80  }
0x5b: {  	[sflag:s20] =	ssyncset.done $0x0  }
0x5c: {  	[sflag:s20] =	ssyncadd.s32 $0xFFFFC180  }
0x5d: {  	[spmem:s3] =	stream.indirect.scatter.add.f32 [tilespmem:s19], [sflag:$0x3], $0x80, s23, s15, $0xb8;
	[tilespmem:$0x1E880] =	vst v63  }
0x5e: {  	_ =	swait.ge [sflag:s14], $0x3E80  }
0x5f: {  	[sflag:s14] =	ssyncset.done $0x0  }
0x60: {  	s13 =	sadd.s32 $0x200, s11;
	[sflag:s14] =	ssyncadd.s32 $0xFFFFC180  }
0x61: {  	[tilespmem:s16], [sflag:$0x1] =	stream.indirect.gather [hbm4b:s1+s15], $0x80, s13, s15, $0xb8;
	[tilespmem:$0x1E880] =	vst v63  }
0x62: {  	_ =	swait.ge [sflag:s18], $0x3E80  }
0x63: {  	[sflag:s18] =	ssyncset.done $0x0  }
0x64: {  	[sflag:s18] =	ssyncadd.s32 $0xFFFFC180  }
0x65: {  	[spmem:s3] =	stream.indirect.scatter.add.f32 [tilespmem:s16], [sflag:$0x3], $0x80, s24, s15, $0xb8;
	[tilespmem:$0x1E880] =	vst v63  }
0x66: {  	_ =	swait.ge [sflag:s14], $0x3E80  }
0x67: {  	[sflag:s14] =	ssyncset.done $0x0  }
0x68: {  	s13 =	sadd.s32 $0x280, s11;
	[sflag:s14] =	ssyncadd.s32 $0xFFFFC180  }
0x69: {  	[tilespmem:s19], [sflag:$0x2] =	stream.indirect.gather [hbm4b:s1+s15], $0x80, s13, s15, $0xb8;
	[tilespmem:$0x1E880] =	vst v63  }
0x6a: {  	_ =	swait.ge [sflag:s20], $0x3E80  }
0x6b: {  	[sflag:s20] =	ssyncset.done $0x0  }
0x6c: {  	[sflag:s20] =	ssyncadd.s32 $0xFFFFC180  }
0x6d: {  	[spmem:s3] =	stream.indirect.scatter.add.f32 [tilespmem:s19], [sflag:$0x3], $0x80, s25, s15, $0xb8;
	[tilespmem:$0x1E880] =	vst v63  }
0x6e: {  	_ =	swait.ge [sflag:s14], $0x3E80  }
0x6f: {  	[sflag:s14] =	ssyncset.done $0x0  }
0x70: {  	s13 =	sadd.s32 $0x300, s11;
	[sflag:s14] =	ssyncadd.s32 $0xFFFFC180  }
0x71: {  	[tilespmem:s16], [sflag:$0x1] =	stream.indirect.gather [hbm4b:s1+s15], $0x80, s13, s15, $0xb8;
	[tilespmem:$0x1E880] =	vst v63  }
0x72: {  	_ =	swait.ge [sflag:s18], $0x3E80  }
0x73: {  	[sflag:s18] =	ssyncset.done $0x0  }
0x74: {  	[sflag:s18] =	ssyncadd.s32 $0xFFFFC180  }
0x75: {  	[spmem:s3] =	stream.indirect.scatter.add.f32 [tilespmem:s16], [sflag:$0x3], $0x80, s26, s15, $0xb8;
	[tilespmem:$0x1E880] =	vst v63  }
0x76: {  	_ =	swait.ge [sflag:s14], $0x3E80  }
0x77: {  	[sflag:s14] =	ssyncset.done $0x0  }
0x78: {  	s13 =	sadd.s32 $0x380, s11;
	[sflag:s14] =	ssyncadd.s32 $0xFFFFC180  }
0x79: {  	[tilespmem:s19], [sflag:$0x2] =	stream.indirect.gather [hbm4b:s1+s15], $0x80, s13, s15, $0xb8;
	[tilespmem:$0x1E880] =	vst v63  }
0x7a: {  	_ =	swait.ge [sflag:s20], $0x3E80  }
0x7b: {  	[sflag:s20] =	ssyncset.done $0x0  }
0x7c: {  	[sflag:s20] =	ssyncadd.s32 $0xFFFFC180  }
0x7d: {  	[spmem:s3] =	stream.indirect.scatter.add.f32 [tilespmem:s19], [sflag:$0x3], $0x80, s28, s15, $0xb8;
	[tilespmem:$0x1E880] =	vst v63  }
0x7e: {  	_ =	swait.ge [sflag:s14], $0x3E80  }
0x7f: {  	[sflag:s14] =	ssyncset.done $0x0  }
0x80: {  	s13 =	sadd.s32 $0x400, s11;
	[sflag:s14] =	ssyncadd.s32 $0xFFFFC180  }
0x81: {  	[tilespmem:s16], [sflag:$0x1] =	stream.indirect.gather [hbm4b:s1+s15], $0x80, s13, s15, $0xb8;
	[tilespmem:$0x1E880] =	vst v63  }
0x82: {  	_ =	swait.ge [sflag:s18], $0x3E80  }
0x83: {  	[sflag:s18] =	ssyncset.done $0x0  }
0x84: {  	[sflag:s18] =	ssyncadd.s32 $0xFFFFC180  }
0x85: {  	[spmem:s3] =	stream.indirect.scatter.add.f32 [tilespmem:s16], [sflag:$0x3], $0x80, s29, s15, $0xb8;
	[tilespmem:$0x1E880] =	vst v63  }
0x86: {  	_ =	swait.ge [sflag:s14], $0x3E80  }
0x87: {  	[sflag:s14] =	ssyncset.done $0x0  }
0x88: {  	s13 =	sadd.s32 $0x480, s11;
	[sflag:s14] =	ssyncadd.s32 $0xFFFFC180  }
0x89: {  	[tilespmem:s19], [sflag:$0x2] =	stream.indirect.gather [hbm4b:s1+s15], $0x80, s13, s15, $0xb8;
	[tilespmem:$0x1E880] =	vst v63  }
0x8a: {  	_ =	swait.ge [sflag:s20], $0x3E80  }
0x8b: {  	[sflag:s20] =	ssyncset.done $0x0  }
0x8c: {  	[sflag:s20] =	ssyncadd.s32 $0xFFFFC180  }
0x8d: {  	[spmem:s3] =	stream.indirect.scatter.add.f32 [tilespmem:s19], [sflag:$0x3], $0x80, s30, s15, $0xb8;
	[tilespmem:$0x1E880] =	vst v63  }
0x8e: {  	_ =	swait.ge [sflag:s14], $0x3E80  }
0x8f: {  	[sflag:s14] =	ssyncset.done $0x0  }
0x90: {  	s13 =	sadd.s32 $0x500, s11;
	[sflag:s14] =	ssyncadd.s32 $0xFFFFC180  }
0x91: {  	[tilespmem:s16], [sflag:$0x1] =	stream.indirect.gather [hbm4b:s1+s15], $0x80, s13, s15, $0xb8;
	[tilespmem:$0x1E880] =	vst v63  }
0x92: {  	_ =	swait.ge [sflag:s18], $0x3E80  }
0x93: {  	[sflag:s18] =	ssyncset.done $0x0  }
0x94: {  	[sflag:s18] =	ssyncadd.s32 $0xFFFFC180  }
0x95: {  	[spmem:s3] =	stream.indirect.scatter.add.f32 [tilespmem:s16], [sflag:$0x3], $0x80, s31, s15, $0xb8;
	[tilespmem:$0x1E880] =	vst v63  }
0x96: {  	_ =	swait.ge [sflag:s14], $0x3E80  }
0x97: {  	[sflag:s14] =	ssyncset.done $0x0  }
0x98: {  	s13 =	sadd.s32 $0x580, s11;
	[sflag:s14] =	ssyncadd.s32 $0xFFFFC180  }
0x99: {  	[tilespmem:s19], [sflag:$0x2] =	stream.indirect.gather [hbm4b:s1+s15], $0x80, s13, s15, $0xb8;
	[tilespmem:$0x1E880] =	vst v63  }
0x9a: {  	_ =	swait.ge [sflag:s20], $0x3E80  }
0x9b: {  	[sflag:s20] =	ssyncset.done $0x0  }
0x9c: {  	[sflag:s20] =	ssyncadd.s32 $0xFFFFC180  }
0x9d: {  	[spmem:s3] =	stream.indirect.scatter.add.f32 [tilespmem:s19], [sflag:$0x3], $0x80, s2, s15, $0xb8;
	[tilespmem:$0x1E880] =	vst v63  }
0x9e: {  	_ =	swait.ge [sflag:s14], $0x3E80  }
0x9f: {  	[sflag:s14] =	ssyncset.done $0x0  }
0xa0: {  	s13 =	sadd.s32 $0x600, s11;
	[sflag:s14] =	ssyncadd.s32 $0xFFFFC180  }
0xa1: {  	[tilespmem:s16], [sflag:$0x1] =	stream.indirect.gather [hbm4b:s1+s15], $0x80, s13, s15, $0xb8;
	[tilespmem:$0x1E880] =	vst v63  }
0xa2: {  	_ =	swait.ge [sflag:s18], $0x3E80  }
0xa3: {  	[sflag:s18] =	ssyncset.done $0x0  }
0xa4: {  	[sflag:s18] =	ssyncadd.s32 $0xFFFFC180  }
0xa5: {  	[spmem:s3] =	stream.indirect.scatter.add.f32 [tilespmem:s16], [sflag:$0x3], $0x80, s0, s15, $0xb8;
	[tilespmem:$0x1E880] =	vst v63  }
0xa6: {  	_ =	swait.ge [sflag:s14], $0x3E80  }
0xa7: {  	[sflag:s14] =	ssyncset.done $0x0  }
0xa8: {  	s13 =	sadd.s32 $0x680, s11;
	[sflag:s14] =	ssyncadd.s32 $0xFFFFC180  }
0xa9: {  	[tilespmem:s19], [sflag:$0x2] =	stream.indirect.gather [hbm4b:s1+s15], $0x80, s13, s15, $0xb8;
	[tilespmem:$0x1E880] =	vst v63  }
0xaa: {  	_ =	swait.ge [sflag:s20], $0x3E80  }
0xab: {  	[sflag:s20] =	ssyncset.done $0x0  }
0xac: {  	[sflag:s20] =	ssyncadd.s32 $0xFFFFC180  }
0xad: {  	[spmem:s3] =	stream.indirect.scatter.add.f32 [tilespmem:s19], [sflag:$0x3], $0x80, s6, s15, $0xb8;
	[tilespmem:$0x1E880] =	vst v63  }
0xae: {  	_ =	swait.ge [sflag:s14], $0x3E80  }
0xaf: {  	[sflag:s14] =	ssyncset.done $0x0  }
0xb0: {  	s13 =	sadd.s32 $0x700, s11;
	[sflag:s14] =	ssyncadd.s32 $0xFFFFC180  }
0xb1: {  	[tilespmem:s16], [sflag:$0x1] =	stream.indirect.gather [hbm4b:s1+s15], $0x80, s13, s15, $0xb8;
	[tilespmem:$0x1E880] =	vst v63  }
0xb2: {  	_ =	swait.ge [sflag:s18], $0x3E80  }
0xb3: {  	[sflag:s18] =	ssyncset.done $0x0  }
0xb4: {  	[sflag:s18] =	ssyncadd.s32 $0xFFFFC180  }
0xb5: {  	[spmem:s3] =	stream.indirect.scatter.add.f32 [tilespmem:s16], [sflag:$0x3], $0x80, s7, s15, $0xb8;
	[tilespmem:$0x1E880] =	vst v63  }
0xb6: {  	_ =	swait.ge [sflag:s14], $0x3E80  }
0xb7: {  	[sflag:s14] =	ssyncset.done $0x0  }
0xb8: {  	s13 =	sadd.s32 $0x780, s11;
	[sflag:s14] =	ssyncadd.s32 $0xFFFFC180  }
0xb9: {  	[tilespmem:s19], [sflag:$0x2] =	stream.indirect.gather [hbm4b:s1+s15], $0x80, s13, s15, $0xb8;
	[tilespmem:$0x1E880] =	vst v63  }
0xba: {  	_ =	swait.ge [sflag:s20], $0x3E80  }
0xbb: {  	p1 =	seq.s32 s10, $0x8000;
	[sflag:s20] =	ssyncset.done $0x0  }
.Ltmp2:
0xbc: {  	[sflag:s20] =	ssyncadd.s32 $0xFFFFC180;
	(pc) =	sbr.rel @p1 .LBB2_4-.Ltmp2, $4  }
0xbd: {  	[spmem:s3] =	stream.indirect.scatter.add.f32 [tilespmem:s19], [sflag:$0x3], $0x80, s8, s15, $0xb8;
	[tilespmem:$0x1E880] =	vst v63  }
0xbe: {  	_ =	swait.ge [sflag:s14], $0x3E80  }
0xbf: {  	[sflag:s14] =	ssyncset.done $0x0  }
0xc0: {  	[sflag:s14] =	ssyncadd.s32 $0xFFFFC180  }
.Ltmp3:
0xc1: {  	(pc) =	sbr.rel .LBB2_2-.Ltmp3, $3  }
0xc2: {  	_ =	sdelay $0x1  }
0xc3: {  	s11 =	sadd.s32 $0x800, s11;
	s5 =	sadd.s32 $0x100, s5;
	s10 =	sadd.s32 $0x2000, s10  }
0xc4: {  	[tilespmem:s16], [sflag:$0x1] =	stream.indirect.gather [hbm4b:s1+s15], $0x80, s11, s15, $0xb8;
	[tilespmem:$0x1E880] =	vst v63  }
.LBB2_5:
0xc5: {  	_ =	sfence.sel $0x180000  }
0xc6: {  	[bflag:$0x0] =	sbarrier.arrive $0xFFFF  }
0xc7: {  	_ =	strace $0x9000004D  }
0xc8: {  	s0 =	stileid.u32;
	[bflag:$0x2] =	sbarrier.arrive $0xFFFF  }
0xc9: {  	p0 =	sne.s32 s0, $0x0;
	s0 =	rddreg [dreg:$0x3]  }
0xca: {  	s0 =	sadd.s32 @!p0 $0x100000, s0  }
0xcb: {  	[sflag:s0] =	ssyncadd.tile.s32 @!p0 $0x1;
	_ =	shalt  }
.Lfunc_end2:
_tile_overlayer_lowered:
.L_overlay_start_2:
0xcc: {  	(tag) =	ssettag $0x2  }
0xcd: {  	s0 =	rddreg [dreg:$0x0];
	s2 =	stileid.u32  }
0xce: {  	s1 =	rddreg [dreg:$0x1];
	p0 =	sne.s32 s2, $0x0  }
0xcf: {  	s3 =	rddreg [dreg:$0x2];
	[bflag:$0x3] =	sbarrier.arrive $0xFFFF;
	s2 =	simm.s32 @!p0 $0x1C03  }
0xd0: {  	[timem:s3], [sflag:s2] =	dma.local @!p0 [hbm:s0], s1  }
0xd1: {  	s0 =	simm.s32 @!p0 $0x3  }
0xd2: {  	_ =	swait.ge @!p0 [sflag:s0], s1  }
0xd3: {  	s1 =	ssub.s32 @!p0 $0x0, s1;
	[sflag:s0] =	ssyncset.done @!p0 $0x0  }
0xd4: {  	[sflag:s0] =	ssyncadd.s32 @!p0 s1  }
0xd5: {  	[bflag:$0x3] =	sbarrier.arrive $0xFFFF  }
0xd6: {  	_ =	shalt  }

// kernel: kernel.19.cloned.1.call-start
scs
__scs_entry_jumppad:
0x0: {  	(pc) =	sbr.rel $0x88, $3  }
0x1: {  	(tag) =	ssettag $0x0;
	lr =	simm.s32 $0x1  }
0x2: {  	[smem:$0x3F97] =	sst lr;
	_ =	strace $0xD0000000  }
0x3: {  	_ = 	snop  }
0x4: {  	_ = 	snop  }
0x5: {  	_ = 	snop  }
0x6: {  	_ = 	snop  }
0x7: {  	_ = 	snop  }
__scs_overlays_trampoline_lowered:
0x8: {  	[smem:$0x3FA6] =	sst s0  }
0x9: {  	[smem:$0x3FA7] =	sst s1  }
0xa: {  	[smem:$0x3FA8] =	sst s2  }
0xb: {  	[smem:$0x3FA9] =	sst s3  }
0xc: {  	[smem:$0x3FAA] =	sst s4  }
0xd: {  	[smem:$0x3FAB] =	sst s5  }
0xe: {  	[smem:$0x3FAC] =	sst s6  }
0xf: {  	[smem:$0x3FAD] =	sst s7  }
0x10: {  	[smem:$0x3FAE] =	sst s8  }
0x11: {  	[smem:$0x3FAF] =	sst s9;
	s0 =	simm.s32 @!p0 $0x0  }
0x12: {  	s1 =	sld [smem:$0x3F95];
	s0 =	simm.s32 @p0 $0x1  }
0x13: {  	[smem:$0x3FB0] =	sst s0;
	s0 =	simm.s32 @!p1 $0x0  }
0x14: {  	s2 =	sld [smem:$0x3F94];
	s0 =	simm.s32 @p1 $0x1  }
0x15: {  	[smem:$0x3FB1] =	sst s0;
	s0 =	simm.s32 @!p2 $0x0  }
0x16: {  	s3 =	sld [smem:$0x3FDB];
	s0 =	simm.s32 @p2 $0x1  }
0x17: {  	s4 =	simm.s32 $0x1BF5;
	[smem:$0x3FB3] =	sst s0  }
0x18: {  	s0 =	sld [smem:$0x3F96];
	_ =	swait.ge [sflag:s4], $0x0  }
0x19: {  	s7 =	sld [smem:$0x3F97]  }
0x1a: {  	s8 =	sadd.s32 $0xFFFFE003, lr  }
0x1b: {  	s9 =	sadd.s32 $0xFFFFFEF7, lr;
	s5 =	simm.s32 $0xFFFFFFFF;
	p2 =	slt.u32 s8, $0xFFFFF086  }
0x1c: {  	p1 =	slt.u32 s9, $0xF7A;
	s5 =	simm.s32 @!p2 $0x0  }
0x1d: {  	s5 =	simm.s32 @p1 $0x1;
	p0 =	seq.s32 s7, s2  }
0x1e: {  	s7 =	smul.u32 @!p0 $0xF7A, s2;
	p2 =	seq.s32 @!p0 s5, $0x0  }
0x1f: {  	s9 =	smul.u32 $0xF7A, s1;
	s8 =	simm.s32 @!p0 $0x1BF5;
	p2 =	por !p2, p0  }
0x20: {  	[sflag:s8] =	ssyncset.s32 @!p0 $0xFFFFF086;
	s6 =	sadd.s32 @!p0 s3, s7;
	s7 =	simm.s32 @!p0 $0x108  }
0x21: {  	s3 =	sadd.s32 s3, s9;
	s6 =	sadd.s32 @!p0 $0x88, s6;
	s7 =	simm.s32 @p2 $0x1082  }
0x22: {  	[simem:s7], [sflag:s8] =	dma.local @!p0 [hbm:s6], $0xF7A  }
0x23: {  	s9 =	sor.u32 $0xD0000000, s2;
	s6 =	simm.s32 $0x108;
	_ =	swait.ge @!p0 [sflag:s8], $0x0  }
0x24: {  	s3 =	sadd.s32 $0x88, s3;
	s6 =	simm.s32 @!p1 $0x1082;
	[sflag:s4] =	ssyncset.s32 $0xFFFFF086  }
0x25: {  	[simem:s6], [sflag:s4] =	dma.local [hbm:s3], $0xF7A  }
0x26: {  	[smem:$0x3F97] =	sst s1;
	(tag) =	ssettag s2;
	_ =	strace s9  }
0x27: {  	s1 =	sld [smem:$0x3FA7]  }
0x28: {  	s2 =	sld [smem:$0x3FA8]  }
0x29: {  	s4 =	sld [smem:$0x3FAA]  }
0x2a: {  	p0 =	seq.s32 s5, $0x0;
	s5 =	sld [smem:$0x3FAB]  }
0x2b: {  	s6 =	sld [smem:$0x3FAC]  }
0x2c: {  	s7 =	sld [smem:$0x3FAD]  }
0x2d: {  	s3 =	simm.s32 $0x108;
	s8 =	sld [smem:$0x3FAE]  }
0x2e: {  	s3 =	simm.s32 @!p0 $0x1082;
	s9 =	sld [smem:$0x3FAF]  }
0x2f: {  	lr =	sadd.s32 s0, s3;
	s0 =	sld [smem:$0x3FA6]  }
0x30: {  	s3 =	sld [smem:$0x3FA9]  }
0x31: {  	[smem:$0x3FB2] =	sst s10  }
0x32: {  	s10 =	sld [smem:$0x3FB0];
	_ =	sdelay $0x3  }
0x33: {  	p0 =	seq.s32 s10, $0x1;
	s10 =	sld [smem:$0x3FB2];
	_ =	sdelay $0x3  }
0x34: {  	[smem:$0x3FB2] =	sst s10  }
0x35: {  	s10 =	sld [smem:$0x3FB1];
	_ =	sdelay $0x3  }
0x36: {  	p1 =	seq.s32 s10, $0x1;
	s10 =	sld [smem:$0x3FB2];
	_ =	sdelay $0x3  }
0x37: {  	[smem:$0x3FB2] =	sst s10  }
0x38: {  	s10 =	sld [smem:$0x3FB3]  }
0x39: {  	_ = 	snop;
	(pc) =	sbr.ind lr, $3  }
0x3a: {  	_ = 	snop  }
0x3b: {  	_ = 	snop  }
0x3c: {  	p2 =	seq.s32 s10, $0x1;
	s10 =	sld [smem:$0x3FB2]  }
0x3d: {  	_ =	shalt  }
0x3e: {  	_ =	shalt  }
0x3f: {  	_ =	shalt  }
0x40: {  	_ =	shalt  }
0x41: {  	_ =	shalt  }
0x42: {  	_ =	shalt  }
0x43: {  	_ =	shalt  }
0x44: {  	_ =	shalt  }
0x45: {  	_ =	shalt  }
0x46: {  	_ =	shalt  }
0x47: {  	_ =	shalt  }
0x48: {  	_ =	shalt  }
0x49: {  	_ =	shalt  }
0x4a: {  	_ =	shalt  }
0x4b: {  	_ =	shalt  }
0x4c: {  	_ =	shalt  }
0x4d: {  	_ =	shalt  }
0x4e: {  	_ =	shalt  }
0x4f: {  	_ =	shalt  }
0x50: {  	_ =	shalt  }
0x51: {  	_ =	shalt  }
0x52: {  	_ =	shalt  }
0x53: {  	_ =	shalt  }
0x54: {  	_ =	shalt  }
0x55: {  	_ =	shalt  }
0x56: {  	_ =	shalt  }
0x57: {  	_ =	shalt  }
0x58: {  	_ =	shalt  }
0x59: {  	_ =	shalt  }
0x5a: {  	_ =	shalt  }
0x5b: {  	_ =	shalt  }
0x5c: {  	_ =	shalt  }
0x5d: {  	_ =	shalt  }
0x5e: {  	_ =	shalt  }
0x5f: {  	_ =	shalt  }
0x60: {  	_ =	shalt  }
0x61: {  	_ =	shalt  }
0x62: {  	_ =	shalt  }
0x63: {  	_ =	shalt  }
0x64: {  	_ =	shalt  }
0x65: {  	_ =	shalt  }
0x66: {  	_ =	shalt  }
0x67: {  	_ =	shalt  }
0x68: {  	_ =	shalt  }
0x69: {  	_ =	shalt  }
0x6a: {  	_ =	shalt  }
0x6b: {  	_ =	shalt  }
0x6c: {  	_ =	shalt  }
0x6d: {  	_ =	shalt  }
0x6e: {  	_ =	shalt  }
0x6f: {  	_ =	shalt  }
0x70: {  	_ =	shalt  }
0x71: {  	_ =	shalt  }
0x72: {  	_ =	shalt  }
0x73: {  	_ =	shalt  }
0x74: {  	_ =	shalt  }
0x75: {  	_ =	shalt  }
0x76: {  	_ =	shalt  }
0x77: {  	_ =	shalt  }
0x78: {  	_ =	shalt  }
0x79: {  	_ =	shalt  }
0x7a: {  	_ =	shalt  }
0x7b: {  	_ =	shalt  }
0x7c: {  	_ =	shalt  }
0x7d: {  	_ =	shalt  }
0x7e: {  	_ =	shalt  }
0x7f: {  	_ =	shalt  }
0x80: {  	_ =	shalt  }
0x81: {  	_ =	shalt  }
0x82: {  	_ =	shalt  }
0x83: {  	_ =	shalt  }
0x84: {  	_ =	shalt  }
0x85: {  	_ =	shalt  }
0x86: {  	_ =	shalt  }
0x87: {  	_ =	shalt  }
.Lfunc_end0:
.L_simem_size_0:
called_computation.3_lowered:
.L_overlay_start_0:
0x88: {  	s2 =	sld [smem:$0x3FD9]  }
0x89: {  	s3 =	sld [smem:$0x3FFE];
	_ =	sdelay $0x1  }
0x8a: {  	s1 =	srdreg.scid  }
0x8b: {  	s0 =	sand.u32 $0x1, s1  }
0x8c: {  	s17 =	sshll.u32 s0, $0xA;
	s2 =	sadd.s32 s3, s2  }
0x8d: {  	s2 =	sadd.s32 s2, s17  }
0x8e: {  	[smem:$0x3FBE] =	sst s2  }
0x8f: {  	_ = 	snop  }
0x90: {  	s2 =	sld [smem:$0x3FD0];
	(tm) =	ssettm $0x1  }
0x91: {  	s18 =	sld [smem:$0x3FFB];
	_ =	sdelay $0x3  }
0x92: {  	_ =	strace s18  }
0x93: {  	s3 =	sld [smem:$0x3FFC];
	_ =	sdelay $0x3  }
0x94: {  	_ =	strace s3  }
0x95: {  	s3 =	sld [smem:$0x3FFD];
	_ =	sdelay $0x3  }
0x96: {  	_ =	strace s3  }
0x97: {  	_ =	strace $0x8FFFFFFF  }
0x98: {  	s19 =	sld [smem:$0x3FDB];
	_ =	sdelay $0x1  }
0x99: {  	s4 =	simm.s32 $_scs_section_size  }
0x9a: {  	s5 =	simm.s32 $_size__tile_overlayer_lowered;
	s6 =	simm.s32 $_tile_overlayer_lowered  }
0x9b: {  	s22 =	simm.s32 $0x1BFF;
	s21 =	sshll.u32 s6, $0x1;
	s3 =	sadd.s32 s4, s19  }
0x9c: {  	s7 =	simm.s32 $0x0;
	s20 =	sshll.u32 s5, $0x1;
	s5 =	sadd.s32 s21, s3  }
0x9d: {  	[timem:s7], [sflag:s22] =	dma.local [hbm:s5], s20  }
0x9e: {  	_ =	swait.ge [sflag:s22], s20  }
0x9f: {  	s4 =	ssub.s32 $0x0, s20;
	[sflag:s22] =	ssyncset.done $0x0  }
0xa0: {  	[sflag:s22] =	ssyncadd.s32 s4;
	_ =	sdelay $0x1  }
0xa1: {  	s23 =	simm.s32 $0x1B8B  }
0xa2: {  	_ =	swait.ge [sflag:s23], $0x1  }
0xa3: {  	[sflag:s23] =	ssyncset.done $0x0  }
0xa4: {  	s25 =	simm.s32 $0x1B8E;
	s24 =	sld [smem:$0x3FFE];
	[sflag:s23] =	ssyncadd.s32 $0xFFFFFFFF  }
0xa5: {  	s26 =	simm.s32 $execute0_lowered;
	[smem:$0x3FD2] =	sst s25  }
0xa6: {  	s5 =	sshll.u32 s26, $0x1;
	_ =	strace $0x8000004F;
	[dreg:$0x1] =	wrdreg $0xFFFFFFFF  }
0xa7: {  	s28 =	simm.s32 $_size_execute0_lowered;
	s3 =	sadd.s32 s3, s5;
	[dreg:$0x0] =	wrdreg $0x0  }
0xa8: {  	s5 =	sshll.u32 s28, $0x1;
	[dreg:$0x2] =	wrdreg s3  }
0xa9: {  	[dreg:$0x3] =	wrdreg s5  }
0xaa: {  	[dreg:$0x4] =	wrdreg $0xC0  }
0xab: {  	_ =	task [dreg:s7], $0x5FFFF  }
0xac: {  	[dreg:$0x1] =	wrdreg $0xFFFFFFFF  }
0xad: {  	[dreg:$0x0] =	wrdreg $0x60  }
0xae: {  	[dreg:$0x2] =	wrdreg s2  }
0xaf: {  	[dreg:$0x3] =	wrdreg s24  }
0xb0: {  	[dreg:$0x4] =	wrdreg $0xB0000  }
0xb1: {  	[dreg:$0x5] =	wrdreg $0x9  }
0xb2: {  	_ =	task.clear_ibuf [dreg:s7], $0x6FFFF;
	_ =	strace $0x9000004F  }
0xb3: {  	s29 =	simm.s32 $0x9;
	_ =	strace $0x80000051  }
0xb4: {  	_ =	swait.ge [sflag:s29], $0x1  }
0xb5: {  	[sflag:s29] =	ssyncadd.s32 $0xFFFFFFFF  }
0xb6: {  	_ =	strace $0x90000051  }
0xb7: {  	_ =	sfence  }
0xb8: {  	s30 =	sld [smem:$0x0];
	_ =	sdelay $0x2  }
0xb9: {  	s31 =	sshll.u32 s1, $0xD;
	s1 =	sshrl.u32 s1, $0x2  }
0xba: {  	s3 =	sand.u32 $0x4000, s31;
	s1 =	sadd.s32 s1, s30  }
0xbb: {  	s0 =	sor.u32 s3, s0;
	s1 =	sshll.u32 s1, $0x11  }
0xbc: {  	s0 =	sor.u32 s1, s0  }
0xbd: {  	s0 =	sadd.s32 $0x8F2B, s0  }
0xbe: {  	[sflag:s0] =	ssyncadd.remote.s32 $0x1  }
0xbf: {  	_ =	sfence.sel $0xFFFF  }
0xc0: {  	[dreg:$0x0] =	wrdreg $0xFFFFFFFF;
	(pc) =	sbr.abs _section_cstart, $3  }
0xc1: {  	[dreg:$0x1] =	wrdreg $0xFFFFFFFF  }
0xc2: {  	_ =	task.clear_ibuf [dreg:s7], $0x2FFFF;
	_ =	strace $0x9FFFFFFF  }
0xc3: {  	(tm) =	ssettm $0x7FFFFFFF  }
tec
execute0_lowered:
.L_overlay_start_1:
0x0: {  	(tag) =	ssettag $0x1  }
0x1: {  	s1 =	rddreg [dreg:$0x0]  }
0x2: {  	s0 =	srdreg.scid;
	s2 =	rddreg [dreg:$0x1]  }
0x3: {  	s11 =	stileid.u32;
	s3 =	rddreg [dreg:$0x2];
	s14 =	simm.s32 $0x3  }
0x4: {  	s15 =	simm.s32 $0x7D;
	s16 =	simm.s32 $0x3000;
	s17 =	simm.s32 $0x2800  }
0x5: {  	s18 =	simm.s32 $0x1;
	s19 =	simm.s32 $0x7000;
	s20 =	simm.s32 $0x2  }
0x6: {  	s21 =	simm.s32 $0x2880;
	s28 =	simm.s32 $0x2B80;
	s22 =	smul.u32 $0x4F000, s11  }
0x7: {  	s29 =	simm.s32 $0x2C00;
	s30 =	simm.s32 $0x2C80;
	s10 =	smul.u32 $0x13C00, s11  }
0x8: {  	s31 =	simm.s32 $0x2D00;
	s0 =	sand.u32 $0x1, s0;
	s24 =	smul.u32 $0x500, s11  }
0x9: {  	s7 =	sadd.s32 $0x18000, s2;
	p0 =	seq.s32 s11, $0xF;
	s6 =	smul.u32 $0x5000, s0  }
0xa: {  	s4 =	sshll.u32 s0, $0x4;
	s8 =	ssub.s32 $0x2, s0;
	s0 =	smul.u32 $0x138800, s0  }
0xb: {  	s5 =	sor.u32 s11, s4;
	s4 =	simm.s32 $0x0;
	s9 =	sshrl.u32 s8, $0x1  }
0xc: {  	s5 =	smul.u32 $0x500, s5;
	[smem:$0x7FF] =	sst s4;
	s6 =	sadd.s32 s6, s2  }
0xd: {  	s8 =	ssub.s32 s8, s9;
	s9 =	sadd.s32 $0x128400, s3;
	s23 =	sadd.s32 s10, s0  }
0xe: {  	s0 =	sshrl.u32 s0, $0x3;
	_ =	strace $0x80000050;
	[dreg:$0x4] =	wrdreg s7  }
0xf: {  	s7 =	sshrl.u32 s22, $0x2;
	s25 =	smax.u32 s8, $0x1;
	s26 =	sadd.s32 s24, s6  }
0x10: {  	s22 =	simm.s32 $0x2900;
	s24 =	simm.s32 $0x2A00;
	s6 =	simm.s32 $0x2E80  }
0x11: {  	s8 =	simm.s32 $0x2F80;
	s5 =	sadd.s32 s5, s2;
	s2 =	sadd.s32 $0x68C00, s2  }
0x12: {  	s7 =	sadd.s32 s7, s3;
	[dreg:$0x8] =	wrdreg s25;
	s25 =	simm.s32 $0x2A80  }
0x13: {  	s5 =	sadd.s32 $0xE000, s5;
	s0 =	sadd.s32 s2, s0;
	s13 =	sshrl.u32 @!p0 s7, $0x3  }
0x14: {  	s7 =	simm.s32 $0x2F00;
	[dreg:$0x5] =	wrdreg s5;
	s5 =	sshrl.u32 s23, $0x3  }
0x15: {  	s0 =	sadd.s32 $0x25080, s0;
	s23 =	simm.s32 $0x2980;
	[dreg:$0xb] =	wrdreg s13  }
.Ltmp0:
0x16: {  	s2 =	sadd.s32 s2, s5;
	[dreg:$0x7] =	wrdreg s0;
	(pc) =	sbr.rel .LBB2_1-.Ltmp0, $4  }
0x17: {  	s0 =	sadd.s32 $0x4000, s26;
	s26 =	simm.s32 $0x2B00;
	[dreg:$0x6] =	wrdreg s2  }
0x18: {  	s2 =	sshll.u32 @!p0 s11, $0x6;
	[dreg:$0x9] =	wrdreg s0;
	s11 =	sshrl.u32 @p0 s9, $0x3  }
0x19: {  	s0 =	simm.s32 $0x2E00;
	s12 =	sor.u32 @!p0 $0x1C03, s2;
	[dreg:$0xc] =	wrdreg s11  }
0x1a: {  	s9 =	simm.s32 $0x0;
	s2 =	simm.s32 $0x2D80;
	[dreg:$0xa] =	wrdreg s12  }
.LBB2_4:
0x1b: {  	[bflag:$0x0] =	sbarrier.arrive $0xFFFF  }
0x1c: {  	s10 =	rddreg [dreg:$0x7]  }
0x1d: {  	s5 =	simm.s32 @p0 $0x1FC3;
	s11 =	rddreg [dreg:$0xc]  }
0x1e: {  	[hbm:s10], [sflag:s5] =	dma.local @p0 [spmem:s11], $0x2080  }
0x1f: {  	s5 =	simm.s32 @p0 $0x3  }
0x20: {  	_ =	swait.ge @p0 [sflag:s5], $0x2080  }
0x21: {  	s12 =	rddreg [dreg:$0xa]  }
0x22: {  	[sflag:s5] =	ssyncset.done @p0 $0x0;
	s13 =	rddreg [dreg:$0xb]  }
0x23: {  	[sflag:s5] =	ssyncadd.s32 @p0 $0xFFFFDF80;
	s5 =	rddreg [dreg:$0x6]  }
0x24: {  	[hbm:s5], [sflag:s12] =	dma.local @!p0 [spmem:s13], $0x2780  }
0x25: {  	s5 =	simm.s32 @!p0 $0x3  }
0x26: {  	_ =	swait.ge @!p0 [sflag:s5], $0x2780  }
0x27: {  	s9 =	sadd.s32 $0x1, s9;
	s10 =	rddreg [dreg:$0x8]  }
0x28: {  	p1 =	sne.s32 s9, s10  }
.Ltmp1:
0x29: {  	_ = 	snop;
	(pc) =	sbr.rel @!p1 .LBB2_5-.Ltmp1, $3  }
0x2a: {  	_ =	sdelay $0x1  }
0x2b: {  	[sflag:s5] =	ssyncset.done @!p0 $0x0  }
0x2c: {  	[sflag:s5] =	ssyncadd.s32 @!p0 $0xFFFFD880  }
.LBB2_1:
0x2d: {  	s5 =	simm.s32 @p0 $0x1FC3;
	s10 =	rddreg [dreg:$0x4]  }
0x2e: {  	[spmem:s11], [sflag:s5] =	dma.local @p0 [hbm:s10], $0x2080  }
0x2f: {  	s5 =	simm.s32 @p0 $0x3  }
0x30: {  	_ =	swait.ge @p0 [sflag:s5], $0x2080  }
0x31: {  	[sflag:s5] =	ssyncset.done @p0 $0x0  }
0x32: {  	[sflag:s5] =	ssyncadd.s32 @p0 $0xFFFFDF80;
	s5 =	simm.s32 @!p0 $0x3  }
0x33: {  	[spmem:s13], [sflag:s12] =	dma.local @!p0 [hbm:s10], $0x2780  }
0x34: {  	_ =	swait.ge @!p0 [sflag:s5], $0x2780  }
0x35: {  	[sflag:s5] =	ssyncset.done @!p0 $0x0  }
0x36: {  	[sflag:s5] =	ssyncadd.s32 @!p0 $0xFFFFD880  }
0x37: {  	[bflag:$0x0] =	sbarrier.arrive $0xFFFF  }
0x38: {  	s13 =	rddreg [dreg:$0x5]  }
0x39: {  	[tilespmem:s4], [sflag:$0x3] =	stream.linear.gather [hbm4b:s13+s4], $0x2800, $0x38;
	[tilespmem:$0x1E880] =	vst v63  }
0x3a: {  	_ =	swait.ge [sflag:s14], $0x2800  }
0x3b: {  	[sflag:s14] =	ssyncset.done $0x0  }
0x3c: {  	s10 =	simm.s32 $0x0;
	s5 =	rddreg [dreg:$0x9];
	[sflag:s14] =	ssyncadd.s32 $0xFFFFD800  }
0x3d: {  	[tilespmem:s16], [sflag:$0x1] =	stream.indirect.gather [hbm4b:s1+s15], $0x80, s4, s15, $0xb8;
	[tilespmem:$0x1E880] =	vst v63  }
.LBB2_2:
0x3e: {  	[tilespmem:s17], [sflag:$0x3] =	stream.linear.gather [hbm4b:s5+s4], $0x800, $0x38;
	[tilespmem:$0x1E880] =	vst v63  }
0x3f: {  	_ =	swait.ge [sflag:s14], $0x800  }
0x40: {  	[sflag:s14] =	ssyncset.done $0x0  }
0x41: {  	[sflag:s14] =	ssyncadd.s32 $0xFFFFF800  }
0x42: {  	_ =	swait.ge [sflag:s18], $0x3E80  }
0x43: {  	[sflag:s18] =	ssyncset.done $0x0  }
0x44: {  	[sflag:s18] =	ssyncadd.s32 $0xFFFFC180  }
0x45: {  	[spmem:s3] =	stream.indirect.scatter.add.f32 [tilespmem:s16], [sflag:$0x3], $0x80, s17, s15, $0xb8;
	[tilespmem:$0x1E880] =	vst v63  }
0x46: {  	_ =	swait.ge [sflag:s14], $0x3E80  }
0x47: {  	s11 =	sshra.s32 s10, $0x2;
	[sflag:s14] =	ssyncset.done $0x0  }
0x48: {  	s12 =	sadd.s32 $0x80, s11;
	[sflag:s14] =	ssyncadd.s32 $0xFFFFC180  }
0x49: {  	[tilespmem:s19], [sflag:$0x2] =	stream.indirect.gather [hbm4b:s1+s15], $0x80, s12, s15, $0xb8;
	[tilespmem:$0x1E880] =	vst v63  }
0x4a: {  	_ =	swait.ge [sflag:s20], $0x3E80  }
0x4b: {  	[sflag:s20] =	ssyncset.done $0x0  }
0x4c: {  	[sflag:s20] =	ssyncadd.s32 $0xFFFFC180  }
0x4d: {  	[spmem:s3] =	stream.indirect.scatter.add.f32 [tilespmem:s19], [sflag:$0x3], $0x80, s21, s15, $0xb8;
	[tilespmem:$0x1E880] =	vst v63  }
0x4e: {  	_ =	swait.ge [sflag:s14], $0x3E80  }
0x4f: {  	[sflag:s14] =	ssyncset.done $0x0  }
0x50: {  	s13 =	sadd.s32 $0x100, s11;
	[sflag:s14] =	ssyncadd.s32 $0xFFFFC180  }
0x51: {  	[tilespmem:s16], [sflag:$0x1] =	stream.indirect.gather [hbm4b:s1+s15], $0x80, s13, s15, $0xb8;
	[tilespmem:$0x1E880] =	vst v63  }
0x52: {  	_ =	swait.ge [sflag:s18], $0x3E80  }
0x53: {  	[sflag:s18] =	ssyncset.done $0x0  }
0x54: {  	[sflag:s18] =	ssyncadd.s32 $0xFFFFC180  }
0x55: {  	[spmem:s3] =	stream.indirect.scatter.add.f32 [tilespmem:s16], [sflag:$0x3], $0x80, s22, s15, $0xb8;
	[tilespmem:$0x1E880] =	vst v63  }
0x56: {  	_ =	swait.ge [sflag:s14], $0x3E80  }
0x57: {  	[sflag:s14] =	ssyncset.done $0x0  }
0x58: {  	s13 =	sadd.s32 $0x180, s11;
	[sflag:s14] =	ssyncadd.s32 $0xFFFFC180  }
0x59: {  	[tilespmem:s19], [sflag:$0x2] =	stream.indirect.gather [hbm4b:s1+s15], $0x80, s13, s15, $0xb8;
	[tilespmem:$0x1E880] =	vst v63  }
0x5a: {  	_ =	swait.ge [sflag:s20], $0x3E80  }
0x5b: {  	[sflag:s20] =	ssyncset.done $0x0  }
0x5c: {  	[sflag:s20] =	ssyncadd.s32 $0xFFFFC180  }
0x5d: {  	[spmem:s3] =	stream.indirect.scatter.add.f32 [tilespmem:s19], [sflag:$0x3], $0x80, s23, s15, $0xb8;
	[tilespmem:$0x1E880] =	vst v63  }
0x5e: {  	_ =	swait.ge [sflag:s14], $0x3E80  }
0x5f: {  	[sflag:s14] =	ssyncset.done $0x0  }
0x60: {  	s13 =	sadd.s32 $0x200, s11;
	[sflag:s14] =	ssyncadd.s32 $0xFFFFC180  }
0x61: {  	[tilespmem:s16], [sflag:$0x1] =	stream.indirect.gather [hbm4b:s1+s15], $0x80, s13, s15, $0xb8;
	[tilespmem:$0x1E880] =	vst v63  }
0x62: {  	_ =	swait.ge [sflag:s18], $0x3E80  }
0x63: {  	[sflag:s18] =	ssyncset.done $0x0  }
0x64: {  	[sflag:s18] =	ssyncadd.s32 $0xFFFFC180  }
0x65: {  	[spmem:s3] =	stream.indirect.scatter.add.f32 [tilespmem:s16], [sflag:$0x3], $0x80, s24, s15, $0xb8;
	[tilespmem:$0x1E880] =	vst v63  }
0x66: {  	_ =	swait.ge [sflag:s14], $0x3E80  }
0x67: {  	[sflag:s14] =	ssyncset.done $0x0  }
0x68: {  	s13 =	sadd.s32 $0x280, s11;
	[sflag:s14] =	ssyncadd.s32 $0xFFFFC180  }
0x69: {  	[tilespmem:s19], [sflag:$0x2] =	stream.indirect.gather [hbm4b:s1+s15], $0x80, s13, s15, $0xb8;
	[tilespmem:$0x1E880] =	vst v63  }
0x6a: {  	_ =	swait.ge [sflag:s20], $0x3E80  }
0x6b: {  	[sflag:s20] =	ssyncset.done $0x0  }
0x6c: {  	[sflag:s20] =	ssyncadd.s32 $0xFFFFC180  }
0x6d: {  	[spmem:s3] =	stream.indirect.scatter.add.f32 [tilespmem:s19], [sflag:$0x3], $0x80, s25, s15, $0xb8;
	[tilespmem:$0x1E880] =	vst v63  }
0x6e: {  	_ =	swait.ge [sflag:s14], $0x3E80  }
0x6f: {  	[sflag:s14] =	ssyncset.done $0x0  }
0x70: {  	s13 =	sadd.s32 $0x300, s11;
	[sflag:s14] =	ssyncadd.s32 $0xFFFFC180  }
0x71: {  	[tilespmem:s16], [sflag:$0x1] =	stream.indirect.gather [hbm4b:s1+s15], $0x80, s13, s15, $0xb8;
	[tilespmem:$0x1E880] =	vst v63  }
0x72: {  	_ =	swait.ge [sflag:s18], $0x3E80  }
0x73: {  	[sflag:s18] =	ssyncset.done $0x0  }
0x74: {  	[sflag:s18] =	ssyncadd.s32 $0xFFFFC180  }
0x75: {  	[spmem:s3] =	stream.indirect.scatter.add.f32 [tilespmem:s16], [sflag:$0x3], $0x80, s26, s15, $0xb8;
	[tilespmem:$0x1E880] =	vst v63  }
0x76: {  	_ =	swait.ge [sflag:s14], $0x3E80  }
0x77: {  	[sflag:s14] =	ssyncset.done $0x0  }
0x78: {  	s13 =	sadd.s32 $0x380, s11;
	[sflag:s14] =	ssyncadd.s32 $0xFFFFC180  }
0x79: {  	[tilespmem:s19], [sflag:$0x2] =	stream.indirect.gather [hbm4b:s1+s15], $0x80, s13, s15, $0xb8;
	[tilespmem:$0x1E880] =	vst v63  }
0x7a: {  	_ =	swait.ge [sflag:s20], $0x3E80  }
0x7b: {  	[sflag:s20] =	ssyncset.done $0x0  }
0x7c: {  	[sflag:s20] =	ssyncadd.s32 $0xFFFFC180  }
0x7d: {  	[spmem:s3] =	stream.indirect.scatter.add.f32 [tilespmem:s19], [sflag:$0x3], $0x80, s28, s15, $0xb8;
	[tilespmem:$0x1E880] =	vst v63  }
0x7e: {  	_ =	swait.ge [sflag:s14], $0x3E80  }
0x7f: {  	[sflag:s14] =	ssyncset.done $0x0  }
0x80: {  	s13 =	sadd.s32 $0x400, s11;
	[sflag:s14] =	ssyncadd.s32 $0xFFFFC180  }
0x81: {  	[tilespmem:s16], [sflag:$0x1] =	stream.indirect.gather [hbm4b:s1+s15], $0x80, s13, s15, $0xb8;
	[tilespmem:$0x1E880] =	vst v63  }
0x82: {  	_ =	swait.ge [sflag:s18], $0x3E80  }
0x83: {  	[sflag:s18] =	ssyncset.done $0x0  }
0x84: {  	[sflag:s18] =	ssyncadd.s32 $0xFFFFC180  }
0x85: {  	[spmem:s3] =	stream.indirect.scatter.add.f32 [tilespmem:s16], [sflag:$0x3], $0x80, s29, s15, $0xb8;
	[tilespmem:$0x1E880] =	vst v63  }
0x86: {  	_ =	swait.ge [sflag:s14], $0x3E80  }
0x87: {  	[sflag:s14] =	ssyncset.done $0x0  }
0x88: {  	s13 =	sadd.s32 $0x480, s11;
	[sflag:s14] =	ssyncadd.s32 $0xFFFFC180  }
0x89: {  	[tilespmem:s19], [sflag:$0x2] =	stream.indirect.gather [hbm4b:s1+s15], $0x80, s13, s15, $0xb8;
	[tilespmem:$0x1E880] =	vst v63  }
0x8a: {  	_ =	swait.ge [sflag:s20], $0x3E80  }
0x8b: {  	[sflag:s20] =	ssyncset.done $0x0  }
0x8c: {  	[sflag:s20] =	ssyncadd.s32 $0xFFFFC180  }
0x8d: {  	[spmem:s3] =	stream.indirect.scatter.add.f32 [tilespmem:s19], [sflag:$0x3], $0x80, s30, s15, $0xb8;
	[tilespmem:$0x1E880] =	vst v63  }
0x8e: {  	_ =	swait.ge [sflag:s14], $0x3E80  }
0x8f: {  	[sflag:s14] =	ssyncset.done $0x0  }
0x90: {  	s13 =	sadd.s32 $0x500, s11;
	[sflag:s14] =	ssyncadd.s32 $0xFFFFC180  }
0x91: {  	[tilespmem:s16], [sflag:$0x1] =	stream.indirect.gather [hbm4b:s1+s15], $0x80, s13, s15, $0xb8;
	[tilespmem:$0x1E880] =	vst v63  }
0x92: {  	_ =	swait.ge [sflag:s18], $0x3E80  }
0x93: {  	[sflag:s18] =	ssyncset.done $0x0  }
0x94: {  	[sflag:s18] =	ssyncadd.s32 $0xFFFFC180  }
0x95: {  	[spmem:s3] =	stream.indirect.scatter.add.f32 [tilespmem:s16], [sflag:$0x3], $0x80, s31, s15, $0xb8;
	[tilespmem:$0x1E880] =	vst v63  }
0x96: {  	_ =	swait.ge [sflag:s14], $0x3E80  }
0x97: {  	[sflag:s14] =	ssyncset.done $0x0  }
0x98: {  	s13 =	sadd.s32 $0x580, s11;
	[sflag:s14] =	ssyncadd.s32 $0xFFFFC180  }
0x99: {  	[tilespmem:s19], [sflag:$0x2] =	stream.indirect.gather [hbm4b:s1+s15], $0x80, s13, s15, $0xb8;
	[tilespmem:$0x1E880] =	vst v63  }
0x9a: {  	_ =	swait.ge [sflag:s20], $0x3E80  }
0x9b: {  	[sflag:s20] =	ssyncset.done $0x0  }
0x9c: {  	[sflag:s20] =	ssyncadd.s32 $0xFFFFC180  }
0x9d: {  	[spmem:s3] =	stream.indirect.scatter.add.f32 [tilespmem:s19], [sflag:$0x3], $0x80, s2, s15, $0xb8;
	[tilespmem:$0x1E880] =	vst v63  }
0x9e: {  	_ =	swait.ge [sflag:s14], $0x3E80  }
0x9f: {  	[sflag:s14] =	ssyncset.done $0x0  }
0xa0: {  	s13 =	sadd.s32 $0x600, s11;
	[sflag:s14] =	ssyncadd.s32 $0xFFFFC180  }
0xa1: {  	[tilespmem:s16], [sflag:$0x1] =	stream.indirect.gather [hbm4b:s1+s15], $0x80, s13, s15, $0xb8;
	[tilespmem:$0x1E880] =	vst v63  }
0xa2: {  	_ =	swait.ge [sflag:s18], $0x3E80  }
0xa3: {  	[sflag:s18] =	ssyncset.done $0x0  }
0xa4: {  	[sflag:s18] =	ssyncadd.s32 $0xFFFFC180  }
0xa5: {  	[spmem:s3] =	stream.indirect.scatter.add.f32 [tilespmem:s16], [sflag:$0x3], $0x80, s0, s15, $0xb8;
	[tilespmem:$0x1E880] =	vst v63  }
0xa6: {  	_ =	swait.ge [sflag:s14], $0x3E80  }
0xa7: {  	[sflag:s14] =	ssyncset.done $0x0  }
0xa8: {  	s13 =	sadd.s32 $0x680, s11;
	[sflag:s14] =	ssyncadd.s32 $0xFFFFC180  }
0xa9: {  	[tilespmem:s19], [sflag:$0x2] =	stream.indirect.gather [hbm4b:s1+s15], $0x80, s13, s15, $0xb8;
	[tilespmem:$0x1E880] =	vst v63  }
0xaa: {  	_ =	swait.ge [sflag:s20], $0x3E80  }
0xab: {  	[sflag:s20] =	ssyncset.done $0x0  }
0xac: {  	[sflag:s20] =	ssyncadd.s32 $0xFFFFC180  }
0xad: {  	[spmem:s3] =	stream.indirect.scatter.add.f32 [tilespmem:s19], [sflag:$0x3], $0x80, s6, s15, $0xb8;
	[tilespmem:$0x1E880] =	vst v63  }
0xae: {  	_ =	swait.ge [sflag:s14], $0x3E80  }
0xaf: {  	[sflag:s14] =	ssyncset.done $0x0  }
0xb0: {  	s13 =	sadd.s32 $0x700, s11;
	[sflag:s14] =	ssyncadd.s32 $0xFFFFC180  }
0xb1: {  	[tilespmem:s16], [sflag:$0x1] =	stream.indirect.gather [hbm4b:s1+s15], $0x80, s13, s15, $0xb8;
	[tilespmem:$0x1E880] =	vst v63  }
0xb2: {  	_ =	swait.ge [sflag:s18], $0x3E80  }
0xb3: {  	[sflag:s18] =	ssyncset.done $0x0  }
0xb4: {  	[sflag:s18] =	ssyncadd.s32 $0xFFFFC180  }
0xb5: {  	[spmem:s3] =	stream.indirect.scatter.add.f32 [tilespmem:s16], [sflag:$0x3], $0x80, s7, s15, $0xb8;
	[tilespmem:$0x1E880] =	vst v63  }
0xb6: {  	_ =	swait.ge [sflag:s14], $0x3E80  }
0xb7: {  	[sflag:s14] =	ssyncset.done $0x0  }
0xb8: {  	s13 =	sadd.s32 $0x780, s11;
	[sflag:s14] =	ssyncadd.s32 $0xFFFFC180  }
0xb9: {  	[tilespmem:s19], [sflag:$0x2] =	stream.indirect.gather [hbm4b:s1+s15], $0x80, s13, s15, $0xb8;
	[tilespmem:$0x1E880] =	vst v63  }
0xba: {  	_ =	swait.ge [sflag:s20], $0x3E80  }
0xbb: {  	p1 =	seq.s32 s10, $0x8000;
	[sflag:s20] =	ssyncset.done $0x0  }
.Ltmp2:
0xbc: {  	[sflag:s20] =	ssyncadd.s32 $0xFFFFC180;
	(pc) =	sbr.rel @p1 .LBB2_4-.Ltmp2, $4  }
0xbd: {  	[spmem:s3] =	stream.indirect.scatter.add.f32 [tilespmem:s19], [sflag:$0x3], $0x80, s8, s15, $0xb8;
	[tilespmem:$0x1E880] =	vst v63  }
0xbe: {  	_ =	swait.ge [sflag:s14], $0x3E80  }
0xbf: {  	[sflag:s14] =	ssyncset.done $0x0  }
0xc0: {  	[sflag:s14] =	ssyncadd.s32 $0xFFFFC180  }
.Ltmp3:
0xc1: {  	(pc) =	sbr.rel .LBB2_2-.Ltmp3, $3  }
0xc2: {  	_ =	sdelay $0x1  }
0xc3: {  	s11 =	sadd.s32 $0x800, s11;
	s5 =	sadd.s32 $0x100, s5;
	s10 =	sadd.s32 $0x2000, s10  }
0xc4: {  	[tilespmem:s16], [sflag:$0x1] =	stream.indirect.gather [hbm4b:s1+s15], $0x80, s11, s15, $0xb8;
	[tilespmem:$0x1E880] =	vst v63  }
.LBB2_5:
0xc5: {  	_ =	sfence.sel $0x180000  }
0xc6: {  	[bflag:$0x0] =	sbarrier.arrive $0xFFFF  }
0xc7: {  	_ =	strace $0x90000050  }
0xc8: {  	s0 =	stileid.u32;
	[bflag:$0x2] =	sbarrier.arrive $0xFFFF  }
0xc9: {  	p0 =	sne.s32 s0, $0x0;
	s0 =	rddreg [dreg:$0x3]  }
0xca: {  	s0 =	sadd.s32 @!p0 $0x100000, s0  }
0xcb: {  	[sflag:s0] =	ssyncadd.tile.s32 @!p0 $0x1;
	_ =	shalt  }
.Lfunc_end2:
_tile_overlayer_lowered:
.L_overlay_start_2:
0xcc: {  	(tag) =	ssettag $0x2  }
0xcd: {  	s0 =	rddreg [dreg:$0x0];
	s2 =	stileid.u32  }
0xce: {  	s1 =	rddreg [dreg:$0x1];
	p0 =	sne.s32 s2, $0x0  }
0xcf: {  	s3 =	rddreg [dreg:$0x2];
	[bflag:$0x3] =	sbarrier.arrive $0xFFFF;
	s2 =	simm.s32 @!p0 $0x1C03  }
0xd0: {  	[timem:s3], [sflag:s2] =	dma.local @!p0 [hbm:s0], s1  }
0xd1: {  	s0 =	simm.s32 @!p0 $0x3  }
0xd2: {  	_ =	swait.ge @!p0 [sflag:s0], s1  }
0xd3: {  	s1 =	ssub.s32 @!p0 $0x0, s1;
	[sflag:s0] =	ssyncset.done @!p0 $0x0  }
0xd4: {  	[sflag:s0] =	ssyncadd.s32 @!p0 s1  }
0xd5: {  	[bflag:$0x3] =	sbarrier.arrive $0xFFFF  }
0xd6: {  	_ =	shalt  }

</sc_bundles>
